<compile_context>
chip_gen: v7x
topology: tpu7x:2x2x1
jax: 0.10.2.dev20260603
libtpu: 0.0.44.dev20260713+nightly
codegen_flags: <defaults>
</compile_context>

<pallas_src>
import functools

import jax
import jax.numpy as jnp
from jax import lax
from jax.experimental import pallas as pl
from jax.experimental.pallas import tpu as pltpu
from jax.experimental.pallas import tpu_sc as plsc

N_IN = 262144
N_OUT = 32768
ROWS = 128
NEG = float(-3.4028234663852886e38)
INT_MAX = 2147483647

NC = 2
NS = 16
NW = NC * NS
P_PER = N_OUT // NW
PV = P_PER // 16
GRP = 2
NGRP = PV // GRP
CHUNK = 2048
RB = 8
NRB = ROWS // RB
SUB = 1024
NSUB = 11
CAP = SUB * NSUB
SLOTS_PAD = P_PER + 32
BS_STEPS = 18


def _body(x_hbm, idx_hbm, out_hbm, psearch, vals_v, ibuf, raw, efill,
          cnt_tbl, cmax_tbl, sb_tbl, ec_tbl, lo_tbl, obuf2, xbuf2, dsem,
          csems):
    cid = lax.axis_index("c")
    sid = lax.axis_index("s")
    wid = sid * NC + cid
    p_lo = pl.multiple_of(wid * P_PER, P_PER)
    iota = jnp.arange(16, dtype=jnp.int32)
    zero16 = jnp.zeros(16, jnp.int32)
    neg16 = jnp.full(16, NEG, jnp.float32)
    lo_m1 = p_lo - 1
    hi = p_lo + P_PER

    targets = jnp.where(iota == 0, p_lo, hi)

    def bs_body(i, st):
        blo, bhi = st
        mid = (blo + bhi) >> 1
        psearch[...] = mid
        pltpu.async_copy(idx_hbm.at[psearch], vals_v, dsem).wait()
        vals = vals_v[...]
        pred = vals < targets
        return (jnp.where(pred, mid + 1, blo), jnp.where(pred, bhi, mid))

    blo, _ = lax.fori_loop(0, BS_STEPS, bs_body,
                           (zero16, zero16 + N_IN))
    s_start = blo[0]
    s_end = blo[1]

    for v in range(SLOTS_PAD // 16):
        raw[pl.ds(v * 16, 16)] = zero16
    raw[pl.ds(0, 16)] = jnp.where(iota == 0, s_start, 0)

    a0 = jnp.bitwise_and(s_start, jnp.int32(-8))
    n_ch = jnp.maximum((s_end - a0 + CHUNK - 1) // CHUNK, 1)

    def chunk_body(t, _):
        cb = jnp.minimum(a0 + t * CHUNK, N_IN - CHUNK)
        cb = pl.multiple_of(cb, 8)
        pltpu.sync_copy(idx_hbm.at[pl.ds(cb, CHUNK)],
                        ibuf.at[pl.ds(0, CHUNK)])
        ibuf[pl.ds(CHUNK, 16)] = zero16 + INT_MAX

        def vec_body(j, _):
            off = pl.multiple_of(j * 16, 16)
            v0 = ibuf[pl.ds(off, 16)]
            v1 = plsc.load_gather(ibuf, [off + 1 + iota])
            c0 = jnp.clip(v0, lo_m1, hi)
            c1 = jnp.clip(v1, lo_m1, hi)
            bnd = c0 != c1
            slot = c0 - lo_m1
            gpos = (cb + off + 1) + iota
            plsc.store_scatter(raw, [slot], gpos, mask=bnd)
            return 0

        lax.fori_loop(0, CHUNK // 16, vec_body, 0, unroll=4)
        return 0

    lax.fori_loop(0, n_ch, chunk_body, 0)

    carry = jnp.int32(0)
    for v in range(SLOTS_PAD // 16):
        r = raw[pl.ds(v * 16, 16)]
        cm = jnp.maximum(plsc.cummax(r), carry)
        efill[pl.ds(v * 16, 16)] = cm
        carry = jnp.max(cm)

    for v in range(PV):
        s_v = efill[pl.ds(v * 16, 16)]
        e_v = plsc.load_gather(efill, [(v * 16 + 1) + iota])
        cnt = e_v - s_v
        cnt_tbl[pl.ds(v * 16, 16)] = cnt
        if v % GRP == 0:
            gmax = cnt
        else:
            gmax = jnp.maximum(gmax, cnt)
        if v % GRP == GRP - 1:
            cmax_tbl[pl.ds((v // GRP) * 16, 16)] = zero16 + jnp.max(gmax)

    s0 = efill[pl.ds(0, 16)][0]
    e_end = efill[pl.ds(P_PER, 16)][0]
    s0_al = jnp.bitwise_and(s0, jnp.int32(-128))
    n_win = jnp.maximum((e_end - s0_al + CAP - 1) // CAP, 1)

    for u in range(RB):
        xbuf2[u, pl.ds(CAP, 16)] = neg16

    def rb_body(rb, _):
        r0 = pl.multiple_of(rb * RB, RB)

        def init_body(v, _):
            off = pl.multiple_of(v * 16, 16)
            for u in range(RB):
                obuf2[u, pl.ds(off, 16)] = neg16
            return 0

        lax.fori_loop(0, PV, init_body, 0)

        def win_body(w, _):
            w_base = jnp.minimum(s0_al + w * CAP, N_IN - CAP)
            w_base = pl.multiple_of(w_base, 128)
            ksub = jnp.clip((e_end - w_base + SUB - 1) // SUB, 1, NSUB)

            def fire(t, _):
                toff = pl.multiple_of(t * SUB, SUB)
                pltpu.async_copy(
                    x_hbm.at[pl.ds(r0, RB), pl.ds(w_base + toff, SUB)],
                    xbuf2.at[:, pl.ds(toff, SUB)], csems.at[t])
                return 0

            lax.fori_loop(0, ksub, fire, 0)

            def tbl_body(v, _):
                off = pl.multiple_of(v * 16, 16)
                sb = efill[pl.ds(off, 16)] - w_base
                ct = cnt_tbl[pl.ds(off, 16)]
                bad = (ct == 0) | (sb + ct <= 0) | (sb >= CAP)
                lim = jnp.where(bad, CAP,
                                jnp.minimum(sb + ct - 1, CAP - 1))
                lo2 = jnp.where(bad, CAP, jnp.maximum(sb, 0))
                sb_tbl[pl.ds(off, 16)] = sb
                ec_tbl[pl.ds(off, 16)] = lim
                lo_tbl[pl.ds(off, 16)] = lo2
                return 0

            lax.fori_loop(0, PV, tbl_body, 0)

            usplats = [zero16 + u for u in range(RB)]

            def grp_body(g, dr):
                goff = pl.multiple_of(g * (GRP * 16), GRP * 16)
                bound = cmax_tbl[pl.ds(pl.multiple_of(g * 16, 16), 16)][0]
                sbs, lims, lo2s = [], [], []
                for q in range(GRP):
                    sbs.append(sb_tbl[pl.ds(goff + q * 16, 16)])
                    lims.append(ec_tbl[pl.ds(goff + q * 16, 16)])
                    lo2s.append(lo_tbl[pl.ds(goff + q * 16, 16)])

                ct15 = cnt_tbl[pl.ds(goff + 16, 16)][15]
                need = sbs[1][15] + ct15
                target = jnp.clip((need + SUB - 1) // SUB, 0, ksub)

                def dwait(d):
                    pltpu.make_async_copy(
                        x_hbm.at[pl.ds(0, RB), pl.ds(0, SUB)],
                        xbuf2.at[:, pl.ds(0, SUB)], csems.at[d]).wait()
                    return d + 1

                dr = lax.while_loop(lambda d: d < target, dwait, dr)
                accs = tuple(obuf2[u, pl.ds(goff + q * 16, 16)]
                             for q in range(GRP) for u in range(RB))

                def it_body(k, acc):
                    acc = list(acc)
                    ksp = zero16 + k
                    for q in range(GRP):
                        idr = jnp.maximum(jnp.minimum(sbs[q] + ksp, lims[q]),
                                          lo2s[q])
                        for u in range(RB):
                            vals = plsc.load_gather(xbuf2, [usplats[u], idr])
                            j = q * RB + u
                            acc[j] = jnp.maximum(acc[j], vals)
                    return tuple(acc)

                accs = lax.fori_loop(0, bound, it_body, accs)
                for q in range(GRP):
                    for u in range(RB):
                        obuf2[u, pl.ds(goff + q * 16, 16)] = accs[q * RB + u]
                return dr

            dr_fin = lax.fori_loop(0, NGRP, grp_body, jnp.int32(0))

            def dwait2(d):
                pltpu.make_async_copy(
                    x_hbm.at[pl.ds(0, RB), pl.ds(0, SUB)],
                    xbuf2.at[:, pl.ds(0, SUB)], csems.at[d]).wait()
                return d + 1

            lax.while_loop(lambda d: d < ksub, dwait2, dr_fin)
            return 0

        lax.fori_loop(0, n_win, win_body, 0)
        pltpu.sync_copy(obuf2, out_hbm.at[pl.ds(r0, RB), pl.ds(p_lo, P_PER)])
        return 0

    lax.fori_loop(0, NRB, rb_body, 0)


def _build(interpret=False):
    mesh = plsc.VectorSubcoreMesh(core_axis_name="c", subcore_axis_name="s",
                                  num_cores=NC, num_subcores=NS)
    return pl.kernel(
        _body,
        out_type=jax.ShapeDtypeStruct((ROWS, N_OUT), jnp.float32),
        mesh=mesh,
        scratch_types=[
            pltpu.VMEM((16,), jnp.int32),
            pltpu.VMEM((16,), jnp.int32),
            pltpu.VMEM((CHUNK + 16,), jnp.int32),
            pltpu.VMEM((SLOTS_PAD,), jnp.int32),
            pltpu.VMEM((SLOTS_PAD,), jnp.int32),
            pltpu.VMEM((P_PER,), jnp.int32),
            pltpu.VMEM((NGRP * 16,), jnp.int32),
            pltpu.VMEM((P_PER,), jnp.int32),
            pltpu.VMEM((P_PER,), jnp.int32),
            pltpu.VMEM((P_PER,), jnp.int32),
            pltpu.VMEM((RB, P_PER), jnp.float32),
            pltpu.VMEM((RB, CAP + 16), jnp.float32),
            pltpu.SemaphoreType.DMA,
            pltpu.SemaphoreType.DMA((NSUB,)),
        ],
        compiler_params=pltpu.CompilerParams(needs_layout_passes=False),
        interpret=interpret,
    )


def kernel(intensities, parent_index, level_deltas):
    b, c, _ = intensities.shape
    x = intensities.reshape(ROWS, N_IN)
    out = _build()(x, parent_index)
    return out.reshape(b, c, N_OUT)

# --- scband reference (transcript-rebuilt; emitter-appended) ---
"""Pipeline reference for scband-aprmax-pool-5257039970544 (READ-ONLY COPY).

The authoritative reference and input builder live on the scoring server;
editing this copy changes nothing except your own understanding.
"""

import jax, jax.numpy as jnp
import numpy as np

N_IN = 262144
N_OUT = 32768
B = 2
C = 64
NEG = float(-np.finfo(np.float32).max)


def setup_inputs(seed: int = 0) -> dict:
    key = jax.random.key(seed)
    k1, k2 = jax.random.split(key)
    intensities = jax.random.normal(k1, (B, C, N_IN), dtype=jnp.float32)
    # parent_index encodes the APR max-pool structure: each input particle's
    # output (parent-level) particle index. Sorted, as APR particles are stored
    # in spatially ordered fashion so children of a parent are contiguous.
    parent_index = jnp.sort(jax.random.randint(k2, (N_IN,), 0, N_OUT, dtype=jnp.int32))
    level_deltas = jnp.zeros((B,), dtype=jnp.int32)
    return {"intensities": intensities, "parent_index": parent_index, "level_deltas": level_deltas}


def reference(intensities, parent_index, level_deltas):
    # APRMaxPool: initialize output particles to -float32_max, then scatter-max
    # each input particle's intensity into its parent (pooled) particle.
    # level_deltas is bookkeeping (incremented in-place in the original);
    # it does not affect the math of the pooled output here.
    Bn, Cn, _ = intensities.shape
    out = jnp.full((Bn, Cn, N_OUT), NEG, dtype=jnp.float32)
    out = out.at[:, :, parent_index].max(intensities)
    out = out + (level_deltas * 0)[:, None, None].astype(jnp.float32)
    return out

if __name__ == "__main__":
    import jax
    _d = setup_inputs()
    print(jax.jit(kernel)(*tuple(_d.values())))

</pallas_src>

<mosaic_0001>
#map = affine_map<(d0, d1) -> (0, 0)>
#map1 = affine_map<(d0, d1) -> (0)>
module attributes {stable_mosaic.version = 14 : i64} {
  func.func @_body(%arg0: i32, %arg1: i32, %arg2: memref<128x262144xf32, #tpu.memory_space<hbm>>, %arg3: memref<262144xi32, #tpu.memory_space<hbm>>, %arg4: memref<128x32768xf32, #tpu.memory_space<hbm>>, %arg5: memref<16xi32, #tpu.memory_space<vmem>>, %arg6: memref<16xi32, #tpu.memory_space<vmem>>, %arg7: memref<2064xi32, #tpu.memory_space<vmem>>, %arg8: memref<1056xi32, #tpu.memory_space<vmem>>, %arg9: memref<1056xi32, #tpu.memory_space<vmem>>, %arg10: memref<1024xi32, #tpu.memory_space<vmem>>, %arg11: memref<512xi32, #tpu.memory_space<vmem>>, %arg12: memref<1024xi32, #tpu.memory_space<vmem>>, %arg13: memref<1024xi32, #tpu.memory_space<vmem>>, %arg14: memref<1024xi32, #tpu.memory_space<vmem>>, %arg15: memref<8x1024xf32, #tpu.memory_space<vmem>>, %arg16: memref<8x11280xf32, #tpu.memory_space<vmem>>, %arg17: memref<!tpu.dma_semaphore, #tpu.memory_space<semaphore_mem>>, %arg18: memref<11x!tpu.dma_semaphore, #tpu.memory_space<semaphore_mem>>) attributes {dimension_semantics = [#tpu.dimension_semantics<core_parallel>, #tpu.dimension_semantics<subcore_parallel>], iteration_bounds = array<i64: 2, 16>, scalar_prefetch = 0 : i64, scratch_operands = 14 : i64, tpu.core_type = #tpu.core_type<sc_vector_subcore>, window_params = [{transform_indices = #map}, {transform_indices = #map1}, {transform_indices = #map}]} {
    %mul3A = arith.constant 2 : i32
    %mul3A_0 = arith.muli %arg1, %mul3A : i32
    %add3A = arith.addi %mul3A_0, %arg0 : i32
    %mul3A_1 = arith.constant 1024 : i32
    %mul3A_2 = arith.muli %add3A, %mul3A_1 : i32
    %multiple_of3A = tpu.assume_multiple %mul3A_2, 1024 : i32
    %iota3A = tpu.iota {dimensions = array<i32: 0>} : vector<16xi32>
    %broadcast_in_dim3A = arith.constant 0 : i32
    %broadcast_in_dim3A_3 = vector.broadcast %broadcast_in_dim3A : i32 to vector<16xi32>
    %broadcast_in_dim3A_4 = arith.constant -3.40282347E+38 : f32
    %broadcast_in_dim3A_5 = vector.broadcast %broadcast_in_dim3A_4 : f32 to vector<16xf32>
    %sub3A = arith.constant 1 : i32
    %sub3A_6 = arith.subi %multiple_of3A, %sub3A : i32
    %add3A_7 = arith.constant 1024 : i32
    %add3A_8 = arith.addi %multiple_of3A, %add3A_7 : i32
    %eq3A = arith.constant 0 : i32
    %eq3A_9 = vector.broadcast %eq3A : i32 to vector<16xi32>
    %eq3A_10 = arith.cmpi eq, %iota3A, %eq3A_9 : vector<16xi32>
    %broadcast_in_dim3A_11 = vector.broadcast %multiple_of3A : i32 to vector<16xi32>
    %broadcast_in_dim3A_12 = vector.broadcast %add3A_8 : i32 to vector<16xi32>
    %select_n3A = arith.select %eq3A_10, %broadcast_in_dim3A_11, %broadcast_in_dim3A_12 : vector<16xi1>, vector<16xi32>
    %add3A_13 = arith.constant 262144 : i32
    %add3A_14 = vector.broadcast %add3A_13 : i32 to vector<16xi32>
    %add3A_15 = arith.addi %broadcast_in_dim3A_3, %add3A_14 : vector<16xi32>
    %scan3A = arith.constant 0 : i32
    %scan3A_16 = arith.constant 18 : i32
    %scan3A_17 = arith.addi %scan3A, %scan3A_16 : i32
    %scan3A_18 = arith.constant 1 : i32
    %scan3A_19:2 = scf.for %scan3A_2655 = %scan3A to %scan3A_17 step %scan3A_18 iter_args(%scan3A_2656 = %broadcast_in_dim3A_3, %scan3A_2657 = %add3A_15) -> (vector<16xi32>, vector<16xi32>)  : i32 {
      %add3A_2658 = arith.addi %scan3A_2656, %scan3A_2657 : vector<16xi32>
      %shift_right_arithmetic3A = arith.constant 1 : i32
      %shift_right_arithmetic3A_2659 = vector.broadcast %shift_right_arithmetic3A : i32 to vector<16xi32>
      %shift_right_arithmetic3A_2660 = arith.shrsi %add3A_2658, %shift_right_arithmetic3A_2659 : vector<16xi32>
      %swap3A_2661 = arith.constant 0 : index
      %swap3A_2662 = tpu.vector_load %arg5[%swap3A_2661] {strides = array<i32>} : memref<16xi32, #tpu.memory_space<vmem>>, vector<16xi32>,
      tpu.vector_store %arg5[%swap3A_2661], %shift_right_arithmetic3A_2660 {strides = array<i32>} : memref<16xi32, #tpu.memory_space<vmem>>, vector<16xi32>,
      %dma_start3A = arith.constant 0 : i32
      %dma_start3A_2663 = tpu.memref_slice %arg3[%dma_start3A] : memref<262144xi32, #tpu.memory_space<hbm>> -> memref<262144xi32, #tpu.memory_space<hbm>>
      tpu.enqueue_indirect_dma source(%dma_start3A_2663 : memref<262144xi32, #tpu.memory_space<hbm>>) target(%arg6 : memref<16xi32, #tpu.memory_space<vmem>>) offsets(%arg5 : memref<16xi32, #tpu.memory_space<vmem>>) semaphore(%arg17 : memref<!tpu.dma_semaphore, #tpu.memory_space<semaphore_mem>>)
      %dma_wait3A = arith.constant 0 : i32
      %dma_wait3A_2664 = tpu.memref_slice %arg3[%dma_wait3A] : memref<262144xi32, #tpu.memory_space<hbm>> -> memref<262144xi32, #tpu.memory_space<hbm>>
      tpu.wait_indirect_dma semaphore(%arg17 : memref<!tpu.dma_semaphore, #tpu.memory_space<semaphore_mem>>) src(%dma_wait3A_2664 : memref<262144xi32, #tpu.memory_space<hbm>>) dst(%arg6 : memref<16xi32, #tpu.memory_space<vmem>>)
      %get3A_2665 = arith.constant 0 : index
      %get3A_2666 = tpu.vector_load %arg6[%get3A_2665] {strides = array<i32>} : memref<16xi32, #tpu.memory_space<vmem>>, vector<16xi32>,
      %lt3A = arith.cmpi slt, %get3A_2666, %select_n3A : vector<16xi32>
      %add3A_2667 = arith.constant 1 : i32
      %add3A_2668 = vector.broadcast %add3A_2667 : i32 to vector<16xi32>
      %add3A_2669 = arith.addi %shift_right_arithmetic3A_2660, %add3A_2668 : vector<16xi32>
      %select_n3A_2670 = arith.select %lt3A, %add3A_2669, %scan3A_2656 : vector<16xi1>, vector<16xi32>
      %select_n3A_2671 = arith.select %lt3A, %scan3A_2657, %shift_right_arithmetic3A_2660 : vector<16xi1>, vector<16xi32>
      scf.yield %select_n3A_2670, %select_n3A_2671 : vector<16xi32>, vector<16xi32>
    }
    %scan3A_20 = arith.constant 18 : i32
    %slice3A = vector.extract_strided_slice %scan3A_19#0 {offsets = [0], sizes = [1], strides = [1]} : vector<16xi32> to vector<1xi32>
    %squeeze3A = vector.extract %slice3A[0] : i32 from vector<1xi32>
    %slice3A_21 = vector.extract_strided_slice %scan3A_19#0 {offsets = [1], sizes = [1], strides = [1]} : vector<16xi32> to vector<1xi32>
    %squeeze3A_22 = vector.extract %slice3A_21[0] : i32 from vector<1xi32>
    %swap3A = arith.constant 0 : index
    %swap3A_23 = tpu.vector_load %arg8[%swap3A] {strides = array<i32>} : memref<1056xi32, #tpu.memory_space<vmem>>, vector<16xi32>,
    tpu.vector_store %arg8[%swap3A], %broadcast_in_dim3A_3 {strides = array<i32>} : memref<1056xi32, #tpu.memory_space<vmem>>, vector<16xi32>,
    %swap3A_24 = arith.constant 16 : index
    %swap3A_25 = tpu.vector_load %arg8[%swap3A_24] {strides = array<i32>} : memref<1056xi32, #tpu.memory_space<vmem>>, vector<16xi32>,
    tpu.vector_store %arg8[%swap3A_24], %broadcast_in_dim3A_3 {strides = array<i32>} : memref<1056xi32, #tpu.memory_space<vmem>>, vector<16xi32>,
    %swap3A_26 = arith.constant 32 : index
    %swap3A_27 = tpu.vector_load %arg8[%swap3A_26] {strides = array<i32>} : memref<1056xi32, #tpu.memory_space<vmem>>, vector<16xi32>,
    tpu.vector_store %arg8[%swap3A_26], %broadcast_in_dim3A_3 {strides = array<i32>} : memref<1056xi32, #tpu.memory_space<vmem>>, vector<16xi32>,
    %swap3A_28 = arith.constant 48 : index
    %swap3A_29 = tpu.vector_load %arg8[%swap3A_28] {strides = array<i32>} : memref<1056xi32, #tpu.memory_space<vmem>>, vector<16xi32>,
    tpu.vector_store %arg8[%swap3A_28], %broadcast_in_dim3A_3 {strides = array<i32>} : memref<1056xi32, #tpu.memory_space<vmem>>, vector<16xi32>,
    %swap3A_30 = arith.constant 64 : index
    %swap3A_31 = tpu.vector_load %arg8[%swap3A_30] {strides = array<i32>} : memref<1056xi32, #tpu.memory_space<vmem>>, vector<16xi32>,
    tpu.vector_store %arg8[%swap3A_30], %broadcast_in_dim3A_3 {strides = array<i32>} : memref<1056xi32, #tpu.memory_space<vmem>>, vector<16xi32>,
    %swap3A_32 = arith.constant 80 : index
    %swap3A_33 = tpu.vector_load %arg8[%swap3A_32] {strides = array<i32>} : memref<1056xi32, #tpu.memory_space<vmem>>, vector<16xi32>,
    tpu.vector_store %arg8[%swap3A_32], %broadcast_in_dim3A_3 {strides = array<i32>} : memref<1056xi32, #tpu.memory_space<vmem>>, vector<16xi32>,
    %swap3A_34 = arith.constant 96 : index
    %swap3A_35 = tpu.vector_load %arg8[%swap3A_34] {strides = array<i32>} : memref<1056xi32, #tpu.memory_space<vmem>>, vector<16xi32>,
    tpu.vector_store %arg8[%swap3A_34], %broadcast_in_dim3A_3 {strides = array<i32>} : memref<1056xi32, #tpu.memory_space<vmem>>, vector<16xi32>,
    %swap3A_36 = arith.constant 112 : index
    %swap3A_37 = tpu.vector_load %arg8[%swap3A_36] {strides = array<i32>} : memref<1056xi32, #tpu.memory_space<vmem>>, vector<16xi32>,
    tpu.vector_store %arg8[%swap3A_36], %broadcast_in_dim3A_3 {strides = array<i32>} : memref<1056xi32, #tpu.memory_space<vmem>>, vector<16xi32>,
    %swap3A_38 = arith.constant 128 : index
    %swap3A_39 = tpu.vector_load %arg8[%swap3A_38] {strides = array<i32>} : memref<1056xi32, #tpu.memory_space<vmem>>, vector<16xi32>,
    tpu.vector_store %arg8[%swap3A_38], %broadcast_in_dim3A_3 {strides = array<i32>} : memref<1056xi32, #tpu.memory_space<vmem>>, vector<16xi32>,
    %swap3A_40 = arith.constant 144 : index
    %swap3A_41 = tpu.vector_load %arg8[%swap3A_40] {strides = array<i32>} : memref<1056xi32, #tpu.memory_space<vmem>>, vector<16xi32>,
    tpu.vector_store %arg8[%swap3A_40], %broadcast_in_dim3A_3 {strides = array<i32>} : memref<1056xi32, #tpu.memory_space<vmem>>, vector<16xi32>,
    %swap3A_42 = arith.constant 160 : index
    %swap3A_43 = tpu.vector_load %arg8[%swap3A_42] {strides = array<i32>} : memref<1056xi32, #tpu.memory_space<vmem>>, vector<16xi32>,
    tpu.vector_store %arg8[%swap3A_42], %broadcast_in_dim3A_3 {strides = array<i32>} : memref<1056xi32, #tpu.memory_space<vmem>>, vector<16xi32>,
    %swap3A_44 = arith.constant 176 : index
    %swap3A_45 = tpu.vector_load %arg8[%swap3A_44] {strides = array<i32>} : memref<1056xi32, #tpu.memory_space<vmem>>, vector<16xi32>,
    tpu.vector_store %arg8[%swap3A_44], %broadcast_in_dim3A_3 {strides = array<i32>} : memref<1056xi32, #tpu.memory_space<vmem>>, vector<16xi32>,
    %swap3A_46 = arith.constant 192 : index
    %swap3A_47 = tpu.vector_load %arg8[%swap3A_46] {strides = array<i32>} : memref<1056xi32, #tpu.memory_space<vmem>>, vector<16xi32>,
    tpu.vector_store %arg8[%swap3A_46], %broadcast_in_dim3A_3 {strides = array<i32>} : memref<1056xi32, #tpu.memory_space<vmem>>, vector<16xi32>,
    %swap3A_48 = arith.constant 208 : index
    %swap3A_49 = tpu.vector_load %arg8[%swap3A_48] {strides = array<i32>} : memref<1056xi32, #tpu.memory_space<vmem>>, vector<16xi32>,
    tpu.vector_store %arg8[%swap3A_48], %broadcast_in_dim3A_3 {strides = array<i32>} : memref<1056xi32, #tpu.memory_space<vmem>>, vector<16xi32>,
    %swap3A_50 = arith.constant 224 : index
    %swap3A_51 = tpu.vector_load %arg8[%swap3A_50] {strides = array<i32>} : memref<1056xi32, #tpu.memory_space<vmem>>, vector<16xi32>,
    tpu.vector_store %arg8[%swap3A_50], %broadcast_in_dim3A_3 {strides = array<i32>} : memref<1056xi32, #tpu.memory_space<vmem>>, vector<16xi32>,
    %swap3A_52 = arith.constant 240 : index
    %swap3A_53 = tpu.vector_load %arg8[%swap3A_52] {strides = array<i32>} : memref<1056xi32, #tpu.memory_space<vmem>>, vector<16xi32>,
    tpu.vector_store %arg8[%swap3A_52], %broadcast_in_dim3A_3 {strides = array<i32>} : memref<1056xi32, #tpu.memory_space<vmem>>, vector<16xi32>,
    %swap3A_54 = arith.constant 256 : index
    %swap3A_55 = tpu.vector_load %arg8[%swap3A_54] {strides = array<i32>} : memref<1056xi32, #tpu.memory_space<vmem>>, vector<16xi32>,
    tpu.vector_store %arg8[%swap3A_54], %broadcast_in_dim3A_3 {strides = array<i32>} : memref<1056xi32, #tpu.memory_space<vmem>>, vector<16xi32>,
    %swap3A_56 = arith.constant 272 : index
    %swap3A_57 = tpu.vector_load %arg8[%swap3A_56] {strides = array<i32>} : memref<1056xi32, #tpu.memory_space<vmem>>, vector<16xi32>,
    tpu.vector_store %arg8[%swap3A_56], %broadcast_in_dim3A_3 {strides = array<i32>} : memref<1056xi32, #tpu.memory_space<vmem>>, vector<16xi32>,
    %swap3A_58 = arith.constant 288 : index
    %swap3A_59 = tpu.vector_load %arg8[%swap3A_58] {strides = array<i32>} : memref<1056xi32, #tpu.memory_space<vmem>>, vector<16xi32>,
    tpu.vector_store %arg8[%swap3A_58], %broadcast_in_dim3A_3 {strides = array<i32>} : memref<1056xi32, #tpu.memory_space<vmem>>, vector<16xi32>,
    %swap3A_60 = arith.constant 304 : index
    %swap3A_61 = tpu.vector_load %arg8[%swap3A_60] {strides = array<i32>} : memref<1056xi32, #tpu.memory_space<vmem>>, vector<16xi32>,
    tpu.vector_store %arg8[%swap3A_60], %broadcast_in_dim3A_3 {strides = array<i32>} : memref<1056xi32, #tpu.memory_space<vmem>>, vector<16xi32>,
    %swap3A_62 = arith.constant 320 : index
    %swap3A_63 = tpu.vector_load %arg8[%swap3A_62] {strides = array<i32>} : memref<1056xi32, #tpu.memory_space<vmem>>, vector<16xi32>,
    tpu.vector_store %arg8[%swap3A_62], %broadcast_in_dim3A_3 {strides = array<i32>} : memref<1056xi32, #tpu.memory_space<vmem>>, vector<16xi32>,
    %swap3A_64 = arith.constant 336 : index
    %swap3A_65 = tpu.vector_load %arg8[%swap3A_64] {strides = array<i32>} : memref<1056xi32, #tpu.memory_space<vmem>>, vector<16xi32>,
    tpu.vector_store %arg8[%swap3A_64], %broadcast_in_dim3A_3 {strides = array<i32>} : memref<1056xi32, #tpu.memory_space<vmem>>, vector<16xi32>,
    %swap3A_66 = arith.constant 352 : index
    %swap3A_67 = tpu.vector_load %arg8[%swap3A_66] {strides = array<i32>} : memref<1056xi32, #tpu.memory_space<vmem>>, vector<16xi32>,
    tpu.vector_store %arg8[%swap3A_66], %broadcast_in_dim3A_3 {strides = array<i32>} : memref<1056xi32, #tpu.memory_space<vmem>>, vector<16xi32>,
    %swap3A_68 = arith.constant 368 : index
    %swap3A_69 = tpu.vector_load %arg8[%swap3A_68] {strides = array<i32>} : memref<1056xi32, #tpu.memory_space<vmem>>, vector<16xi32>,
    tpu.vector_store %arg8[%swap3A_68], %broadcast_in_dim3A_3 {strides = array<i32>} : memref<1056xi32, #tpu.memory_space<vmem>>, vector<16xi32>,
    %swap3A_70 = arith.constant 384 : index
    %swap3A_71 = tpu.vector_load %arg8[%swap3A_70] {strides = array<i32>} : memref<1056xi32, #tpu.memory_space<vmem>>, vector<16xi32>,
    tpu.vector_store %arg8[%swap3A_70], %broadcast_in_dim3A_3 {strides = array<i32>} : memref<1056xi32, #tpu.memory_space<vmem>>, vector<16xi32>,
    %swap3A_72 = arith.constant 400 : index
    %swap3A_73 = tpu.vector_load %arg8[%swap3A_72] {strides = array<i32>} : memref<1056xi32, #tpu.memory_space<vmem>>, vector<16xi32>,
    tpu.vector_store %arg8[%swap3A_72], %broadcast_in_dim3A_3 {strides = array<i32>} : memref<1056xi32, #tpu.memory_space<vmem>>, vector<16xi32>,
    %swap3A_74 = arith.constant 416 : index
    %swap3A_75 = tpu.vector_load %arg8[%swap3A_74] {strides = array<i32>} : memref<1056xi32, #tpu.memory_space<vmem>>, vector<16xi32>,
    tpu.vector_store %arg8[%swap3A_74], %broadcast_in_dim3A_3 {strides = array<i32>} : memref<1056xi32, #tpu.memory_space<vmem>>, vector<16xi32>,
    %swap3A_76 = arith.constant 432 : index
    %swap3A_77 = tpu.vector_load %arg8[%swap3A_76] {strides = array<i32>} : memref<1056xi32, #tpu.memory_space<vmem>>, vector<16xi32>,
    tpu.vector_store %arg8[%swap3A_76], %broadcast_in_dim3A_3 {strides = array<i32>} : memref<1056xi32, #tpu.memory_space<vmem>>, vector<16xi32>,
    %swap3A_78 = arith.constant 448 : index
    %swap3A_79 = tpu.vector_load %arg8[%swap3A_78] {strides = array<i32>} : memref<1056xi32, #tpu.memory_space<vmem>>, vector<16xi32>,
    tpu.vector_store %arg8[%swap3A_78], %broadcast_in_dim3A_3 {strides = array<i32>} : memref<1056xi32, #tpu.memory_space<vmem>>, vector<16xi32>,
    %swap3A_80 = arith.constant 464 : index
    %swap3A_81 = tpu.vector_load %arg8[%swap3A_80] {strides = array<i32>} : memref<1056xi32, #tpu.memory_space<vmem>>, vector<16xi32>,
    tpu.vector_store %arg8[%swap3A_80], %broadcast_in_dim3A_3 {strides = array<i32>} : memref<1056xi32, #tpu.memory_space<vmem>>, vector<16xi32>,
    %swap3A_82 = arith.constant 480 : index
    %swap3A_83 = tpu.vector_load %arg8[%swap3A_82] {strides = array<i32>} : memref<1056xi32, #tpu.memory_space<vmem>>, vector<16xi32>,
    tpu.vector_store %arg8[%swap3A_82], %broadcast_in_dim3A_3 {strides = array<i32>} : memref<1056xi32, #tpu.memory_space<vmem>>, vector<16xi32>,
    %swap3A_84 = arith.constant 496 : index
    %swap3A_85 = tpu.vector_load %arg8[%swap3A_84] {strides = array<i32>} : memref<1056xi32, #tpu.memory_space<vmem>>, vector<16xi32>,
    tpu.vector_store %arg8[%swap3A_84], %broadcast_in_dim3A_3 {strides = array<i32>} : memref<1056xi32, #tpu.memory_space<vmem>>, vector<16xi32>,
    %swap3A_86 = arith.constant 512 : index
    %swap3A_87 = tpu.vector_load %arg8[%swap3A_86] {strides = array<i32>} : memref<1056xi32, #tpu.memory_space<vmem>>, vector<16xi32>,
    tpu.vector_store %arg8[%swap3A_86], %broadcast_in_dim3A_3 {strides = array<i32>} : memref<1056xi32, #tpu.memory_space<vmem>>, vector<16xi32>,
    %swap3A_88 = arith.constant 528 : index
    %swap3A_89 = tpu.vector_load %arg8[%swap3A_88] {strides = array<i32>} : memref<1056xi32, #tpu.memory_space<vmem>>, vector<16xi32>,
    tpu.vector_store %arg8[%swap3A_88], %broadcast_in_dim3A_3 {strides = array<i32>} : memref<1056xi32, #tpu.memory_space<vmem>>, vector<16xi32>,
    %swap3A_90 = arith.constant 544 : index
    %swap3A_91 = tpu.vector_load %arg8[%swap3A_90] {strides = array<i32>} : memref<1056xi32, #tpu.memory_space<vmem>>, vector<16xi32>,
    tpu.vector_store %arg8[%swap3A_90], %broadcast_in_dim3A_3 {strides = array<i32>} : memref<1056xi32, #tpu.memory_space<vmem>>, vector<16xi32>,
    %swap3A_92 = arith.constant 560 : index
    %swap3A_93 = tpu.vector_load %arg8[%swap3A_92] {strides = array<i32>} : memref<1056xi32, #tpu.memory_space<vmem>>, vector<16xi32>,
    tpu.vector_store %arg8[%swap3A_92], %broadcast_in_dim3A_3 {strides = array<i32>} : memref<1056xi32, #tpu.memory_space<vmem>>, vector<16xi32>,
    %swap3A_94 = arith.constant 576 : index
    %swap3A_95 = tpu.vector_load %arg8[%swap3A_94] {strides = array<i32>} : memref<1056xi32, #tpu.memory_space<vmem>>, vector<16xi32>,
    tpu.vector_store %arg8[%swap3A_94], %broadcast_in_dim3A_3 {strides = array<i32>} : memref<1056xi32, #tpu.memory_space<vmem>>, vector<16xi32>,
    %swap3A_96 = arith.constant 592 : index
    %swap3A_97 = tpu.vector_load %arg8[%swap3A_96] {strides = array<i32>} : memref<1056xi32, #tpu.memory_space<vmem>>, vector<16xi32>,
    tpu.vector_store %arg8[%swap3A_96], %broadcast_in_dim3A_3 {strides = array<i32>} : memref<1056xi32, #tpu.memory_space<vmem>>, vector<16xi32>,
    %swap3A_98 = arith.constant 608 : index
    %swap3A_99 = tpu.vector_load %arg8[%swap3A_98] {strides = array<i32>} : memref<1056xi32, #tpu.memory_space<vmem>>, vector<16xi32>,
    tpu.vector_store %arg8[%swap3A_98], %broadcast_in_dim3A_3 {strides = array<i32>} : memref<1056xi32, #tpu.memory_space<vmem>>, vector<16xi32>,
    %swap3A_100 = arith.constant 624 : index
    %swap3A_101 = tpu.vector_load %arg8[%swap3A_100] {strides = array<i32>} : memref<1056xi32, #tpu.memory_space<vmem>>, vector<16xi32>,
    tpu.vector_store %arg8[%swap3A_100], %broadcast_in_dim3A_3 {strides = array<i32>} : memref<1056xi32, #tpu.memory_space<vmem>>, vector<16xi32>,
    %swap3A_102 = arith.constant 640 : index
    %swap3A_103 = tpu.vector_load %arg8[%swap3A_102] {strides = array<i32>} : memref<1056xi32, #tpu.memory_space<vmem>>, vector<16xi32>,
    tpu.vector_store %arg8[%swap3A_102], %broadcast_in_dim3A_3 {strides = array<i32>} : memref<1056xi32, #tpu.memory_space<vmem>>, vector<16xi32>,
    %swap3A_104 = arith.constant 656 : index
    %swap3A_105 = tpu.vector_load %arg8[%swap3A_104] {strides = array<i32>} : memref<1056xi32, #tpu.memory_space<vmem>>, vector<16xi32>,
    tpu.vector_store %arg8[%swap3A_104], %broadcast_in_dim3A_3 {strides = array<i32>} : memref<1056xi32, #tpu.memory_space<vmem>>, vector<16xi32>,
    %swap3A_106 = arith.constant 672 : index
    %swap3A_107 = tpu.vector_load %arg8[%swap3A_106] {strides = array<i32>} : memref<1056xi32, #tpu.memory_space<vmem>>, vector<16xi32>,
    tpu.vector_store %arg8[%swap3A_106], %broadcast_in_dim3A_3 {strides = array<i32>} : memref<1056xi32, #tpu.memory_space<vmem>>, vector<16xi32>,
    %swap3A_108 = arith.constant 688 : index
    %swap3A_109 = tpu.vector_load %arg8[%swap3A_108] {strides = array<i32>} : memref<1056xi32, #tpu.memory_space<vmem>>, vector<16xi32>,
    tpu.vector_store %arg8[%swap3A_108], %broadcast_in_dim3A_3 {strides = array<i32>} : memref<1056xi32, #tpu.memory_space<vmem>>, vector<16xi32>,
    %swap3A_110 = arith.constant 704 : index
    %swap3A_111 = tpu.vector_load %arg8[%swap3A_110] {strides = array<i32>} : memref<1056xi32, #tpu.memory_space<vmem>>, vector<16xi32>,
    tpu.vector_store %arg8[%swap3A_110], %broadcast_in_dim3A_3 {strides = array<i32>} : memref<1056xi32, #tpu.memory_space<vmem>>, vector<16xi32>,
    %swap3A_112 = arith.constant 720 : index
    %swap3A_113 = tpu.vector_load %arg8[%swap3A_112] {strides = array<i32>} : memref<1056xi32, #tpu.memory_space<vmem>>, vector<16xi32>,
    tpu.vector_store %arg8[%swap3A_112], %broadcast_in_dim3A_3 {strides = array<i32>} : memref<1056xi32, #tpu.memory_space<vmem>>, vector<16xi32>,
    %swap3A_114 = arith.constant 736 : index
    %swap3A_115 = tpu.vector_load %arg8[%swap3A_114] {strides = array<i32>} : memref<1056xi32, #tpu.memory_space<vmem>>, vector<16xi32>,
    tpu.vector_store %arg8[%swap3A_114], %broadcast_in_dim3A_3 {strides = array<i32>} : memref<1056xi32, #tpu.memory_space<vmem>>, vector<16xi32>,
    %swap3A_116 = arith.constant 752 : index
    %swap3A_117 = tpu.vector_load %arg8[%swap3A_116] {strides = array<i32>} : memref<1056xi32, #tpu.memory_space<vmem>>, vector<16xi32>,
    tpu.vector_store %arg8[%swap3A_116], %broadcast_in_dim3A_3 {strides = array<i32>} : memref<1056xi32, #tpu.memory_space<vmem>>, vector<16xi32>,
    %swap3A_118 = arith.constant 768 : index
    %swap3A_119 = tpu.vector_load %arg8[%swap3A_118] {strides = array<i32>} : memref<1056xi32, #tpu.memory_space<vmem>>, vector<16xi32>,
    tpu.vector_store %arg8[%swap3A_118], %broadcast_in_dim3A_3 {strides = array<i32>} : memref<1056xi32, #tpu.memory_space<vmem>>, vector<16xi32>,
    %swap3A_120 = arith.constant 784 : index
    %swap3A_121 = tpu.vector_load %arg8[%swap3A_120] {strides = array<i32>} : memref<1056xi32, #tpu.memory_space<vmem>>, vector<16xi32>,
    tpu.vector_store %arg8[%swap3A_120], %broadcast_in_dim3A_3 {strides = array<i32>} : memref<1056xi32, #tpu.memory_space<vmem>>, vector<16xi32>,
    %swap3A_122 = arith.constant 800 : index
    %swap3A_123 = tpu.vector_load %arg8[%swap3A_122] {strides = array<i32>} : memref<1056xi32, #tpu.memory_space<vmem>>, vector<16xi32>,
    tpu.vector_store %arg8[%swap3A_122], %broadcast_in_dim3A_3 {strides = array<i32>} : memref<1056xi32, #tpu.memory_space<vmem>>, vector<16xi32>,
    %swap3A_124 = arith.constant 816 : index
    %swap3A_125 = tpu.vector_load %arg8[%swap3A_124] {strides = array<i32>} : memref<1056xi32, #tpu.memory_space<vmem>>, vector<16xi32>,
    tpu.vector_store %arg8[%swap3A_124], %broadcast_in_dim3A_3 {strides = array<i32>} : memref<1056xi32, #tpu.memory_space<vmem>>, vector<16xi32>,
    %swap3A_126 = arith.constant 832 : index
    %swap3A_127 = tpu.vector_load %arg8[%swap3A_126] {strides = array<i32>} : memref<1056xi32, #tpu.memory_space<vmem>>, vector<16xi32>,
    tpu.vector_store %arg8[%swap3A_126], %broadcast_in_dim3A_3 {strides = array<i32>} : memref<1056xi32, #tpu.memory_space<vmem>>, vector<16xi32>,
    %swap3A_128 = arith.constant 848 : index
    %swap3A_129 = tpu.vector_load %arg8[%swap3A_128] {strides = array<i32>} : memref<1056xi32, #tpu.memory_space<vmem>>, vector<16xi32>,
    tpu.vector_store %arg8[%swap3A_128], %broadcast_in_dim3A_3 {strides = array<i32>} : memref<1056xi32, #tpu.memory_space<vmem>>, vector<16xi32>,
    %swap3A_130 = arith.constant 864 : index
    %swap3A_131 = tpu.vector_load %arg8[%swap3A_130] {strides = array<i32>} : memref<1056xi32, #tpu.memory_space<vmem>>, vector<16xi32>,
    tpu.vector_store %arg8[%swap3A_130], %broadcast_in_dim3A_3 {strides = array<i32>} : memref<1056xi32, #tpu.memory_space<vmem>>, vector<16xi32>,
    %swap3A_132 = arith.constant 880 : index
    %swap3A_133 = tpu.vector_load %arg8[%swap3A_132] {strides = array<i32>} : memref<1056xi32, #tpu.memory_space<vmem>>, vector<16xi32>,
    tpu.vector_store %arg8[%swap3A_132], %broadcast_in_dim3A_3 {strides = array<i32>} : memref<1056xi32, #tpu.memory_space<vmem>>, vector<16xi32>,
    %swap3A_134 = arith.constant 896 : index
    %swap3A_135 = tpu.vector_load %arg8[%swap3A_134] {strides = array<i32>} : memref<1056xi32, #tpu.memory_space<vmem>>, vector<16xi32>,
    tpu.vector_store %arg8[%swap3A_134], %broadcast_in_dim3A_3 {strides = array<i32>} : memref<1056xi32, #tpu.memory_space<vmem>>, vector<16xi32>,
    %swap3A_136 = arith.constant 912 : index
    %swap3A_137 = tpu.vector_load %arg8[%swap3A_136] {strides = array<i32>} : memref<1056xi32, #tpu.memory_space<vmem>>, vector<16xi32>,
    tpu.vector_store %arg8[%swap3A_136], %broadcast_in_dim3A_3 {strides = array<i32>} : memref<1056xi32, #tpu.memory_space<vmem>>, vector<16xi32>,
    %swap3A_138 = arith.constant 928 : index
    %swap3A_139 = tpu.vector_load %arg8[%swap3A_138] {strides = array<i32>} : memref<1056xi32, #tpu.memory_space<vmem>>, vector<16xi32>,
    tpu.vector_store %arg8[%swap3A_138], %broadcast_in_dim3A_3 {strides = array<i32>} : memref<1056xi32, #tpu.memory_space<vmem>>, vector<16xi32>,
    %swap3A_140 = arith.constant 944 : index
    %swap3A_141 = tpu.vector_load %arg8[%swap3A_140] {strides = array<i32>} : memref<1056xi32, #tpu.memory_space<vmem>>, vector<16xi32>,
    tpu.vector_store %arg8[%swap3A_140], %broadcast_in_dim3A_3 {strides = array<i32>} : memref<1056xi32, #tpu.memory_space<vmem>>, vector<16xi32>,
    %swap3A_142 = arith.constant 960 : index
    %swap3A_143 = tpu.vector_load %arg8[%swap3A_142] {strides = array<i32>} : memref<1056xi32, #tpu.memory_space<vmem>>, vector<16xi32>,
    tpu.vector_store %arg8[%swap3A_142], %broadcast_in_dim3A_3 {strides = array<i32>} : memref<1056xi32, #tpu.memory_space<vmem>>, vector<16xi32>,
    %swap3A_144 = arith.constant 976 : index
    %swap3A_145 = tpu.vector_load %arg8[%swap3A_144] {strides = array<i32>} : memref<1056xi32, #tpu.memory_space<vmem>>, vector<16xi32>,
    tpu.vector_store %arg8[%swap3A_144], %broadcast_in_dim3A_3 {strides = array<i32>} : memref<1056xi32, #tpu.memory_space<vmem>>, vector<16xi32>,
    %swap3A_146 = arith.constant 992 : index
    %swap3A_147 = tpu.vector_load %arg8[%swap3A_146] {strides = array<i32>} : memref<1056xi32, #tpu.memory_space<vmem>>, vector<16xi32>,
    tpu.vector_store %arg8[%swap3A_146], %broadcast_in_dim3A_3 {strides = array<i32>} : memref<1056xi32, #tpu.memory_space<vmem>>, vector<16xi32>,
    %swap3A_148 = arith.constant 1008 : index
    %swap3A_149 = tpu.vector_load %arg8[%swap3A_148] {strides = array<i32>} : memref<1056xi32, #tpu.memory_space<vmem>>, vector<16xi32>,
    tpu.vector_store %arg8[%swap3A_148], %broadcast_in_dim3A_3 {strides = array<i32>} : memref<1056xi32, #tpu.memory_space<vmem>>, vector<16xi32>,
    %swap3A_150 = arith.constant 1024 : index
    %swap3A_151 = tpu.vector_load %arg8[%swap3A_150] {strides = array<i32>} : memref<1056xi32, #tpu.memory_space<vmem>>, vector<16xi32>,
    tpu.vector_store %arg8[%swap3A_150], %broadcast_in_dim3A_3 {strides = array<i32>} : memref<1056xi32, #tpu.memory_space<vmem>>, vector<16xi32>,
    %swap3A_152 = arith.constant 1040 : index
    %swap3A_153 = tpu.vector_load %arg8[%swap3A_152] {strides = array<i32>} : memref<1056xi32, #tpu.memory_space<vmem>>, vector<16xi32>,
    tpu.vector_store %arg8[%swap3A_152], %broadcast_in_dim3A_3 {strides = array<i32>} : memref<1056xi32, #tpu.memory_space<vmem>>, vector<16xi32>,
    %eq3A_154 = arith.constant 0 : i32
    %eq3A_155 = vector.broadcast %eq3A_154 : i32 to vector<16xi32>
    %eq3A_156 = arith.cmpi eq, %iota3A, %eq3A_155 : vector<16xi32>
    %jit3A = arith.constant 0 : i32
    %broadcast_in_dim3A_157 = vector.broadcast %squeeze3A : i32 to vector<16xi32>
    %broadcast_in_dim3A_158 = vector.broadcast %jit3A : i32 to vector<16xi32>
    %select_n3A_159 = arith.select %eq3A_156, %broadcast_in_dim3A_157, %broadcast_in_dim3A_158 : vector<16xi1>, vector<16xi32>
    %swap3A_160 = arith.constant 0 : index
    %swap3A_161 = tpu.vector_load %arg8[%swap3A_160] {strides = array<i32>} : memref<1056xi32, #tpu.memory_space<vmem>>, vector<16xi32>,
    tpu.vector_store %arg8[%swap3A_160], %select_n3A_159 {strides = array<i32>} : memref<1056xi32, #tpu.memory_space<vmem>>, vector<16xi32>,
    %and3A = arith.constant -8 : i32
    %and3A_162 = arith.andi %squeeze3A, %and3A : i32
    %sub3A_163 = arith.subi %squeeze3A_22, %and3A_162 : i32
    %add3A_164 = arith.constant 2048 : i32
    %add3A_165 = arith.addi %sub3A_163, %add3A_164 : i32
    %sub3A_166 = arith.constant 1 : i32
    %sub3A_167 = arith.subi %add3A_165, %sub3A_166 : i32
    %jit3A_168 = arith.constant 2048 : i32
    %div3A = arith.divsi %sub3A_167, %jit3A_168 : i32
    %sign3A = arith.constant 0 : i32
    %sign3A_169 = arith.cmpi sgt, %sub3A_167, %sign3A : i32
    %sign3A_170 = arith.extui %sign3A_169 : i1 to i32
    %sign3A_171 = arith.constant 0 : i32
    %sign3A_172 = arith.cmpi slt, %sub3A_167, %sign3A_171 : i32
    %sign3A_173 = arith.extui %sign3A_172 : i1 to i32
    %sign3A_174 = arith.subi %sign3A_170, %sign3A_173 : i32
    %sign3A_175 = arith.constant 0 : i32
    %sign3A_176 = arith.cmpi sgt, %jit3A_168, %sign3A_175 : i32
    %sign3A_177 = arith.extui %sign3A_176 : i1 to i32
    %sign3A_178 = arith.constant 0 : i32
    %sign3A_179 = arith.cmpi slt, %jit3A_168, %sign3A_178 : i32
    %sign3A_180 = arith.extui %sign3A_179 : i1 to i32
    %sign3A_181 = arith.subi %sign3A_177, %sign3A_180 : i32
    %ne3A = arith.cmpi ne, %sign3A_174, %sign3A_181 : i32
    %rem3A = arith.remsi %sub3A_167, %jit3A_168 : i32
    %ne3A_182 = arith.constant 0 : i32
    %ne3A_183 = arith.cmpi ne, %rem3A, %ne3A_182 : i32
    %and3A_184 = arith.andi %ne3A, %ne3A_183 : i1
    %sub3A_185 = arith.constant 1 : i32
    %sub3A_186 = arith.subi %div3A, %sub3A_185 : i32
    %select_n3A_187 = arith.select %and3A_184, %sub3A_186, %div3A : i32
    %max3A = arith.constant 1 : i32
    %max3A_188 = arith.maxsi %select_n3A_187, %max3A : i32
    %while3A = arith.constant 0 : i32
    %while3A_189 = arith.constant 0 : i32
    %while3A_190 = arith.subi %max3A_188, %while3A : i32
    %while3A_191 = arith.addi %while3A, %while3A_190 : i32
    %while3A_192 = arith.constant 1 : i32
    %while3A_193 = arith.divsi %while3A_190, %while3A_192 : i32
    %while3A_194 = arith.muli %while3A_193, %while3A_192 : i32
    %while3A_195 = arith.addi %while3A, %while3A_194 : i32
    %while3A_196 = arith.constant 1 : i32
    %while3A_197 = scf.for %while3A_2655 = %while3A to %while3A_195 step %while3A_196 iter_args(%while3A_2656 = %while3A_189) -> (i32)  : i32 {
      %mul3A_2657 = arith.constant 2048 : i32
      %mul3A_2658 = arith.muli %while3A_2655, %mul3A_2657 : i32
      %add3A_2659 = arith.addi %and3A_162, %mul3A_2658 : i32
      %min3A = arith.constant 260096 : i32
      %min3A_2660 = arith.minsi %add3A_2659, %min3A : i32
      %multiple_of3A_2661 = tpu.assume_multiple %min3A_2660, 8 : i32
      "tpu.region"() ({
        %run_scoped3A = tpu.sem_alloc : memref<!tpu.dma_semaphore, #tpu.memory_space<semaphore_mem>>
        %dma_start3A = arith.constant 0 : i32
        %dma_start3A_2675 = tpu.memref_slice %arg7[%dma_start3A] : memref<2064xi32, #tpu.memory_space<vmem>> -> memref<2048xi32, #tpu.memory_space<vmem>>
        %dma_start3A_2676 = tpu.memref_slice %arg3[%multiple_of3A_2661] : memref<262144xi32, #tpu.memory_space<hbm>> -> memref<2048xi32, #tpu.memory_space<hbm>>
        %dma_start3A_2677 = arith.constant 0 : i32
        %dma_start3A_2678 = tpu.memref_slice %arg7[%dma_start3A_2677] : memref<2064xi32, #tpu.memory_space<vmem>> -> memref<2048xi32, #tpu.memory_space<vmem>>
        %dma_start3A_2679 = tpu.memref_slice %arg3[%multiple_of3A_2661] : memref<262144xi32, #tpu.memory_space<hbm>> -> memref<2048xi32, #tpu.memory_space<hbm>>
        tpu.enqueue_dma source(%dma_start3A_2679 : memref<2048xi32, #tpu.memory_space<hbm>>) target(%dma_start3A_2678 : memref<2048xi32, #tpu.memory_space<vmem>>) target_semaphore(%run_scoped3A : memref<!tpu.dma_semaphore, #tpu.memory_space<semaphore_mem>>)
        %dma_wait3A = arith.constant 0 : i32
        %dma_wait3A_2680 = tpu.memref_slice %arg7[%dma_wait3A] : memref<2064xi32, #tpu.memory_space<vmem>> -> memref<2048xi32, #tpu.memory_space<vmem>>
        %dma_wait3A_2681 = tpu.memref_slice %arg3[%multiple_of3A_2661] : memref<262144xi32, #tpu.memory_space<hbm>> -> memref<2048xi32, #tpu.memory_space<hbm>>
        %dma_wait3A_2682 = arith.constant 0 : i32
        %dma_wait3A_2683 = tpu.memref_slice %arg7[%dma_wait3A_2682] : memref<2064xi32, #tpu.memory_space<vmem>> -> memref<2048xi32, #tpu.memory_space<vmem>>
        %dma_wait3A_2684 = tpu.memref_slice %arg3[%multiple_of3A_2661] : memref<262144xi32, #tpu.memory_space<hbm>> -> memref<2048xi32, #tpu.memory_space<hbm>>
        tpu.wait_dma2 semaphore(%run_scoped3A : memref<!tpu.dma_semaphore, #tpu.memory_space<semaphore_mem>>) src(%dma_wait3A_2684 : memref<2048xi32, #tpu.memory_space<hbm>>) dst(%dma_wait3A_2683 : memref<2048xi32, #tpu.memory_space<vmem>>)
        tpu.yield
      }) : () -> ()
      %add3A_2662 = arith.constant 2147483647 : i32
      %add3A_2663 = vector.broadcast %add3A_2662 : i32 to vector<16xi32>
      %add3A_2664 = arith.addi %broadcast_in_dim3A_3, %add3A_2663 : vector<16xi32>
      %swap3A_2665 = arith.constant 2048 : index
      %swap3A_2666 = tpu.vector_load %arg7[%swap3A_2665] {strides = array<i32>} : memref<2064xi32, #tpu.memory_space<vmem>>, vector<16xi32>,
      tpu.vector_store %arg7[%swap3A_2665], %add3A_2664 {strides = array<i32>} : memref<2064xi32, #tpu.memory_space<vmem>>, vector<16xi32>,
      %scan3A_2667 = arith.constant 0 : i32
      %scan3A_2668 = arith.constant 0 : i32
      %scan3A_2669 = arith.constant 128 : i32
      %scan3A_2670 = arith.addi %scan3A_2668, %scan3A_2669 : i32
      %scan3A_2671 = arith.constant 4 : i32
      %scan3A_2672 = scf.for %scan3A_2675 = %scan3A_2668 to %scan3A_2670 step %scan3A_2671 iter_args(%scan3A_2676 = %scan3A_2667) -> (i32)  : i32 {
        %mul3A_2677 = arith.constant 16 : i32
        %mul3A_2678 = arith.muli %scan3A_2675, %mul3A_2677 : i32
        %multiple_of3A_2679 = tpu.assume_multiple %mul3A_2678, 16 : i32
        %get3A_2680 = arith.index_cast %multiple_of3A_2679 : i32 to index
        %get3A_2681 = tpu.vector_load %arg7[%get3A_2680] {strides = array<i32>} : memref<2064xi32, #tpu.memory_space<vmem>>, vector<16xi32>,
        %add3A_2682 = arith.constant 1 : i32
        %add3A_2683 = arith.addi %multiple_of3A_2679, %add3A_2682 : i32
        %add3A_2684 = vector.broadcast %add3A_2683 : i32 to vector<16xi32>
        %add3A_2685 = arith.addi %add3A_2684, %iota3A : vector<16xi32>
        %gather3A_2686 = tpu.vector_load_idx %arg7[%add3A_2685] : memref<2064xi32, #tpu.memory_space<vmem>>[vector<16xi32>], vector<16xi32>,
        %max3A_2687 = vector.broadcast %sub3A_6 : i32 to vector<16xi32>
        %max3A_2688 = arith.maxsi %max3A_2687, %get3A_2681 : vector<16xi32>
        %min3A_2689 = vector.broadcast %add3A_8 : i32 to vector<16xi32>
        %min3A_2690 = arith.minsi %min3A_2689, %max3A_2688 : vector<16xi32>
        %max3A_2691 = vector.broadcast %sub3A_6 : i32 to vector<16xi32>
        %max3A_2692 = arith.maxsi %max3A_2691, %gather3A_2686 : vector<16xi32>
        %min3A_2693 = vector.broadcast %add3A_8 : i32 to vector<16xi32>
        %min3A_2694 = arith.minsi %min3A_2693, %max3A_2692 : vector<16xi32>
        %ne3A_2695 = arith.cmpi ne, %min3A_2690, %min3A_2694 : vector<16xi32>
        %sub3A_2696 = vector.broadcast %sub3A_6 : i32 to vector<16xi32>
        %sub3A_2697 = arith.subi %min3A_2690, %sub3A_2696 : vector<16xi32>
        %add3A_2698 = arith.addi %multiple_of3A_2661, %multiple_of3A_2679 : i32
        %add3A_2699 = arith.constant 1 : i32
        %add3A_2700 = arith.addi %add3A_2698, %add3A_2699 : i32
        %add3A_2701 = vector.broadcast %add3A_2700 : i32 to vector<16xi32>
        %add3A_2702 = arith.addi %add3A_2701, %iota3A : vector<16xi32>
        tpu.vector_store_idx %arg8[%sub3A_2697], %add3A_2702 masked %ne3A_2695 : memref<1056xi32, #tpu.memory_space<vmem>>[vector<16xi32>], vector<16xi32>, vector<16xi1>
        %scan3A_2703 = arith.constant 0 : i32
        %scan3A_2704 = arith.constant 1 : i32
        %scan3A_2705 = arith.addi %scan3A_2675, %scan3A_2704 : i32
        %mul3A_2706 = arith.constant 16 : i32
        %mul3A_2707 = arith.muli %scan3A_2705, %mul3A_2706 : i32
        %multiple_of3A_2708 = tpu.assume_multiple %mul3A_2707, 16 : i32
        %get3A_2709 = arith.index_cast %multiple_of3A_2708 : i32 to index
        %get3A_2710 = tpu.vector_load %arg7[%get3A_2709] {strides = array<i32>} : memref<2064xi32, #tpu.memory_space<vmem>>, vector<16xi32>,
        %add3A_2711 = arith.constant 1 : i32
        %add3A_2712 = arith.addi %multiple_of3A_2708, %add3A_2711 : i32
        %add3A_2713 = vector.broadcast %add3A_2712 : i32 to vector<16xi32>
        %add3A_2714 = arith.addi %add3A_2713, %iota3A : vector<16xi32>
        %gather3A_2715 = tpu.vector_load_idx %arg7[%add3A_2714] : memref<2064xi32, #tpu.memory_space<vmem>>[vector<16xi32>], vector<16xi32>,
        %max3A_2716 = vector.broadcast %sub3A_6 : i32 to vector<16xi32>
        %max3A_2717 = arith.maxsi %max3A_2716, %get3A_2710 : vector<16xi32>
        %min3A_2718 = vector.broadcast %add3A_8 : i32 to vector<16xi32>
        %min3A_2719 = arith.minsi %min3A_2718, %max3A_2717 : vector<16xi32>
        %max3A_2720 = vector.broadcast %sub3A_6 : i32 to vector<16xi32>
        %max3A_2721 = arith.maxsi %max3A_2720, %gather3A_2715 : vector<16xi32>
        %min3A_2722 = vector.broadcast %add3A_8 : i32 to vector<16xi32>
        %min3A_2723 = arith.minsi %min3A_2722, %max3A_2721 : vector<16xi32>
        %ne3A_2724 = arith.cmpi ne, %min3A_2719, %min3A_2723 : vector<16xi32>
        %sub3A_2725 = vector.broadcast %sub3A_6 : i32 to vector<16xi32>
        %sub3A_2726 = arith.subi %min3A_2719, %sub3A_2725 : vector<16xi32>
        %add3A_2727 = arith.addi %multiple_of3A_2661, %multiple_of3A_2708 : i32
        %add3A_2728 = arith.constant 1 : i32
        %add3A_2729 = arith.addi %add3A_2727, %add3A_2728 : i32
        %add3A_2730 = vector.broadcast %add3A_2729 : i32 to vector<16xi32>
        %add3A_2731 = arith.addi %add3A_2730, %iota3A : vector<16xi32>
        tpu.vector_store_idx %arg8[%sub3A_2726], %add3A_2731 masked %ne3A_2724 : memref<1056xi32, #tpu.memory_space<vmem>>[vector<16xi32>], vector<16xi32>, vector<16xi1>
        %scan3A_2732 = arith.constant 0 : i32
        %scan3A_2733 = arith.constant 2 : i32
        %scan3A_2734 = arith.addi %scan3A_2675, %scan3A_2733 : i32
        %mul3A_2735 = arith.constant 16 : i32
        %mul3A_2736 = arith.muli %scan3A_2734, %mul3A_2735 : i32
        %multiple_of3A_2737 = tpu.assume_multiple %mul3A_2736, 16 : i32
        %get3A_2738 = arith.index_cast %multiple_of3A_2737 : i32 to index
        %get3A_2739 = tpu.vector_load %arg7[%get3A_2738] {strides = array<i32>} : memref<2064xi32, #tpu.memory_space<vmem>>, vector<16xi32>,
        %add3A_2740 = arith.constant 1 : i32
        %add3A_2741 = arith.addi %multiple_of3A_2737, %add3A_2740 : i32
        %add3A_2742 = vector.broadcast %add3A_2741 : i32 to vector<16xi32>
        %add3A_2743 = arith.addi %add3A_2742, %iota3A : vector<16xi32>
        %gather3A_2744 = tpu.vector_load_idx %arg7[%add3A_2743] : memref<2064xi32, #tpu.memory_space<vmem>>[vector<16xi32>], vector<16xi32>,
        %max3A_2745 = vector.broadcast %sub3A_6 : i32 to vector<16xi32>
        %max3A_2746 = arith.maxsi %max3A_2745, %get3A_2739 : vector<16xi32>
        %min3A_2747 = vector.broadcast %add3A_8 : i32 to vector<16xi32>
        %min3A_2748 = arith.minsi %min3A_2747, %max3A_2746 : vector<16xi32>
        %max3A_2749 = vector.broadcast %sub3A_6 : i32 to vector<16xi32>
        %max3A_2750 = arith.maxsi %max3A_2749, %gather3A_2744 : vector<16xi32>
        %min3A_2751 = vector.broadcast %add3A_8 : i32 to vector<16xi32>
        %min3A_2752 = arith.minsi %min3A_2751, %max3A_2750 : vector<16xi32>
        %ne3A_2753 = arith.cmpi ne, %min3A_2748, %min3A_2752 : vector<16xi32>
        %sub3A_2754 = vector.broadcast %sub3A_6 : i32 to vector<16xi32>
        %sub3A_2755 = arith.subi %min3A_2748, %sub3A_2754 : vector<16xi32>
        %add3A_2756 = arith.addi %multiple_of3A_2661, %multiple_of3A_2737 : i32
        %add3A_2757 = arith.constant 1 : i32
        %add3A_2758 = arith.addi %add3A_2756, %add3A_2757 : i32
        %add3A_2759 = vector.broadcast %add3A_2758 : i32 to vector<16xi32>
        %add3A_2760 = arith.addi %add3A_2759, %iota3A : vector<16xi32>
        tpu.vector_store_idx %arg8[%sub3A_2755], %add3A_2760 masked %ne3A_2753 : memref<1056xi32, #tpu.memory_space<vmem>>[vector<16xi32>], vector<16xi32>, vector<16xi1>
        %scan3A_2761 = arith.constant 0 : i32
        %scan3A_2762 = arith.constant 3 : i32
        %scan3A_2763 = arith.addi %scan3A_2675, %scan3A_2762 : i32
        %mul3A_2764 = arith.constant 16 : i32
        %mul3A_2765 = arith.muli %scan3A_2763, %mul3A_2764 : i32
        %multiple_of3A_2766 = tpu.assume_multiple %mul3A_2765, 16 : i32
        %get3A_2767 = arith.index_cast %multiple_of3A_2766 : i32 to index
        %get3A_2768 = tpu.vector_load %arg7[%get3A_2767] {strides = array<i32>} : memref<2064xi32, #tpu.memory_space<vmem>>, vector<16xi32>,
        %add3A_2769 = arith.constant 1 : i32
        %add3A_2770 = arith.addi %multiple_of3A_2766, %add3A_2769 : i32
        %add3A_2771 = vector.broadcast %add3A_2770 : i32 to vector<16xi32>
        %add3A_2772 = arith.addi %add3A_2771, %iota3A : vector<16xi32>
        %gather3A_2773 = tpu.vector_load_idx %arg7[%add3A_2772] : memref<2064xi32, #tpu.memory_space<vmem>>[vector<16xi32>], vector<16xi32>,
        %max3A_2774 = vector.broadcast %sub3A_6 : i32 to vector<16xi32>
        %max3A_2775 = arith.maxsi %max3A_2774, %get3A_2768 : vector<16xi32>
        %min3A_2776 = vector.broadcast %add3A_8 : i32 to vector<16xi32>
        %min3A_2777 = arith.minsi %min3A_2776, %max3A_2775 : vector<16xi32>
        %max3A_2778 = vector.broadcast %sub3A_6 : i32 to vector<16xi32>
        %max3A_2779 = arith.maxsi %max3A_2778, %gather3A_2773 : vector<16xi32>
        %min3A_2780 = vector.broadcast %add3A_8 : i32 to vector<16xi32>
        %min3A_2781 = arith.minsi %min3A_2780, %max3A_2779 : vector<16xi32>
        %ne3A_2782 = arith.cmpi ne, %min3A_2777, %min3A_2781 : vector<16xi32>
        %sub3A_2783 = vector.broadcast %sub3A_6 : i32 to vector<16xi32>
        %sub3A_2784 = arith.subi %min3A_2777, %sub3A_2783 : vector<16xi32>
        %add3A_2785 = arith.addi %multiple_of3A_2661, %multiple_of3A_2766 : i32
        %add3A_2786 = arith.constant 1 : i32
        %add3A_2787 = arith.addi %add3A_2785, %add3A_2786 : i32
        %add3A_2788 = vector.broadcast %add3A_2787 : i32 to vector<16xi32>
        %add3A_2789 = arith.addi %add3A_2788, %iota3A : vector<16xi32>
        tpu.vector_store_idx %arg8[%sub3A_2784], %add3A_2789 masked %ne3A_2782 : memref<1056xi32, #tpu.memory_space<vmem>>[vector<16xi32>], vector<16xi32>, vector<16xi1>
        %scan3A_2790 = arith.constant 0 : i32
        scf.yield %scan3A_2790 : i32
      }
      %scan3A_2673 = arith.constant 128 : i32
      %while3A_2674 = arith.constant 0 : i32
      scf.yield %while3A_2674 : i32
    }
    %while3A_198 = arith.constant 1 : i32
    %while3A_199 = scf.for %while3A_2655 = %while3A_195 to %while3A_191 step %while3A_198 iter_args(%while3A_2656 = %while3A_197) -> (i32)  : i32 {
      %mul3A_2657 = arith.constant 2048 : i32
      %mul3A_2658 = arith.muli %while3A_2655, %mul3A_2657 : i32
      %add3A_2659 = arith.addi %and3A_162, %mul3A_2658 : i32
      %min3A = arith.constant 260096 : i32
      %min3A_2660 = arith.minsi %add3A_2659, %min3A : i32
      %multiple_of3A_2661 = tpu.assume_multiple %min3A_2660, 8 : i32
      "tpu.region"() ({
        %run_scoped3A = tpu.sem_alloc : memref<!tpu.dma_semaphore, #tpu.memory_space<semaphore_mem>>
        %dma_start3A = arith.constant 0 : i32
        %dma_start3A_2675 = tpu.memref_slice %arg7[%dma_start3A] : memref<2064xi32, #tpu.memory_space<vmem>> -> memref<2048xi32, #tpu.memory_space<vmem>>
        %dma_start3A_2676 = tpu.memref_slice %arg3[%multiple_of3A_2661] : memref<262144xi32, #tpu.memory_space<hbm>> -> memref<2048xi32, #tpu.memory_space<hbm>>
        %dma_start3A_2677 = arith.constant 0 : i32
        %dma_start3A_2678 = tpu.memref_slice %arg7[%dma_start3A_2677] : memref<2064xi32, #tpu.memory_space<vmem>> -> memref<2048xi32, #tpu.memory_space<vmem>>
        %dma_start3A_2679 = tpu.memref_slice %arg3[%multiple_of3A_2661] : memref<262144xi32, #tpu.memory_space<hbm>> -> memref<2048xi32, #tpu.memory_space<hbm>>
        tpu.enqueue_dma source(%dma_start3A_2679 : memref<2048xi32, #tpu.memory_space<hbm>>) target(%dma_start3A_2678 : memref<2048xi32, #tpu.memory_space<vmem>>) target_semaphore(%run_scoped3A : memref<!tpu.dma_semaphore, #tpu.memory_space<semaphore_mem>>)
        %dma_wait3A = arith.constant 0 : i32
        %dma_wait3A_2680 = tpu.memref_slice %arg7[%dma_wait3A] : memref<2064xi32, #tpu.memory_space<vmem>> -> memref<2048xi32, #tpu.memory_space<vmem>>
        %dma_wait3A_2681 = tpu.memref_slice %arg3[%multiple_of3A_2661] : memref<262144xi32, #tpu.memory_space<hbm>> -> memref<2048xi32, #tpu.memory_space<hbm>>
        %dma_wait3A_2682 = arith.constant 0 : i32
        %dma_wait3A_2683 = tpu.memref_slice %arg7[%dma_wait3A_2682] : memref<2064xi32, #tpu.memory_space<vmem>> -> memref<2048xi32, #tpu.memory_space<vmem>>
        %dma_wait3A_2684 = tpu.memref_slice %arg3[%multiple_of3A_2661] : memref<262144xi32, #tpu.memory_space<hbm>> -> memref<2048xi32, #tpu.memory_space<hbm>>
        tpu.wait_dma2 semaphore(%run_scoped3A : memref<!tpu.dma_semaphore, #tpu.memory_space<semaphore_mem>>) src(%dma_wait3A_2684 : memref<2048xi32, #tpu.memory_space<hbm>>) dst(%dma_wait3A_2683 : memref<2048xi32, #tpu.memory_space<vmem>>)
        tpu.yield
      }) : () -> ()
      %add3A_2662 = arith.constant 2147483647 : i32
      %add3A_2663 = vector.broadcast %add3A_2662 : i32 to vector<16xi32>
      %add3A_2664 = arith.addi %broadcast_in_dim3A_3, %add3A_2663 : vector<16xi32>
      %swap3A_2665 = arith.constant 2048 : index
      %swap3A_2666 = tpu.vector_load %arg7[%swap3A_2665] {strides = array<i32>} : memref<2064xi32, #tpu.memory_space<vmem>>, vector<16xi32>,
      tpu.vector_store %arg7[%swap3A_2665], %add3A_2664 {strides = array<i32>} : memref<2064xi32, #tpu.memory_space<vmem>>, vector<16xi32>,
      %scan3A_2667 = arith.constant 0 : i32
      %scan3A_2668 = arith.constant 0 : i32
      %scan3A_2669 = arith.constant 128 : i32
      %scan3A_2670 = arith.addi %scan3A_2668, %scan3A_2669 : i32
      %scan3A_2671 = arith.constant 4 : i32
      %scan3A_2672 = scf.for %scan3A_2675 = %scan3A_2668 to %scan3A_2670 step %scan3A_2671 iter_args(%scan3A_2676 = %scan3A_2667) -> (i32)  : i32 {
        %mul3A_2677 = arith.constant 16 : i32
        %mul3A_2678 = arith.muli %scan3A_2675, %mul3A_2677 : i32
        %multiple_of3A_2679 = tpu.assume_multiple %mul3A_2678, 16 : i32
        %get3A_2680 = arith.index_cast %multiple_of3A_2679 : i32 to index
        %get3A_2681 = tpu.vector_load %arg7[%get3A_2680] {strides = array<i32>} : memref<2064xi32, #tpu.memory_space<vmem>>, vector<16xi32>,
        %add3A_2682 = arith.constant 1 : i32
        %add3A_2683 = arith.addi %multiple_of3A_2679, %add3A_2682 : i32
        %add3A_2684 = vector.broadcast %add3A_2683 : i32 to vector<16xi32>
        %add3A_2685 = arith.addi %add3A_2684, %iota3A : vector<16xi32>
        %gather3A_2686 = tpu.vector_load_idx %arg7[%add3A_2685] : memref<2064xi32, #tpu.memory_space<vmem>>[vector<16xi32>], vector<16xi32>,
        %max3A_2687 = vector.broadcast %sub3A_6 : i32 to vector<16xi32>
        %max3A_2688 = arith.maxsi %max3A_2687, %get3A_2681 : vector<16xi32>
        %min3A_2689 = vector.broadcast %add3A_8 : i32 to vector<16xi32>
        %min3A_2690 = arith.minsi %min3A_2689, %max3A_2688 : vector<16xi32>
        %max3A_2691 = vector.broadcast %sub3A_6 : i32 to vector<16xi32>
        %max3A_2692 = arith.maxsi %max3A_2691, %gather3A_2686 : vector<16xi32>
        %min3A_2693 = vector.broadcast %add3A_8 : i32 to vector<16xi32>
        %min3A_2694 = arith.minsi %min3A_2693, %max3A_2692 : vector<16xi32>
        %ne3A_2695 = arith.cmpi ne, %min3A_2690, %min3A_2694 : vector<16xi32>
        %sub3A_2696 = vector.broadcast %sub3A_6 : i32 to vector<16xi32>
        %sub3A_2697 = arith.subi %min3A_2690, %sub3A_2696 : vector<16xi32>
        %add3A_2698 = arith.addi %multiple_of3A_2661, %multiple_of3A_2679 : i32
        %add3A_2699 = arith.constant 1 : i32
        %add3A_2700 = arith.addi %add3A_2698, %add3A_2699 : i32
        %add3A_2701 = vector.broadcast %add3A_2700 : i32 to vector<16xi32>
        %add3A_2702 = arith.addi %add3A_2701, %iota3A : vector<16xi32>
        tpu.vector_store_idx %arg8[%sub3A_2697], %add3A_2702 masked %ne3A_2695 : memref<1056xi32, #tpu.memory_space<vmem>>[vector<16xi32>], vector<16xi32>, vector<16xi1>
        %scan3A_2703 = arith.constant 0 : i32
        %scan3A_2704 = arith.constant 1 : i32
        %scan3A_2705 = arith.addi %scan3A_2675, %scan3A_2704 : i32
        %mul3A_2706 = arith.constant 16 : i32
        %mul3A_2707 = arith.muli %scan3A_2705, %mul3A_2706 : i32
        %multiple_of3A_2708 = tpu.assume_multiple %mul3A_2707, 16 : i32
        %get3A_2709 = arith.index_cast %multiple_of3A_2708 : i32 to index
        %get3A_2710 = tpu.vector_load %arg7[%get3A_2709] {strides = array<i32>} : memref<2064xi32, #tpu.memory_space<vmem>>, vector<16xi32>,
        %add3A_2711 = arith.constant 1 : i32
        %add3A_2712 = arith.addi %multiple_of3A_2708, %add3A_2711 : i32
        %add3A_2713 = vector.broadcast %add3A_2712 : i32 to vector<16xi32>
        %add3A_2714 = arith.addi %add3A_2713, %iota3A : vector<16xi32>
        %gather3A_2715 = tpu.vector_load_idx %arg7[%add3A_2714] : memref<2064xi32, #tpu.memory_space<vmem>>[vector<16xi32>], vector<16xi32>,
        %max3A_2716 = vector.broadcast %sub3A_6 : i32 to vector<16xi32>
        %max3A_2717 = arith.maxsi %max3A_2716, %get3A_2710 : vector<16xi32>
        %min3A_2718 = vector.broadcast %add3A_8 : i32 to vector<16xi32>
        %min3A_2719 = arith.minsi %min3A_2718, %max3A_2717 : vector<16xi32>
        %max3A_2720 = vector.broadcast %sub3A_6 : i32 to vector<16xi32>
        %max3A_2721 = arith.maxsi %max3A_2720, %gather3A_2715 : vector<16xi32>
        %min3A_2722 = vector.broadcast %add3A_8 : i32 to vector<16xi32>
        %min3A_2723 = arith.minsi %min3A_2722, %max3A_2721 : vector<16xi32>
        %ne3A_2724 = arith.cmpi ne, %min3A_2719, %min3A_2723 : vector<16xi32>
        %sub3A_2725 = vector.broadcast %sub3A_6 : i32 to vector<16xi32>
        %sub3A_2726 = arith.subi %min3A_2719, %sub3A_2725 : vector<16xi32>
        %add3A_2727 = arith.addi %multiple_of3A_2661, %multiple_of3A_2708 : i32
        %add3A_2728 = arith.constant 1 : i32
        %add3A_2729 = arith.addi %add3A_2727, %add3A_2728 : i32
        %add3A_2730 = vector.broadcast %add3A_2729 : i32 to vector<16xi32>
        %add3A_2731 = arith.addi %add3A_2730, %iota3A : vector<16xi32>
        tpu.vector_store_idx %arg8[%sub3A_2726], %add3A_2731 masked %ne3A_2724 : memref<1056xi32, #tpu.memory_space<vmem>>[vector<16xi32>], vector<16xi32>, vector<16xi1>
        %scan3A_2732 = arith.constant 0 : i32
        %scan3A_2733 = arith.constant 2 : i32
        %scan3A_2734 = arith.addi %scan3A_2675, %scan3A_2733 : i32
        %mul3A_2735 = arith.constant 16 : i32
        %mul3A_2736 = arith.muli %scan3A_2734, %mul3A_2735 : i32
        %multiple_of3A_2737 = tpu.assume_multiple %mul3A_2736, 16 : i32
        %get3A_2738 = arith.index_cast %multiple_of3A_2737 : i32 to index
        %get3A_2739 = tpu.vector_load %arg7[%get3A_2738] {strides = array<i32>} : memref<2064xi32, #tpu.memory_space<vmem>>, vector<16xi32>,
        %add3A_2740 = arith.constant 1 : i32
        %add3A_2741 = arith.addi %multiple_of3A_2737, %add3A_2740 : i32
        %add3A_2742 = vector.broadcast %add3A_2741 : i32 to vector<16xi32>
        %add3A_2743 = arith.addi %add3A_2742, %iota3A : vector<16xi32>
        %gather3A_2744 = tpu.vector_load_idx %arg7[%add3A_2743] : memref<2064xi32, #tpu.memory_space<vmem>>[vector<16xi32>], vector<16xi32>,
        %max3A_2745 = vector.broadcast %sub3A_6 : i32 to vector<16xi32>
        %max3A_2746 = arith.maxsi %max3A_2745, %get3A_2739 : vector<16xi32>
        %min3A_2747 = vector.broadcast %add3A_8 : i32 to vector<16xi32>
        %min3A_2748 = arith.minsi %min3A_2747, %max3A_2746 : vector<16xi32>
        %max3A_2749 = vector.broadcast %sub3A_6 : i32 to vector<16xi32>
        %max3A_2750 = arith.maxsi %max3A_2749, %gather3A_2744 : vector<16xi32>
        %min3A_2751 = vector.broadcast %add3A_8 : i32 to vector<16xi32>
        %min3A_2752 = arith.minsi %min3A_2751, %max3A_2750 : vector<16xi32>
        %ne3A_2753 = arith.cmpi ne, %min3A_2748, %min3A_2752 : vector<16xi32>
        %sub3A_2754 = vector.broadcast %sub3A_6 : i32 to vector<16xi32>
        %sub3A_2755 = arith.subi %min3A_2748, %sub3A_2754 : vector<16xi32>
        %add3A_2756 = arith.addi %multiple_of3A_2661, %multiple_of3A_2737 : i32
        %add3A_2757 = arith.constant 1 : i32
        %add3A_2758 = arith.addi %add3A_2756, %add3A_2757 : i32
        %add3A_2759 = vector.broadcast %add3A_2758 : i32 to vector<16xi32>
        %add3A_2760 = arith.addi %add3A_2759, %iota3A : vector<16xi32>
        tpu.vector_store_idx %arg8[%sub3A_2755], %add3A_2760 masked %ne3A_2753 : memref<1056xi32, #tpu.memory_space<vmem>>[vector<16xi32>], vector<16xi32>, vector<16xi1>
        %scan3A_2761 = arith.constant 0 : i32
        %scan3A_2762 = arith.constant 3 : i32
        %scan3A_2763 = arith.addi %scan3A_2675, %scan3A_2762 : i32
        %mul3A_2764 = arith.constant 16 : i32
        %mul3A_2765 = arith.muli %scan3A_2763, %mul3A_2764 : i32
        %multiple_of3A_2766 = tpu.assume_multiple %mul3A_2765, 16 : i32
        %get3A_2767 = arith.index_cast %multiple_of3A_2766 : i32 to index
        %get3A_2768 = tpu.vector_load %arg7[%get3A_2767] {strides = array<i32>} : memref<2064xi32, #tpu.memory_space<vmem>>, vector<16xi32>,
        %add3A_2769 = arith.constant 1 : i32
        %add3A_2770 = arith.addi %multiple_of3A_2766, %add3A_2769 : i32
        %add3A_2771 = vector.broadcast %add3A_2770 : i32 to vector<16xi32>
        %add3A_2772 = arith.addi %add3A_2771, %iota3A : vector<16xi32>
        %gather3A_2773 = tpu.vector_load_idx %arg7[%add3A_2772] : memref<2064xi32, #tpu.memory_space<vmem>>[vector<16xi32>], vector<16xi32>,
        %max3A_2774 = vector.broadcast %sub3A_6 : i32 to vector<16xi32>
        %max3A_2775 = arith.maxsi %max3A_2774, %get3A_2768 : vector<16xi32>
        %min3A_2776 = vector.broadcast %add3A_8 : i32 to vector<16xi32>
        %min3A_2777 = arith.minsi %min3A_2776, %max3A_2775 : vector<16xi32>
        %max3A_2778 = vector.broadcast %sub3A_6 : i32 to vector<16xi32>
        %max3A_2779 = arith.maxsi %max3A_2778, %gather3A_2773 : vector<16xi32>
        %min3A_2780 = vector.broadcast %add3A_8 : i32 to vector<16xi32>
        %min3A_2781 = arith.minsi %min3A_2780, %max3A_2779 : vector<16xi32>
        %ne3A_2782 = arith.cmpi ne, %min3A_2777, %min3A_2781 : vector<16xi32>
        %sub3A_2783 = vector.broadcast %sub3A_6 : i32 to vector<16xi32>
        %sub3A_2784 = arith.subi %min3A_2777, %sub3A_2783 : vector<16xi32>
        %add3A_2785 = arith.addi %multiple_of3A_2661, %multiple_of3A_2766 : i32
        %add3A_2786 = arith.constant 1 : i32
        %add3A_2787 = arith.addi %add3A_2785, %add3A_2786 : i32
        %add3A_2788 = vector.broadcast %add3A_2787 : i32 to vector<16xi32>
        %add3A_2789 = arith.addi %add3A_2788, %iota3A : vector<16xi32>
        tpu.vector_store_idx %arg8[%sub3A_2784], %add3A_2789 masked %ne3A_2782 : memref<1056xi32, #tpu.memory_space<vmem>>[vector<16xi32>], vector<16xi32>, vector<16xi1>
        %scan3A_2790 = arith.constant 0 : i32
        scf.yield %scan3A_2790 : i32
      }
      %scan3A_2673 = arith.constant 128 : i32
      %while3A_2674 = arith.constant 0 : i32
      scf.yield %while3A_2674 : i32
    }
    %get3A = arith.constant 0 : index
    %get3A_200 = tpu.vector_load %arg8[%get3A] {strides = array<i32>} : memref<1056xi32, #tpu.memory_space<vmem>>, vector<16xi32>,
    %broadcast_in_dim3A_201 = arith.constant true
    %broadcast_in_dim3A_202 = vector.broadcast %broadcast_in_dim3A_201 : i1 to vector<16xi1>
    %masked_cummax3A = arith.constant -2147483648 : i32
    %masked_cummax3A_203 = vector.broadcast %masked_cummax3A : i32 to vector<16xi32>
    %masked_cummax3A_204 = arith.xori %get3A_200, %masked_cummax3A_203 : vector<16xi32>
    %masked_cummax3A_205 = tpu.scan <max>, %masked_cummax3A_204 masked %broadcast_in_dim3A_202 : vector<16xi32>, vector<16xi1> -> vector<16xi32>
    %masked_cummax3A_206 = arith.xori %masked_cummax3A_205, %masked_cummax3A_203 : vector<16xi32>
    %max3A_207 = arith.constant 0 : i32
    %max3A_208 = vector.broadcast %max3A_207 : i32 to vector<16xi32>
    %max3A_209 = arith.maxsi %masked_cummax3A_206, %max3A_208 : vector<16xi32>
    %swap3A_210 = arith.constant 0 : index
    %swap3A_211 = tpu.vector_load %arg9[%swap3A_210] {strides = array<i32>} : memref<1056xi32, #tpu.memory_space<vmem>>, vector<16xi32>,
    tpu.vector_store %arg9[%swap3A_210], %max3A_209 {strides = array<i32>} : memref<1056xi32, #tpu.memory_space<vmem>>, vector<16xi32>,
    %reduce_max3A = arith.constant true
    %reduce_max3A_212 = vector.broadcast %reduce_max3A : i1 to vector<16xi1>
    %reduce_max3A_213 = arith.constant -2147483648 : i32
    %reduce_max3A_214 = vector.broadcast %reduce_max3A_213 : i32 to vector<16xi32>
    %reduce_max3A_215 = arith.xori %max3A_209, %reduce_max3A_214 : vector<16xi32>
    %reduce_max3A_216 = tpu.scan <max>, %reduce_max3A_215 masked %reduce_max3A_212 : vector<16xi32>, vector<16xi1> -> vector<16xi32>
    %reduce_max3A_217 = arith.xori %reduce_max3A_216, %reduce_max3A_214 : vector<16xi32>
    %reduce_max3A_218 = vector.extract %reduce_max3A_217[15] : i32 from vector<16xi32>
    %get3A_219 = arith.constant 16 : index
    %get3A_220 = tpu.vector_load %arg8[%get3A_219] {strides = array<i32>} : memref<1056xi32, #tpu.memory_space<vmem>>, vector<16xi32>,
    %broadcast_in_dim3A_221 = arith.constant true
    %broadcast_in_dim3A_222 = vector.broadcast %broadcast_in_dim3A_221 : i1 to vector<16xi1>
    %masked_cummax3A_223 = arith.constant -2147483648 : i32
    %masked_cummax3A_224 = vector.broadcast %masked_cummax3A_223 : i32 to vector<16xi32>
    %masked_cummax3A_225 = arith.xori %get3A_220, %masked_cummax3A_224 : vector<16xi32>
    %masked_cummax3A_226 = tpu.scan <max>, %masked_cummax3A_225 masked %broadcast_in_dim3A_222 : vector<16xi32>, vector<16xi1> -> vector<16xi32>
    %masked_cummax3A_227 = arith.xori %masked_cummax3A_226, %masked_cummax3A_224 : vector<16xi32>
    %max3A_228 = vector.broadcast %reduce_max3A_218 : i32 to vector<16xi32>
    %max3A_229 = arith.maxsi %masked_cummax3A_227, %max3A_228 : vector<16xi32>
    %swap3A_230 = arith.constant 16 : index
    %swap3A_231 = tpu.vector_load %arg9[%swap3A_230] {strides = array<i32>} : memref<1056xi32, #tpu.memory_space<vmem>>, vector<16xi32>,
    tpu.vector_store %arg9[%swap3A_230], %max3A_229 {strides = array<i32>} : memref<1056xi32, #tpu.memory_space<vmem>>, vector<16xi32>,
    %reduce_max3A_232 = arith.constant true
    %reduce_max3A_233 = vector.broadcast %reduce_max3A_232 : i1 to vector<16xi1>
    %reduce_max3A_234 = arith.constant -2147483648 : i32
    %reduce_max3A_235 = vector.broadcast %reduce_max3A_234 : i32 to vector<16xi32>
    %reduce_max3A_236 = arith.xori %max3A_229, %reduce_max3A_235 : vector<16xi32>
    %reduce_max3A_237 = tpu.scan <max>, %reduce_max3A_236 masked %reduce_max3A_233 : vector<16xi32>, vector<16xi1> -> vector<16xi32>
    %reduce_max3A_238 = arith.xori %reduce_max3A_237, %reduce_max3A_235 : vector<16xi32>
    %reduce_max3A_239 = vector.extract %reduce_max3A_238[15] : i32 from vector<16xi32>
    %get3A_240 = arith.constant 32 : index
    %get3A_241 = tpu.vector_load %arg8[%get3A_240] {strides = array<i32>} : memref<1056xi32, #tpu.memory_space<vmem>>, vector<16xi32>,
    %broadcast_in_dim3A_242 = arith.constant true
    %broadcast_in_dim3A_243 = vector.broadcast %broadcast_in_dim3A_242 : i1 to vector<16xi1>
    %masked_cummax3A_244 = arith.constant -2147483648 : i32
    %masked_cummax3A_245 = vector.broadcast %masked_cummax3A_244 : i32 to vector<16xi32>
    %masked_cummax3A_246 = arith.xori %get3A_241, %masked_cummax3A_245 : vector<16xi32>
    %masked_cummax3A_247 = tpu.scan <max>, %masked_cummax3A_246 masked %broadcast_in_dim3A_243 : vector<16xi32>, vector<16xi1> -> vector<16xi32>
    %masked_cummax3A_248 = arith.xori %masked_cummax3A_247, %masked_cummax3A_245 : vector<16xi32>
    %max3A_249 = vector.broadcast %reduce_max3A_239 : i32 to vector<16xi32>
    %max3A_250 = arith.maxsi %masked_cummax3A_248, %max3A_249 : vector<16xi32>
    %swap3A_251 = arith.constant 32 : index
    %swap3A_252 = tpu.vector_load %arg9[%swap3A_251] {strides = array<i32>} : memref<1056xi32, #tpu.memory_space<vmem>>, vector<16xi32>,
    tpu.vector_store %arg9[%swap3A_251], %max3A_250 {strides = array<i32>} : memref<1056xi32, #tpu.memory_space<vmem>>, vector<16xi32>,
    %reduce_max3A_253 = arith.constant true
    %reduce_max3A_254 = vector.broadcast %reduce_max3A_253 : i1 to vector<16xi1>
    %reduce_max3A_255 = arith.constant -2147483648 : i32
    %reduce_max3A_256 = vector.broadcast %reduce_max3A_255 : i32 to vector<16xi32>
    %reduce_max3A_257 = arith.xori %max3A_250, %reduce_max3A_256 : vector<16xi32>
    %reduce_max3A_258 = tpu.scan <max>, %reduce_max3A_257 masked %reduce_max3A_254 : vector<16xi32>, vector<16xi1> -> vector<16xi32>
    %reduce_max3A_259 = arith.xori %reduce_max3A_258, %reduce_max3A_256 : vector<16xi32>
    %reduce_max3A_260 = vector.extract %reduce_max3A_259[15] : i32 from vector<16xi32>
    %get3A_261 = arith.constant 48 : index
    %get3A_262 = tpu.vector_load %arg8[%get3A_261] {strides = array<i32>} : memref<1056xi32, #tpu.memory_space<vmem>>, vector<16xi32>,
    %broadcast_in_dim3A_263 = arith.constant true
    %broadcast_in_dim3A_264 = vector.broadcast %broadcast_in_dim3A_263 : i1 to vector<16xi1>
    %masked_cummax3A_265 = arith.constant -2147483648 : i32
    %masked_cummax3A_266 = vector.broadcast %masked_cummax3A_265 : i32 to vector<16xi32>
    %masked_cummax3A_267 = arith.xori %get3A_262, %masked_cummax3A_266 : vector<16xi32>
    %masked_cummax3A_268 = tpu.scan <max>, %masked_cummax3A_267 masked %broadcast_in_dim3A_264 : vector<16xi32>, vector<16xi1> -> vector<16xi32>
    %masked_cummax3A_269 = arith.xori %masked_cummax3A_268, %masked_cummax3A_266 : vector<16xi32>
    %max3A_270 = vector.broadcast %reduce_max3A_260 : i32 to vector<16xi32>
    %max3A_271 = arith.maxsi %masked_cummax3A_269, %max3A_270 : vector<16xi32>
    %swap3A_272 = arith.constant 48 : index
    %swap3A_273 = tpu.vector_load %arg9[%swap3A_272] {strides = array<i32>} : memref<1056xi32, #tpu.memory_space<vmem>>, vector<16xi32>,
    tpu.vector_store %arg9[%swap3A_272], %max3A_271 {strides = array<i32>} : memref<1056xi32, #tpu.memory_space<vmem>>, vector<16xi32>,
    %reduce_max3A_274 = arith.constant true
    %reduce_max3A_275 = vector.broadcast %reduce_max3A_274 : i1 to vector<16xi1>
    %reduce_max3A_276 = arith.constant -2147483648 : i32
    %reduce_max3A_277 = vector.broadcast %reduce_max3A_276 : i32 to vector<16xi32>
    %reduce_max3A_278 = arith.xori %max3A_271, %reduce_max3A_277 : vector<16xi32>
    %reduce_max3A_279 = tpu.scan <max>, %reduce_max3A_278 masked %reduce_max3A_275 : vector<16xi32>, vector<16xi1> -> vector<16xi32>
    %reduce_max3A_280 = arith.xori %reduce_max3A_279, %reduce_max3A_277 : vector<16xi32>
    %reduce_max3A_281 = vector.extract %reduce_max3A_280[15] : i32 from vector<16xi32>
    %get3A_282 = arith.constant 64 : index
    %get3A_283 = tpu.vector_load %arg8[%get3A_282] {strides = array<i32>} : memref<1056xi32, #tpu.memory_space<vmem>>, vector<16xi32>,
    %broadcast_in_dim3A_284 = arith.constant true
    %broadcast_in_dim3A_285 = vector.broadcast %broadcast_in_dim3A_284 : i1 to vector<16xi1>
    %masked_cummax3A_286 = arith.constant -2147483648 : i32
    %masked_cummax3A_287 = vector.broadcast %masked_cummax3A_286 : i32 to vector<16xi32>
    %masked_cummax3A_288 = arith.xori %get3A_283, %masked_cummax3A_287 : vector<16xi32>
    %masked_cummax3A_289 = tpu.scan <max>, %masked_cummax3A_288 masked %broadcast_in_dim3A_285 : vector<16xi32>, vector<16xi1> -> vector<16xi32>
    %masked_cummax3A_290 = arith.xori %masked_cummax3A_289, %masked_cummax3A_287 : vector<16xi32>
    %max3A_291 = vector.broadcast %reduce_max3A_281 : i32 to vector<16xi32>
    %max3A_292 = arith.maxsi %masked_cummax3A_290, %max3A_291 : vector<16xi32>
    %swap3A_293 = arith.constant 64 : index
    %swap3A_294 = tpu.vector_load %arg9[%swap3A_293] {strides = array<i32>} : memref<1056xi32, #tpu.memory_space<vmem>>, vector<16xi32>,
    tpu.vector_store %arg9[%swap3A_293], %max3A_292 {strides = array<i32>} : memref<1056xi32, #tpu.memory_space<vmem>>, vector<16xi32>,
    %reduce_max3A_295 = arith.constant true
    %reduce_max3A_296 = vector.broadcast %reduce_max3A_295 : i1 to vector<16xi1>
    %reduce_max3A_297 = arith.constant -2147483648 : i32
    %reduce_max3A_298 = vector.broadcast %reduce_max3A_297 : i32 to vector<16xi32>
    %reduce_max3A_299 = arith.xori %max3A_292, %reduce_max3A_298 : vector<16xi32>
    %reduce_max3A_300 = tpu.scan <max>, %reduce_max3A_299 masked %reduce_max3A_296 : vector<16xi32>, vector<16xi1> -> vector<16xi32>
    %reduce_max3A_301 = arith.xori %reduce_max3A_300, %reduce_max3A_298 : vector<16xi32>
    %reduce_max3A_302 = vector.extract %reduce_max3A_301[15] : i32 from vector<16xi32>
    %get3A_303 = arith.constant 80 : index
    %get3A_304 = tpu.vector_load %arg8[%get3A_303] {strides = array<i32>} : memref<1056xi32, #tpu.memory_space<vmem>>, vector<16xi32>,
    %broadcast_in_dim3A_305 = arith.constant true
    %broadcast_in_dim3A_306 = vector.broadcast %broadcast_in_dim3A_305 : i1 to vector<16xi1>
    %masked_cummax3A_307 = arith.constant -2147483648 : i32
    %masked_cummax3A_308 = vector.broadcast %masked_cummax3A_307 : i32 to vector<16xi32>
    %masked_cummax3A_309 = arith.xori %get3A_304, %masked_cummax3A_308 : vector<16xi32>
    %masked_cummax3A_310 = tpu.scan <max>, %masked_cummax3A_309 masked %broadcast_in_dim3A_306 : vector<16xi32>, vector<16xi1> -> vector<16xi32>
    %masked_cummax3A_311 = arith.xori %masked_cummax3A_310, %masked_cummax3A_308 : vector<16xi32>
    %max3A_312 = vector.broadcast %reduce_max3A_302 : i32 to vector<16xi32>
    %max3A_313 = arith.maxsi %masked_cummax3A_311, %max3A_312 : vector<16xi32>
    %swap3A_314 = arith.constant 80 : index
    %swap3A_315 = tpu.vector_load %arg9[%swap3A_314] {strides = array<i32>} : memref<1056xi32, #tpu.memory_space<vmem>>, vector<16xi32>,
    tpu.vector_store %arg9[%swap3A_314], %max3A_313 {strides = array<i32>} : memref<1056xi32, #tpu.memory_space<vmem>>, vector<16xi32>,
    %reduce_max3A_316 = arith.constant true
    %reduce_max3A_317 = vector.broadcast %reduce_max3A_316 : i1 to vector<16xi1>
    %reduce_max3A_318 = arith.constant -2147483648 : i32
    %reduce_max3A_319 = vector.broadcast %reduce_max3A_318 : i32 to vector<16xi32>
    %reduce_max3A_320 = arith.xori %max3A_313, %reduce_max3A_319 : vector<16xi32>
    %reduce_max3A_321 = tpu.scan <max>, %reduce_max3A_320 masked %reduce_max3A_317 : vector<16xi32>, vector<16xi1> -> vector<16xi32>
    %reduce_max3A_322 = arith.xori %reduce_max3A_321, %reduce_max3A_319 : vector<16xi32>
    %reduce_max3A_323 = vector.extract %reduce_max3A_322[15] : i32 from vector<16xi32>
    %get3A_324 = arith.constant 96 : index
    %get3A_325 = tpu.vector_load %arg8[%get3A_324] {strides = array<i32>} : memref<1056xi32, #tpu.memory_space<vmem>>, vector<16xi32>,
    %broadcast_in_dim3A_326 = arith.constant true
    %broadcast_in_dim3A_327 = vector.broadcast %broadcast_in_dim3A_326 : i1 to vector<16xi1>
    %masked_cummax3A_328 = arith.constant -2147483648 : i32
    %masked_cummax3A_329 = vector.broadcast %masked_cummax3A_328 : i32 to vector<16xi32>
    %masked_cummax3A_330 = arith.xori %get3A_325, %masked_cummax3A_329 : vector<16xi32>
    %masked_cummax3A_331 = tpu.scan <max>, %masked_cummax3A_330 masked %broadcast_in_dim3A_327 : vector<16xi32>, vector<16xi1> -> vector<16xi32>
    %masked_cummax3A_332 = arith.xori %masked_cummax3A_331, %masked_cummax3A_329 : vector<16xi32>
    %max3A_333 = vector.broadcast %reduce_max3A_323 : i32 to vector<16xi32>
    %max3A_334 = arith.maxsi %masked_cummax3A_332, %max3A_333 : vector<16xi32>
    %swap3A_335 = arith.constant 96 : index
    %swap3A_336 = tpu.vector_load %arg9[%swap3A_335] {strides = array<i32>} : memref<1056xi32, #tpu.memory_space<vmem>>, vector<16xi32>,
    tpu.vector_store %arg9[%swap3A_335], %max3A_334 {strides = array<i32>} : memref<1056xi32, #tpu.memory_space<vmem>>, vector<16xi32>,
    %reduce_max3A_337 = arith.constant true
    %reduce_max3A_338 = vector.broadcast %reduce_max3A_337 : i1 to vector<16xi1>
    %reduce_max3A_339 = arith.constant -2147483648 : i32
    %reduce_max3A_340 = vector.broadcast %reduce_max3A_339 : i32 to vector<16xi32>
    %reduce_max3A_341 = arith.xori %max3A_334, %reduce_max3A_340 : vector<16xi32>
    %reduce_max3A_342 = tpu.scan <max>, %reduce_max3A_341 masked %reduce_max3A_338 : vector<16xi32>, vector<16xi1> -> vector<16xi32>
    %reduce_max3A_343 = arith.xori %reduce_max3A_342, %reduce_max3A_340 : vector<16xi32>
    %reduce_max3A_344 = vector.extract %reduce_max3A_343[15] : i32 from vector<16xi32>
    %get3A_345 = arith.constant 112 : index
    %get3A_346 = tpu.vector_load %arg8[%get3A_345] {strides = array<i32>} : memref<1056xi32, #tpu.memory_space<vmem>>, vector<16xi32>,
    %broadcast_in_dim3A_347 = arith.constant true
    %broadcast_in_dim3A_348 = vector.broadcast %broadcast_in_dim3A_347 : i1 to vector<16xi1>
    %masked_cummax3A_349 = arith.constant -2147483648 : i32
    %masked_cummax3A_350 = vector.broadcast %masked_cummax3A_349 : i32 to vector<16xi32>
    %masked_cummax3A_351 = arith.xori %get3A_346, %masked_cummax3A_350 : vector<16xi32>
    %masked_cummax3A_352 = tpu.scan <max>, %masked_cummax3A_351 masked %broadcast_in_dim3A_348 : vector<16xi32>, vector<16xi1> -> vector<16xi32>
    %masked_cummax3A_353 = arith.xori %masked_cummax3A_352, %masked_cummax3A_350 : vector<16xi32>
    %max3A_354 = vector.broadcast %reduce_max3A_344 : i32 to vector<16xi32>
    %max3A_355 = arith.maxsi %masked_cummax3A_353, %max3A_354 : vector<16xi32>
    %swap3A_356 = arith.constant 112 : index
    %swap3A_357 = tpu.vector_load %arg9[%swap3A_356] {strides = array<i32>} : memref<1056xi32, #tpu.memory_space<vmem>>, vector<16xi32>,
    tpu.vector_store %arg9[%swap3A_356], %max3A_355 {strides = array<i32>} : memref<1056xi32, #tpu.memory_space<vmem>>, vector<16xi32>,
    %reduce_max3A_358 = arith.constant true
    %reduce_max3A_359 = vector.broadcast %reduce_max3A_358 : i1 to vector<16xi1>
    %reduce_max3A_360 = arith.constant -2147483648 : i32
    %reduce_max3A_361 = vector.broadcast %reduce_max3A_360 : i32 to vector<16xi32>
    %reduce_max3A_362 = arith.xori %max3A_355, %reduce_max3A_361 : vector<16xi32>
    %reduce_max3A_363 = tpu.scan <max>, %reduce_max3A_362 masked %reduce_max3A_359 : vector<16xi32>, vector<16xi1> -> vector<16xi32>
    %reduce_max3A_364 = arith.xori %reduce_max3A_363, %reduce_max3A_361 : vector<16xi32>
    %reduce_max3A_365 = vector.extract %reduce_max3A_364[15] : i32 from vector<16xi32>
    %get3A_366 = arith.constant 128 : index
    %get3A_367 = tpu.vector_load %arg8[%get3A_366] {strides = array<i32>} : memref<1056xi32, #tpu.memory_space<vmem>>, vector<16xi32>,
    %broadcast_in_dim3A_368 = arith.constant true
    %broadcast_in_dim3A_369 = vector.broadcast %broadcast_in_dim3A_368 : i1 to vector<16xi1>
    %masked_cummax3A_370 = arith.constant -2147483648 : i32
    %masked_cummax3A_371 = vector.broadcast %masked_cummax3A_370 : i32 to vector<16xi32>
    %masked_cummax3A_372 = arith.xori %get3A_367, %masked_cummax3A_371 : vector<16xi32>
    %masked_cummax3A_373 = tpu.scan <max>, %masked_cummax3A_372 masked %broadcast_in_dim3A_369 : vector<16xi32>, vector<16xi1> -> vector<16xi32>
    %masked_cummax3A_374 = arith.xori %masked_cummax3A_373, %masked_cummax3A_371 : vector<16xi32>
    %max3A_375 = vector.broadcast %reduce_max3A_365 : i32 to vector<16xi32>
    %max3A_376 = arith.maxsi %masked_cummax3A_374, %max3A_375 : vector<16xi32>
    %swap3A_377 = arith.constant 128 : index
    %swap3A_378 = tpu.vector_load %arg9[%swap3A_377] {strides = array<i32>} : memref<1056xi32, #tpu.memory_space<vmem>>, vector<16xi32>,
    tpu.vector_store %arg9[%swap3A_377], %max3A_376 {strides = array<i32>} : memref<1056xi32, #tpu.memory_space<vmem>>, vector<16xi32>,
    %reduce_max3A_379 = arith.constant true
    %reduce_max3A_380 = vector.broadcast %reduce_max3A_379 : i1 to vector<16xi1>
    %reduce_max3A_381 = arith.constant -2147483648 : i32
    %reduce_max3A_382 = vector.broadcast %reduce_max3A_381 : i32 to vector<16xi32>
    %reduce_max3A_383 = arith.xori %max3A_376, %reduce_max3A_382 : vector<16xi32>
    %reduce_max3A_384 = tpu.scan <max>, %reduce_max3A_383 masked %reduce_max3A_380 : vector<16xi32>, vector<16xi1> -> vector<16xi32>
    %reduce_max3A_385 = arith.xori %reduce_max3A_384, %reduce_max3A_382 : vector<16xi32>
    %reduce_max3A_386 = vector.extract %reduce_max3A_385[15] : i32 from vector<16xi32>
    %get3A_387 = arith.constant 144 : index
    %get3A_388 = tpu.vector_load %arg8[%get3A_387] {strides = array<i32>} : memref<1056xi32, #tpu.memory_space<vmem>>, vector<16xi32>,
    %broadcast_in_dim3A_389 = arith.constant true
    %broadcast_in_dim3A_390 = vector.broadcast %broadcast_in_dim3A_389 : i1 to vector<16xi1>
    %masked_cummax3A_391 = arith.constant -2147483648 : i32
    %masked_cummax3A_392 = vector.broadcast %masked_cummax3A_391 : i32 to vector<16xi32>
    %masked_cummax3A_393 = arith.xori %get3A_388, %masked_cummax3A_392 : vector<16xi32>
    %masked_cummax3A_394 = tpu.scan <max>, %masked_cummax3A_393 masked %broadcast_in_dim3A_390 : vector<16xi32>, vector<16xi1> -> vector<16xi32>
    %masked_cummax3A_395 = arith.xori %masked_cummax3A_394, %masked_cummax3A_392 : vector<16xi32>
    %max3A_396 = vector.broadcast %reduce_max3A_386 : i32 to vector<16xi32>
    %max3A_397 = arith.maxsi %masked_cummax3A_395, %max3A_396 : vector<16xi32>
    %swap3A_398 = arith.constant 144 : index
    %swap3A_399 = tpu.vector_load %arg9[%swap3A_398] {strides = array<i32>} : memref<1056xi32, #tpu.memory_space<vmem>>, vector<16xi32>,
    tpu.vector_store %arg9[%swap3A_398], %max3A_397 {strides = array<i32>} : memref<1056xi32, #tpu.memory_space<vmem>>, vector<16xi32>,
    %reduce_max3A_400 = arith.constant true
    %reduce_max3A_401 = vector.broadcast %reduce_max3A_400 : i1 to vector<16xi1>
    %reduce_max3A_402 = arith.constant -2147483648 : i32
    %reduce_max3A_403 = vector.broadcast %reduce_max3A_402 : i32 to vector<16xi32>
    %reduce_max3A_404 = arith.xori %max3A_397, %reduce_max3A_403 : vector<16xi32>
    %reduce_max3A_405 = tpu.scan <max>, %reduce_max3A_404 masked %reduce_max3A_401 : vector<16xi32>, vector<16xi1> -> vector<16xi32>
    %reduce_max3A_406 = arith.xori %reduce_max3A_405, %reduce_max3A_403 : vector<16xi32>
    %reduce_max3A_407 = vector.extract %reduce_max3A_406[15] : i32 from vector<16xi32>
    %get3A_408 = arith.constant 160 : index
    %get3A_409 = tpu.vector_load %arg8[%get3A_408] {strides = array<i32>} : memref<1056xi32, #tpu.memory_space<vmem>>, vector<16xi32>,
    %broadcast_in_dim3A_410 = arith.constant true
    %broadcast_in_dim3A_411 = vector.broadcast %broadcast_in_dim3A_410 : i1 to vector<16xi1>
    %masked_cummax3A_412 = arith.constant -2147483648 : i32
    %masked_cummax3A_413 = vector.broadcast %masked_cummax3A_412 : i32 to vector<16xi32>
    %masked_cummax3A_414 = arith.xori %get3A_409, %masked_cummax3A_413 : vector<16xi32>
    %masked_cummax3A_415 = tpu.scan <max>, %masked_cummax3A_414 masked %broadcast_in_dim3A_411 : vector<16xi32>, vector<16xi1> -> vector<16xi32>
    %masked_cummax3A_416 = arith.xori %masked_cummax3A_415, %masked_cummax3A_413 : vector<16xi32>
    %max3A_417 = vector.broadcast %reduce_max3A_407 : i32 to vector<16xi32>
    %max3A_418 = arith.maxsi %masked_cummax3A_416, %max3A_417 : vector<16xi32>
    %swap3A_419 = arith.constant 160 : index
    %swap3A_420 = tpu.vector_load %arg9[%swap3A_419] {strides = array<i32>} : memref<1056xi32, #tpu.memory_space<vmem>>, vector<16xi32>,
    tpu.vector_store %arg9[%swap3A_419], %max3A_418 {strides = array<i32>} : memref<1056xi32, #tpu.memory_space<vmem>>, vector<16xi32>,
    %reduce_max3A_421 = arith.constant true
    %reduce_max3A_422 = vector.broadcast %reduce_max3A_421 : i1 to vector<16xi1>
    %reduce_max3A_423 = arith.constant -2147483648 : i32
    %reduce_max3A_424 = vector.broadcast %reduce_max3A_423 : i32 to vector<16xi32>
    %reduce_max3A_425 = arith.xori %max3A_418, %reduce_max3A_424 : vector<16xi32>
    %reduce_max3A_426 = tpu.scan <max>, %reduce_max3A_425 masked %reduce_max3A_422 : vector<16xi32>, vector<16xi1> -> vector<16xi32>
    %reduce_max3A_427 = arith.xori %reduce_max3A_426, %reduce_max3A_424 : vector<16xi32>
    %reduce_max3A_428 = vector.extract %reduce_max3A_427[15] : i32 from vector<16xi32>
    %get3A_429 = arith.constant 176 : index
    %get3A_430 = tpu.vector_load %arg8[%get3A_429] {strides = array<i32>} : memref<1056xi32, #tpu.memory_space<vmem>>, vector<16xi32>,
    %broadcast_in_dim3A_431 = arith.constant true
    %broadcast_in_dim3A_432 = vector.broadcast %broadcast_in_dim3A_431 : i1 to vector<16xi1>
    %masked_cummax3A_433 = arith.constant -2147483648 : i32
    %masked_cummax3A_434 = vector.broadcast %masked_cummax3A_433 : i32 to vector<16xi32>
    %masked_cummax3A_435 = arith.xori %get3A_430, %masked_cummax3A_434 : vector<16xi32>
    %masked_cummax3A_436 = tpu.scan <max>, %masked_cummax3A_435 masked %broadcast_in_dim3A_432 : vector<16xi32>, vector<16xi1> -> vector<16xi32>
    %masked_cummax3A_437 = arith.xori %masked_cummax3A_436, %masked_cummax3A_434 : vector<16xi32>
    %max3A_438 = vector.broadcast %reduce_max3A_428 : i32 to vector<16xi32>
    %max3A_439 = arith.maxsi %masked_cummax3A_437, %max3A_438 : vector<16xi32>
    %swap3A_440 = arith.constant 176 : index
    %swap3A_441 = tpu.vector_load %arg9[%swap3A_440] {strides = array<i32>} : memref<1056xi32, #tpu.memory_space<vmem>>, vector<16xi32>,
    tpu.vector_store %arg9[%swap3A_440], %max3A_439 {strides = array<i32>} : memref<1056xi32, #tpu.memory_space<vmem>>, vector<16xi32>,
    %reduce_max3A_442 = arith.constant true
    %reduce_max3A_443 = vector.broadcast %reduce_max3A_442 : i1 to vector<16xi1>
    %reduce_max3A_444 = arith.constant -2147483648 : i32
    %reduce_max3A_445 = vector.broadcast %reduce_max3A_444 : i32 to vector<16xi32>
    %reduce_max3A_446 = arith.xori %max3A_439, %reduce_max3A_445 : vector<16xi32>
    %reduce_max3A_447 = tpu.scan <max>, %reduce_max3A_446 masked %reduce_max3A_443 : vector<16xi32>, vector<16xi1> -> vector<16xi32>
    %reduce_max3A_448 = arith.xori %reduce_max3A_447, %reduce_max3A_445 : vector<16xi32>
    %reduce_max3A_449 = vector.extract %reduce_max3A_448[15] : i32 from vector<16xi32>
    %get3A_450 = arith.constant 192 : index
    %get3A_451 = tpu.vector_load %arg8[%get3A_450] {strides = array<i32>} : memref<1056xi32, #tpu.memory_space<vmem>>, vector<16xi32>,
    %broadcast_in_dim3A_452 = arith.constant true
    %broadcast_in_dim3A_453 = vector.broadcast %broadcast_in_dim3A_452 : i1 to vector<16xi1>
    %masked_cummax3A_454 = arith.constant -2147483648 : i32
    %masked_cummax3A_455 = vector.broadcast %masked_cummax3A_454 : i32 to vector<16xi32>
    %masked_cummax3A_456 = arith.xori %get3A_451, %masked_cummax3A_455 : vector<16xi32>
    %masked_cummax3A_457 = tpu.scan <max>, %masked_cummax3A_456 masked %broadcast_in_dim3A_453 : vector<16xi32>, vector<16xi1> -> vector<16xi32>
    %masked_cummax3A_458 = arith.xori %masked_cummax3A_457, %masked_cummax3A_455 : vector<16xi32>
    %max3A_459 = vector.broadcast %reduce_max3A_449 : i32 to vector<16xi32>
    %max3A_460 = arith.maxsi %masked_cummax3A_458, %max3A_459 : vector<16xi32>
    %swap3A_461 = arith.constant 192 : index
    %swap3A_462 = tpu.vector_load %arg9[%swap3A_461] {strides = array<i32>} : memref<1056xi32, #tpu.memory_space<vmem>>, vector<16xi32>,
    tpu.vector_store %arg9[%swap3A_461], %max3A_460 {strides = array<i32>} : memref<1056xi32, #tpu.memory_space<vmem>>, vector<16xi32>,
    %reduce_max3A_463 = arith.constant true
    %reduce_max3A_464 = vector.broadcast %reduce_max3A_463 : i1 to vector<16xi1>
    %reduce_max3A_465 = arith.constant -2147483648 : i32
    %reduce_max3A_466 = vector.broadcast %reduce_max3A_465 : i32 to vector<16xi32>
    %reduce_max3A_467 = arith.xori %max3A_460, %reduce_max3A_466 : vector<16xi32>
    %reduce_max3A_468 = tpu.scan <max>, %reduce_max3A_467 masked %reduce_max3A_464 : vector<16xi32>, vector<16xi1> -> vector<16xi32>
    %reduce_max3A_469 = arith.xori %reduce_max3A_468, %reduce_max3A_466 : vector<16xi32>
    %reduce_max3A_470 = vector.extract %reduce_max3A_469[15] : i32 from vector<16xi32>
    %get3A_471 = arith.constant 208 : index
    %get3A_472 = tpu.vector_load %arg8[%get3A_471] {strides = array<i32>} : memref<1056xi32, #tpu.memory_space<vmem>>, vector<16xi32>,
    %broadcast_in_dim3A_473 = arith.constant true
    %broadcast_in_dim3A_474 = vector.broadcast %broadcast_in_dim3A_473 : i1 to vector<16xi1>
    %masked_cummax3A_475 = arith.constant -2147483648 : i32
    %masked_cummax3A_476 = vector.broadcast %masked_cummax3A_475 : i32 to vector<16xi32>
    %masked_cummax3A_477 = arith.xori %get3A_472, %masked_cummax3A_476 : vector<16xi32>
    %masked_cummax3A_478 = tpu.scan <max>, %masked_cummax3A_477 masked %broadcast_in_dim3A_474 : vector<16xi32>, vector<16xi1> -> vector<16xi32>
    %masked_cummax3A_479 = arith.xori %masked_cummax3A_478, %masked_cummax3A_476 : vector<16xi32>
    %max3A_480 = vector.broadcast %reduce_max3A_470 : i32 to vector<16xi32>
    %max3A_481 = arith.maxsi %masked_cummax3A_479, %max3A_480 : vector<16xi32>
    %swap3A_482 = arith.constant 208 : index
    %swap3A_483 = tpu.vector_load %arg9[%swap3A_482] {strides = array<i32>} : memref<1056xi32, #tpu.memory_space<vmem>>, vector<16xi32>,
    tpu.vector_store %arg9[%swap3A_482], %max3A_481 {strides = array<i32>} : memref<1056xi32, #tpu.memory_space<vmem>>, vector<16xi32>,
    %reduce_max3A_484 = arith.constant true
    %reduce_max3A_485 = vector.broadcast %reduce_max3A_484 : i1 to vector<16xi1>
    %reduce_max3A_486 = arith.constant -2147483648 : i32
    %reduce_max3A_487 = vector.broadcast %reduce_max3A_486 : i32 to vector<16xi32>
    %reduce_max3A_488 = arith.xori %max3A_481, %reduce_max3A_487 : vector<16xi32>
    %reduce_max3A_489 = tpu.scan <max>, %reduce_max3A_488 masked %reduce_max3A_485 : vector<16xi32>, vector<16xi1> -> vector<16xi32>
    %reduce_max3A_490 = arith.xori %reduce_max3A_489, %reduce_max3A_487 : vector<16xi32>
    %reduce_max3A_491 = vector.extract %reduce_max3A_490[15] : i32 from vector<16xi32>
    %get3A_492 = arith.constant 224 : index
    %get3A_493 = tpu.vector_load %arg8[%get3A_492] {strides = array<i32>} : memref<1056xi32, #tpu.memory_space<vmem>>, vector<16xi32>,
    %broadcast_in_dim3A_494 = arith.constant true
    %broadcast_in_dim3A_495 = vector.broadcast %broadcast_in_dim3A_494 : i1 to vector<16xi1>
    %masked_cummax3A_496 = arith.constant -2147483648 : i32
    %masked_cummax3A_497 = vector.broadcast %masked_cummax3A_496 : i32 to vector<16xi32>
    %masked_cummax3A_498 = arith.xori %get3A_493, %masked_cummax3A_497 : vector<16xi32>
    %masked_cummax3A_499 = tpu.scan <max>, %masked_cummax3A_498 masked %broadcast_in_dim3A_495 : vector<16xi32>, vector<16xi1> -> vector<16xi32>
    %masked_cummax3A_500 = arith.xori %masked_cummax3A_499, %masked_cummax3A_497 : vector<16xi32>
    %max3A_501 = vector.broadcast %reduce_max3A_491 : i32 to vector<16xi32>
    %max3A_502 = arith.maxsi %masked_cummax3A_500, %max3A_501 : vector<16xi32>
    %swap3A_503 = arith.constant 224 : index
    %swap3A_504 = tpu.vector_load %arg9[%swap3A_503] {strides = array<i32>} : memref<1056xi32, #tpu.memory_space<vmem>>, vector<16xi32>,
    tpu.vector_store %arg9[%swap3A_503], %max3A_502 {strides = array<i32>} : memref<1056xi32, #tpu.memory_space<vmem>>, vector<16xi32>,
    %reduce_max3A_505 = arith.constant true
    %reduce_max3A_506 = vector.broadcast %reduce_max3A_505 : i1 to vector<16xi1>
    %reduce_max3A_507 = arith.constant -2147483648 : i32
    %reduce_max3A_508 = vector.broadcast %reduce_max3A_507 : i32 to vector<16xi32>
    %reduce_max3A_509 = arith.xori %max3A_502, %reduce_max3A_508 : vector<16xi32>
    %reduce_max3A_510 = tpu.scan <max>, %reduce_max3A_509 masked %reduce_max3A_506 : vector<16xi32>, vector<16xi1> -> vector<16xi32>
    %reduce_max3A_511 = arith.xori %reduce_max3A_510, %reduce_max3A_508 : vector<16xi32>
    %reduce_max3A_512 = vector.extract %reduce_max3A_511[15] : i32 from vector<16xi32>
    %get3A_513 = arith.constant 240 : index
    %get3A_514 = tpu.vector_load %arg8[%get3A_513] {strides = array<i32>} : memref<1056xi32, #tpu.memory_space<vmem>>, vector<16xi32>,
    %broadcast_in_dim3A_515 = arith.constant true
    %broadcast_in_dim3A_516 = vector.broadcast %broadcast_in_dim3A_515 : i1 to vector<16xi1>
    %masked_cummax3A_517 = arith.constant -2147483648 : i32
    %masked_cummax3A_518 = vector.broadcast %masked_cummax3A_517 : i32 to vector<16xi32>
    %masked_cummax3A_519 = arith.xori %get3A_514, %masked_cummax3A_518 : vector<16xi32>
    %masked_cummax3A_520 = tpu.scan <max>, %masked_cummax3A_519 masked %broadcast_in_dim3A_516 : vector<16xi32>, vector<16xi1> -> vector<16xi32>
    %masked_cummax3A_521 = arith.xori %masked_cummax3A_520, %masked_cummax3A_518 : vector<16xi32>
    %max3A_522 = vector.broadcast %reduce_max3A_512 : i32 to vector<16xi32>
    %max3A_523 = arith.maxsi %masked_cummax3A_521, %max3A_522 : vector<16xi32>
    %swap3A_524 = arith.constant 240 : index
    %swap3A_525 = tpu.vector_load %arg9[%swap3A_524] {strides = array<i32>} : memref<1056xi32, #tpu.memory_space<vmem>>, vector<16xi32>,
    tpu.vector_store %arg9[%swap3A_524], %max3A_523 {strides = array<i32>} : memref<1056xi32, #tpu.memory_space<vmem>>, vector<16xi32>,
    %reduce_max3A_526 = arith.constant true
    %reduce_max3A_527 = vector.broadcast %reduce_max3A_526 : i1 to vector<16xi1>
    %reduce_max3A_528 = arith.constant -2147483648 : i32
    %reduce_max3A_529 = vector.broadcast %reduce_max3A_528 : i32 to vector<16xi32>
    %reduce_max3A_530 = arith.xori %max3A_523, %reduce_max3A_529 : vector<16xi32>
    %reduce_max3A_531 = tpu.scan <max>, %reduce_max3A_530 masked %reduce_max3A_527 : vector<16xi32>, vector<16xi1> -> vector<16xi32>
    %reduce_max3A_532 = arith.xori %reduce_max3A_531, %reduce_max3A_529 : vector<16xi32>
    %reduce_max3A_533 = vector.extract %reduce_max3A_532[15] : i32 from vector<16xi32>
    %get3A_534 = arith.constant 256 : index
    %get3A_535 = tpu.vector_load %arg8[%get3A_534] {strides = array<i32>} : memref<1056xi32, #tpu.memory_space<vmem>>, vector<16xi32>,
    %broadcast_in_dim3A_536 = arith.constant true
    %broadcast_in_dim3A_537 = vector.broadcast %broadcast_in_dim3A_536 : i1 to vector<16xi1>
    %masked_cummax3A_538 = arith.constant -2147483648 : i32
    %masked_cummax3A_539 = vector.broadcast %masked_cummax3A_538 : i32 to vector<16xi32>
    %masked_cummax3A_540 = arith.xori %get3A_535, %masked_cummax3A_539 : vector<16xi32>
    %masked_cummax3A_541 = tpu.scan <max>, %masked_cummax3A_540 masked %broadcast_in_dim3A_537 : vector<16xi32>, vector<16xi1> -> vector<16xi32>
    %masked_cummax3A_542 = arith.xori %masked_cummax3A_541, %masked_cummax3A_539 : vector<16xi32>
    %max3A_543 = vector.broadcast %reduce_max3A_533 : i32 to vector<16xi32>
    %max3A_544 = arith.maxsi %masked_cummax3A_542, %max3A_543 : vector<16xi32>
    %swap3A_545 = arith.constant 256 : index
    %swap3A_546 = tpu.vector_load %arg9[%swap3A_545] {strides = array<i32>} : memref<1056xi32, #tpu.memory_space<vmem>>, vector<16xi32>,
    tpu.vector_store %arg9[%swap3A_545], %max3A_544 {strides = array<i32>} : memref<1056xi32, #tpu.memory_space<vmem>>, vector<16xi32>,
    %reduce_max3A_547 = arith.constant true
    %reduce_max3A_548 = vector.broadcast %reduce_max3A_547 : i1 to vector<16xi1>
    %reduce_max3A_549 = arith.constant -2147483648 : i32
    %reduce_max3A_550 = vector.broadcast %reduce_max3A_549 : i32 to vector<16xi32>
    %reduce_max3A_551 = arith.xori %max3A_544, %reduce_max3A_550 : vector<16xi32>
    %reduce_max3A_552 = tpu.scan <max>, %reduce_max3A_551 masked %reduce_max3A_548 : vector<16xi32>, vector<16xi1> -> vector<16xi32>
    %reduce_max3A_553 = arith.xori %reduce_max3A_552, %reduce_max3A_550 : vector<16xi32>
    %reduce_max3A_554 = vector.extract %reduce_max3A_553[15] : i32 from vector<16xi32>
    %get3A_555 = arith.constant 272 : index
    %get3A_556 = tpu.vector_load %arg8[%get3A_555] {strides = array<i32>} : memref<1056xi32, #tpu.memory_space<vmem>>, vector<16xi32>,
    %broadcast_in_dim3A_557 = arith.constant true
    %broadcast_in_dim3A_558 = vector.broadcast %broadcast_in_dim3A_557 : i1 to vector<16xi1>
    %masked_cummax3A_559 = arith.constant -2147483648 : i32
    %masked_cummax3A_560 = vector.broadcast %masked_cummax3A_559 : i32 to vector<16xi32>
    %masked_cummax3A_561 = arith.xori %get3A_556, %masked_cummax3A_560 : vector<16xi32>
    %masked_cummax3A_562 = tpu.scan <max>, %masked_cummax3A_561 masked %broadcast_in_dim3A_558 : vector<16xi32>, vector<16xi1> -> vector<16xi32>
    %masked_cummax3A_563 = arith.xori %masked_cummax3A_562, %masked_cummax3A_560 : vector<16xi32>
    %max3A_564 = vector.broadcast %reduce_max3A_554 : i32 to vector<16xi32>
    %max3A_565 = arith.maxsi %masked_cummax3A_563, %max3A_564 : vector<16xi32>
    %swap3A_566 = arith.constant 272 : index
    %swap3A_567 = tpu.vector_load %arg9[%swap3A_566] {strides = array<i32>} : memref<1056xi32, #tpu.memory_space<vmem>>, vector<16xi32>,
    tpu.vector_store %arg9[%swap3A_566], %max3A_565 {strides = array<i32>} : memref<1056xi32, #tpu.memory_space<vmem>>, vector<16xi32>,
    %reduce_max3A_568 = arith.constant true
    %reduce_max3A_569 = vector.broadcast %reduce_max3A_568 : i1 to vector<16xi1>
    %reduce_max3A_570 = arith.constant -2147483648 : i32
    %reduce_max3A_571 = vector.broadcast %reduce_max3A_570 : i32 to vector<16xi32>
    %reduce_max3A_572 = arith.xori %max3A_565, %reduce_max3A_571 : vector<16xi32>
    %reduce_max3A_573 = tpu.scan <max>, %reduce_max3A_572 masked %reduce_max3A_569 : vector<16xi32>, vector<16xi1> -> vector<16xi32>
    %reduce_max3A_574 = arith.xori %reduce_max3A_573, %reduce_max3A_571 : vector<16xi32>
    %reduce_max3A_575 = vector.extract %reduce_max3A_574[15] : i32 from vector<16xi32>
    %get3A_576 = arith.constant 288 : index
    %get3A_577 = tpu.vector_load %arg8[%get3A_576] {strides = array<i32>} : memref<1056xi32, #tpu.memory_space<vmem>>, vector<16xi32>,
    %broadcast_in_dim3A_578 = arith.constant true
    %broadcast_in_dim3A_579 = vector.broadcast %broadcast_in_dim3A_578 : i1 to vector<16xi1>
    %masked_cummax3A_580 = arith.constant -2147483648 : i32
    %masked_cummax3A_581 = vector.broadcast %masked_cummax3A_580 : i32 to vector<16xi32>
    %masked_cummax3A_582 = arith.xori %get3A_577, %masked_cummax3A_581 : vector<16xi32>
    %masked_cummax3A_583 = tpu.scan <max>, %masked_cummax3A_582 masked %broadcast_in_dim3A_579 : vector<16xi32>, vector<16xi1> -> vector<16xi32>
    %masked_cummax3A_584 = arith.xori %masked_cummax3A_583, %masked_cummax3A_581 : vector<16xi32>
    %max3A_585 = vector.broadcast %reduce_max3A_575 : i32 to vector<16xi32>
    %max3A_586 = arith.maxsi %masked_cummax3A_584, %max3A_585 : vector<16xi32>
    %swap3A_587 = arith.constant 288 : index
    %swap3A_588 = tpu.vector_load %arg9[%swap3A_587] {strides = array<i32>} : memref<1056xi32, #tpu.memory_space<vmem>>, vector<16xi32>,
    tpu.vector_store %arg9[%swap3A_587], %max3A_586 {strides = array<i32>} : memref<1056xi32, #tpu.memory_space<vmem>>, vector<16xi32>,
    %reduce_max3A_589 = arith.constant true
    %reduce_max3A_590 = vector.broadcast %reduce_max3A_589 : i1 to vector<16xi1>
    %reduce_max3A_591 = arith.constant -2147483648 : i32
    %reduce_max3A_592 = vector.broadcast %reduce_max3A_591 : i32 to vector<16xi32>
    %reduce_max3A_593 = arith.xori %max3A_586, %reduce_max3A_592 : vector<16xi32>
    %reduce_max3A_594 = tpu.scan <max>, %reduce_max3A_593 masked %reduce_max3A_590 : vector<16xi32>, vector<16xi1> -> vector<16xi32>
    %reduce_max3A_595 = arith.xori %reduce_max3A_594, %reduce_max3A_592 : vector<16xi32>
    %reduce_max3A_596 = vector.extract %reduce_max3A_595[15] : i32 from vector<16xi32>
    %get3A_597 = arith.constant 304 : index
    %get3A_598 = tpu.vector_load %arg8[%get3A_597] {strides = array<i32>} : memref<1056xi32, #tpu.memory_space<vmem>>, vector<16xi32>,
    %broadcast_in_dim3A_599 = arith.constant true
    %broadcast_in_dim3A_600 = vector.broadcast %broadcast_in_dim3A_599 : i1 to vector<16xi1>
    %masked_cummax3A_601 = arith.constant -2147483648 : i32
    %masked_cummax3A_602 = vector.broadcast %masked_cummax3A_601 : i32 to vector<16xi32>
    %masked_cummax3A_603 = arith.xori %get3A_598, %masked_cummax3A_602 : vector<16xi32>
    %masked_cummax3A_604 = tpu.scan <max>, %masked_cummax3A_603 masked %broadcast_in_dim3A_600 : vector<16xi32>, vector<16xi1> -> vector<16xi32>
    %masked_cummax3A_605 = arith.xori %masked_cummax3A_604, %masked_cummax3A_602 : vector<16xi32>
    %max3A_606 = vector.broadcast %reduce_max3A_596 : i32 to vector<16xi32>
    %max3A_607 = arith.maxsi %masked_cummax3A_605, %max3A_606 : vector<16xi32>
    %swap3A_608 = arith.constant 304 : index
    %swap3A_609 = tpu.vector_load %arg9[%swap3A_608] {strides = array<i32>} : memref<1056xi32, #tpu.memory_space<vmem>>, vector<16xi32>,
    tpu.vector_store %arg9[%swap3A_608], %max3A_607 {strides = array<i32>} : memref<1056xi32, #tpu.memory_space<vmem>>, vector<16xi32>,
    %reduce_max3A_610 = arith.constant true
    %reduce_max3A_611 = vector.broadcast %reduce_max3A_610 : i1 to vector<16xi1>
    %reduce_max3A_612 = arith.constant -2147483648 : i32
    %reduce_max3A_613 = vector.broadcast %reduce_max3A_612 : i32 to vector<16xi32>
    %reduce_max3A_614 = arith.xori %max3A_607, %reduce_max3A_613 : vector<16xi32>
    %reduce_max3A_615 = tpu.scan <max>, %reduce_max3A_614 masked %reduce_max3A_611 : vector<16xi32>, vector<16xi1> -> vector<16xi32>
    %reduce_max3A_616 = arith.xori %reduce_max3A_615, %reduce_max3A_613 : vector<16xi32>
    %reduce_max3A_617 = vector.extract %reduce_max3A_616[15] : i32 from vector<16xi32>
    %get3A_618 = arith.constant 320 : index
    %get3A_619 = tpu.vector_load %arg8[%get3A_618] {strides = array<i32>} : memref<1056xi32, #tpu.memory_space<vmem>>, vector<16xi32>,
    %broadcast_in_dim3A_620 = arith.constant true
    %broadcast_in_dim3A_621 = vector.broadcast %broadcast_in_dim3A_620 : i1 to vector<16xi1>
    %masked_cummax3A_622 = arith.constant -2147483648 : i32
    %masked_cummax3A_623 = vector.broadcast %masked_cummax3A_622 : i32 to vector<16xi32>
    %masked_cummax3A_624 = arith.xori %get3A_619, %masked_cummax3A_623 : vector<16xi32>
    %masked_cummax3A_625 = tpu.scan <max>, %masked_cummax3A_624 masked %broadcast_in_dim3A_621 : vector<16xi32>, vector<16xi1> -> vector<16xi32>
    %masked_cummax3A_626 = arith.xori %masked_cummax3A_625, %masked_cummax3A_623 : vector<16xi32>
    %max3A_627 = vector.broadcast %reduce_max3A_617 : i32 to vector<16xi32>
    %max3A_628 = arith.maxsi %masked_cummax3A_626, %max3A_627 : vector<16xi32>
    %swap3A_629 = arith.constant 320 : index
    %swap3A_630 = tpu.vector_load %arg9[%swap3A_629] {strides = array<i32>} : memref<1056xi32, #tpu.memory_space<vmem>>, vector<16xi32>,
    tpu.vector_store %arg9[%swap3A_629], %max3A_628 {strides = array<i32>} : memref<1056xi32, #tpu.memory_space<vmem>>, vector<16xi32>,
    %reduce_max3A_631 = arith.constant true
    %reduce_max3A_632 = vector.broadcast %reduce_max3A_631 : i1 to vector<16xi1>
    %reduce_max3A_633 = arith.constant -2147483648 : i32
    %reduce_max3A_634 = vector.broadcast %reduce_max3A_633 : i32 to vector<16xi32>
    %reduce_max3A_635 = arith.xori %max3A_628, %reduce_max3A_634 : vector<16xi32>
    %reduce_max3A_636 = tpu.scan <max>, %reduce_max3A_635 masked %reduce_max3A_632 : vector<16xi32>, vector<16xi1> -> vector<16xi32>
    %reduce_max3A_637 = arith.xori %reduce_max3A_636, %reduce_max3A_634 : vector<16xi32>
    %reduce_max3A_638 = vector.extract %reduce_max3A_637[15] : i32 from vector<16xi32>
    %get3A_639 = arith.constant 336 : index
    %get3A_640 = tpu.vector_load %arg8[%get3A_639] {strides = array<i32>} : memref<1056xi32, #tpu.memory_space<vmem>>, vector<16xi32>,
    %broadcast_in_dim3A_641 = arith.constant true
    %broadcast_in_dim3A_642 = vector.broadcast %broadcast_in_dim3A_641 : i1 to vector<16xi1>
    %masked_cummax3A_643 = arith.constant -2147483648 : i32
    %masked_cummax3A_644 = vector.broadcast %masked_cummax3A_643 : i32 to vector<16xi32>
    %masked_cummax3A_645 = arith.xori %get3A_640, %masked_cummax3A_644 : vector<16xi32>
    %masked_cummax3A_646 = tpu.scan <max>, %masked_cummax3A_645 masked %broadcast_in_dim3A_642 : vector<16xi32>, vector<16xi1> -> vector<16xi32>
    %masked_cummax3A_647 = arith.xori %masked_cummax3A_646, %masked_cummax3A_644 : vector<16xi32>
    %max3A_648 = vector.broadcast %reduce_max3A_638 : i32 to vector<16xi32>
    %max3A_649 = arith.maxsi %masked_cummax3A_647, %max3A_648 : vector<16xi32>
    %swap3A_650 = arith.constant 336 : index
    %swap3A_651 = tpu.vector_load %arg9[%swap3A_650] {strides = array<i32>} : memref<1056xi32, #tpu.memory_space<vmem>>, vector<16xi32>,
    tpu.vector_store %arg9[%swap3A_650], %max3A_649 {strides = array<i32>} : memref<1056xi32, #tpu.memory_space<vmem>>, vector<16xi32>,
    %reduce_max3A_652 = arith.constant true
    %reduce_max3A_653 = vector.broadcast %reduce_max3A_652 : i1 to vector<16xi1>
    %reduce_max3A_654 = arith.constant -2147483648 : i32
    %reduce_max3A_655 = vector.broadcast %reduce_max3A_654 : i32 to vector<16xi32>
    %reduce_max3A_656 = arith.xori %max3A_649, %reduce_max3A_655 : vector<16xi32>
    %reduce_max3A_657 = tpu.scan <max>, %reduce_max3A_656 masked %reduce_max3A_653 : vector<16xi32>, vector<16xi1> -> vector<16xi32>
    %reduce_max3A_658 = arith.xori %reduce_max3A_657, %reduce_max3A_655 : vector<16xi32>
    %reduce_max3A_659 = vector.extract %reduce_max3A_658[15] : i32 from vector<16xi32>
    %get3A_660 = arith.constant 352 : index
    %get3A_661 = tpu.vector_load %arg8[%get3A_660] {strides = array<i32>} : memref<1056xi32, #tpu.memory_space<vmem>>, vector<16xi32>,
    %broadcast_in_dim3A_662 = arith.constant true
    %broadcast_in_dim3A_663 = vector.broadcast %broadcast_in_dim3A_662 : i1 to vector<16xi1>
    %masked_cummax3A_664 = arith.constant -2147483648 : i32
    %masked_cummax3A_665 = vector.broadcast %masked_cummax3A_664 : i32 to vector<16xi32>
    %masked_cummax3A_666 = arith.xori %get3A_661, %masked_cummax3A_665 : vector<16xi32>
    %masked_cummax3A_667 = tpu.scan <max>, %masked_cummax3A_666 masked %broadcast_in_dim3A_663 : vector<16xi32>, vector<16xi1> -> vector<16xi32>
    %masked_cummax3A_668 = arith.xori %masked_cummax3A_667, %masked_cummax3A_665 : vector<16xi32>
    %max3A_669 = vector.broadcast %reduce_max3A_659 : i32 to vector<16xi32>
    %max3A_670 = arith.maxsi %masked_cummax3A_668, %max3A_669 : vector<16xi32>
    %swap3A_671 = arith.constant 352 : index
    %swap3A_672 = tpu.vector_load %arg9[%swap3A_671] {strides = array<i32>} : memref<1056xi32, #tpu.memory_space<vmem>>, vector<16xi32>,
    tpu.vector_store %arg9[%swap3A_671], %max3A_670 {strides = array<i32>} : memref<1056xi32, #tpu.memory_space<vmem>>, vector<16xi32>,
    %reduce_max3A_673 = arith.constant true
    %reduce_max3A_674 = vector.broadcast %reduce_max3A_673 : i1 to vector<16xi1>
    %reduce_max3A_675 = arith.constant -2147483648 : i32
    %reduce_max3A_676 = vector.broadcast %reduce_max3A_675 : i32 to vector<16xi32>
    %reduce_max3A_677 = arith.xori %max3A_670, %reduce_max3A_676 : vector<16xi32>
    %reduce_max3A_678 = tpu.scan <max>, %reduce_max3A_677 masked %reduce_max3A_674 : vector<16xi32>, vector<16xi1> -> vector<16xi32>
    %reduce_max3A_679 = arith.xori %reduce_max3A_678, %reduce_max3A_676 : vector<16xi32>
    %reduce_max3A_680 = vector.extract %reduce_max3A_679[15] : i32 from vector<16xi32>
    %get3A_681 = arith.constant 368 : index
    %get3A_682 = tpu.vector_load %arg8[%get3A_681] {strides = array<i32>} : memref<1056xi32, #tpu.memory_space<vmem>>, vector<16xi32>,
    %broadcast_in_dim3A_683 = arith.constant true
    %broadcast_in_dim3A_684 = vector.broadcast %broadcast_in_dim3A_683 : i1 to vector<16xi1>
    %masked_cummax3A_685 = arith.constant -2147483648 : i32
    %masked_cummax3A_686 = vector.broadcast %masked_cummax3A_685 : i32 to vector<16xi32>
    %masked_cummax3A_687 = arith.xori %get3A_682, %masked_cummax3A_686 : vector<16xi32>
    %masked_cummax3A_688 = tpu.scan <max>, %masked_cummax3A_687 masked %broadcast_in_dim3A_684 : vector<16xi32>, vector<16xi1> -> vector<16xi32>
    %masked_cummax3A_689 = arith.xori %masked_cummax3A_688, %masked_cummax3A_686 : vector<16xi32>
    %max3A_690 = vector.broadcast %reduce_max3A_680 : i32 to vector<16xi32>
    %max3A_691 = arith.maxsi %masked_cummax3A_689, %max3A_690 : vector<16xi32>
    %swap3A_692 = arith.constant 368 : index
    %swap3A_693 = tpu.vector_load %arg9[%swap3A_692] {strides = array<i32>} : memref<1056xi32, #tpu.memory_space<vmem>>, vector<16xi32>,
    tpu.vector_store %arg9[%swap3A_692], %max3A_691 {strides = array<i32>} : memref<1056xi32, #tpu.memory_space<vmem>>, vector<16xi32>,
    %reduce_max3A_694 = arith.constant true
    %reduce_max3A_695 = vector.broadcast %reduce_max3A_694 : i1 to vector<16xi1>
    %reduce_max3A_696 = arith.constant -2147483648 : i32
    %reduce_max3A_697 = vector.broadcast %reduce_max3A_696 : i32 to vector<16xi32>
    %reduce_max3A_698 = arith.xori %max3A_691, %reduce_max3A_697 : vector<16xi32>
    %reduce_max3A_699 = tpu.scan <max>, %reduce_max3A_698 masked %reduce_max3A_695 : vector<16xi32>, vector<16xi1> -> vector<16xi32>
    %reduce_max3A_700 = arith.xori %reduce_max3A_699, %reduce_max3A_697 : vector<16xi32>
    %reduce_max3A_701 = vector.extract %reduce_max3A_700[15] : i32 from vector<16xi32>
    %get3A_702 = arith.constant 384 : index
    %get3A_703 = tpu.vector_load %arg8[%get3A_702] {strides = array<i32>} : memref<1056xi32, #tpu.memory_space<vmem>>, vector<16xi32>,
    %broadcast_in_dim3A_704 = arith.constant true
    %broadcast_in_dim3A_705 = vector.broadcast %broadcast_in_dim3A_704 : i1 to vector<16xi1>
    %masked_cummax3A_706 = arith.constant -2147483648 : i32
    %masked_cummax3A_707 = vector.broadcast %masked_cummax3A_706 : i32 to vector<16xi32>
    %masked_cummax3A_708 = arith.xori %get3A_703, %masked_cummax3A_707 : vector<16xi32>
    %masked_cummax3A_709 = tpu.scan <max>, %masked_cummax3A_708 masked %broadcast_in_dim3A_705 : vector<16xi32>, vector<16xi1> -> vector<16xi32>
    %masked_cummax3A_710 = arith.xori %masked_cummax3A_709, %masked_cummax3A_707 : vector<16xi32>
    %max3A_711 = vector.broadcast %reduce_max3A_701 : i32 to vector<16xi32>
    %max3A_712 = arith.maxsi %masked_cummax3A_710, %max3A_711 : vector<16xi32>
    %swap3A_713 = arith.constant 384 : index
    %swap3A_714 = tpu.vector_load %arg9[%swap3A_713] {strides = array<i32>} : memref<1056xi32, #tpu.memory_space<vmem>>, vector<16xi32>,
    tpu.vector_store %arg9[%swap3A_713], %max3A_712 {strides = array<i32>} : memref<1056xi32, #tpu.memory_space<vmem>>, vector<16xi32>,
    %reduce_max3A_715 = arith.constant true
    %reduce_max3A_716 = vector.broadcast %reduce_max3A_715 : i1 to vector<16xi1>
    %reduce_max3A_717 = arith.constant -2147483648 : i32
    %reduce_max3A_718 = vector.broadcast %reduce_max3A_717 : i32 to vector<16xi32>
    %reduce_max3A_719 = arith.xori %max3A_712, %reduce_max3A_718 : vector<16xi32>
    %reduce_max3A_720 = tpu.scan <max>, %reduce_max3A_719 masked %reduce_max3A_716 : vector<16xi32>, vector<16xi1> -> vector<16xi32>
    %reduce_max3A_721 = arith.xori %reduce_max3A_720, %reduce_max3A_718 : vector<16xi32>
    %reduce_max3A_722 = vector.extract %reduce_max3A_721[15] : i32 from vector<16xi32>
    %get3A_723 = arith.constant 400 : index
    %get3A_724 = tpu.vector_load %arg8[%get3A_723] {strides = array<i32>} : memref<1056xi32, #tpu.memory_space<vmem>>, vector<16xi32>,
    %broadcast_in_dim3A_725 = arith.constant true
    %broadcast_in_dim3A_726 = vector.broadcast %broadcast_in_dim3A_725 : i1 to vector<16xi1>
    %masked_cummax3A_727 = arith.constant -2147483648 : i32
    %masked_cummax3A_728 = vector.broadcast %masked_cummax3A_727 : i32 to vector<16xi32>
    %masked_cummax3A_729 = arith.xori %get3A_724, %masked_cummax3A_728 : vector<16xi32>
    %masked_cummax3A_730 = tpu.scan <max>, %masked_cummax3A_729 masked %broadcast_in_dim3A_726 : vector<16xi32>, vector<16xi1> -> vector<16xi32>
    %masked_cummax3A_731 = arith.xori %masked_cummax3A_730, %masked_cummax3A_728 : vector<16xi32>
    %max3A_732 = vector.broadcast %reduce_max3A_722 : i32 to vector<16xi32>
    %max3A_733 = arith.maxsi %masked_cummax3A_731, %max3A_732 : vector<16xi32>
    %swap3A_734 = arith.constant 400 : index
    %swap3A_735 = tpu.vector_load %arg9[%swap3A_734] {strides = array<i32>} : memref<1056xi32, #tpu.memory_space<vmem>>, vector<16xi32>,
    tpu.vector_store %arg9[%swap3A_734], %max3A_733 {strides = array<i32>} : memref<1056xi32, #tpu.memory_space<vmem>>, vector<16xi32>,
    %reduce_max3A_736 = arith.constant true
    %reduce_max3A_737 = vector.broadcast %reduce_max3A_736 : i1 to vector<16xi1>
    %reduce_max3A_738 = arith.constant -2147483648 : i32
    %reduce_max3A_739 = vector.broadcast %reduce_max3A_738 : i32 to vector<16xi32>
    %reduce_max3A_740 = arith.xori %max3A_733, %reduce_max3A_739 : vector<16xi32>
    %reduce_max3A_741 = tpu.scan <max>, %reduce_max3A_740 masked %reduce_max3A_737 : vector<16xi32>, vector<16xi1> -> vector<16xi32>
    %reduce_max3A_742 = arith.xori %reduce_max3A_741, %reduce_max3A_739 : vector<16xi32>
    %reduce_max3A_743 = vector.extract %reduce_max3A_742[15] : i32 from vector<16xi32>
    %get3A_744 = arith.constant 416 : index
    %get3A_745 = tpu.vector_load %arg8[%get3A_744] {strides = array<i32>} : memref<1056xi32, #tpu.memory_space<vmem>>, vector<16xi32>,
    %broadcast_in_dim3A_746 = arith.constant true
    %broadcast_in_dim3A_747 = vector.broadcast %broadcast_in_dim3A_746 : i1 to vector<16xi1>
    %masked_cummax3A_748 = arith.constant -2147483648 : i32
    %masked_cummax3A_749 = vector.broadcast %masked_cummax3A_748 : i32 to vector<16xi32>
    %masked_cummax3A_750 = arith.xori %get3A_745, %masked_cummax3A_749 : vector<16xi32>
    %masked_cummax3A_751 = tpu.scan <max>, %masked_cummax3A_750 masked %broadcast_in_dim3A_747 : vector<16xi32>, vector<16xi1> -> vector<16xi32>
    %masked_cummax3A_752 = arith.xori %masked_cummax3A_751, %masked_cummax3A_749 : vector<16xi32>
    %max3A_753 = vector.broadcast %reduce_max3A_743 : i32 to vector<16xi32>
    %max3A_754 = arith.maxsi %masked_cummax3A_752, %max3A_753 : vector<16xi32>
    %swap3A_755 = arith.constant 416 : index
    %swap3A_756 = tpu.vector_load %arg9[%swap3A_755] {strides = array<i32>} : memref<1056xi32, #tpu.memory_space<vmem>>, vector<16xi32>,
    tpu.vector_store %arg9[%swap3A_755], %max3A_754 {strides = array<i32>} : memref<1056xi32, #tpu.memory_space<vmem>>, vector<16xi32>,
    %reduce_max3A_757 = arith.constant true
    %reduce_max3A_758 = vector.broadcast %reduce_max3A_757 : i1 to vector<16xi1>
    %reduce_max3A_759 = arith.constant -2147483648 : i32
    %reduce_max3A_760 = vector.broadcast %reduce_max3A_759 : i32 to vector<16xi32>
    %reduce_max3A_761 = arith.xori %max3A_754, %reduce_max3A_760 : vector<16xi32>
    %reduce_max3A_762 = tpu.scan <max>, %reduce_max3A_761 masked %reduce_max3A_758 : vector<16xi32>, vector<16xi1> -> vector<16xi32>
    %reduce_max3A_763 = arith.xori %reduce_max3A_762, %reduce_max3A_760 : vector<16xi32>
    %reduce_max3A_764 = vector.extract %reduce_max3A_763[15] : i32 from vector<16xi32>
    %get3A_765 = arith.constant 432 : index
    %get3A_766 = tpu.vector_load %arg8[%get3A_765] {strides = array<i32>} : memref<1056xi32, #tpu.memory_space<vmem>>, vector<16xi32>,
    %broadcast_in_dim3A_767 = arith.constant true
    %broadcast_in_dim3A_768 = vector.broadcast %broadcast_in_dim3A_767 : i1 to vector<16xi1>
    %masked_cummax3A_769 = arith.constant -2147483648 : i32
    %masked_cummax3A_770 = vector.broadcast %masked_cummax3A_769 : i32 to vector<16xi32>
    %masked_cummax3A_771 = arith.xori %get3A_766, %masked_cummax3A_770 : vector<16xi32>
    %masked_cummax3A_772 = tpu.scan <max>, %masked_cummax3A_771 masked %broadcast_in_dim3A_768 : vector<16xi32>, vector<16xi1> -> vector<16xi32>
    %masked_cummax3A_773 = arith.xori %masked_cummax3A_772, %masked_cummax3A_770 : vector<16xi32>
    %max3A_774 = vector.broadcast %reduce_max3A_764 : i32 to vector<16xi32>
    %max3A_775 = arith.maxsi %masked_cummax3A_773, %max3A_774 : vector<16xi32>
    %swap3A_776 = arith.constant 432 : index
    %swap3A_777 = tpu.vector_load %arg9[%swap3A_776] {strides = array<i32>} : memref<1056xi32, #tpu.memory_space<vmem>>, vector<16xi32>,
    tpu.vector_store %arg9[%swap3A_776], %max3A_775 {strides = array<i32>} : memref<1056xi32, #tpu.memory_space<vmem>>, vector<16xi32>,
    %reduce_max3A_778 = arith.constant true
    %reduce_max3A_779 = vector.broadcast %reduce_max3A_778 : i1 to vector<16xi1>
    %reduce_max3A_780 = arith.constant -2147483648 : i32
    %reduce_max3A_781 = vector.broadcast %reduce_max3A_780 : i32 to vector<16xi32>
    %reduce_max3A_782 = arith.xori %max3A_775, %reduce_max3A_781 : vector<16xi32>
    %reduce_max3A_783 = tpu.scan <max>, %reduce_max3A_782 masked %reduce_max3A_779 : vector<16xi32>, vector<16xi1> -> vector<16xi32>
    %reduce_max3A_784 = arith.xori %reduce_max3A_783, %reduce_max3A_781 : vector<16xi32>
    %reduce_max3A_785 = vector.extract %reduce_max3A_784[15] : i32 from vector<16xi32>
    %get3A_786 = arith.constant 448 : index
    %get3A_787 = tpu.vector_load %arg8[%get3A_786] {strides = array<i32>} : memref<1056xi32, #tpu.memory_space<vmem>>, vector<16xi32>,
    %broadcast_in_dim3A_788 = arith.constant true
    %broadcast_in_dim3A_789 = vector.broadcast %broadcast_in_dim3A_788 : i1 to vector<16xi1>
    %masked_cummax3A_790 = arith.constant -2147483648 : i32
    %masked_cummax3A_791 = vector.broadcast %masked_cummax3A_790 : i32 to vector<16xi32>
    %masked_cummax3A_792 = arith.xori %get3A_787, %masked_cummax3A_791 : vector<16xi32>
    %masked_cummax3A_793 = tpu.scan <max>, %masked_cummax3A_792 masked %broadcast_in_dim3A_789 : vector<16xi32>, vector<16xi1> -> vector<16xi32>
    %masked_cummax3A_794 = arith.xori %masked_cummax3A_793, %masked_cummax3A_791 : vector<16xi32>
    %max3A_795 = vector.broadcast %reduce_max3A_785 : i32 to vector<16xi32>
    %max3A_796 = arith.maxsi %masked_cummax3A_794, %max3A_795 : vector<16xi32>
    %swap3A_797 = arith.constant 448 : index
    %swap3A_798 = tpu.vector_load %arg9[%swap3A_797] {strides = array<i32>} : memref<1056xi32, #tpu.memory_space<vmem>>, vector<16xi32>,
    tpu.vector_store %arg9[%swap3A_797], %max3A_796 {strides = array<i32>} : memref<1056xi32, #tpu.memory_space<vmem>>, vector<16xi32>,
    %reduce_max3A_799 = arith.constant true
    %reduce_max3A_800 = vector.broadcast %reduce_max3A_799 : i1 to vector<16xi1>
    %reduce_max3A_801 = arith.constant -2147483648 : i32
    %reduce_max3A_802 = vector.broadcast %reduce_max3A_801 : i32 to vector<16xi32>
    %reduce_max3A_803 = arith.xori %max3A_796, %reduce_max3A_802 : vector<16xi32>
    %reduce_max3A_804 = tpu.scan <max>, %reduce_max3A_803 masked %reduce_max3A_800 : vector<16xi32>, vector<16xi1> -> vector<16xi32>
    %reduce_max3A_805 = arith.xori %reduce_max3A_804, %reduce_max3A_802 : vector<16xi32>
    %reduce_max3A_806 = vector.extract %reduce_max3A_805[15] : i32 from vector<16xi32>
    %get3A_807 = arith.constant 464 : index
    %get3A_808 = tpu.vector_load %arg8[%get3A_807] {strides = array<i32>} : memref<1056xi32, #tpu.memory_space<vmem>>, vector<16xi32>,
    %broadcast_in_dim3A_809 = arith.constant true
    %broadcast_in_dim3A_810 = vector.broadcast %broadcast_in_dim3A_809 : i1 to vector<16xi1>
    %masked_cummax3A_811 = arith.constant -2147483648 : i32
    %masked_cummax3A_812 = vector.broadcast %masked_cummax3A_811 : i32 to vector<16xi32>
    %masked_cummax3A_813 = arith.xori %get3A_808, %masked_cummax3A_812 : vector<16xi32>
    %masked_cummax3A_814 = tpu.scan <max>, %masked_cummax3A_813 masked %broadcast_in_dim3A_810 : vector<16xi32>, vector<16xi1> -> vector<16xi32>
    %masked_cummax3A_815 = arith.xori %masked_cummax3A_814, %masked_cummax3A_812 : vector<16xi32>
    %max3A_816 = vector.broadcast %reduce_max3A_806 : i32 to vector<16xi32>
    %max3A_817 = arith.maxsi %masked_cummax3A_815, %max3A_816 : vector<16xi32>
    %swap3A_818 = arith.constant 464 : index
    %swap3A_819 = tpu.vector_load %arg9[%swap3A_818] {strides = array<i32>} : memref<1056xi32, #tpu.memory_space<vmem>>, vector<16xi32>,
    tpu.vector_store %arg9[%swap3A_818], %max3A_817 {strides = array<i32>} : memref<1056xi32, #tpu.memory_space<vmem>>, vector<16xi32>,
    %reduce_max3A_820 = arith.constant true
    %reduce_max3A_821 = vector.broadcast %reduce_max3A_820 : i1 to vector<16xi1>
    %reduce_max3A_822 = arith.constant -2147483648 : i32
    %reduce_max3A_823 = vector.broadcast %reduce_max3A_822 : i32 to vector<16xi32>
    %reduce_max3A_824 = arith.xori %max3A_817, %reduce_max3A_823 : vector<16xi32>
    %reduce_max3A_825 = tpu.scan <max>, %reduce_max3A_824 masked %reduce_max3A_821 : vector<16xi32>, vector<16xi1> -> vector<16xi32>
    %reduce_max3A_826 = arith.xori %reduce_max3A_825, %reduce_max3A_823 : vector<16xi32>
    %reduce_max3A_827 = vector.extract %reduce_max3A_826[15] : i32 from vector<16xi32>
    %get3A_828 = arith.constant 480 : index
    %get3A_829 = tpu.vector_load %arg8[%get3A_828] {strides = array<i32>} : memref<1056xi32, #tpu.memory_space<vmem>>, vector<16xi32>,
    %broadcast_in_dim3A_830 = arith.constant true
    %broadcast_in_dim3A_831 = vector.broadcast %broadcast_in_dim3A_830 : i1 to vector<16xi1>
    %masked_cummax3A_832 = arith.constant -2147483648 : i32
    %masked_cummax3A_833 = vector.broadcast %masked_cummax3A_832 : i32 to vector<16xi32>
    %masked_cummax3A_834 = arith.xori %get3A_829, %masked_cummax3A_833 : vector<16xi32>
    %masked_cummax3A_835 = tpu.scan <max>, %masked_cummax3A_834 masked %broadcast_in_dim3A_831 : vector<16xi32>, vector<16xi1> -> vector<16xi32>
    %masked_cummax3A_836 = arith.xori %masked_cummax3A_835, %masked_cummax3A_833 : vector<16xi32>
    %max3A_837 = vector.broadcast %reduce_max3A_827 : i32 to vector<16xi32>
    %max3A_838 = arith.maxsi %masked_cummax3A_836, %max3A_837 : vector<16xi32>
    %swap3A_839 = arith.constant 480 : index
    %swap3A_840 = tpu.vector_load %arg9[%swap3A_839] {strides = array<i32>} : memref<1056xi32, #tpu.memory_space<vmem>>, vector<16xi32>,
    tpu.vector_store %arg9[%swap3A_839], %max3A_838 {strides = array<i32>} : memref<1056xi32, #tpu.memory_space<vmem>>, vector<16xi32>,
    %reduce_max3A_841 = arith.constant true
    %reduce_max3A_842 = vector.broadcast %reduce_max3A_841 : i1 to vector<16xi1>
    %reduce_max3A_843 = arith.constant -2147483648 : i32
    %reduce_max3A_844 = vector.broadcast %reduce_max3A_843 : i32 to vector<16xi32>
    %reduce_max3A_845 = arith.xori %max3A_838, %reduce_max3A_844 : vector<16xi32>
    %reduce_max3A_846 = tpu.scan <max>, %reduce_max3A_845 masked %reduce_max3A_842 : vector<16xi32>, vector<16xi1> -> vector<16xi32>
    %reduce_max3A_847 = arith.xori %reduce_max3A_846, %reduce_max3A_844 : vector<16xi32>
    %reduce_max3A_848 = vector.extract %reduce_max3A_847[15] : i32 from vector<16xi32>
    %get3A_849 = arith.constant 496 : index
    %get3A_850 = tpu.vector_load %arg8[%get3A_849] {strides = array<i32>} : memref<1056xi32, #tpu.memory_space<vmem>>, vector<16xi32>,
    %broadcast_in_dim3A_851 = arith.constant true
    %broadcast_in_dim3A_852 = vector.broadcast %broadcast_in_dim3A_851 : i1 to vector<16xi1>
    %masked_cummax3A_853 = arith.constant -2147483648 : i32
    %masked_cummax3A_854 = vector.broadcast %masked_cummax3A_853 : i32 to vector<16xi32>
    %masked_cummax3A_855 = arith.xori %get3A_850, %masked_cummax3A_854 : vector<16xi32>
    %masked_cummax3A_856 = tpu.scan <max>, %masked_cummax3A_855 masked %broadcast_in_dim3A_852 : vector<16xi32>, vector<16xi1> -> vector<16xi32>
    %masked_cummax3A_857 = arith.xori %masked_cummax3A_856, %masked_cummax3A_854 : vector<16xi32>
    %max3A_858 = vector.broadcast %reduce_max3A_848 : i32 to vector<16xi32>
    %max3A_859 = arith.maxsi %masked_cummax3A_857, %max3A_858 : vector<16xi32>
    %swap3A_860 = arith.constant 496 : index
    %swap3A_861 = tpu.vector_load %arg9[%swap3A_860] {strides = array<i32>} : memref<1056xi32, #tpu.memory_space<vmem>>, vector<16xi32>,
    tpu.vector_store %arg9[%swap3A_860], %max3A_859 {strides = array<i32>} : memref<1056xi32, #tpu.memory_space<vmem>>, vector<16xi32>,
    %reduce_max3A_862 = arith.constant true
    %reduce_max3A_863 = vector.broadcast %reduce_max3A_862 : i1 to vector<16xi1>
    %reduce_max3A_864 = arith.constant -2147483648 : i32
    %reduce_max3A_865 = vector.broadcast %reduce_max3A_864 : i32 to vector<16xi32>
    %reduce_max3A_866 = arith.xori %max3A_859, %reduce_max3A_865 : vector<16xi32>
    %reduce_max3A_867 = tpu.scan <max>, %reduce_max3A_866 masked %reduce_max3A_863 : vector<16xi32>, vector<16xi1> -> vector<16xi32>
    %reduce_max3A_868 = arith.xori %reduce_max3A_867, %reduce_max3A_865 : vector<16xi32>
    %reduce_max3A_869 = vector.extract %reduce_max3A_868[15] : i32 from vector<16xi32>
    %get3A_870 = arith.constant 512 : index
    %get3A_871 = tpu.vector_load %arg8[%get3A_870] {strides = array<i32>} : memref<1056xi32, #tpu.memory_space<vmem>>, vector<16xi32>,
    %broadcast_in_dim3A_872 = arith.constant true
    %broadcast_in_dim3A_873 = vector.broadcast %broadcast_in_dim3A_872 : i1 to vector<16xi1>
    %masked_cummax3A_874 = arith.constant -2147483648 : i32
    %masked_cummax3A_875 = vector.broadcast %masked_cummax3A_874 : i32 to vector<16xi32>
    %masked_cummax3A_876 = arith.xori %get3A_871, %masked_cummax3A_875 : vector<16xi32>
    %masked_cummax3A_877 = tpu.scan <max>, %masked_cummax3A_876 masked %broadcast_in_dim3A_873 : vector<16xi32>, vector<16xi1> -> vector<16xi32>
    %masked_cummax3A_878 = arith.xori %masked_cummax3A_877, %masked_cummax3A_875 : vector<16xi32>
    %max3A_879 = vector.broadcast %reduce_max3A_869 : i32 to vector<16xi32>
    %max3A_880 = arith.maxsi %masked_cummax3A_878, %max3A_879 : vector<16xi32>
    %swap3A_881 = arith.constant 512 : index
    %swap3A_882 = tpu.vector_load %arg9[%swap3A_881] {strides = array<i32>} : memref<1056xi32, #tpu.memory_space<vmem>>, vector<16xi32>,
    tpu.vector_store %arg9[%swap3A_881], %max3A_880 {strides = array<i32>} : memref<1056xi32, #tpu.memory_space<vmem>>, vector<16xi32>,
    %reduce_max3A_883 = arith.constant true
    %reduce_max3A_884 = vector.broadcast %reduce_max3A_883 : i1 to vector<16xi1>
    %reduce_max3A_885 = arith.constant -2147483648 : i32
    %reduce_max3A_886 = vector.broadcast %reduce_max3A_885 : i32 to vector<16xi32>
    %reduce_max3A_887 = arith.xori %max3A_880, %reduce_max3A_886 : vector<16xi32>
    %reduce_max3A_888 = tpu.scan <max>, %reduce_max3A_887 masked %reduce_max3A_884 : vector<16xi32>, vector<16xi1> -> vector<16xi32>
    %reduce_max3A_889 = arith.xori %reduce_max3A_888, %reduce_max3A_886 : vector<16xi32>
    %reduce_max3A_890 = vector.extract %reduce_max3A_889[15] : i32 from vector<16xi32>
    %get3A_891 = arith.constant 528 : index
    %get3A_892 = tpu.vector_load %arg8[%get3A_891] {strides = array<i32>} : memref<1056xi32, #tpu.memory_space<vmem>>, vector<16xi32>,
    %broadcast_in_dim3A_893 = arith.constant true
    %broadcast_in_dim3A_894 = vector.broadcast %broadcast_in_dim3A_893 : i1 to vector<16xi1>
    %masked_cummax3A_895 = arith.constant -2147483648 : i32
    %masked_cummax3A_896 = vector.broadcast %masked_cummax3A_895 : i32 to vector<16xi32>
    %masked_cummax3A_897 = arith.xori %get3A_892, %masked_cummax3A_896 : vector<16xi32>
    %masked_cummax3A_898 = tpu.scan <max>, %masked_cummax3A_897 masked %broadcast_in_dim3A_894 : vector<16xi32>, vector<16xi1> -> vector<16xi32>
    %masked_cummax3A_899 = arith.xori %masked_cummax3A_898, %masked_cummax3A_896 : vector<16xi32>
    %max3A_900 = vector.broadcast %reduce_max3A_890 : i32 to vector<16xi32>
    %max3A_901 = arith.maxsi %masked_cummax3A_899, %max3A_900 : vector<16xi32>
    %swap3A_902 = arith.constant 528 : index
    %swap3A_903 = tpu.vector_load %arg9[%swap3A_902] {strides = array<i32>} : memref<1056xi32, #tpu.memory_space<vmem>>, vector<16xi32>,
    tpu.vector_store %arg9[%swap3A_902], %max3A_901 {strides = array<i32>} : memref<1056xi32, #tpu.memory_space<vmem>>, vector<16xi32>,
    %reduce_max3A_904 = arith.constant true
    %reduce_max3A_905 = vector.broadcast %reduce_max3A_904 : i1 to vector<16xi1>
    %reduce_max3A_906 = arith.constant -2147483648 : i32
    %reduce_max3A_907 = vector.broadcast %reduce_max3A_906 : i32 to vector<16xi32>
    %reduce_max3A_908 = arith.xori %max3A_901, %reduce_max3A_907 : vector<16xi32>
    %reduce_max3A_909 = tpu.scan <max>, %reduce_max3A_908 masked %reduce_max3A_905 : vector<16xi32>, vector<16xi1> -> vector<16xi32>
    %reduce_max3A_910 = arith.xori %reduce_max3A_909, %reduce_max3A_907 : vector<16xi32>
    %reduce_max3A_911 = vector.extract %reduce_max3A_910[15] : i32 from vector<16xi32>
    %get3A_912 = arith.constant 544 : index
    %get3A_913 = tpu.vector_load %arg8[%get3A_912] {strides = array<i32>} : memref<1056xi32, #tpu.memory_space<vmem>>, vector<16xi32>,
    %broadcast_in_dim3A_914 = arith.constant true
    %broadcast_in_dim3A_915 = vector.broadcast %broadcast_in_dim3A_914 : i1 to vector<16xi1>
    %masked_cummax3A_916 = arith.constant -2147483648 : i32
    %masked_cummax3A_917 = vector.broadcast %masked_cummax3A_916 : i32 to vector<16xi32>
    %masked_cummax3A_918 = arith.xori %get3A_913, %masked_cummax3A_917 : vector<16xi32>
    %masked_cummax3A_919 = tpu.scan <max>, %masked_cummax3A_918 masked %broadcast_in_dim3A_915 : vector<16xi32>, vector<16xi1> -> vector<16xi32>
    %masked_cummax3A_920 = arith.xori %masked_cummax3A_919, %masked_cummax3A_917 : vector<16xi32>
    %max3A_921 = vector.broadcast %reduce_max3A_911 : i32 to vector<16xi32>
    %max3A_922 = arith.maxsi %masked_cummax3A_920, %max3A_921 : vector<16xi32>
    %swap3A_923 = arith.constant 544 : index
    %swap3A_924 = tpu.vector_load %arg9[%swap3A_923] {strides = array<i32>} : memref<1056xi32, #tpu.memory_space<vmem>>, vector<16xi32>,
    tpu.vector_store %arg9[%swap3A_923], %max3A_922 {strides = array<i32>} : memref<1056xi32, #tpu.memory_space<vmem>>, vector<16xi32>,
    %reduce_max3A_925 = arith.constant true
    %reduce_max3A_926 = vector.broadcast %reduce_max3A_925 : i1 to vector<16xi1>
    %reduce_max3A_927 = arith.constant -2147483648 : i32
    %reduce_max3A_928 = vector.broadcast %reduce_max3A_927 : i32 to vector<16xi32>
    %reduce_max3A_929 = arith.xori %max3A_922, %reduce_max3A_928 : vector<16xi32>
    %reduce_max3A_930 = tpu.scan <max>, %reduce_max3A_929 masked %reduce_max3A_926 : vector<16xi32>, vector<16xi1> -> vector<16xi32>
    %reduce_max3A_931 = arith.xori %reduce_max3A_930, %reduce_max3A_928 : vector<16xi32>
    %reduce_max3A_932 = vector.extract %reduce_max3A_931[15] : i32 from vector<16xi32>
    %get3A_933 = arith.constant 560 : index
    %get3A_934 = tpu.vector_load %arg8[%get3A_933] {strides = array<i32>} : memref<1056xi32, #tpu.memory_space<vmem>>, vector<16xi32>,
    %broadcast_in_dim3A_935 = arith.constant true
    %broadcast_in_dim3A_936 = vector.broadcast %broadcast_in_dim3A_935 : i1 to vector<16xi1>
    %masked_cummax3A_937 = arith.constant -2147483648 : i32
    %masked_cummax3A_938 = vector.broadcast %masked_cummax3A_937 : i32 to vector<16xi32>
    %masked_cummax3A_939 = arith.xori %get3A_934, %masked_cummax3A_938 : vector<16xi32>
    %masked_cummax3A_940 = tpu.scan <max>, %masked_cummax3A_939 masked %broadcast_in_dim3A_936 : vector<16xi32>, vector<16xi1> -> vector<16xi32>
    %masked_cummax3A_941 = arith.xori %masked_cummax3A_940, %masked_cummax3A_938 : vector<16xi32>
    %max3A_942 = vector.broadcast %reduce_max3A_932 : i32 to vector<16xi32>
    %max3A_943 = arith.maxsi %masked_cummax3A_941, %max3A_942 : vector<16xi32>
    %swap3A_944 = arith.constant 560 : index
    %swap3A_945 = tpu.vector_load %arg9[%swap3A_944] {strides = array<i32>} : memref<1056xi32, #tpu.memory_space<vmem>>, vector<16xi32>,
    tpu.vector_store %arg9[%swap3A_944], %max3A_943 {strides = array<i32>} : memref<1056xi32, #tpu.memory_space<vmem>>, vector<16xi32>,
    %reduce_max3A_946 = arith.constant true
    %reduce_max3A_947 = vector.broadcast %reduce_max3A_946 : i1 to vector<16xi1>
    %reduce_max3A_948 = arith.constant -2147483648 : i32
    %reduce_max3A_949 = vector.broadcast %reduce_max3A_948 : i32 to vector<16xi32>
    %reduce_max3A_950 = arith.xori %max3A_943, %reduce_max3A_949 : vector<16xi32>
    %reduce_max3A_951 = tpu.scan <max>, %reduce_max3A_950 masked %reduce_max3A_947 : vector<16xi32>, vector<16xi1> -> vector<16xi32>
    %reduce_max3A_952 = arith.xori %reduce_max3A_951, %reduce_max3A_949 : vector<16xi32>
    %reduce_max3A_953 = vector.extract %reduce_max3A_952[15] : i32 from vector<16xi32>
    %get3A_954 = arith.constant 576 : index
    %get3A_955 = tpu.vector_load %arg8[%get3A_954] {strides = array<i32>} : memref<1056xi32, #tpu.memory_space<vmem>>, vector<16xi32>,
    %broadcast_in_dim3A_956 = arith.constant true
    %broadcast_in_dim3A_957 = vector.broadcast %broadcast_in_dim3A_956 : i1 to vector<16xi1>
    %masked_cummax3A_958 = arith.constant -2147483648 : i32
    %masked_cummax3A_959 = vector.broadcast %masked_cummax3A_958 : i32 to vector<16xi32>
    %masked_cummax3A_960 = arith.xori %get3A_955, %masked_cummax3A_959 : vector<16xi32>
    %masked_cummax3A_961 = tpu.scan <max>, %masked_cummax3A_960 masked %broadcast_in_dim3A_957 : vector<16xi32>, vector<16xi1> -> vector<16xi32>
    %masked_cummax3A_962 = arith.xori %masked_cummax3A_961, %masked_cummax3A_959 : vector<16xi32>
    %max3A_963 = vector.broadcast %reduce_max3A_953 : i32 to vector<16xi32>
    %max3A_964 = arith.maxsi %masked_cummax3A_962, %max3A_963 : vector<16xi32>
    %swap3A_965 = arith.constant 576 : index
    %swap3A_966 = tpu.vector_load %arg9[%swap3A_965] {strides = array<i32>} : memref<1056xi32, #tpu.memory_space<vmem>>, vector<16xi32>,
    tpu.vector_store %arg9[%swap3A_965], %max3A_964 {strides = array<i32>} : memref<1056xi32, #tpu.memory_space<vmem>>, vector<16xi32>,
    %reduce_max3A_967 = arith.constant true
    %reduce_max3A_968 = vector.broadcast %reduce_max3A_967 : i1 to vector<16xi1>
    %reduce_max3A_969 = arith.constant -2147483648 : i32
    %reduce_max3A_970 = vector.broadcast %reduce_max3A_969 : i32 to vector<16xi32>
    %reduce_max3A_971 = arith.xori %max3A_964, %reduce_max3A_970 : vector<16xi32>
    %reduce_max3A_972 = tpu.scan <max>, %reduce_max3A_971 masked %reduce_max3A_968 : vector<16xi32>, vector<16xi1> -> vector<16xi32>
    %reduce_max3A_973 = arith.xori %reduce_max3A_972, %reduce_max3A_970 : vector<16xi32>
    %reduce_max3A_974 = vector.extract %reduce_max3A_973[15] : i32 from vector<16xi32>
    %get3A_975 = arith.constant 592 : index
    %get3A_976 = tpu.vector_load %arg8[%get3A_975] {strides = array<i32>} : memref<1056xi32, #tpu.memory_space<vmem>>, vector<16xi32>,
    %broadcast_in_dim3A_977 = arith.constant true
    %broadcast_in_dim3A_978 = vector.broadcast %broadcast_in_dim3A_977 : i1 to vector<16xi1>
    %masked_cummax3A_979 = arith.constant -2147483648 : i32
    %masked_cummax3A_980 = vector.broadcast %masked_cummax3A_979 : i32 to vector<16xi32>
    %masked_cummax3A_981 = arith.xori %get3A_976, %masked_cummax3A_980 : vector<16xi32>
    %masked_cummax3A_982 = tpu.scan <max>, %masked_cummax3A_981 masked %broadcast_in_dim3A_978 : vector<16xi32>, vector<16xi1> -> vector<16xi32>
    %masked_cummax3A_983 = arith.xori %masked_cummax3A_982, %masked_cummax3A_980 : vector<16xi32>
    %max3A_984 = vector.broadcast %reduce_max3A_974 : i32 to vector<16xi32>
    %max3A_985 = arith.maxsi %masked_cummax3A_983, %max3A_984 : vector<16xi32>
    %swap3A_986 = arith.constant 592 : index
    %swap3A_987 = tpu.vector_load %arg9[%swap3A_986] {strides = array<i32>} : memref<1056xi32, #tpu.memory_space<vmem>>, vector<16xi32>,
    tpu.vector_store %arg9[%swap3A_986], %max3A_985 {strides = array<i32>} : memref<1056xi32, #tpu.memory_space<vmem>>, vector<16xi32>,
    %reduce_max3A_988 = arith.constant true
    %reduce_max3A_989 = vector.broadcast %reduce_max3A_988 : i1 to vector<16xi1>
    %reduce_max3A_990 = arith.constant -2147483648 : i32
    %reduce_max3A_991 = vector.broadcast %reduce_max3A_990 : i32 to vector<16xi32>
    %reduce_max3A_992 = arith.xori %max3A_985, %reduce_max3A_991 : vector<16xi32>
    %reduce_max3A_993 = tpu.scan <max>, %reduce_max3A_992 masked %reduce_max3A_989 : vector<16xi32>, vector<16xi1> -> vector<16xi32>
    %reduce_max3A_994 = arith.xori %reduce_max3A_993, %reduce_max3A_991 : vector<16xi32>
    %reduce_max3A_995 = vector.extract %reduce_max3A_994[15] : i32 from vector<16xi32>
    %get3A_996 = arith.constant 608 : index
    %get3A_997 = tpu.vector_load %arg8[%get3A_996] {strides = array<i32>} : memref<1056xi32, #tpu.memory_space<vmem>>, vector<16xi32>,
    %broadcast_in_dim3A_998 = arith.constant true
    %broadcast_in_dim3A_999 = vector.broadcast %broadcast_in_dim3A_998 : i1 to vector<16xi1>
    %masked_cummax3A_1000 = arith.constant -2147483648 : i32
    %masked_cummax3A_1001 = vector.broadcast %masked_cummax3A_1000 : i32 to vector<16xi32>
    %masked_cummax3A_1002 = arith.xori %get3A_997, %masked_cummax3A_1001 : vector<16xi32>
    %masked_cummax3A_1003 = tpu.scan <max>, %masked_cummax3A_1002 masked %broadcast_in_dim3A_999 : vector<16xi32>, vector<16xi1> -> vector<16xi32>
    %masked_cummax3A_1004 = arith.xori %masked_cummax3A_1003, %masked_cummax3A_1001 : vector<16xi32>
    %max3A_1005 = vector.broadcast %reduce_max3A_995 : i32 to vector<16xi32>
    %max3A_1006 = arith.maxsi %masked_cummax3A_1004, %max3A_1005 : vector<16xi32>
    %swap3A_1007 = arith.constant 608 : index
    %swap3A_1008 = tpu.vector_load %arg9[%swap3A_1007] {strides = array<i32>} : memref<1056xi32, #tpu.memory_space<vmem>>, vector<16xi32>,
    tpu.vector_store %arg9[%swap3A_1007], %max3A_1006 {strides = array<i32>} : memref<1056xi32, #tpu.memory_space<vmem>>, vector<16xi32>,
    %reduce_max3A_1009 = arith.constant true
    %reduce_max3A_1010 = vector.broadcast %reduce_max3A_1009 : i1 to vector<16xi1>
    %reduce_max3A_1011 = arith.constant -2147483648 : i32
    %reduce_max3A_1012 = vector.broadcast %reduce_max3A_1011 : i32 to vector<16xi32>
    %reduce_max3A_1013 = arith.xori %max3A_1006, %reduce_max3A_1012 : vector<16xi32>
    %reduce_max3A_1014 = tpu.scan <max>, %reduce_max3A_1013 masked %reduce_max3A_1010 : vector<16xi32>, vector<16xi1> -> vector<16xi32>
    %reduce_max3A_1015 = arith.xori %reduce_max3A_1014, %reduce_max3A_1012 : vector<16xi32>
    %reduce_max3A_1016 = vector.extract %reduce_max3A_1015[15] : i32 from vector<16xi32>
    %get3A_1017 = arith.constant 624 : index
    %get3A_1018 = tpu.vector_load %arg8[%get3A_1017] {strides = array<i32>} : memref<1056xi32, #tpu.memory_space<vmem>>, vector<16xi32>,
    %broadcast_in_dim3A_1019 = arith.constant true
    %broadcast_in_dim3A_1020 = vector.broadcast %broadcast_in_dim3A_1019 : i1 to vector<16xi1>
    %masked_cummax3A_1021 = arith.constant -2147483648 : i32
    %masked_cummax3A_1022 = vector.broadcast %masked_cummax3A_1021 : i32 to vector<16xi32>
    %masked_cummax3A_1023 = arith.xori %get3A_1018, %masked_cummax3A_1022 : vector<16xi32>
    %masked_cummax3A_1024 = tpu.scan <max>, %masked_cummax3A_1023 masked %broadcast_in_dim3A_1020 : vector<16xi32>, vector<16xi1> -> vector<16xi32>
    %masked_cummax3A_1025 = arith.xori %masked_cummax3A_1024, %masked_cummax3A_1022 : vector<16xi32>
    %max3A_1026 = vector.broadcast %reduce_max3A_1016 : i32 to vector<16xi32>
    %max3A_1027 = arith.maxsi %masked_cummax3A_1025, %max3A_1026 : vector<16xi32>
    %swap3A_1028 = arith.constant 624 : index
    %swap3A_1029 = tpu.vector_load %arg9[%swap3A_1028] {strides = array<i32>} : memref<1056xi32, #tpu.memory_space<vmem>>, vector<16xi32>,
    tpu.vector_store %arg9[%swap3A_1028], %max3A_1027 {strides = array<i32>} : memref<1056xi32, #tpu.memory_space<vmem>>, vector<16xi32>,
    %reduce_max3A_1030 = arith.constant true
    %reduce_max3A_1031 = vector.broadcast %reduce_max3A_1030 : i1 to vector<16xi1>
    %reduce_max3A_1032 = arith.constant -2147483648 : i32
    %reduce_max3A_1033 = vector.broadcast %reduce_max3A_1032 : i32 to vector<16xi32>
    %reduce_max3A_1034 = arith.xori %max3A_1027, %reduce_max3A_1033 : vector<16xi32>
    %reduce_max3A_1035 = tpu.scan <max>, %reduce_max3A_1034 masked %reduce_max3A_1031 : vector<16xi32>, vector<16xi1> -> vector<16xi32>
    %reduce_max3A_1036 = arith.xori %reduce_max3A_1035, %reduce_max3A_1033 : vector<16xi32>
    %reduce_max3A_1037 = vector.extract %reduce_max3A_1036[15] : i32 from vector<16xi32>
    %get3A_1038 = arith.constant 640 : index
    %get3A_1039 = tpu.vector_load %arg8[%get3A_1038] {strides = array<i32>} : memref<1056xi32, #tpu.memory_space<vmem>>, vector<16xi32>,
    %broadcast_in_dim3A_1040 = arith.constant true
    %broadcast_in_dim3A_1041 = vector.broadcast %broadcast_in_dim3A_1040 : i1 to vector<16xi1>
    %masked_cummax3A_1042 = arith.constant -2147483648 : i32
    %masked_cummax3A_1043 = vector.broadcast %masked_cummax3A_1042 : i32 to vector<16xi32>
    %masked_cummax3A_1044 = arith.xori %get3A_1039, %masked_cummax3A_1043 : vector<16xi32>
    %masked_cummax3A_1045 = tpu.scan <max>, %masked_cummax3A_1044 masked %broadcast_in_dim3A_1041 : vector<16xi32>, vector<16xi1> -> vector<16xi32>
    %masked_cummax3A_1046 = arith.xori %masked_cummax3A_1045, %masked_cummax3A_1043 : vector<16xi32>
    %max3A_1047 = vector.broadcast %reduce_max3A_1037 : i32 to vector<16xi32>
    %max3A_1048 = arith.maxsi %masked_cummax3A_1046, %max3A_1047 : vector<16xi32>
    %swap3A_1049 = arith.constant 640 : index
    %swap3A_1050 = tpu.vector_load %arg9[%swap3A_1049] {strides = array<i32>} : memref<1056xi32, #tpu.memory_space<vmem>>, vector<16xi32>,
    tpu.vector_store %arg9[%swap3A_1049], %max3A_1048 {strides = array<i32>} : memref<1056xi32, #tpu.memory_space<vmem>>, vector<16xi32>,
    %reduce_max3A_1051 = arith.constant true
    %reduce_max3A_1052 = vector.broadcast %reduce_max3A_1051 : i1 to vector<16xi1>
    %reduce_max3A_1053 = arith.constant -2147483648 : i32
    %reduce_max3A_1054 = vector.broadcast %reduce_max3A_1053 : i32 to vector<16xi32>
    %reduce_max3A_1055 = arith.xori %max3A_1048, %reduce_max3A_1054 : vector<16xi32>
    %reduce_max3A_1056 = tpu.scan <max>, %reduce_max3A_1055 masked %reduce_max3A_1052 : vector<16xi32>, vector<16xi1> -> vector<16xi32>
    %reduce_max3A_1057 = arith.xori %reduce_max3A_1056, %reduce_max3A_1054 : vector<16xi32>
    %reduce_max3A_1058 = vector.extract %reduce_max3A_1057[15] : i32 from vector<16xi32>
    %get3A_1059 = arith.constant 656 : index
    %get3A_1060 = tpu.vector_load %arg8[%get3A_1059] {strides = array<i32>} : memref<1056xi32, #tpu.memory_space<vmem>>, vector<16xi32>,
    %broadcast_in_dim3A_1061 = arith.constant true
    %broadcast_in_dim3A_1062 = vector.broadcast %broadcast_in_dim3A_1061 : i1 to vector<16xi1>
    %masked_cummax3A_1063 = arith.constant -2147483648 : i32
    %masked_cummax3A_1064 = vector.broadcast %masked_cummax3A_1063 : i32 to vector<16xi32>
    %masked_cummax3A_1065 = arith.xori %get3A_1060, %masked_cummax3A_1064 : vector<16xi32>
    %masked_cummax3A_1066 = tpu.scan <max>, %masked_cummax3A_1065 masked %broadcast_in_dim3A_1062 : vector<16xi32>, vector<16xi1> -> vector<16xi32>
    %masked_cummax3A_1067 = arith.xori %masked_cummax3A_1066, %masked_cummax3A_1064 : vector<16xi32>
    %max3A_1068 = vector.broadcast %reduce_max3A_1058 : i32 to vector<16xi32>
    %max3A_1069 = arith.maxsi %masked_cummax3A_1067, %max3A_1068 : vector<16xi32>
    %swap3A_1070 = arith.constant 656 : index
    %swap3A_1071 = tpu.vector_load %arg9[%swap3A_1070] {strides = array<i32>} : memref<1056xi32, #tpu.memory_space<vmem>>, vector<16xi32>,
    tpu.vector_store %arg9[%swap3A_1070], %max3A_1069 {strides = array<i32>} : memref<1056xi32, #tpu.memory_space<vmem>>, vector<16xi32>,
    %reduce_max3A_1072 = arith.constant true
    %reduce_max3A_1073 = vector.broadcast %reduce_max3A_1072 : i1 to vector<16xi1>
    %reduce_max3A_1074 = arith.constant -2147483648 : i32
    %reduce_max3A_1075 = vector.broadcast %reduce_max3A_1074 : i32 to vector<16xi32>
    %reduce_max3A_1076 = arith.xori %max3A_1069, %reduce_max3A_1075 : vector<16xi32>
    %reduce_max3A_1077 = tpu.scan <max>, %reduce_max3A_1076 masked %reduce_max3A_1073 : vector<16xi32>, vector<16xi1> -> vector<16xi32>
    %reduce_max3A_1078 = arith.xori %reduce_max3A_1077, %reduce_max3A_1075 : vector<16xi32>
    %reduce_max3A_1079 = vector.extract %reduce_max3A_1078[15] : i32 from vector<16xi32>
    %get3A_1080 = arith.constant 672 : index
    %get3A_1081 = tpu.vector_load %arg8[%get3A_1080] {strides = array<i32>} : memref<1056xi32, #tpu.memory_space<vmem>>, vector<16xi32>,
    %broadcast_in_dim3A_1082 = arith.constant true
    %broadcast_in_dim3A_1083 = vector.broadcast %broadcast_in_dim3A_1082 : i1 to vector<16xi1>
    %masked_cummax3A_1084 = arith.constant -2147483648 : i32
    %masked_cummax3A_1085 = vector.broadcast %masked_cummax3A_1084 : i32 to vector<16xi32>
    %masked_cummax3A_1086 = arith.xori %get3A_1081, %masked_cummax3A_1085 : vector<16xi32>
    %masked_cummax3A_1087 = tpu.scan <max>, %masked_cummax3A_1086 masked %broadcast_in_dim3A_1083 : vector<16xi32>, vector<16xi1> -> vector<16xi32>
    %masked_cummax3A_1088 = arith.xori %masked_cummax3A_1087, %masked_cummax3A_1085 : vector<16xi32>
    %max3A_1089 = vector.broadcast %reduce_max3A_1079 : i32 to vector<16xi32>
    %max3A_1090 = arith.maxsi %masked_cummax3A_1088, %max3A_1089 : vector<16xi32>
    %swap3A_1091 = arith.constant 672 : index
    %swap3A_1092 = tpu.vector_load %arg9[%swap3A_1091] {strides = array<i32>} : memref<1056xi32, #tpu.memory_space<vmem>>, vector<16xi32>,
    tpu.vector_store %arg9[%swap3A_1091], %max3A_1090 {strides = array<i32>} : memref<1056xi32, #tpu.memory_space<vmem>>, vector<16xi32>,
    %reduce_max3A_1093 = arith.constant true
    %reduce_max3A_1094 = vector.broadcast %reduce_max3A_1093 : i1 to vector<16xi1>
    %reduce_max3A_1095 = arith.constant -2147483648 : i32
    %reduce_max3A_1096 = vector.broadcast %reduce_max3A_1095 : i32 to vector<16xi32>
    %reduce_max3A_1097 = arith.xori %max3A_1090, %reduce_max3A_1096 : vector<16xi32>
    %reduce_max3A_1098 = tpu.scan <max>, %reduce_max3A_1097 masked %reduce_max3A_1094 : vector<16xi32>, vector<16xi1> -> vector<16xi32>
    %reduce_max3A_1099 = arith.xori %reduce_max3A_1098, %reduce_max3A_1096 : vector<16xi32>
    %reduce_max3A_1100 = vector.extract %reduce_max3A_1099[15] : i32 from vector<16xi32>
    %get3A_1101 = arith.constant 688 : index
    %get3A_1102 = tpu.vector_load %arg8[%get3A_1101] {strides = array<i32>} : memref<1056xi32, #tpu.memory_space<vmem>>, vector<16xi32>,
    %broadcast_in_dim3A_1103 = arith.constant true
    %broadcast_in_dim3A_1104 = vector.broadcast %broadcast_in_dim3A_1103 : i1 to vector<16xi1>
    %masked_cummax3A_1105 = arith.constant -2147483648 : i32
    %masked_cummax3A_1106 = vector.broadcast %masked_cummax3A_1105 : i32 to vector<16xi32>
    %masked_cummax3A_1107 = arith.xori %get3A_1102, %masked_cummax3A_1106 : vector<16xi32>
    %masked_cummax3A_1108 = tpu.scan <max>, %masked_cummax3A_1107 masked %broadcast_in_dim3A_1104 : vector<16xi32>, vector<16xi1> -> vector<16xi32>
    %masked_cummax3A_1109 = arith.xori %masked_cummax3A_1108, %masked_cummax3A_1106 : vector<16xi32>
    %max3A_1110 = vector.broadcast %reduce_max3A_1100 : i32 to vector<16xi32>
    %max3A_1111 = arith.maxsi %masked_cummax3A_1109, %max3A_1110 : vector<16xi32>
    %swap3A_1112 = arith.constant 688 : index
    %swap3A_1113 = tpu.vector_load %arg9[%swap3A_1112] {strides = array<i32>} : memref<1056xi32, #tpu.memory_space<vmem>>, vector<16xi32>,
    tpu.vector_store %arg9[%swap3A_1112], %max3A_1111 {strides = array<i32>} : memref<1056xi32, #tpu.memory_space<vmem>>, vector<16xi32>,
    %reduce_max3A_1114 = arith.constant true
    %reduce_max3A_1115 = vector.broadcast %reduce_max3A_1114 : i1 to vector<16xi1>
    %reduce_max3A_1116 = arith.constant -2147483648 : i32
    %reduce_max3A_1117 = vector.broadcast %reduce_max3A_1116 : i32 to vector<16xi32>
    %reduce_max3A_1118 = arith.xori %max3A_1111, %reduce_max3A_1117 : vector<16xi32>
    %reduce_max3A_1119 = tpu.scan <max>, %reduce_max3A_1118 masked %reduce_max3A_1115 : vector<16xi32>, vector<16xi1> -> vector<16xi32>
    %reduce_max3A_1120 = arith.xori %reduce_max3A_1119, %reduce_max3A_1117 : vector<16xi32>
    %reduce_max3A_1121 = vector.extract %reduce_max3A_1120[15] : i32 from vector<16xi32>
    %get3A_1122 = arith.constant 704 : index
    %get3A_1123 = tpu.vector_load %arg8[%get3A_1122] {strides = array<i32>} : memref<1056xi32, #tpu.memory_space<vmem>>, vector<16xi32>,
    %broadcast_in_dim3A_1124 = arith.constant true
    %broadcast_in_dim3A_1125 = vector.broadcast %broadcast_in_dim3A_1124 : i1 to vector<16xi1>
    %masked_cummax3A_1126 = arith.constant -2147483648 : i32
    %masked_cummax3A_1127 = vector.broadcast %masked_cummax3A_1126 : i32 to vector<16xi32>
    %masked_cummax3A_1128 = arith.xori %get3A_1123, %masked_cummax3A_1127 : vector<16xi32>
    %masked_cummax3A_1129 = tpu.scan <max>, %masked_cummax3A_1128 masked %broadcast_in_dim3A_1125 : vector<16xi32>, vector<16xi1> -> vector<16xi32>
    %masked_cummax3A_1130 = arith.xori %masked_cummax3A_1129, %masked_cummax3A_1127 : vector<16xi32>
    %max3A_1131 = vector.broadcast %reduce_max3A_1121 : i32 to vector<16xi32>
    %max3A_1132 = arith.maxsi %masked_cummax3A_1130, %max3A_1131 : vector<16xi32>
    %swap3A_1133 = arith.constant 704 : index
    %swap3A_1134 = tpu.vector_load %arg9[%swap3A_1133] {strides = array<i32>} : memref<1056xi32, #tpu.memory_space<vmem>>, vector<16xi32>,
    tpu.vector_store %arg9[%swap3A_1133], %max3A_1132 {strides = array<i32>} : memref<1056xi32, #tpu.memory_space<vmem>>, vector<16xi32>,
    %reduce_max3A_1135 = arith.constant true
    %reduce_max3A_1136 = vector.broadcast %reduce_max3A_1135 : i1 to vector<16xi1>
    %reduce_max3A_1137 = arith.constant -2147483648 : i32
    %reduce_max3A_1138 = vector.broadcast %reduce_max3A_1137 : i32 to vector<16xi32>
    %reduce_max3A_1139 = arith.xori %max3A_1132, %reduce_max3A_1138 : vector<16xi32>
    %reduce_max3A_1140 = tpu.scan <max>, %reduce_max3A_1139 masked %reduce_max3A_1136 : vector<16xi32>, vector<16xi1> -> vector<16xi32>
    %reduce_max3A_1141 = arith.xori %reduce_max3A_1140, %reduce_max3A_1138 : vector<16xi32>
    %reduce_max3A_1142 = vector.extract %reduce_max3A_1141[15] : i32 from vector<16xi32>
    %get3A_1143 = arith.constant 720 : index
    %get3A_1144 = tpu.vector_load %arg8[%get3A_1143] {strides = array<i32>} : memref<1056xi32, #tpu.memory_space<vmem>>, vector<16xi32>,
    %broadcast_in_dim3A_1145 = arith.constant true
    %broadcast_in_dim3A_1146 = vector.broadcast %broadcast_in_dim3A_1145 : i1 to vector<16xi1>
    %masked_cummax3A_1147 = arith.constant -2147483648 : i32
    %masked_cummax3A_1148 = vector.broadcast %masked_cummax3A_1147 : i32 to vector<16xi32>
    %masked_cummax3A_1149 = arith.xori %get3A_1144, %masked_cummax3A_1148 : vector<16xi32>
    %masked_cummax3A_1150 = tpu.scan <max>, %masked_cummax3A_1149 masked %broadcast_in_dim3A_1146 : vector<16xi32>, vector<16xi1> -> vector<16xi32>
    %masked_cummax3A_1151 = arith.xori %masked_cummax3A_1150, %masked_cummax3A_1148 : vector<16xi32>
    %max3A_1152 = vector.broadcast %reduce_max3A_1142 : i32 to vector<16xi32>
    %max3A_1153 = arith.maxsi %masked_cummax3A_1151, %max3A_1152 : vector<16xi32>
    %swap3A_1154 = arith.constant 720 : index
    %swap3A_1155 = tpu.vector_load %arg9[%swap3A_1154] {strides = array<i32>} : memref<1056xi32, #tpu.memory_space<vmem>>, vector<16xi32>,
    tpu.vector_store %arg9[%swap3A_1154], %max3A_1153 {strides = array<i32>} : memref<1056xi32, #tpu.memory_space<vmem>>, vector<16xi32>,
    %reduce_max3A_1156 = arith.constant true
    %reduce_max3A_1157 = vector.broadcast %reduce_max3A_1156 : i1 to vector<16xi1>
    %reduce_max3A_1158 = arith.constant -2147483648 : i32
    %reduce_max3A_1159 = vector.broadcast %reduce_max3A_1158 : i32 to vector<16xi32>
    %reduce_max3A_1160 = arith.xori %max3A_1153, %reduce_max3A_1159 : vector<16xi32>
    %reduce_max3A_1161 = tpu.scan <max>, %reduce_max3A_1160 masked %reduce_max3A_1157 : vector<16xi32>, vector<16xi1> -> vector<16xi32>
    %reduce_max3A_1162 = arith.xori %reduce_max3A_1161, %reduce_max3A_1159 : vector<16xi32>
    %reduce_max3A_1163 = vector.extract %reduce_max3A_1162[15] : i32 from vector<16xi32>
    %get3A_1164 = arith.constant 736 : index
    %get3A_1165 = tpu.vector_load %arg8[%get3A_1164] {strides = array<i32>} : memref<1056xi32, #tpu.memory_space<vmem>>, vector<16xi32>,
    %broadcast_in_dim3A_1166 = arith.constant true
    %broadcast_in_dim3A_1167 = vector.broadcast %broadcast_in_dim3A_1166 : i1 to vector<16xi1>
    %masked_cummax3A_1168 = arith.constant -2147483648 : i32
    %masked_cummax3A_1169 = vector.broadcast %masked_cummax3A_1168 : i32 to vector<16xi32>
    %masked_cummax3A_1170 = arith.xori %get3A_1165, %masked_cummax3A_1169 : vector<16xi32>
    %masked_cummax3A_1171 = tpu.scan <max>, %masked_cummax3A_1170 masked %broadcast_in_dim3A_1167 : vector<16xi32>, vector<16xi1> -> vector<16xi32>
    %masked_cummax3A_1172 = arith.xori %masked_cummax3A_1171, %masked_cummax3A_1169 : vector<16xi32>
    %max3A_1173 = vector.broadcast %reduce_max3A_1163 : i32 to vector<16xi32>
    %max3A_1174 = arith.maxsi %masked_cummax3A_1172, %max3A_1173 : vector<16xi32>
    %swap3A_1175 = arith.constant 736 : index
    %swap3A_1176 = tpu.vector_load %arg9[%swap3A_1175] {strides = array<i32>} : memref<1056xi32, #tpu.memory_space<vmem>>, vector<16xi32>,
    tpu.vector_store %arg9[%swap3A_1175], %max3A_1174 {strides = array<i32>} : memref<1056xi32, #tpu.memory_space<vmem>>, vector<16xi32>,
    %reduce_max3A_1177 = arith.constant true
    %reduce_max3A_1178 = vector.broadcast %reduce_max3A_1177 : i1 to vector<16xi1>
    %reduce_max3A_1179 = arith.constant -2147483648 : i32
    %reduce_max3A_1180 = vector.broadcast %reduce_max3A_1179 : i32 to vector<16xi32>
    %reduce_max3A_1181 = arith.xori %max3A_1174, %reduce_max3A_1180 : vector<16xi32>
    %reduce_max3A_1182 = tpu.scan <max>, %reduce_max3A_1181 masked %reduce_max3A_1178 : vector<16xi32>, vector<16xi1> -> vector<16xi32>
    %reduce_max3A_1183 = arith.xori %reduce_max3A_1182, %reduce_max3A_1180 : vector<16xi32>
    %reduce_max3A_1184 = vector.extract %reduce_max3A_1183[15] : i32 from vector<16xi32>
    %get3A_1185 = arith.constant 752 : index
    %get3A_1186 = tpu.vector_load %arg8[%get3A_1185] {strides = array<i32>} : memref<1056xi32, #tpu.memory_space<vmem>>, vector<16xi32>,
    %broadcast_in_dim3A_1187 = arith.constant true
    %broadcast_in_dim3A_1188 = vector.broadcast %broadcast_in_dim3A_1187 : i1 to vector<16xi1>
    %masked_cummax3A_1189 = arith.constant -2147483648 : i32
    %masked_cummax3A_1190 = vector.broadcast %masked_cummax3A_1189 : i32 to vector<16xi32>
    %masked_cummax3A_1191 = arith.xori %get3A_1186, %masked_cummax3A_1190 : vector<16xi32>
    %masked_cummax3A_1192 = tpu.scan <max>, %masked_cummax3A_1191 masked %broadcast_in_dim3A_1188 : vector<16xi32>, vector<16xi1> -> vector<16xi32>
    %masked_cummax3A_1193 = arith.xori %masked_cummax3A_1192, %masked_cummax3A_1190 : vector<16xi32>
    %max3A_1194 = vector.broadcast %reduce_max3A_1184 : i32 to vector<16xi32>
    %max3A_1195 = arith.maxsi %masked_cummax3A_1193, %max3A_1194 : vector<16xi32>
    %swap3A_1196 = arith.constant 752 : index
    %swap3A_1197 = tpu.vector_load %arg9[%swap3A_1196] {strides = array<i32>} : memref<1056xi32, #tpu.memory_space<vmem>>, vector<16xi32>,
    tpu.vector_store %arg9[%swap3A_1196], %max3A_1195 {strides = array<i32>} : memref<1056xi32, #tpu.memory_space<vmem>>, vector<16xi32>,
    %reduce_max3A_1198 = arith.constant true
    %reduce_max3A_1199 = vector.broadcast %reduce_max3A_1198 : i1 to vector<16xi1>
    %reduce_max3A_1200 = arith.constant -2147483648 : i32
    %reduce_max3A_1201 = vector.broadcast %reduce_max3A_1200 : i32 to vector<16xi32>
    %reduce_max3A_1202 = arith.xori %max3A_1195, %reduce_max3A_1201 : vector<16xi32>
    %reduce_max3A_1203 = tpu.scan <max>, %reduce_max3A_1202 masked %reduce_max3A_1199 : vector<16xi32>, vector<16xi1> -> vector<16xi32>
    %reduce_max3A_1204 = arith.xori %reduce_max3A_1203, %reduce_max3A_1201 : vector<16xi32>
    %reduce_max3A_1205 = vector.extract %reduce_max3A_1204[15] : i32 from vector<16xi32>
    %get3A_1206 = arith.constant 768 : index
    %get3A_1207 = tpu.vector_load %arg8[%get3A_1206] {strides = array<i32>} : memref<1056xi32, #tpu.memory_space<vmem>>, vector<16xi32>,
    %broadcast_in_dim3A_1208 = arith.constant true
    %broadcast_in_dim3A_1209 = vector.broadcast %broadcast_in_dim3A_1208 : i1 to vector<16xi1>
    %masked_cummax3A_1210 = arith.constant -2147483648 : i32
    %masked_cummax3A_1211 = vector.broadcast %masked_cummax3A_1210 : i32 to vector<16xi32>
    %masked_cummax3A_1212 = arith.xori %get3A_1207, %masked_cummax3A_1211 : vector<16xi32>
    %masked_cummax3A_1213 = tpu.scan <max>, %masked_cummax3A_1212 masked %broadcast_in_dim3A_1209 : vector<16xi32>, vector<16xi1> -> vector<16xi32>
    %masked_cummax3A_1214 = arith.xori %masked_cummax3A_1213, %masked_cummax3A_1211 : vector<16xi32>
    %max3A_1215 = vector.broadcast %reduce_max3A_1205 : i32 to vector<16xi32>
    %max3A_1216 = arith.maxsi %masked_cummax3A_1214, %max3A_1215 : vector<16xi32>
    %swap3A_1217 = arith.constant 768 : index
    %swap3A_1218 = tpu.vector_load %arg9[%swap3A_1217] {strides = array<i32>} : memref<1056xi32, #tpu.memory_space<vmem>>, vector<16xi32>,
    tpu.vector_store %arg9[%swap3A_1217], %max3A_1216 {strides = array<i32>} : memref<1056xi32, #tpu.memory_space<vmem>>, vector<16xi32>,
    %reduce_max3A_1219 = arith.constant true
    %reduce_max3A_1220 = vector.broadcast %reduce_max3A_1219 : i1 to vector<16xi1>
    %reduce_max3A_1221 = arith.constant -2147483648 : i32
    %reduce_max3A_1222 = vector.broadcast %reduce_max3A_1221 : i32 to vector<16xi32>
    %reduce_max3A_1223 = arith.xori %max3A_1216, %reduce_max3A_1222 : vector<16xi32>
    %reduce_max3A_1224 = tpu.scan <max>, %reduce_max3A_1223 masked %reduce_max3A_1220 : vector<16xi32>, vector<16xi1> -> vector<16xi32>
    %reduce_max3A_1225 = arith.xori %reduce_max3A_1224, %reduce_max3A_1222 : vector<16xi32>
    %reduce_max3A_1226 = vector.extract %reduce_max3A_1225[15] : i32 from vector<16xi32>
    %get3A_1227 = arith.constant 784 : index
    %get3A_1228 = tpu.vector_load %arg8[%get3A_1227] {strides = array<i32>} : memref<1056xi32, #tpu.memory_space<vmem>>, vector<16xi32>,
    %broadcast_in_dim3A_1229 = arith.constant true
    %broadcast_in_dim3A_1230 = vector.broadcast %broadcast_in_dim3A_1229 : i1 to vector<16xi1>
    %masked_cummax3A_1231 = arith.constant -2147483648 : i32
    %masked_cummax3A_1232 = vector.broadcast %masked_cummax3A_1231 : i32 to vector<16xi32>
    %masked_cummax3A_1233 = arith.xori %get3A_1228, %masked_cummax3A_1232 : vector<16xi32>
    %masked_cummax3A_1234 = tpu.scan <max>, %masked_cummax3A_1233 masked %broadcast_in_dim3A_1230 : vector<16xi32>, vector<16xi1> -> vector<16xi32>
    %masked_cummax3A_1235 = arith.xori %masked_cummax3A_1234, %masked_cummax3A_1232 : vector<16xi32>
    %max3A_1236 = vector.broadcast %reduce_max3A_1226 : i32 to vector<16xi32>
    %max3A_1237 = arith.maxsi %masked_cummax3A_1235, %max3A_1236 : vector<16xi32>
    %swap3A_1238 = arith.constant 784 : index
    %swap3A_1239 = tpu.vector_load %arg9[%swap3A_1238] {strides = array<i32>} : memref<1056xi32, #tpu.memory_space<vmem>>, vector<16xi32>,
    tpu.vector_store %arg9[%swap3A_1238], %max3A_1237 {strides = array<i32>} : memref<1056xi32, #tpu.memory_space<vmem>>, vector<16xi32>,
    %reduce_max3A_1240 = arith.constant true
    %reduce_max3A_1241 = vector.broadcast %reduce_max3A_1240 : i1 to vector<16xi1>
    %reduce_max3A_1242 = arith.constant -2147483648 : i32
    %reduce_max3A_1243 = vector.broadcast %reduce_max3A_1242 : i32 to vector<16xi32>
    %reduce_max3A_1244 = arith.xori %max3A_1237, %reduce_max3A_1243 : vector<16xi32>
    %reduce_max3A_1245 = tpu.scan <max>, %reduce_max3A_1244 masked %reduce_max3A_1241 : vector<16xi32>, vector<16xi1> -> vector<16xi32>
    %reduce_max3A_1246 = arith.xori %reduce_max3A_1245, %reduce_max3A_1243 : vector<16xi32>
    %reduce_max3A_1247 = vector.extract %reduce_max3A_1246[15] : i32 from vector<16xi32>
    %get3A_1248 = arith.constant 800 : index
    %get3A_1249 = tpu.vector_load %arg8[%get3A_1248] {strides = array<i32>} : memref<1056xi32, #tpu.memory_space<vmem>>, vector<16xi32>,
    %broadcast_in_dim3A_1250 = arith.constant true
    %broadcast_in_dim3A_1251 = vector.broadcast %broadcast_in_dim3A_1250 : i1 to vector<16xi1>
    %masked_cummax3A_1252 = arith.constant -2147483648 : i32
    %masked_cummax3A_1253 = vector.broadcast %masked_cummax3A_1252 : i32 to vector<16xi32>
    %masked_cummax3A_1254 = arith.xori %get3A_1249, %masked_cummax3A_1253 : vector<16xi32>
    %masked_cummax3A_1255 = tpu.scan <max>, %masked_cummax3A_1254 masked %broadcast_in_dim3A_1251 : vector<16xi32>, vector<16xi1> -> vector<16xi32>
    %masked_cummax3A_1256 = arith.xori %masked_cummax3A_1255, %masked_cummax3A_1253 : vector<16xi32>
    %max3A_1257 = vector.broadcast %reduce_max3A_1247 : i32 to vector<16xi32>
    %max3A_1258 = arith.maxsi %masked_cummax3A_1256, %max3A_1257 : vector<16xi32>
    %swap3A_1259 = arith.constant 800 : index
    %swap3A_1260 = tpu.vector_load %arg9[%swap3A_1259] {strides = array<i32>} : memref<1056xi32, #tpu.memory_space<vmem>>, vector<16xi32>,
    tpu.vector_store %arg9[%swap3A_1259], %max3A_1258 {strides = array<i32>} : memref<1056xi32, #tpu.memory_space<vmem>>, vector<16xi32>,
    %reduce_max3A_1261 = arith.constant true
    %reduce_max3A_1262 = vector.broadcast %reduce_max3A_1261 : i1 to vector<16xi1>
    %reduce_max3A_1263 = arith.constant -2147483648 : i32
    %reduce_max3A_1264 = vector.broadcast %reduce_max3A_1263 : i32 to vector<16xi32>
    %reduce_max3A_1265 = arith.xori %max3A_1258, %reduce_max3A_1264 : vector<16xi32>
    %reduce_max3A_1266 = tpu.scan <max>, %reduce_max3A_1265 masked %reduce_max3A_1262 : vector<16xi32>, vector<16xi1> -> vector<16xi32>
    %reduce_max3A_1267 = arith.xori %reduce_max3A_1266, %reduce_max3A_1264 : vector<16xi32>
    %reduce_max3A_1268 = vector.extract %reduce_max3A_1267[15] : i32 from vector<16xi32>
    %get3A_1269 = arith.constant 816 : index
    %get3A_1270 = tpu.vector_load %arg8[%get3A_1269] {strides = array<i32>} : memref<1056xi32, #tpu.memory_space<vmem>>, vector<16xi32>,
    %broadcast_in_dim3A_1271 = arith.constant true
    %broadcast_in_dim3A_1272 = vector.broadcast %broadcast_in_dim3A_1271 : i1 to vector<16xi1>
    %masked_cummax3A_1273 = arith.constant -2147483648 : i32
    %masked_cummax3A_1274 = vector.broadcast %masked_cummax3A_1273 : i32 to vector<16xi32>
    %masked_cummax3A_1275 = arith.xori %get3A_1270, %masked_cummax3A_1274 : vector<16xi32>
    %masked_cummax3A_1276 = tpu.scan <max>, %masked_cummax3A_1275 masked %broadcast_in_dim3A_1272 : vector<16xi32>, vector<16xi1> -> vector<16xi32>
    %masked_cummax3A_1277 = arith.xori %masked_cummax3A_1276, %masked_cummax3A_1274 : vector<16xi32>
    %max3A_1278 = vector.broadcast %reduce_max3A_1268 : i32 to vector<16xi32>
    %max3A_1279 = arith.maxsi %masked_cummax3A_1277, %max3A_1278 : vector<16xi32>
    %swap3A_1280 = arith.constant 816 : index
    %swap3A_1281 = tpu.vector_load %arg9[%swap3A_1280] {strides = array<i32>} : memref<1056xi32, #tpu.memory_space<vmem>>, vector<16xi32>,
    tpu.vector_store %arg9[%swap3A_1280], %max3A_1279 {strides = array<i32>} : memref<1056xi32, #tpu.memory_space<vmem>>, vector<16xi32>,
    %reduce_max3A_1282 = arith.constant true
    %reduce_max3A_1283 = vector.broadcast %reduce_max3A_1282 : i1 to vector<16xi1>
    %reduce_max3A_1284 = arith.constant -2147483648 : i32
    %reduce_max3A_1285 = vector.broadcast %reduce_max3A_1284 : i32 to vector<16xi32>
    %reduce_max3A_1286 = arith.xori %max3A_1279, %reduce_max3A_1285 : vector<16xi32>
    %reduce_max3A_1287 = tpu.scan <max>, %reduce_max3A_1286 masked %reduce_max3A_1283 : vector<16xi32>, vector<16xi1> -> vector<16xi32>
    %reduce_max3A_1288 = arith.xori %reduce_max3A_1287, %reduce_max3A_1285 : vector<16xi32>
    %reduce_max3A_1289 = vector.extract %reduce_max3A_1288[15] : i32 from vector<16xi32>
    %get3A_1290 = arith.constant 832 : index
    %get3A_1291 = tpu.vector_load %arg8[%get3A_1290] {strides = array<i32>} : memref<1056xi32, #tpu.memory_space<vmem>>, vector<16xi32>,
    %broadcast_in_dim3A_1292 = arith.constant true
    %broadcast_in_dim3A_1293 = vector.broadcast %broadcast_in_dim3A_1292 : i1 to vector<16xi1>
    %masked_cummax3A_1294 = arith.constant -2147483648 : i32
    %masked_cummax3A_1295 = vector.broadcast %masked_cummax3A_1294 : i32 to vector<16xi32>
    %masked_cummax3A_1296 = arith.xori %get3A_1291, %masked_cummax3A_1295 : vector<16xi32>
    %masked_cummax3A_1297 = tpu.scan <max>, %masked_cummax3A_1296 masked %broadcast_in_dim3A_1293 : vector<16xi32>, vector<16xi1> -> vector<16xi32>
    %masked_cummax3A_1298 = arith.xori %masked_cummax3A_1297, %masked_cummax3A_1295 : vector<16xi32>
    %max3A_1299 = vector.broadcast %reduce_max3A_1289 : i32 to vector<16xi32>
    %max3A_1300 = arith.maxsi %masked_cummax3A_1298, %max3A_1299 : vector<16xi32>
    %swap3A_1301 = arith.constant 832 : index
    %swap3A_1302 = tpu.vector_load %arg9[%swap3A_1301] {strides = array<i32>} : memref<1056xi32, #tpu.memory_space<vmem>>, vector<16xi32>,
    tpu.vector_store %arg9[%swap3A_1301], %max3A_1300 {strides = array<i32>} : memref<1056xi32, #tpu.memory_space<vmem>>, vector<16xi32>,
    %reduce_max3A_1303 = arith.constant true
    %reduce_max3A_1304 = vector.broadcast %reduce_max3A_1303 : i1 to vector<16xi1>
    %reduce_max3A_1305 = arith.constant -2147483648 : i32
    %reduce_max3A_1306 = vector.broadcast %reduce_max3A_1305 : i32 to vector<16xi32>
    %reduce_max3A_1307 = arith.xori %max3A_1300, %reduce_max3A_1306 : vector<16xi32>
    %reduce_max3A_1308 = tpu.scan <max>, %reduce_max3A_1307 masked %reduce_max3A_1304 : vector<16xi32>, vector<16xi1> -> vector<16xi32>
    %reduce_max3A_1309 = arith.xori %reduce_max3A_1308, %reduce_max3A_1306 : vector<16xi32>
    %reduce_max3A_1310 = vector.extract %reduce_max3A_1309[15] : i32 from vector<16xi32>
    %get3A_1311 = arith.constant 848 : index
    %get3A_1312 = tpu.vector_load %arg8[%get3A_1311] {strides = array<i32>} : memref<1056xi32, #tpu.memory_space<vmem>>, vector<16xi32>,
    %broadcast_in_dim3A_1313 = arith.constant true
    %broadcast_in_dim3A_1314 = vector.broadcast %broadcast_in_dim3A_1313 : i1 to vector<16xi1>
    %masked_cummax3A_1315 = arith.constant -2147483648 : i32
    %masked_cummax3A_1316 = vector.broadcast %masked_cummax3A_1315 : i32 to vector<16xi32>
    %masked_cummax3A_1317 = arith.xori %get3A_1312, %masked_cummax3A_1316 : vector<16xi32>
    %masked_cummax3A_1318 = tpu.scan <max>, %masked_cummax3A_1317 masked %broadcast_in_dim3A_1314 : vector<16xi32>, vector<16xi1> -> vector<16xi32>
    %masked_cummax3A_1319 = arith.xori %masked_cummax3A_1318, %masked_cummax3A_1316 : vector<16xi32>
    %max3A_1320 = vector.broadcast %reduce_max3A_1310 : i32 to vector<16xi32>
    %max3A_1321 = arith.maxsi %masked_cummax3A_1319, %max3A_1320 : vector<16xi32>
    %swap3A_1322 = arith.constant 848 : index
    %swap3A_1323 = tpu.vector_load %arg9[%swap3A_1322] {strides = array<i32>} : memref<1056xi32, #tpu.memory_space<vmem>>, vector<16xi32>,
    tpu.vector_store %arg9[%swap3A_1322], %max3A_1321 {strides = array<i32>} : memref<1056xi32, #tpu.memory_space<vmem>>, vector<16xi32>,
    %reduce_max3A_1324 = arith.constant true
    %reduce_max3A_1325 = vector.broadcast %reduce_max3A_1324 : i1 to vector<16xi1>
    %reduce_max3A_1326 = arith.constant -2147483648 : i32
    %reduce_max3A_1327 = vector.broadcast %reduce_max3A_1326 : i32 to vector<16xi32>
    %reduce_max3A_1328 = arith.xori %max3A_1321, %reduce_max3A_1327 : vector<16xi32>
    %reduce_max3A_1329 = tpu.scan <max>, %reduce_max3A_1328 masked %reduce_max3A_1325 : vector<16xi32>, vector<16xi1> -> vector<16xi32>
    %reduce_max3A_1330 = arith.xori %reduce_max3A_1329, %reduce_max3A_1327 : vector<16xi32>
    %reduce_max3A_1331 = vector.extract %reduce_max3A_1330[15] : i32 from vector<16xi32>
    %get3A_1332 = arith.constant 864 : index
    %get3A_1333 = tpu.vector_load %arg8[%get3A_1332] {strides = array<i32>} : memref<1056xi32, #tpu.memory_space<vmem>>, vector<16xi32>,
    %broadcast_in_dim3A_1334 = arith.constant true
    %broadcast_in_dim3A_1335 = vector.broadcast %broadcast_in_dim3A_1334 : i1 to vector<16xi1>
    %masked_cummax3A_1336 = arith.constant -2147483648 : i32
    %masked_cummax3A_1337 = vector.broadcast %masked_cummax3A_1336 : i32 to vector<16xi32>
    %masked_cummax3A_1338 = arith.xori %get3A_1333, %masked_cummax3A_1337 : vector<16xi32>
    %masked_cummax3A_1339 = tpu.scan <max>, %masked_cummax3A_1338 masked %broadcast_in_dim3A_1335 : vector<16xi32>, vector<16xi1> -> vector<16xi32>
    %masked_cummax3A_1340 = arith.xori %masked_cummax3A_1339, %masked_cummax3A_1337 : vector<16xi32>
    %max3A_1341 = vector.broadcast %reduce_max3A_1331 : i32 to vector<16xi32>
    %max3A_1342 = arith.maxsi %masked_cummax3A_1340, %max3A_1341 : vector<16xi32>
    %swap3A_1343 = arith.constant 864 : index
    %swap3A_1344 = tpu.vector_load %arg9[%swap3A_1343] {strides = array<i32>} : memref<1056xi32, #tpu.memory_space<vmem>>, vector<16xi32>,
    tpu.vector_store %arg9[%swap3A_1343], %max3A_1342 {strides = array<i32>} : memref<1056xi32, #tpu.memory_space<vmem>>, vector<16xi32>,
    %reduce_max3A_1345 = arith.constant true
    %reduce_max3A_1346 = vector.broadcast %reduce_max3A_1345 : i1 to vector<16xi1>
    %reduce_max3A_1347 = arith.constant -2147483648 : i32
    %reduce_max3A_1348 = vector.broadcast %reduce_max3A_1347 : i32 to vector<16xi32>
    %reduce_max3A_1349 = arith.xori %max3A_1342, %reduce_max3A_1348 : vector<16xi32>
    %reduce_max3A_1350 = tpu.scan <max>, %reduce_max3A_1349 masked %reduce_max3A_1346 : vector<16xi32>, vector<16xi1> -> vector<16xi32>
    %reduce_max3A_1351 = arith.xori %reduce_max3A_1350, %reduce_max3A_1348 : vector<16xi32>
    %reduce_max3A_1352 = vector.extract %reduce_max3A_1351[15] : i32 from vector<16xi32>
    %get3A_1353 = arith.constant 880 : index
    %get3A_1354 = tpu.vector_load %arg8[%get3A_1353] {strides = array<i32>} : memref<1056xi32, #tpu.memory_space<vmem>>, vector<16xi32>,
    %broadcast_in_dim3A_1355 = arith.constant true
    %broadcast_in_dim3A_1356 = vector.broadcast %broadcast_in_dim3A_1355 : i1 to vector<16xi1>
    %masked_cummax3A_1357 = arith.constant -2147483648 : i32
    %masked_cummax3A_1358 = vector.broadcast %masked_cummax3A_1357 : i32 to vector<16xi32>
    %masked_cummax3A_1359 = arith.xori %get3A_1354, %masked_cummax3A_1358 : vector<16xi32>
    %masked_cummax3A_1360 = tpu.scan <max>, %masked_cummax3A_1359 masked %broadcast_in_dim3A_1356 : vector<16xi32>, vector<16xi1> -> vector<16xi32>
    %masked_cummax3A_1361 = arith.xori %masked_cummax3A_1360, %masked_cummax3A_1358 : vector<16xi32>
    %max3A_1362 = vector.broadcast %reduce_max3A_1352 : i32 to vector<16xi32>
    %max3A_1363 = arith.maxsi %masked_cummax3A_1361, %max3A_1362 : vector<16xi32>
    %swap3A_1364 = arith.constant 880 : index
    %swap3A_1365 = tpu.vector_load %arg9[%swap3A_1364] {strides = array<i32>} : memref<1056xi32, #tpu.memory_space<vmem>>, vector<16xi32>,
    tpu.vector_store %arg9[%swap3A_1364], %max3A_1363 {strides = array<i32>} : memref<1056xi32, #tpu.memory_space<vmem>>, vector<16xi32>,
    %reduce_max3A_1366 = arith.constant true
    %reduce_max3A_1367 = vector.broadcast %reduce_max3A_1366 : i1 to vector<16xi1>
    %reduce_max3A_1368 = arith.constant -2147483648 : i32
    %reduce_max3A_1369 = vector.broadcast %reduce_max3A_1368 : i32 to vector<16xi32>
    %reduce_max3A_1370 = arith.xori %max3A_1363, %reduce_max3A_1369 : vector<16xi32>
    %reduce_max3A_1371 = tpu.scan <max>, %reduce_max3A_1370 masked %reduce_max3A_1367 : vector<16xi32>, vector<16xi1> -> vector<16xi32>
    %reduce_max3A_1372 = arith.xori %reduce_max3A_1371, %reduce_max3A_1369 : vector<16xi32>
    %reduce_max3A_1373 = vector.extract %reduce_max3A_1372[15] : i32 from vector<16xi32>
    %get3A_1374 = arith.constant 896 : index
    %get3A_1375 = tpu.vector_load %arg8[%get3A_1374] {strides = array<i32>} : memref<1056xi32, #tpu.memory_space<vmem>>, vector<16xi32>,
    %broadcast_in_dim3A_1376 = arith.constant true
    %broadcast_in_dim3A_1377 = vector.broadcast %broadcast_in_dim3A_1376 : i1 to vector<16xi1>
    %masked_cummax3A_1378 = arith.constant -2147483648 : i32
    %masked_cummax3A_1379 = vector.broadcast %masked_cummax3A_1378 : i32 to vector<16xi32>
    %masked_cummax3A_1380 = arith.xori %get3A_1375, %masked_cummax3A_1379 : vector<16xi32>
    %masked_cummax3A_1381 = tpu.scan <max>, %masked_cummax3A_1380 masked %broadcast_in_dim3A_1377 : vector<16xi32>, vector<16xi1> -> vector<16xi32>
    %masked_cummax3A_1382 = arith.xori %masked_cummax3A_1381, %masked_cummax3A_1379 : vector<16xi32>
    %max3A_1383 = vector.broadcast %reduce_max3A_1373 : i32 to vector<16xi32>
    %max3A_1384 = arith.maxsi %masked_cummax3A_1382, %max3A_1383 : vector<16xi32>
    %swap3A_1385 = arith.constant 896 : index
    %swap3A_1386 = tpu.vector_load %arg9[%swap3A_1385] {strides = array<i32>} : memref<1056xi32, #tpu.memory_space<vmem>>, vector<16xi32>,
    tpu.vector_store %arg9[%swap3A_1385], %max3A_1384 {strides = array<i32>} : memref<1056xi32, #tpu.memory_space<vmem>>, vector<16xi32>,
    %reduce_max3A_1387 = arith.constant true
    %reduce_max3A_1388 = vector.broadcast %reduce_max3A_1387 : i1 to vector<16xi1>
    %reduce_max3A_1389 = arith.constant -2147483648 : i32
    %reduce_max3A_1390 = vector.broadcast %reduce_max3A_1389 : i32 to vector<16xi32>
    %reduce_max3A_1391 = arith.xori %max3A_1384, %reduce_max3A_1390 : vector<16xi32>
    %reduce_max3A_1392 = tpu.scan <max>, %reduce_max3A_1391 masked %reduce_max3A_1388 : vector<16xi32>, vector<16xi1> -> vector<16xi32>
    %reduce_max3A_1393 = arith.xori %reduce_max3A_1392, %reduce_max3A_1390 : vector<16xi32>
    %reduce_max3A_1394 = vector.extract %reduce_max3A_1393[15] : i32 from vector<16xi32>
    %get3A_1395 = arith.constant 912 : index
    %get3A_1396 = tpu.vector_load %arg8[%get3A_1395] {strides = array<i32>} : memref<1056xi32, #tpu.memory_space<vmem>>, vector<16xi32>,
    %broadcast_in_dim3A_1397 = arith.constant true
    %broadcast_in_dim3A_1398 = vector.broadcast %broadcast_in_dim3A_1397 : i1 to vector<16xi1>
    %masked_cummax3A_1399 = arith.constant -2147483648 : i32
    %masked_cummax3A_1400 = vector.broadcast %masked_cummax3A_1399 : i32 to vector<16xi32>
    %masked_cummax3A_1401 = arith.xori %get3A_1396, %masked_cummax3A_1400 : vector<16xi32>
    %masked_cummax3A_1402 = tpu.scan <max>, %masked_cummax3A_1401 masked %broadcast_in_dim3A_1398 : vector<16xi32>, vector<16xi1> -> vector<16xi32>
    %masked_cummax3A_1403 = arith.xori %masked_cummax3A_1402, %masked_cummax3A_1400 : vector<16xi32>
    %max3A_1404 = vector.broadcast %reduce_max3A_1394 : i32 to vector<16xi32>
    %max3A_1405 = arith.maxsi %masked_cummax3A_1403, %max3A_1404 : vector<16xi32>
    %swap3A_1406 = arith.constant 912 : index
    %swap3A_1407 = tpu.vector_load %arg9[%swap3A_1406] {strides = array<i32>} : memref<1056xi32, #tpu.memory_space<vmem>>, vector<16xi32>,
    tpu.vector_store %arg9[%swap3A_1406], %max3A_1405 {strides = array<i32>} : memref<1056xi32, #tpu.memory_space<vmem>>, vector<16xi32>,
    %reduce_max3A_1408 = arith.constant true
    %reduce_max3A_1409 = vector.broadcast %reduce_max3A_1408 : i1 to vector<16xi1>
    %reduce_max3A_1410 = arith.constant -2147483648 : i32
    %reduce_max3A_1411 = vector.broadcast %reduce_max3A_1410 : i32 to vector<16xi32>
    %reduce_max3A_1412 = arith.xori %max3A_1405, %reduce_max3A_1411 : vector<16xi32>
    %reduce_max3A_1413 = tpu.scan <max>, %reduce_max3A_1412 masked %reduce_max3A_1409 : vector<16xi32>, vector<16xi1> -> vector<16xi32>
    %reduce_max3A_1414 = arith.xori %reduce_max3A_1413, %reduce_max3A_1411 : vector<16xi32>
    %reduce_max3A_1415 = vector.extract %reduce_max3A_1414[15] : i32 from vector<16xi32>
    %get3A_1416 = arith.constant 928 : index
    %get3A_1417 = tpu.vector_load %arg8[%get3A_1416] {strides = array<i32>} : memref<1056xi32, #tpu.memory_space<vmem>>, vector<16xi32>,
    %broadcast_in_dim3A_1418 = arith.constant true
    %broadcast_in_dim3A_1419 = vector.broadcast %broadcast_in_dim3A_1418 : i1 to vector<16xi1>
    %masked_cummax3A_1420 = arith.constant -2147483648 : i32
    %masked_cummax3A_1421 = vector.broadcast %masked_cummax3A_1420 : i32 to vector<16xi32>
    %masked_cummax3A_1422 = arith.xori %get3A_1417, %masked_cummax3A_1421 : vector<16xi32>
    %masked_cummax3A_1423 = tpu.scan <max>, %masked_cummax3A_1422 masked %broadcast_in_dim3A_1419 : vector<16xi32>, vector<16xi1> -> vector<16xi32>
    %masked_cummax3A_1424 = arith.xori %masked_cummax3A_1423, %masked_cummax3A_1421 : vector<16xi32>
    %max3A_1425 = vector.broadcast %reduce_max3A_1415 : i32 to vector<16xi32>
    %max3A_1426 = arith.maxsi %masked_cummax3A_1424, %max3A_1425 : vector<16xi32>
    %swap3A_1427 = arith.constant 928 : index
    %swap3A_1428 = tpu.vector_load %arg9[%swap3A_1427] {strides = array<i32>} : memref<1056xi32, #tpu.memory_space<vmem>>, vector<16xi32>,
    tpu.vector_store %arg9[%swap3A_1427], %max3A_1426 {strides = array<i32>} : memref<1056xi32, #tpu.memory_space<vmem>>, vector<16xi32>,
    %reduce_max3A_1429 = arith.constant true
    %reduce_max3A_1430 = vector.broadcast %reduce_max3A_1429 : i1 to vector<16xi1>
    %reduce_max3A_1431 = arith.constant -2147483648 : i32
    %reduce_max3A_1432 = vector.broadcast %reduce_max3A_1431 : i32 to vector<16xi32>
    %reduce_max3A_1433 = arith.xori %max3A_1426, %reduce_max3A_1432 : vector<16xi32>
    %reduce_max3A_1434 = tpu.scan <max>, %reduce_max3A_1433 masked %reduce_max3A_1430 : vector<16xi32>, vector<16xi1> -> vector<16xi32>
    %reduce_max3A_1435 = arith.xori %reduce_max3A_1434, %reduce_max3A_1432 : vector<16xi32>
    %reduce_max3A_1436 = vector.extract %reduce_max3A_1435[15] : i32 from vector<16xi32>
    %get3A_1437 = arith.constant 944 : index
    %get3A_1438 = tpu.vector_load %arg8[%get3A_1437] {strides = array<i32>} : memref<1056xi32, #tpu.memory_space<vmem>>, vector<16xi32>,
    %broadcast_in_dim3A_1439 = arith.constant true
    %broadcast_in_dim3A_1440 = vector.broadcast %broadcast_in_dim3A_1439 : i1 to vector<16xi1>
    %masked_cummax3A_1441 = arith.constant -2147483648 : i32
    %masked_cummax3A_1442 = vector.broadcast %masked_cummax3A_1441 : i32 to vector<16xi32>
    %masked_cummax3A_1443 = arith.xori %get3A_1438, %masked_cummax3A_1442 : vector<16xi32>
    %masked_cummax3A_1444 = tpu.scan <max>, %masked_cummax3A_1443 masked %broadcast_in_dim3A_1440 : vector<16xi32>, vector<16xi1> -> vector<16xi32>
    %masked_cummax3A_1445 = arith.xori %masked_cummax3A_1444, %masked_cummax3A_1442 : vector<16xi32>
    %max3A_1446 = vector.broadcast %reduce_max3A_1436 : i32 to vector<16xi32>
    %max3A_1447 = arith.maxsi %masked_cummax3A_1445, %max3A_1446 : vector<16xi32>
    %swap3A_1448 = arith.constant 944 : index
    %swap3A_1449 = tpu.vector_load %arg9[%swap3A_1448] {strides = array<i32>} : memref<1056xi32, #tpu.memory_space<vmem>>, vector<16xi32>,
    tpu.vector_store %arg9[%swap3A_1448], %max3A_1447 {strides = array<i32>} : memref<1056xi32, #tpu.memory_space<vmem>>, vector<16xi32>,
    %reduce_max3A_1450 = arith.constant true
    %reduce_max3A_1451 = vector.broadcast %reduce_max3A_1450 : i1 to vector<16xi1>
    %reduce_max3A_1452 = arith.constant -2147483648 : i32
    %reduce_max3A_1453 = vector.broadcast %reduce_max3A_1452 : i32 to vector<16xi32>
    %reduce_max3A_1454 = arith.xori %max3A_1447, %reduce_max3A_1453 : vector<16xi32>
    %reduce_max3A_1455 = tpu.scan <max>, %reduce_max3A_1454 masked %reduce_max3A_1451 : vector<16xi32>, vector<16xi1> -> vector<16xi32>
    %reduce_max3A_1456 = arith.xori %reduce_max3A_1455, %reduce_max3A_1453 : vector<16xi32>
    %reduce_max3A_1457 = vector.extract %reduce_max3A_1456[15] : i32 from vector<16xi32>
    %get3A_1458 = arith.constant 960 : index
    %get3A_1459 = tpu.vector_load %arg8[%get3A_1458] {strides = array<i32>} : memref<1056xi32, #tpu.memory_space<vmem>>, vector<16xi32>,
    %broadcast_in_dim3A_1460 = arith.constant true
    %broadcast_in_dim3A_1461 = vector.broadcast %broadcast_in_dim3A_1460 : i1 to vector<16xi1>
    %masked_cummax3A_1462 = arith.constant -2147483648 : i32
    %masked_cummax3A_1463 = vector.broadcast %masked_cummax3A_1462 : i32 to vector<16xi32>
    %masked_cummax3A_1464 = arith.xori %get3A_1459, %masked_cummax3A_1463 : vector<16xi32>
    %masked_cummax3A_1465 = tpu.scan <max>, %masked_cummax3A_1464 masked %broadcast_in_dim3A_1461 : vector<16xi32>, vector<16xi1> -> vector<16xi32>
    %masked_cummax3A_1466 = arith.xori %masked_cummax3A_1465, %masked_cummax3A_1463 : vector<16xi32>
    %max3A_1467 = vector.broadcast %reduce_max3A_1457 : i32 to vector<16xi32>
    %max3A_1468 = arith.maxsi %masked_cummax3A_1466, %max3A_1467 : vector<16xi32>
    %swap3A_1469 = arith.constant 960 : index
    %swap3A_1470 = tpu.vector_load %arg9[%swap3A_1469] {strides = array<i32>} : memref<1056xi32, #tpu.memory_space<vmem>>, vector<16xi32>,
    tpu.vector_store %arg9[%swap3A_1469], %max3A_1468 {strides = array<i32>} : memref<1056xi32, #tpu.memory_space<vmem>>, vector<16xi32>,
    %reduce_max3A_1471 = arith.constant true
    %reduce_max3A_1472 = vector.broadcast %reduce_max3A_1471 : i1 to vector<16xi1>
    %reduce_max3A_1473 = arith.constant -2147483648 : i32
    %reduce_max3A_1474 = vector.broadcast %reduce_max3A_1473 : i32 to vector<16xi32>
    %reduce_max3A_1475 = arith.xori %max3A_1468, %reduce_max3A_1474 : vector<16xi32>
    %reduce_max3A_1476 = tpu.scan <max>, %reduce_max3A_1475 masked %reduce_max3A_1472 : vector<16xi32>, vector<16xi1> -> vector<16xi32>
    %reduce_max3A_1477 = arith.xori %reduce_max3A_1476, %reduce_max3A_1474 : vector<16xi32>
    %reduce_max3A_1478 = vector.extract %reduce_max3A_1477[15] : i32 from vector<16xi32>
    %get3A_1479 = arith.constant 976 : index
    %get3A_1480 = tpu.vector_load %arg8[%get3A_1479] {strides = array<i32>} : memref<1056xi32, #tpu.memory_space<vmem>>, vector<16xi32>,
    %broadcast_in_dim3A_1481 = arith.constant true
    %broadcast_in_dim3A_1482 = vector.broadcast %broadcast_in_dim3A_1481 : i1 to vector<16xi1>
    %masked_cummax3A_1483 = arith.constant -2147483648 : i32
    %masked_cummax3A_1484 = vector.broadcast %masked_cummax3A_1483 : i32 to vector<16xi32>
    %masked_cummax3A_1485 = arith.xori %get3A_1480, %masked_cummax3A_1484 : vector<16xi32>
    %masked_cummax3A_1486 = tpu.scan <max>, %masked_cummax3A_1485 masked %broadcast_in_dim3A_1482 : vector<16xi32>, vector<16xi1> -> vector<16xi32>
    %masked_cummax3A_1487 = arith.xori %masked_cummax3A_1486, %masked_cummax3A_1484 : vector<16xi32>
    %max3A_1488 = vector.broadcast %reduce_max3A_1478 : i32 to vector<16xi32>
    %max3A_1489 = arith.maxsi %masked_cummax3A_1487, %max3A_1488 : vector<16xi32>
    %swap3A_1490 = arith.constant 976 : index
    %swap3A_1491 = tpu.vector_load %arg9[%swap3A_1490] {strides = array<i32>} : memref<1056xi32, #tpu.memory_space<vmem>>, vector<16xi32>,
    tpu.vector_store %arg9[%swap3A_1490], %max3A_1489 {strides = array<i32>} : memref<1056xi32, #tpu.memory_space<vmem>>, vector<16xi32>,
    %reduce_max3A_1492 = arith.constant true
    %reduce_max3A_1493 = vector.broadcast %reduce_max3A_1492 : i1 to vector<16xi1>
    %reduce_max3A_1494 = arith.constant -2147483648 : i32
    %reduce_max3A_1495 = vector.broadcast %reduce_max3A_1494 : i32 to vector<16xi32>
    %reduce_max3A_1496 = arith.xori %max3A_1489, %reduce_max3A_1495 : vector<16xi32>
    %reduce_max3A_1497 = tpu.scan <max>, %reduce_max3A_1496 masked %reduce_max3A_1493 : vector<16xi32>, vector<16xi1> -> vector<16xi32>
    %reduce_max3A_1498 = arith.xori %reduce_max3A_1497, %reduce_max3A_1495 : vector<16xi32>
    %reduce_max3A_1499 = vector.extract %reduce_max3A_1498[15] : i32 from vector<16xi32>
    %get3A_1500 = arith.constant 992 : index
    %get3A_1501 = tpu.vector_load %arg8[%get3A_1500] {strides = array<i32>} : memref<1056xi32, #tpu.memory_space<vmem>>, vector<16xi32>,
    %broadcast_in_dim3A_1502 = arith.constant true
    %broadcast_in_dim3A_1503 = vector.broadcast %broadcast_in_dim3A_1502 : i1 to vector<16xi1>
    %masked_cummax3A_1504 = arith.constant -2147483648 : i32
    %masked_cummax3A_1505 = vector.broadcast %masked_cummax3A_1504 : i32 to vector<16xi32>
    %masked_cummax3A_1506 = arith.xori %get3A_1501, %masked_cummax3A_1505 : vector<16xi32>
    %masked_cummax3A_1507 = tpu.scan <max>, %masked_cummax3A_1506 masked %broadcast_in_dim3A_1503 : vector<16xi32>, vector<16xi1> -> vector<16xi32>
    %masked_cummax3A_1508 = arith.xori %masked_cummax3A_1507, %masked_cummax3A_1505 : vector<16xi32>
    %max3A_1509 = vector.broadcast %reduce_max3A_1499 : i32 to vector<16xi32>
    %max3A_1510 = arith.maxsi %masked_cummax3A_1508, %max3A_1509 : vector<16xi32>
    %swap3A_1511 = arith.constant 992 : index
    %swap3A_1512 = tpu.vector_load %arg9[%swap3A_1511] {strides = array<i32>} : memref<1056xi32, #tpu.memory_space<vmem>>, vector<16xi32>,
    tpu.vector_store %arg9[%swap3A_1511], %max3A_1510 {strides = array<i32>} : memref<1056xi32, #tpu.memory_space<vmem>>, vector<16xi32>,
    %reduce_max3A_1513 = arith.constant true
    %reduce_max3A_1514 = vector.broadcast %reduce_max3A_1513 : i1 to vector<16xi1>
    %reduce_max3A_1515 = arith.constant -2147483648 : i32
    %reduce_max3A_1516 = vector.broadcast %reduce_max3A_1515 : i32 to vector<16xi32>
    %reduce_max3A_1517 = arith.xori %max3A_1510, %reduce_max3A_1516 : vector<16xi32>
    %reduce_max3A_1518 = tpu.scan <max>, %reduce_max3A_1517 masked %reduce_max3A_1514 : vector<16xi32>, vector<16xi1> -> vector<16xi32>
    %reduce_max3A_1519 = arith.xori %reduce_max3A_1518, %reduce_max3A_1516 : vector<16xi32>
    %reduce_max3A_1520 = vector.extract %reduce_max3A_1519[15] : i32 from vector<16xi32>
    %get3A_1521 = arith.constant 1008 : index
    %get3A_1522 = tpu.vector_load %arg8[%get3A_1521] {strides = array<i32>} : memref<1056xi32, #tpu.memory_space<vmem>>, vector<16xi32>,
    %broadcast_in_dim3A_1523 = arith.constant true
    %broadcast_in_dim3A_1524 = vector.broadcast %broadcast_in_dim3A_1523 : i1 to vector<16xi1>
    %masked_cummax3A_1525 = arith.constant -2147483648 : i32
    %masked_cummax3A_1526 = vector.broadcast %masked_cummax3A_1525 : i32 to vector<16xi32>
    %masked_cummax3A_1527 = arith.xori %get3A_1522, %masked_cummax3A_1526 : vector<16xi32>
    %masked_cummax3A_1528 = tpu.scan <max>, %masked_cummax3A_1527 masked %broadcast_in_dim3A_1524 : vector<16xi32>, vector<16xi1> -> vector<16xi32>
    %masked_cummax3A_1529 = arith.xori %masked_cummax3A_1528, %masked_cummax3A_1526 : vector<16xi32>
    %max3A_1530 = vector.broadcast %reduce_max3A_1520 : i32 to vector<16xi32>
    %max3A_1531 = arith.maxsi %masked_cummax3A_1529, %max3A_1530 : vector<16xi32>
    %swap3A_1532 = arith.constant 1008 : index
    %swap3A_1533 = tpu.vector_load %arg9[%swap3A_1532] {strides = array<i32>} : memref<1056xi32, #tpu.memory_space<vmem>>, vector<16xi32>,
    tpu.vector_store %arg9[%swap3A_1532], %max3A_1531 {strides = array<i32>} : memref<1056xi32, #tpu.memory_space<vmem>>, vector<16xi32>,
    %reduce_max3A_1534 = arith.constant true
    %reduce_max3A_1535 = vector.broadcast %reduce_max3A_1534 : i1 to vector<16xi1>
    %reduce_max3A_1536 = arith.constant -2147483648 : i32
    %reduce_max3A_1537 = vector.broadcast %reduce_max3A_1536 : i32 to vector<16xi32>
    %reduce_max3A_1538 = arith.xori %max3A_1531, %reduce_max3A_1537 : vector<16xi32>
    %reduce_max3A_1539 = tpu.scan <max>, %reduce_max3A_1538 masked %reduce_max3A_1535 : vector<16xi32>, vector<16xi1> -> vector<16xi32>
    %reduce_max3A_1540 = arith.xori %reduce_max3A_1539, %reduce_max3A_1537 : vector<16xi32>
    %reduce_max3A_1541 = vector.extract %reduce_max3A_1540[15] : i32 from vector<16xi32>
    %get3A_1542 = arith.constant 1024 : index
    %get3A_1543 = tpu.vector_load %arg8[%get3A_1542] {strides = array<i32>} : memref<1056xi32, #tpu.memory_space<vmem>>, vector<16xi32>,
    %broadcast_in_dim3A_1544 = arith.constant true
    %broadcast_in_dim3A_1545 = vector.broadcast %broadcast_in_dim3A_1544 : i1 to vector<16xi1>
    %masked_cummax3A_1546 = arith.constant -2147483648 : i32
    %masked_cummax3A_1547 = vector.broadcast %masked_cummax3A_1546 : i32 to vector<16xi32>
    %masked_cummax3A_1548 = arith.xori %get3A_1543, %masked_cummax3A_1547 : vector<16xi32>
    %masked_cummax3A_1549 = tpu.scan <max>, %masked_cummax3A_1548 masked %broadcast_in_dim3A_1545 : vector<16xi32>, vector<16xi1> -> vector<16xi32>
    %masked_cummax3A_1550 = arith.xori %masked_cummax3A_1549, %masked_cummax3A_1547 : vector<16xi32>
    %max3A_1551 = vector.broadcast %reduce_max3A_1541 : i32 to vector<16xi32>
    %max3A_1552 = arith.maxsi %masked_cummax3A_1550, %max3A_1551 : vector<16xi32>
    %swap3A_1553 = arith.constant 1024 : index
    %swap3A_1554 = tpu.vector_load %arg9[%swap3A_1553] {strides = array<i32>} : memref<1056xi32, #tpu.memory_space<vmem>>, vector<16xi32>,
    tpu.vector_store %arg9[%swap3A_1553], %max3A_1552 {strides = array<i32>} : memref<1056xi32, #tpu.memory_space<vmem>>, vector<16xi32>,
    %reduce_max3A_1555 = arith.constant true
    %reduce_max3A_1556 = vector.broadcast %reduce_max3A_1555 : i1 to vector<16xi1>
    %reduce_max3A_1557 = arith.constant -2147483648 : i32
    %reduce_max3A_1558 = vector.broadcast %reduce_max3A_1557 : i32 to vector<16xi32>
    %reduce_max3A_1559 = arith.xori %max3A_1552, %reduce_max3A_1558 : vector<16xi32>
    %reduce_max3A_1560 = tpu.scan <max>, %reduce_max3A_1559 masked %reduce_max3A_1556 : vector<16xi32>, vector<16xi1> -> vector<16xi32>
    %reduce_max3A_1561 = arith.xori %reduce_max3A_1560, %reduce_max3A_1558 : vector<16xi32>
    %reduce_max3A_1562 = vector.extract %reduce_max3A_1561[15] : i32 from vector<16xi32>
    %get3A_1563 = arith.constant 1040 : index
    %get3A_1564 = tpu.vector_load %arg8[%get3A_1563] {strides = array<i32>} : memref<1056xi32, #tpu.memory_space<vmem>>, vector<16xi32>,
    %broadcast_in_dim3A_1565 = arith.constant true
    %broadcast_in_dim3A_1566 = vector.broadcast %broadcast_in_dim3A_1565 : i1 to vector<16xi1>
    %masked_cummax3A_1567 = arith.constant -2147483648 : i32
    %masked_cummax3A_1568 = vector.broadcast %masked_cummax3A_1567 : i32 to vector<16xi32>
    %masked_cummax3A_1569 = arith.xori %get3A_1564, %masked_cummax3A_1568 : vector<16xi32>
    %masked_cummax3A_1570 = tpu.scan <max>, %masked_cummax3A_1569 masked %broadcast_in_dim3A_1566 : vector<16xi32>, vector<16xi1> -> vector<16xi32>
    %masked_cummax3A_1571 = arith.xori %masked_cummax3A_1570, %masked_cummax3A_1568 : vector<16xi32>
    %max3A_1572 = vector.broadcast %reduce_max3A_1562 : i32 to vector<16xi32>
    %max3A_1573 = arith.maxsi %masked_cummax3A_1571, %max3A_1572 : vector<16xi32>
    %swap3A_1574 = arith.constant 1040 : index
    %swap3A_1575 = tpu.vector_load %arg9[%swap3A_1574] {strides = array<i32>} : memref<1056xi32, #tpu.memory_space<vmem>>, vector<16xi32>,
    tpu.vector_store %arg9[%swap3A_1574], %max3A_1573 {strides = array<i32>} : memref<1056xi32, #tpu.memory_space<vmem>>, vector<16xi32>,
    %reduce_max3A_1576 = arith.constant true
    %reduce_max3A_1577 = vector.broadcast %reduce_max3A_1576 : i1 to vector<16xi1>
    %reduce_max3A_1578 = arith.constant -2147483648 : i32
    %reduce_max3A_1579 = vector.broadcast %reduce_max3A_1578 : i32 to vector<16xi32>
    %reduce_max3A_1580 = arith.xori %max3A_1573, %reduce_max3A_1579 : vector<16xi32>
    %reduce_max3A_1581 = tpu.scan <max>, %reduce_max3A_1580 masked %reduce_max3A_1577 : vector<16xi32>, vector<16xi1> -> vector<16xi32>
    %reduce_max3A_1582 = arith.xori %reduce_max3A_1581, %reduce_max3A_1579 : vector<16xi32>
    %reduce_max3A_1583 = vector.extract %reduce_max3A_1582[15] : i32 from vector<16xi32>
    %get3A_1584 = arith.constant 0 : index
    %get3A_1585 = tpu.vector_load %arg9[%get3A_1584] {strides = array<i32>} : memref<1056xi32, #tpu.memory_space<vmem>>, vector<16xi32>,
    %add3A_1586 = arith.constant 1 : i32
    %add3A_1587 = vector.broadcast %add3A_1586 : i32 to vector<16xi32>
    %add3A_1588 = arith.addi %add3A_1587, %iota3A : vector<16xi32>
    %gather3A = tpu.vector_load_idx %arg9[%add3A_1588] : memref<1056xi32, #tpu.memory_space<vmem>>[vector<16xi32>], vector<16xi32>,
    %sub3A_1589 = arith.subi %gather3A, %get3A_1585 : vector<16xi32>
    %swap3A_1590 = arith.constant 0 : index
    %swap3A_1591 = tpu.vector_load %arg10[%swap3A_1590] {strides = array<i32>} : memref<1024xi32, #tpu.memory_space<vmem>>, vector<16xi32>,
    tpu.vector_store %arg10[%swap3A_1590], %sub3A_1589 {strides = array<i32>} : memref<1024xi32, #tpu.memory_space<vmem>>, vector<16xi32>,
    %get3A_1592 = arith.constant 16 : index
    %get3A_1593 = tpu.vector_load %arg9[%get3A_1592] {strides = array<i32>} : memref<1056xi32, #tpu.memory_space<vmem>>, vector<16xi32>,
    %add3A_1594 = arith.constant 17 : i32
    %add3A_1595 = vector.broadcast %add3A_1594 : i32 to vector<16xi32>
    %add3A_1596 = arith.addi %add3A_1595, %iota3A : vector<16xi32>
    %gather3A_1597 = tpu.vector_load_idx %arg9[%add3A_1596] : memref<1056xi32, #tpu.memory_space<vmem>>[vector<16xi32>], vector<16xi32>,
    %sub3A_1598 = arith.subi %gather3A_1597, %get3A_1593 : vector<16xi32>
    %swap3A_1599 = arith.constant 16 : index
    %swap3A_1600 = tpu.vector_load %arg10[%swap3A_1599] {strides = array<i32>} : memref<1024xi32, #tpu.memory_space<vmem>>, vector<16xi32>,
    tpu.vector_store %arg10[%swap3A_1599], %sub3A_1598 {strides = array<i32>} : memref<1024xi32, #tpu.memory_space<vmem>>, vector<16xi32>,
    %max3A_1601 = arith.maxsi %sub3A_1589, %sub3A_1598 : vector<16xi32>
    %reduce_max3A_1602 = arith.constant true
    %reduce_max3A_1603 = vector.broadcast %reduce_max3A_1602 : i1 to vector<16xi1>
    %reduce_max3A_1604 = arith.constant -2147483648 : i32
    %reduce_max3A_1605 = vector.broadcast %reduce_max3A_1604 : i32 to vector<16xi32>
    %reduce_max3A_1606 = arith.xori %max3A_1601, %reduce_max3A_1605 : vector<16xi32>
    %reduce_max3A_1607 = tpu.scan <max>, %reduce_max3A_1606 masked %reduce_max3A_1603 : vector<16xi32>, vector<16xi1> -> vector<16xi32>
    %reduce_max3A_1608 = arith.xori %reduce_max3A_1607, %reduce_max3A_1605 : vector<16xi32>
    %reduce_max3A_1609 = vector.extract %reduce_max3A_1608[15] : i32 from vector<16xi32>
    %add3A_1610 = vector.broadcast %reduce_max3A_1609 : i32 to vector<16xi32>
    %add3A_1611 = arith.addi %broadcast_in_dim3A_3, %add3A_1610 : vector<16xi32>
    %swap3A_1612 = arith.constant 0 : index
    %swap3A_1613 = tpu.vector_load %arg11[%swap3A_1612] {strides = array<i32>} : memref<512xi32, #tpu.memory_space<vmem>>, vector<16xi32>,
    tpu.vector_store %arg11[%swap3A_1612], %add3A_1611 {strides = array<i32>} : memref<512xi32, #tpu.memory_space<vmem>>, vector<16xi32>,
    %get3A_1614 = arith.constant 32 : index
    %get3A_1615 = tpu.vector_load %arg9[%get3A_1614] {strides = array<i32>} : memref<1056xi32, #tpu.memory_space<vmem>>, vector<16xi32>,
    %add3A_1616 = arith.constant 33 : i32
    %add3A_1617 = vector.broadcast %add3A_1616 : i32 to vector<16xi32>
    %add3A_1618 = arith.addi %add3A_1617, %iota3A : vector<16xi32>
    %gather3A_1619 = tpu.vector_load_idx %arg9[%add3A_1618] : memref<1056xi32, #tpu.memory_space<vmem>>[vector<16xi32>], vector<16xi32>,
    %sub3A_1620 = arith.subi %gather3A_1619, %get3A_1615 : vector<16xi32>
    %swap3A_1621 = arith.constant 32 : index
    %swap3A_1622 = tpu.vector_load %arg10[%swap3A_1621] {strides = array<i32>} : memref<1024xi32, #tpu.memory_space<vmem>>, vector<16xi32>,
    tpu.vector_store %arg10[%swap3A_1621], %sub3A_1620 {strides = array<i32>} : memref<1024xi32, #tpu.memory_space<vmem>>, vector<16xi32>,
    %get3A_1623 = arith.constant 48 : index
    %get3A_1624 = tpu.vector_load %arg9[%get3A_1623] {strides = array<i32>} : memref<1056xi32, #tpu.memory_space<vmem>>, vector<16xi32>,
    %add3A_1625 = arith.constant 49 : i32
    %add3A_1626 = vector.broadcast %add3A_1625 : i32 to vector<16xi32>
    %add3A_1627 = arith.addi %add3A_1626, %iota3A : vector<16xi32>
    %gather3A_1628 = tpu.vector_load_idx %arg9[%add3A_1627] : memref<1056xi32, #tpu.memory_space<vmem>>[vector<16xi32>], vector<16xi32>,
    %sub3A_1629 = arith.subi %gather3A_1628, %get3A_1624 : vector<16xi32>
    %swap3A_1630 = arith.constant 48 : index
    %swap3A_1631 = tpu.vector_load %arg10[%swap3A_1630] {strides = array<i32>} : memref<1024xi32, #tpu.memory_space<vmem>>, vector<16xi32>,
    tpu.vector_store %arg10[%swap3A_1630], %sub3A_1629 {strides = array<i32>} : memref<1024xi32, #tpu.memory_space<vmem>>, vector<16xi32>,
    %max3A_1632 = arith.maxsi %sub3A_1620, %sub3A_1629 : vector<16xi32>
    %reduce_max3A_1633 = arith.constant true
    %reduce_max3A_1634 = vector.broadcast %reduce_max3A_1633 : i1 to vector<16xi1>
    %reduce_max3A_1635 = arith.constant -2147483648 : i32
    %reduce_max3A_1636 = vector.broadcast %reduce_max3A_1635 : i32 to vector<16xi32>
    %reduce_max3A_1637 = arith.xori %max3A_1632, %reduce_max3A_1636 : vector<16xi32>
    %reduce_max3A_1638 = tpu.scan <max>, %reduce_max3A_1637 masked %reduce_max3A_1634 : vector<16xi32>, vector<16xi1> -> vector<16xi32>
    %reduce_max3A_1639 = arith.xori %reduce_max3A_1638, %reduce_max3A_1636 : vector<16xi32>
    %reduce_max3A_1640 = vector.extract %reduce_max3A_1639[15] : i32 from vector<16xi32>
    %add3A_1641 = vector.broadcast %reduce_max3A_1640 : i32 to vector<16xi32>
    %add3A_1642 = arith.addi %broadcast_in_dim3A_3, %add3A_1641 : vector<16xi32>
    %swap3A_1643 = arith.constant 16 : index
    %swap3A_1644 = tpu.vector_load %arg11[%swap3A_1643] {strides = array<i32>} : memref<512xi32, #tpu.memory_space<vmem>>, vector<16xi32>,
    tpu.vector_store %arg11[%swap3A_1643], %add3A_1642 {strides = array<i32>} : memref<512xi32, #tpu.memory_space<vmem>>, vector<16xi32>,
    %get3A_1645 = arith.constant 64 : index
    %get3A_1646 = tpu.vector_load %arg9[%get3A_1645] {strides = array<i32>} : memref<1056xi32, #tpu.memory_space<vmem>>, vector<16xi32>,
    %add3A_1647 = arith.constant 65 : i32
    %add3A_1648 = vector.broadcast %add3A_1647 : i32 to vector<16xi32>
    %add3A_1649 = arith.addi %add3A_1648, %iota3A : vector<16xi32>
    %gather3A_1650 = tpu.vector_load_idx %arg9[%add3A_1649] : memref<1056xi32, #tpu.memory_space<vmem>>[vector<16xi32>], vector<16xi32>,
    %sub3A_1651 = arith.subi %gather3A_1650, %get3A_1646 : vector<16xi32>
    %swap3A_1652 = arith.constant 64 : index
    %swap3A_1653 = tpu.vector_load %arg10[%swap3A_1652] {strides = array<i32>} : memref<1024xi32, #tpu.memory_space<vmem>>, vector<16xi32>,
    tpu.vector_store %arg10[%swap3A_1652], %sub3A_1651 {strides = array<i32>} : memref<1024xi32, #tpu.memory_space<vmem>>, vector<16xi32>,
    %get3A_1654 = arith.constant 80 : index
    %get3A_1655 = tpu.vector_load %arg9[%get3A_1654] {strides = array<i32>} : memref<1056xi32, #tpu.memory_space<vmem>>, vector<16xi32>,
    %add3A_1656 = arith.constant 81 : i32
    %add3A_1657 = vector.broadcast %add3A_1656 : i32 to vector<16xi32>
    %add3A_1658 = arith.addi %add3A_1657, %iota3A : vector<16xi32>
    %gather3A_1659 = tpu.vector_load_idx %arg9[%add3A_1658] : memref<1056xi32, #tpu.memory_space<vmem>>[vector<16xi32>], vector<16xi32>,
    %sub3A_1660 = arith.subi %gather3A_1659, %get3A_1655 : vector<16xi32>
    %swap3A_1661 = arith.constant 80 : index
    %swap3A_1662 = tpu.vector_load %arg10[%swap3A_1661] {strides = array<i32>} : memref<1024xi32, #tpu.memory_space<vmem>>, vector<16xi32>,
    tpu.vector_store %arg10[%swap3A_1661], %sub3A_1660 {strides = array<i32>} : memref<1024xi32, #tpu.memory_space<vmem>>, vector<16xi32>,
    %max3A_1663 = arith.maxsi %sub3A_1651, %sub3A_1660 : vector<16xi32>
    %reduce_max3A_1664 = arith.constant true
    %reduce_max3A_1665 = vector.broadcast %reduce_max3A_1664 : i1 to vector<16xi1>
    %reduce_max3A_1666 = arith.constant -2147483648 : i32
    %reduce_max3A_1667 = vector.broadcast %reduce_max3A_1666 : i32 to vector<16xi32>
    %reduce_max3A_1668 = arith.xori %max3A_1663, %reduce_max3A_1667 : vector<16xi32>
    %reduce_max3A_1669 = tpu.scan <max>, %reduce_max3A_1668 masked %reduce_max3A_1665 : vector<16xi32>, vector<16xi1> -> vector<16xi32>
    %reduce_max3A_1670 = arith.xori %reduce_max3A_1669, %reduce_max3A_1667 : vector<16xi32>
    %reduce_max3A_1671 = vector.extract %reduce_max3A_1670[15] : i32 from vector<16xi32>
    %add3A_1672 = vector.broadcast %reduce_max3A_1671 : i32 to vector<16xi32>
    %add3A_1673 = arith.addi %broadcast_in_dim3A_3, %add3A_1672 : vector<16xi32>
    %swap3A_1674 = arith.constant 32 : index
    %swap3A_1675 = tpu.vector_load %arg11[%swap3A_1674] {strides = array<i32>} : memref<512xi32, #tpu.memory_space<vmem>>, vector<16xi32>,
    tpu.vector_store %arg11[%swap3A_1674], %add3A_1673 {strides = array<i32>} : memref<512xi32, #tpu.memory_space<vmem>>, vector<16xi32>,
    %get3A_1676 = arith.constant 96 : index
    %get3A_1677 = tpu.vector_load %arg9[%get3A_1676] {strides = array<i32>} : memref<1056xi32, #tpu.memory_space<vmem>>, vector<16xi32>,
    %add3A_1678 = arith.constant 97 : i32
    %add3A_1679 = vector.broadcast %add3A_1678 : i32 to vector<16xi32>
    %add3A_1680 = arith.addi %add3A_1679, %iota3A : vector<16xi32>
    %gather3A_1681 = tpu.vector_load_idx %arg9[%add3A_1680] : memref<1056xi32, #tpu.memory_space<vmem>>[vector<16xi32>], vector<16xi32>,
    %sub3A_1682 = arith.subi %gather3A_1681, %get3A_1677 : vector<16xi32>
    %swap3A_1683 = arith.constant 96 : index
    %swap3A_1684 = tpu.vector_load %arg10[%swap3A_1683] {strides = array<i32>} : memref<1024xi32, #tpu.memory_space<vmem>>, vector<16xi32>,
    tpu.vector_store %arg10[%swap3A_1683], %sub3A_1682 {strides = array<i32>} : memref<1024xi32, #tpu.memory_space<vmem>>, vector<16xi32>,
    %get3A_1685 = arith.constant 112 : index
    %get3A_1686 = tpu.vector_load %arg9[%get3A_1685] {strides = array<i32>} : memref<1056xi32, #tpu.memory_space<vmem>>, vector<16xi32>,
    %add3A_1687 = arith.constant 113 : i32
    %add3A_1688 = vector.broadcast %add3A_1687 : i32 to vector<16xi32>
    %add3A_1689 = arith.addi %add3A_1688, %iota3A : vector<16xi32>
    %gather3A_1690 = tpu.vector_load_idx %arg9[%add3A_1689] : memref<1056xi32, #tpu.memory_space<vmem>>[vector<16xi32>], vector<16xi32>,
    %sub3A_1691 = arith.subi %gather3A_1690, %get3A_1686 : vector<16xi32>
    %swap3A_1692 = arith.constant 112 : index
    %swap3A_1693 = tpu.vector_load %arg10[%swap3A_1692] {strides = array<i32>} : memref<1024xi32, #tpu.memory_space<vmem>>, vector<16xi32>,
    tpu.vector_store %arg10[%swap3A_1692], %sub3A_1691 {strides = array<i32>} : memref<1024xi32, #tpu.memory_space<vmem>>, vector<16xi32>,
    %max3A_1694 = arith.maxsi %sub3A_1682, %sub3A_1691 : vector<16xi32>
    %reduce_max3A_1695 = arith.constant true
    %reduce_max3A_1696 = vector.broadcast %reduce_max3A_1695 : i1 to vector<16xi1>
    %reduce_max3A_1697 = arith.constant -2147483648 : i32
    %reduce_max3A_1698 = vector.broadcast %reduce_max3A_1697 : i32 to vector<16xi32>
    %reduce_max3A_1699 = arith.xori %max3A_1694, %reduce_max3A_1698 : vector<16xi32>
    %reduce_max3A_1700 = tpu.scan <max>, %reduce_max3A_1699 masked %reduce_max3A_1696 : vector<16xi32>, vector<16xi1> -> vector<16xi32>
    %reduce_max3A_1701 = arith.xori %reduce_max3A_1700, %reduce_max3A_1698 : vector<16xi32>
    %reduce_max3A_1702 = vector.extract %reduce_max3A_1701[15] : i32 from vector<16xi32>
    %add3A_1703 = vector.broadcast %reduce_max3A_1702 : i32 to vector<16xi32>
    %add3A_1704 = arith.addi %broadcast_in_dim3A_3, %add3A_1703 : vector<16xi32>
    %swap3A_1705 = arith.constant 48 : index
    %swap3A_1706 = tpu.vector_load %arg11[%swap3A_1705] {strides = array<i32>} : memref<512xi32, #tpu.memory_space<vmem>>, vector<16xi32>,
    tpu.vector_store %arg11[%swap3A_1705], %add3A_1704 {strides = array<i32>} : memref<512xi32, #tpu.memory_space<vmem>>, vector<16xi32>,
    %get3A_1707 = arith.constant 128 : index
    %get3A_1708 = tpu.vector_load %arg9[%get3A_1707] {strides = array<i32>} : memref<1056xi32, #tpu.memory_space<vmem>>, vector<16xi32>,
    %add3A_1709 = arith.constant 129 : i32
    %add3A_1710 = vector.broadcast %add3A_1709 : i32 to vector<16xi32>
    %add3A_1711 = arith.addi %add3A_1710, %iota3A : vector<16xi32>
    %gather3A_1712 = tpu.vector_load_idx %arg9[%add3A_1711] : memref<1056xi32, #tpu.memory_space<vmem>>[vector<16xi32>], vector<16xi32>,
    %sub3A_1713 = arith.subi %gather3A_1712, %get3A_1708 : vector<16xi32>
    %swap3A_1714 = arith.constant 128 : index
    %swap3A_1715 = tpu.vector_load %arg10[%swap3A_1714] {strides = array<i32>} : memref<1024xi32, #tpu.memory_space<vmem>>, vector<16xi32>,
    tpu.vector_store %arg10[%swap3A_1714], %sub3A_1713 {strides = array<i32>} : memref<1024xi32, #tpu.memory_space<vmem>>, vector<16xi32>,
    %get3A_1716 = arith.constant 144 : index
    %get3A_1717 = tpu.vector_load %arg9[%get3A_1716] {strides = array<i32>} : memref<1056xi32, #tpu.memory_space<vmem>>, vector<16xi32>,
    %add3A_1718 = arith.constant 145 : i32
    %add3A_1719 = vector.broadcast %add3A_1718 : i32 to vector<16xi32>
    %add3A_1720 = arith.addi %add3A_1719, %iota3A : vector<16xi32>
    %gather3A_1721 = tpu.vector_load_idx %arg9[%add3A_1720] : memref<1056xi32, #tpu.memory_space<vmem>>[vector<16xi32>], vector<16xi32>,
    %sub3A_1722 = arith.subi %gather3A_1721, %get3A_1717 : vector<16xi32>
    %swap3A_1723 = arith.constant 144 : index
    %swap3A_1724 = tpu.vector_load %arg10[%swap3A_1723] {strides = array<i32>} : memref<1024xi32, #tpu.memory_space<vmem>>, vector<16xi32>,
    tpu.vector_store %arg10[%swap3A_1723], %sub3A_1722 {strides = array<i32>} : memref<1024xi32, #tpu.memory_space<vmem>>, vector<16xi32>,
    %max3A_1725 = arith.maxsi %sub3A_1713, %sub3A_1722 : vector<16xi32>
    %reduce_max3A_1726 = arith.constant true
    %reduce_max3A_1727 = vector.broadcast %reduce_max3A_1726 : i1 to vector<16xi1>
    %reduce_max3A_1728 = arith.constant -2147483648 : i32
    %reduce_max3A_1729 = vector.broadcast %reduce_max3A_1728 : i32 to vector<16xi32>
    %reduce_max3A_1730 = arith.xori %max3A_1725, %reduce_max3A_1729 : vector<16xi32>
    %reduce_max3A_1731 = tpu.scan <max>, %reduce_max3A_1730 masked %reduce_max3A_1727 : vector<16xi32>, vector<16xi1> -> vector<16xi32>
    %reduce_max3A_1732 = arith.xori %reduce_max3A_1731, %reduce_max3A_1729 : vector<16xi32>
    %reduce_max3A_1733 = vector.extract %reduce_max3A_1732[15] : i32 from vector<16xi32>
    %add3A_1734 = vector.broadcast %reduce_max3A_1733 : i32 to vector<16xi32>
    %add3A_1735 = arith.addi %broadcast_in_dim3A_3, %add3A_1734 : vector<16xi32>
    %swap3A_1736 = arith.constant 64 : index
    %swap3A_1737 = tpu.vector_load %arg11[%swap3A_1736] {strides = array<i32>} : memref<512xi32, #tpu.memory_space<vmem>>, vector<16xi32>,
    tpu.vector_store %arg11[%swap3A_1736], %add3A_1735 {strides = array<i32>} : memref<512xi32, #tpu.memory_space<vmem>>, vector<16xi32>,
    %get3A_1738 = arith.constant 160 : index
    %get3A_1739 = tpu.vector_load %arg9[%get3A_1738] {strides = array<i32>} : memref<1056xi32, #tpu.memory_space<vmem>>, vector<16xi32>,
    %add3A_1740 = arith.constant 161 : i32
    %add3A_1741 = vector.broadcast %add3A_1740 : i32 to vector<16xi32>
    %add3A_1742 = arith.addi %add3A_1741, %iota3A : vector<16xi32>
    %gather3A_1743 = tpu.vector_load_idx %arg9[%add3A_1742] : memref<1056xi32, #tpu.memory_space<vmem>>[vector<16xi32>], vector<16xi32>,
    %sub3A_1744 = arith.subi %gather3A_1743, %get3A_1739 : vector<16xi32>
    %swap3A_1745 = arith.constant 160 : index
    %swap3A_1746 = tpu.vector_load %arg10[%swap3A_1745] {strides = array<i32>} : memref<1024xi32, #tpu.memory_space<vmem>>, vector<16xi32>,
    tpu.vector_store %arg10[%swap3A_1745], %sub3A_1744 {strides = array<i32>} : memref<1024xi32, #tpu.memory_space<vmem>>, vector<16xi32>,
    %get3A_1747 = arith.constant 176 : index
    %get3A_1748 = tpu.vector_load %arg9[%get3A_1747] {strides = array<i32>} : memref<1056xi32, #tpu.memory_space<vmem>>, vector<16xi32>,
    %add3A_1749 = arith.constant 177 : i32
    %add3A_1750 = vector.broadcast %add3A_1749 : i32 to vector<16xi32>
    %add3A_1751 = arith.addi %add3A_1750, %iota3A : vector<16xi32>
    %gather3A_1752 = tpu.vector_load_idx %arg9[%add3A_1751] : memref<1056xi32, #tpu.memory_space<vmem>>[vector<16xi32>], vector<16xi32>,
    %sub3A_1753 = arith.subi %gather3A_1752, %get3A_1748 : vector<16xi32>
    %swap3A_1754 = arith.constant 176 : index
    %swap3A_1755 = tpu.vector_load %arg10[%swap3A_1754] {strides = array<i32>} : memref<1024xi32, #tpu.memory_space<vmem>>, vector<16xi32>,
    tpu.vector_store %arg10[%swap3A_1754], %sub3A_1753 {strides = array<i32>} : memref<1024xi32, #tpu.memory_space<vmem>>, vector<16xi32>,
    %max3A_1756 = arith.maxsi %sub3A_1744, %sub3A_1753 : vector<16xi32>
    %reduce_max3A_1757 = arith.constant true
    %reduce_max3A_1758 = vector.broadcast %reduce_max3A_1757 : i1 to vector<16xi1>
    %reduce_max3A_1759 = arith.constant -2147483648 : i32
    %reduce_max3A_1760 = vector.broadcast %reduce_max3A_1759 : i32 to vector<16xi32>
    %reduce_max3A_1761 = arith.xori %max3A_1756, %reduce_max3A_1760 : vector<16xi32>
    %reduce_max3A_1762 = tpu.scan <max>, %reduce_max3A_1761 masked %reduce_max3A_1758 : vector<16xi32>, vector<16xi1> -> vector<16xi32>
    %reduce_max3A_1763 = arith.xori %reduce_max3A_1762, %reduce_max3A_1760 : vector<16xi32>
    %reduce_max3A_1764 = vector.extract %reduce_max3A_1763[15] : i32 from vector<16xi32>
    %add3A_1765 = vector.broadcast %reduce_max3A_1764 : i32 to vector<16xi32>
    %add3A_1766 = arith.addi %broadcast_in_dim3A_3, %add3A_1765 : vector<16xi32>
    %swap3A_1767 = arith.constant 80 : index
    %swap3A_1768 = tpu.vector_load %arg11[%swap3A_1767] {strides = array<i32>} : memref<512xi32, #tpu.memory_space<vmem>>, vector<16xi32>,
    tpu.vector_store %arg11[%swap3A_1767], %add3A_1766 {strides = array<i32>} : memref<512xi32, #tpu.memory_space<vmem>>, vector<16xi32>,
    %get3A_1769 = arith.constant 192 : index
    %get3A_1770 = tpu.vector_load %arg9[%get3A_1769] {strides = array<i32>} : memref<1056xi32, #tpu.memory_space<vmem>>, vector<16xi32>,
    %add3A_1771 = arith.constant 193 : i32
    %add3A_1772 = vector.broadcast %add3A_1771 : i32 to vector<16xi32>
    %add3A_1773 = arith.addi %add3A_1772, %iota3A : vector<16xi32>
    %gather3A_1774 = tpu.vector_load_idx %arg9[%add3A_1773] : memref<1056xi32, #tpu.memory_space<vmem>>[vector<16xi32>], vector<16xi32>,
    %sub3A_1775 = arith.subi %gather3A_1774, %get3A_1770 : vector<16xi32>
    %swap3A_1776 = arith.constant 192 : index
    %swap3A_1777 = tpu.vector_load %arg10[%swap3A_1776] {strides = array<i32>} : memref<1024xi32, #tpu.memory_space<vmem>>, vector<16xi32>,
    tpu.vector_store %arg10[%swap3A_1776], %sub3A_1775 {strides = array<i32>} : memref<1024xi32, #tpu.memory_space<vmem>>, vector<16xi32>,
    %get3A_1778 = arith.constant 208 : index
    %get3A_1779 = tpu.vector_load %arg9[%get3A_1778] {strides = array<i32>} : memref<1056xi32, #tpu.memory_space<vmem>>, vector<16xi32>,
    %add3A_1780 = arith.constant 209 : i32
    %add3A_1781 = vector.broadcast %add3A_1780 : i32 to vector<16xi32>
    %add3A_1782 = arith.addi %add3A_1781, %iota3A : vector<16xi32>
    %gather3A_1783 = tpu.vector_load_idx %arg9[%add3A_1782] : memref<1056xi32, #tpu.memory_space<vmem>>[vector<16xi32>], vector<16xi32>,
    %sub3A_1784 = arith.subi %gather3A_1783, %get3A_1779 : vector<16xi32>
    %swap3A_1785 = arith.constant 208 : index
    %swap3A_1786 = tpu.vector_load %arg10[%swap3A_1785] {strides = array<i32>} : memref<1024xi32, #tpu.memory_space<vmem>>, vector<16xi32>,
    tpu.vector_store %arg10[%swap3A_1785], %sub3A_1784 {strides = array<i32>} : memref<1024xi32, #tpu.memory_space<vmem>>, vector<16xi32>,
    %max3A_1787 = arith.maxsi %sub3A_1775, %sub3A_1784 : vector<16xi32>
    %reduce_max3A_1788 = arith.constant true
    %reduce_max3A_1789 = vector.broadcast %reduce_max3A_1788 : i1 to vector<16xi1>
    %reduce_max3A_1790 = arith.constant -2147483648 : i32
    %reduce_max3A_1791 = vector.broadcast %reduce_max3A_1790 : i32 to vector<16xi32>
    %reduce_max3A_1792 = arith.xori %max3A_1787, %reduce_max3A_1791 : vector<16xi32>
    %reduce_max3A_1793 = tpu.scan <max>, %reduce_max3A_1792 masked %reduce_max3A_1789 : vector<16xi32>, vector<16xi1> -> vector<16xi32>
    %reduce_max3A_1794 = arith.xori %reduce_max3A_1793, %reduce_max3A_1791 : vector<16xi32>
    %reduce_max3A_1795 = vector.extract %reduce_max3A_1794[15] : i32 from vector<16xi32>
    %add3A_1796 = vector.broadcast %reduce_max3A_1795 : i32 to vector<16xi32>
    %add3A_1797 = arith.addi %broadcast_in_dim3A_3, %add3A_1796 : vector<16xi32>
    %swap3A_1798 = arith.constant 96 : index
    %swap3A_1799 = tpu.vector_load %arg11[%swap3A_1798] {strides = array<i32>} : memref<512xi32, #tpu.memory_space<vmem>>, vector<16xi32>,
    tpu.vector_store %arg11[%swap3A_1798], %add3A_1797 {strides = array<i32>} : memref<512xi32, #tpu.memory_space<vmem>>, vector<16xi32>,
    %get3A_1800 = arith.constant 224 : index
    %get3A_1801 = tpu.vector_load %arg9[%get3A_1800] {strides = array<i32>} : memref<1056xi32, #tpu.memory_space<vmem>>, vector<16xi32>,
    %add3A_1802 = arith.constant 225 : i32
    %add3A_1803 = vector.broadcast %add3A_1802 : i32 to vector<16xi32>
    %add3A_1804 = arith.addi %add3A_1803, %iota3A : vector<16xi32>
    %gather3A_1805 = tpu.vector_load_idx %arg9[%add3A_1804] : memref<1056xi32, #tpu.memory_space<vmem>>[vector<16xi32>], vector<16xi32>,
    %sub3A_1806 = arith.subi %gather3A_1805, %get3A_1801 : vector<16xi32>
    %swap3A_1807 = arith.constant 224 : index
    %swap3A_1808 = tpu.vector_load %arg10[%swap3A_1807] {strides = array<i32>} : memref<1024xi32, #tpu.memory_space<vmem>>, vector<16xi32>,
    tpu.vector_store %arg10[%swap3A_1807], %sub3A_1806 {strides = array<i32>} : memref<1024xi32, #tpu.memory_space<vmem>>, vector<16xi32>,
    %get3A_1809 = arith.constant 240 : index
    %get3A_1810 = tpu.vector_load %arg9[%get3A_1809] {strides = array<i32>} : memref<1056xi32, #tpu.memory_space<vmem>>, vector<16xi32>,
    %add3A_1811 = arith.constant 241 : i32
    %add3A_1812 = vector.broadcast %add3A_1811 : i32 to vector<16xi32>
    %add3A_1813 = arith.addi %add3A_1812, %iota3A : vector<16xi32>
    %gather3A_1814 = tpu.vector_load_idx %arg9[%add3A_1813] : memref<1056xi32, #tpu.memory_space<vmem>>[vector<16xi32>], vector<16xi32>,
    %sub3A_1815 = arith.subi %gather3A_1814, %get3A_1810 : vector<16xi32>
    %swap3A_1816 = arith.constant 240 : index
    %swap3A_1817 = tpu.vector_load %arg10[%swap3A_1816] {strides = array<i32>} : memref<1024xi32, #tpu.memory_space<vmem>>, vector<16xi32>,
    tpu.vector_store %arg10[%swap3A_1816], %sub3A_1815 {strides = array<i32>} : memref<1024xi32, #tpu.memory_space<vmem>>, vector<16xi32>,
    %max3A_1818 = arith.maxsi %sub3A_1806, %sub3A_1815 : vector<16xi32>
    %reduce_max3A_1819 = arith.constant true
    %reduce_max3A_1820 = vector.broadcast %reduce_max3A_1819 : i1 to vector<16xi1>
    %reduce_max3A_1821 = arith.constant -2147483648 : i32
    %reduce_max3A_1822 = vector.broadcast %reduce_max3A_1821 : i32 to vector<16xi32>
    %reduce_max3A_1823 = arith.xori %max3A_1818, %reduce_max3A_1822 : vector<16xi32>
    %reduce_max3A_1824 = tpu.scan <max>, %reduce_max3A_1823 masked %reduce_max3A_1820 : vector<16xi32>, vector<16xi1> -> vector<16xi32>
    %reduce_max3A_1825 = arith.xori %reduce_max3A_1824, %reduce_max3A_1822 : vector<16xi32>
    %reduce_max3A_1826 = vector.extract %reduce_max3A_1825[15] : i32 from vector<16xi32>
    %add3A_1827 = vector.broadcast %reduce_max3A_1826 : i32 to vector<16xi32>
    %add3A_1828 = arith.addi %broadcast_in_dim3A_3, %add3A_1827 : vector<16xi32>
    %swap3A_1829 = arith.constant 112 : index
    %swap3A_1830 = tpu.vector_load %arg11[%swap3A_1829] {strides = array<i32>} : memref<512xi32, #tpu.memory_space<vmem>>, vector<16xi32>,
    tpu.vector_store %arg11[%swap3A_1829], %add3A_1828 {strides = array<i32>} : memref<512xi32, #tpu.memory_space<vmem>>, vector<16xi32>,
    %get3A_1831 = arith.constant 256 : index
    %get3A_1832 = tpu.vector_load %arg9[%get3A_1831] {strides = array<i32>} : memref<1056xi32, #tpu.memory_space<vmem>>, vector<16xi32>,
    %add3A_1833 = arith.constant 257 : i32
    %add3A_1834 = vector.broadcast %add3A_1833 : i32 to vector<16xi32>
    %add3A_1835 = arith.addi %add3A_1834, %iota3A : vector<16xi32>
    %gather3A_1836 = tpu.vector_load_idx %arg9[%add3A_1835] : memref<1056xi32, #tpu.memory_space<vmem>>[vector<16xi32>], vector<16xi32>,
    %sub3A_1837 = arith.subi %gather3A_1836, %get3A_1832 : vector<16xi32>
    %swap3A_1838 = arith.constant 256 : index
    %swap3A_1839 = tpu.vector_load %arg10[%swap3A_1838] {strides = array<i32>} : memref<1024xi32, #tpu.memory_space<vmem>>, vector<16xi32>,
    tpu.vector_store %arg10[%swap3A_1838], %sub3A_1837 {strides = array<i32>} : memref<1024xi32, #tpu.memory_space<vmem>>, vector<16xi32>,
    %get3A_1840 = arith.constant 272 : index
    %get3A_1841 = tpu.vector_load %arg9[%get3A_1840] {strides = array<i32>} : memref<1056xi32, #tpu.memory_space<vmem>>, vector<16xi32>,
    %add3A_1842 = arith.constant 273 : i32
    %add3A_1843 = vector.broadcast %add3A_1842 : i32 to vector<16xi32>
    %add3A_1844 = arith.addi %add3A_1843, %iota3A : vector<16xi32>
    %gather3A_1845 = tpu.vector_load_idx %arg9[%add3A_1844] : memref<1056xi32, #tpu.memory_space<vmem>>[vector<16xi32>], vector<16xi32>,
    %sub3A_1846 = arith.subi %gather3A_1845, %get3A_1841 : vector<16xi32>
    %swap3A_1847 = arith.constant 272 : index
    %swap3A_1848 = tpu.vector_load %arg10[%swap3A_1847] {strides = array<i32>} : memref<1024xi32, #tpu.memory_space<vmem>>, vector<16xi32>,
    tpu.vector_store %arg10[%swap3A_1847], %sub3A_1846 {strides = array<i32>} : memref<1024xi32, #tpu.memory_space<vmem>>, vector<16xi32>,
    %max3A_1849 = arith.maxsi %sub3A_1837, %sub3A_1846 : vector<16xi32>
    %reduce_max3A_1850 = arith.constant true
    %reduce_max3A_1851 = vector.broadcast %reduce_max3A_1850 : i1 to vector<16xi1>
    %reduce_max3A_1852 = arith.constant -2147483648 : i32
    %reduce_max3A_1853 = vector.broadcast %reduce_max3A_1852 : i32 to vector<16xi32>
    %reduce_max3A_1854 = arith.xori %max3A_1849, %reduce_max3A_1853 : vector<16xi32>
    %reduce_max3A_1855 = tpu.scan <max>, %reduce_max3A_1854 masked %reduce_max3A_1851 : vector<16xi32>, vector<16xi1> -> vector<16xi32>
    %reduce_max3A_1856 = arith.xori %reduce_max3A_1855, %reduce_max3A_1853 : vector<16xi32>
    %reduce_max3A_1857 = vector.extract %reduce_max3A_1856[15] : i32 from vector<16xi32>
    %add3A_1858 = vector.broadcast %reduce_max3A_1857 : i32 to vector<16xi32>
    %add3A_1859 = arith.addi %broadcast_in_dim3A_3, %add3A_1858 : vector<16xi32>
    %swap3A_1860 = arith.constant 128 : index
    %swap3A_1861 = tpu.vector_load %arg11[%swap3A_1860] {strides = array<i32>} : memref<512xi32, #tpu.memory_space<vmem>>, vector<16xi32>,
    tpu.vector_store %arg11[%swap3A_1860], %add3A_1859 {strides = array<i32>} : memref<512xi32, #tpu.memory_space<vmem>>, vector<16xi32>,
    %get3A_1862 = arith.constant 288 : index
    %get3A_1863 = tpu.vector_load %arg9[%get3A_1862] {strides = array<i32>} : memref<1056xi32, #tpu.memory_space<vmem>>, vector<16xi32>,
    %add3A_1864 = arith.constant 289 : i32
    %add3A_1865 = vector.broadcast %add3A_1864 : i32 to vector<16xi32>
    %add3A_1866 = arith.addi %add3A_1865, %iota3A : vector<16xi32>
    %gather3A_1867 = tpu.vector_load_idx %arg9[%add3A_1866] : memref<1056xi32, #tpu.memory_space<vmem>>[vector<16xi32>], vector<16xi32>,
    %sub3A_1868 = arith.subi %gather3A_1867, %get3A_1863 : vector<16xi32>
    %swap3A_1869 = arith.constant 288 : index
    %swap3A_1870 = tpu.vector_load %arg10[%swap3A_1869] {strides = array<i32>} : memref<1024xi32, #tpu.memory_space<vmem>>, vector<16xi32>,
    tpu.vector_store %arg10[%swap3A_1869], %sub3A_1868 {strides = array<i32>} : memref<1024xi32, #tpu.memory_space<vmem>>, vector<16xi32>,
    %get3A_1871 = arith.constant 304 : index
    %get3A_1872 = tpu.vector_load %arg9[%get3A_1871] {strides = array<i32>} : memref<1056xi32, #tpu.memory_space<vmem>>, vector<16xi32>,
    %add3A_1873 = arith.constant 305 : i32
    %add3A_1874 = vector.broadcast %add3A_1873 : i32 to vector<16xi32>
    %add3A_1875 = arith.addi %add3A_1874, %iota3A : vector<16xi32>
    %gather3A_1876 = tpu.vector_load_idx %arg9[%add3A_1875] : memref<1056xi32, #tpu.memory_space<vmem>>[vector<16xi32>], vector<16xi32>,
    %sub3A_1877 = arith.subi %gather3A_1876, %get3A_1872 : vector<16xi32>
    %swap3A_1878 = arith.constant 304 : index
    %swap3A_1879 = tpu.vector_load %arg10[%swap3A_1878] {strides = array<i32>} : memref<1024xi32, #tpu.memory_space<vmem>>, vector<16xi32>,
    tpu.vector_store %arg10[%swap3A_1878], %sub3A_1877 {strides = array<i32>} : memref<1024xi32, #tpu.memory_space<vmem>>, vector<16xi32>,
    %max3A_1880 = arith.maxsi %sub3A_1868, %sub3A_1877 : vector<16xi32>
    %reduce_max3A_1881 = arith.constant true
    %reduce_max3A_1882 = vector.broadcast %reduce_max3A_1881 : i1 to vector<16xi1>
    %reduce_max3A_1883 = arith.constant -2147483648 : i32
    %reduce_max3A_1884 = vector.broadcast %reduce_max3A_1883 : i32 to vector<16xi32>
    %reduce_max3A_1885 = arith.xori %max3A_1880, %reduce_max3A_1884 : vector<16xi32>
    %reduce_max3A_1886 = tpu.scan <max>, %reduce_max3A_1885 masked %reduce_max3A_1882 : vector<16xi32>, vector<16xi1> -> vector<16xi32>
    %reduce_max3A_1887 = arith.xori %reduce_max3A_1886, %reduce_max3A_1884 : vector<16xi32>
    %reduce_max3A_1888 = vector.extract %reduce_max3A_1887[15] : i32 from vector<16xi32>
    %add3A_1889 = vector.broadcast %reduce_max3A_1888 : i32 to vector<16xi32>
    %add3A_1890 = arith.addi %broadcast_in_dim3A_3, %add3A_1889 : vector<16xi32>
    %swap3A_1891 = arith.constant 144 : index
    %swap3A_1892 = tpu.vector_load %arg11[%swap3A_1891] {strides = array<i32>} : memref<512xi32, #tpu.memory_space<vmem>>, vector<16xi32>,
    tpu.vector_store %arg11[%swap3A_1891], %add3A_1890 {strides = array<i32>} : memref<512xi32, #tpu.memory_space<vmem>>, vector<16xi32>,
    %get3A_1893 = arith.constant 320 : index
    %get3A_1894 = tpu.vector_load %arg9[%get3A_1893] {strides = array<i32>} : memref<1056xi32, #tpu.memory_space<vmem>>, vector<16xi32>,
    %add3A_1895 = arith.constant 321 : i32
    %add3A_1896 = vector.broadcast %add3A_1895 : i32 to vector<16xi32>
    %add3A_1897 = arith.addi %add3A_1896, %iota3A : vector<16xi32>
    %gather3A_1898 = tpu.vector_load_idx %arg9[%add3A_1897] : memref<1056xi32, #tpu.memory_space<vmem>>[vector<16xi32>], vector<16xi32>,
    %sub3A_1899 = arith.subi %gather3A_1898, %get3A_1894 : vector<16xi32>
    %swap3A_1900 = arith.constant 320 : index
    %swap3A_1901 = tpu.vector_load %arg10[%swap3A_1900] {strides = array<i32>} : memref<1024xi32, #tpu.memory_space<vmem>>, vector<16xi32>,
    tpu.vector_store %arg10[%swap3A_1900], %sub3A_1899 {strides = array<i32>} : memref<1024xi32, #tpu.memory_space<vmem>>, vector<16xi32>,
    %get3A_1902 = arith.constant 336 : index
    %get3A_1903 = tpu.vector_load %arg9[%get3A_1902] {strides = array<i32>} : memref<1056xi32, #tpu.memory_space<vmem>>, vector<16xi32>,
    %add3A_1904 = arith.constant 337 : i32
    %add3A_1905 = vector.broadcast %add3A_1904 : i32 to vector<16xi32>
    %add3A_1906 = arith.addi %add3A_1905, %iota3A : vector<16xi32>
    %gather3A_1907 = tpu.vector_load_idx %arg9[%add3A_1906] : memref<1056xi32, #tpu.memory_space<vmem>>[vector<16xi32>], vector<16xi32>,
    %sub3A_1908 = arith.subi %gather3A_1907, %get3A_1903 : vector<16xi32>
    %swap3A_1909 = arith.constant 336 : index
    %swap3A_1910 = tpu.vector_load %arg10[%swap3A_1909] {strides = array<i32>} : memref<1024xi32, #tpu.memory_space<vmem>>, vector<16xi32>,
    tpu.vector_store %arg10[%swap3A_1909], %sub3A_1908 {strides = array<i32>} : memref<1024xi32, #tpu.memory_space<vmem>>, vector<16xi32>,
    %max3A_1911 = arith.maxsi %sub3A_1899, %sub3A_1908 : vector<16xi32>
    %reduce_max3A_1912 = arith.constant true
    %reduce_max3A_1913 = vector.broadcast %reduce_max3A_1912 : i1 to vector<16xi1>
    %reduce_max3A_1914 = arith.constant -2147483648 : i32
    %reduce_max3A_1915 = vector.broadcast %reduce_max3A_1914 : i32 to vector<16xi32>
    %reduce_max3A_1916 = arith.xori %max3A_1911, %reduce_max3A_1915 : vector<16xi32>
    %reduce_max3A_1917 = tpu.scan <max>, %reduce_max3A_1916 masked %reduce_max3A_1913 : vector<16xi32>, vector<16xi1> -> vector<16xi32>
    %reduce_max3A_1918 = arith.xori %reduce_max3A_1917, %reduce_max3A_1915 : vector<16xi32>
    %reduce_max3A_1919 = vector.extract %reduce_max3A_1918[15] : i32 from vector<16xi32>
    %add3A_1920 = vector.broadcast %reduce_max3A_1919 : i32 to vector<16xi32>
    %add3A_1921 = arith.addi %broadcast_in_dim3A_3, %add3A_1920 : vector<16xi32>
    %swap3A_1922 = arith.constant 160 : index
    %swap3A_1923 = tpu.vector_load %arg11[%swap3A_1922] {strides = array<i32>} : memref<512xi32, #tpu.memory_space<vmem>>, vector<16xi32>,
    tpu.vector_store %arg11[%swap3A_1922], %add3A_1921 {strides = array<i32>} : memref<512xi32, #tpu.memory_space<vmem>>, vector<16xi32>,
    %get3A_1924 = arith.constant 352 : index
    %get3A_1925 = tpu.vector_load %arg9[%get3A_1924] {strides = array<i32>} : memref<1056xi32, #tpu.memory_space<vmem>>, vector<16xi32>,
    %add3A_1926 = arith.constant 353 : i32
    %add3A_1927 = vector.broadcast %add3A_1926 : i32 to vector<16xi32>
    %add3A_1928 = arith.addi %add3A_1927, %iota3A : vector<16xi32>
    %gather3A_1929 = tpu.vector_load_idx %arg9[%add3A_1928] : memref<1056xi32, #tpu.memory_space<vmem>>[vector<16xi32>], vector<16xi32>,
    %sub3A_1930 = arith.subi %gather3A_1929, %get3A_1925 : vector<16xi32>
    %swap3A_1931 = arith.constant 352 : index
    %swap3A_1932 = tpu.vector_load %arg10[%swap3A_1931] {strides = array<i32>} : memref<1024xi32, #tpu.memory_space<vmem>>, vector<16xi32>,
    tpu.vector_store %arg10[%swap3A_1931], %sub3A_1930 {strides = array<i32>} : memref<1024xi32, #tpu.memory_space<vmem>>, vector<16xi32>,
    %get3A_1933 = arith.constant 368 : index
    %get3A_1934 = tpu.vector_load %arg9[%get3A_1933] {strides = array<i32>} : memref<1056xi32, #tpu.memory_space<vmem>>, vector<16xi32>,
    %add3A_1935 = arith.constant 369 : i32
    %add3A_1936 = vector.broadcast %add3A_1935 : i32 to vector<16xi32>
    %add3A_1937 = arith.addi %add3A_1936, %iota3A : vector<16xi32>
    %gather3A_1938 = tpu.vector_load_idx %arg9[%add3A_1937] : memref<1056xi32, #tpu.memory_space<vmem>>[vector<16xi32>], vector<16xi32>,
    %sub3A_1939 = arith.subi %gather3A_1938, %get3A_1934 : vector<16xi32>
    %swap3A_1940 = arith.constant 368 : index
    %swap3A_1941 = tpu.vector_load %arg10[%swap3A_1940] {strides = array<i32>} : memref<1024xi32, #tpu.memory_space<vmem>>, vector<16xi32>,
    tpu.vector_store %arg10[%swap3A_1940], %sub3A_1939 {strides = array<i32>} : memref<1024xi32, #tpu.memory_space<vmem>>, vector<16xi32>,
    %max3A_1942 = arith.maxsi %sub3A_1930, %sub3A_1939 : vector<16xi32>
    %reduce_max3A_1943 = arith.constant true
    %reduce_max3A_1944 = vector.broadcast %reduce_max3A_1943 : i1 to vector<16xi1>
    %reduce_max3A_1945 = arith.constant -2147483648 : i32
    %reduce_max3A_1946 = vector.broadcast %reduce_max3A_1945 : i32 to vector<16xi32>
    %reduce_max3A_1947 = arith.xori %max3A_1942, %reduce_max3A_1946 : vector<16xi32>
    %reduce_max3A_1948 = tpu.scan <max>, %reduce_max3A_1947 masked %reduce_max3A_1944 : vector<16xi32>, vector<16xi1> -> vector<16xi32>
    %reduce_max3A_1949 = arith.xori %reduce_max3A_1948, %reduce_max3A_1946 : vector<16xi32>
    %reduce_max3A_1950 = vector.extract %reduce_max3A_1949[15] : i32 from vector<16xi32>
    %add3A_1951 = vector.broadcast %reduce_max3A_1950 : i32 to vector<16xi32>
    %add3A_1952 = arith.addi %broadcast_in_dim3A_3, %add3A_1951 : vector<16xi32>
    %swap3A_1953 = arith.constant 176 : index
    %swap3A_1954 = tpu.vector_load %arg11[%swap3A_1953] {strides = array<i32>} : memref<512xi32, #tpu.memory_space<vmem>>, vector<16xi32>,
    tpu.vector_store %arg11[%swap3A_1953], %add3A_1952 {strides = array<i32>} : memref<512xi32, #tpu.memory_space<vmem>>, vector<16xi32>,
    %get3A_1955 = arith.constant 384 : index
    %get3A_1956 = tpu.vector_load %arg9[%get3A_1955] {strides = array<i32>} : memref<1056xi32, #tpu.memory_space<vmem>>, vector<16xi32>,
    %add3A_1957 = arith.constant 385 : i32
    %add3A_1958 = vector.broadcast %add3A_1957 : i32 to vector<16xi32>
    %add3A_1959 = arith.addi %add3A_1958, %iota3A : vector<16xi32>
    %gather3A_1960 = tpu.vector_load_idx %arg9[%add3A_1959] : memref<1056xi32, #tpu.memory_space<vmem>>[vector<16xi32>], vector<16xi32>,
    %sub3A_1961 = arith.subi %gather3A_1960, %get3A_1956 : vector<16xi32>
    %swap3A_1962 = arith.constant 384 : index
    %swap3A_1963 = tpu.vector_load %arg10[%swap3A_1962] {strides = array<i32>} : memref<1024xi32, #tpu.memory_space<vmem>>, vector<16xi32>,
    tpu.vector_store %arg10[%swap3A_1962], %sub3A_1961 {strides = array<i32>} : memref<1024xi32, #tpu.memory_space<vmem>>, vector<16xi32>,
    %get3A_1964 = arith.constant 400 : index
    %get3A_1965 = tpu.vector_load %arg9[%get3A_1964] {strides = array<i32>} : memref<1056xi32, #tpu.memory_space<vmem>>, vector<16xi32>,
    %add3A_1966 = arith.constant 401 : i32
    %add3A_1967 = vector.broadcast %add3A_1966 : i32 to vector<16xi32>
    %add3A_1968 = arith.addi %add3A_1967, %iota3A : vector<16xi32>
    %gather3A_1969 = tpu.vector_load_idx %arg9[%add3A_1968] : memref<1056xi32, #tpu.memory_space<vmem>>[vector<16xi32>], vector<16xi32>,
    %sub3A_1970 = arith.subi %gather3A_1969, %get3A_1965 : vector<16xi32>
    %swap3A_1971 = arith.constant 400 : index
    %swap3A_1972 = tpu.vector_load %arg10[%swap3A_1971] {strides = array<i32>} : memref<1024xi32, #tpu.memory_space<vmem>>, vector<16xi32>,
    tpu.vector_store %arg10[%swap3A_1971], %sub3A_1970 {strides = array<i32>} : memref<1024xi32, #tpu.memory_space<vmem>>, vector<16xi32>,
    %max3A_1973 = arith.maxsi %sub3A_1961, %sub3A_1970 : vector<16xi32>
    %reduce_max3A_1974 = arith.constant true
    %reduce_max3A_1975 = vector.broadcast %reduce_max3A_1974 : i1 to vector<16xi1>
    %reduce_max3A_1976 = arith.constant -2147483648 : i32
    %reduce_max3A_1977 = vector.broadcast %reduce_max3A_1976 : i32 to vector<16xi32>
    %reduce_max3A_1978 = arith.xori %max3A_1973, %reduce_max3A_1977 : vector<16xi32>
    %reduce_max3A_1979 = tpu.scan <max>, %reduce_max3A_1978 masked %reduce_max3A_1975 : vector<16xi32>, vector<16xi1> -> vector<16xi32>
    %reduce_max3A_1980 = arith.xori %reduce_max3A_1979, %reduce_max3A_1977 : vector<16xi32>
    %reduce_max3A_1981 = vector.extract %reduce_max3A_1980[15] : i32 from vector<16xi32>
    %add3A_1982 = vector.broadcast %reduce_max3A_1981 : i32 to vector<16xi32>
    %add3A_1983 = arith.addi %broadcast_in_dim3A_3, %add3A_1982 : vector<16xi32>
    %swap3A_1984 = arith.constant 192 : index
    %swap3A_1985 = tpu.vector_load %arg11[%swap3A_1984] {strides = array<i32>} : memref<512xi32, #tpu.memory_space<vmem>>, vector<16xi32>,
    tpu.vector_store %arg11[%swap3A_1984], %add3A_1983 {strides = array<i32>} : memref<512xi32, #tpu.memory_space<vmem>>, vector<16xi32>,
    %get3A_1986 = arith.constant 416 : index
    %get3A_1987 = tpu.vector_load %arg9[%get3A_1986] {strides = array<i32>} : memref<1056xi32, #tpu.memory_space<vmem>>, vector<16xi32>,
    %add3A_1988 = arith.constant 417 : i32
    %add3A_1989 = vector.broadcast %add3A_1988 : i32 to vector<16xi32>
    %add3A_1990 = arith.addi %add3A_1989, %iota3A : vector<16xi32>
    %gather3A_1991 = tpu.vector_load_idx %arg9[%add3A_1990] : memref<1056xi32, #tpu.memory_space<vmem>>[vector<16xi32>], vector<16xi32>,
    %sub3A_1992 = arith.subi %gather3A_1991, %get3A_1987 : vector<16xi32>
    %swap3A_1993 = arith.constant 416 : index
    %swap3A_1994 = tpu.vector_load %arg10[%swap3A_1993] {strides = array<i32>} : memref<1024xi32, #tpu.memory_space<vmem>>, vector<16xi32>,
    tpu.vector_store %arg10[%swap3A_1993], %sub3A_1992 {strides = array<i32>} : memref<1024xi32, #tpu.memory_space<vmem>>, vector<16xi32>,
    %get3A_1995 = arith.constant 432 : index
    %get3A_1996 = tpu.vector_load %arg9[%get3A_1995] {strides = array<i32>} : memref<1056xi32, #tpu.memory_space<vmem>>, vector<16xi32>,
    %add3A_1997 = arith.constant 433 : i32
    %add3A_1998 = vector.broadcast %add3A_1997 : i32 to vector<16xi32>
    %add3A_1999 = arith.addi %add3A_1998, %iota3A : vector<16xi32>
    %gather3A_2000 = tpu.vector_load_idx %arg9[%add3A_1999] : memref<1056xi32, #tpu.memory_space<vmem>>[vector<16xi32>], vector<16xi32>,
    %sub3A_2001 = arith.subi %gather3A_2000, %get3A_1996 : vector<16xi32>
    %swap3A_2002 = arith.constant 432 : index
    %swap3A_2003 = tpu.vector_load %arg10[%swap3A_2002] {strides = array<i32>} : memref<1024xi32, #tpu.memory_space<vmem>>, vector<16xi32>,
    tpu.vector_store %arg10[%swap3A_2002], %sub3A_2001 {strides = array<i32>} : memref<1024xi32, #tpu.memory_space<vmem>>, vector<16xi32>,
    %max3A_2004 = arith.maxsi %sub3A_1992, %sub3A_2001 : vector<16xi32>
    %reduce_max3A_2005 = arith.constant true
    %reduce_max3A_2006 = vector.broadcast %reduce_max3A_2005 : i1 to vector<16xi1>
    %reduce_max3A_2007 = arith.constant -2147483648 : i32
    %reduce_max3A_2008 = vector.broadcast %reduce_max3A_2007 : i32 to vector<16xi32>
    %reduce_max3A_2009 = arith.xori %max3A_2004, %reduce_max3A_2008 : vector<16xi32>
    %reduce_max3A_2010 = tpu.scan <max>, %reduce_max3A_2009 masked %reduce_max3A_2006 : vector<16xi32>, vector<16xi1> -> vector<16xi32>
    %reduce_max3A_2011 = arith.xori %reduce_max3A_2010, %reduce_max3A_2008 : vector<16xi32>
    %reduce_max3A_2012 = vector.extract %reduce_max3A_2011[15] : i32 from vector<16xi32>
    %add3A_2013 = vector.broadcast %reduce_max3A_2012 : i32 to vector<16xi32>
    %add3A_2014 = arith.addi %broadcast_in_dim3A_3, %add3A_2013 : vector<16xi32>
    %swap3A_2015 = arith.constant 208 : index
    %swap3A_2016 = tpu.vector_load %arg11[%swap3A_2015] {strides = array<i32>} : memref<512xi32, #tpu.memory_space<vmem>>, vector<16xi32>,
    tpu.vector_store %arg11[%swap3A_2015], %add3A_2014 {strides = array<i32>} : memref<512xi32, #tpu.memory_space<vmem>>, vector<16xi32>,
    %get3A_2017 = arith.constant 448 : index
    %get3A_2018 = tpu.vector_load %arg9[%get3A_2017] {strides = array<i32>} : memref<1056xi32, #tpu.memory_space<vmem>>, vector<16xi32>,
    %add3A_2019 = arith.constant 449 : i32
    %add3A_2020 = vector.broadcast %add3A_2019 : i32 to vector<16xi32>
    %add3A_2021 = arith.addi %add3A_2020, %iota3A : vector<16xi32>
    %gather3A_2022 = tpu.vector_load_idx %arg9[%add3A_2021] : memref<1056xi32, #tpu.memory_space<vmem>>[vector<16xi32>], vector<16xi32>,
    %sub3A_2023 = arith.subi %gather3A_2022, %get3A_2018 : vector<16xi32>
    %swap3A_2024 = arith.constant 448 : index
    %swap3A_2025 = tpu.vector_load %arg10[%swap3A_2024] {strides = array<i32>} : memref<1024xi32, #tpu.memory_space<vmem>>, vector<16xi32>,
    tpu.vector_store %arg10[%swap3A_2024], %sub3A_2023 {strides = array<i32>} : memref<1024xi32, #tpu.memory_space<vmem>>, vector<16xi32>,
    %get3A_2026 = arith.constant 464 : index
    %get3A_2027 = tpu.vector_load %arg9[%get3A_2026] {strides = array<i32>} : memref<1056xi32, #tpu.memory_space<vmem>>, vector<16xi32>,
    %add3A_2028 = arith.constant 465 : i32
    %add3A_2029 = vector.broadcast %add3A_2028 : i32 to vector<16xi32>
    %add3A_2030 = arith.addi %add3A_2029, %iota3A : vector<16xi32>
    %gather3A_2031 = tpu.vector_load_idx %arg9[%add3A_2030] : memref<1056xi32, #tpu.memory_space<vmem>>[vector<16xi32>], vector<16xi32>,
    %sub3A_2032 = arith.subi %gather3A_2031, %get3A_2027 : vector<16xi32>
    %swap3A_2033 = arith.constant 464 : index
    %swap3A_2034 = tpu.vector_load %arg10[%swap3A_2033] {strides = array<i32>} : memref<1024xi32, #tpu.memory_space<vmem>>, vector<16xi32>,
    tpu.vector_store %arg10[%swap3A_2033], %sub3A_2032 {strides = array<i32>} : memref<1024xi32, #tpu.memory_space<vmem>>, vector<16xi32>,
    %max3A_2035 = arith.maxsi %sub3A_2023, %sub3A_2032 : vector<16xi32>
    %reduce_max3A_2036 = arith.constant true
    %reduce_max3A_2037 = vector.broadcast %reduce_max3A_2036 : i1 to vector<16xi1>
    %reduce_max3A_2038 = arith.constant -2147483648 : i32
    %reduce_max3A_2039 = vector.broadcast %reduce_max3A_2038 : i32 to vector<16xi32>
    %reduce_max3A_2040 = arith.xori %max3A_2035, %reduce_max3A_2039 : vector<16xi32>
    %reduce_max3A_2041 = tpu.scan <max>, %reduce_max3A_2040 masked %reduce_max3A_2037 : vector<16xi32>, vector<16xi1> -> vector<16xi32>
    %reduce_max3A_2042 = arith.xori %reduce_max3A_2041, %reduce_max3A_2039 : vector<16xi32>
    %reduce_max3A_2043 = vector.extract %reduce_max3A_2042[15] : i32 from vector<16xi32>
    %add3A_2044 = vector.broadcast %reduce_max3A_2043 : i32 to vector<16xi32>
    %add3A_2045 = arith.addi %broadcast_in_dim3A_3, %add3A_2044 : vector<16xi32>
    %swap3A_2046 = arith.constant 224 : index
    %swap3A_2047 = tpu.vector_load %arg11[%swap3A_2046] {strides = array<i32>} : memref<512xi32, #tpu.memory_space<vmem>>, vector<16xi32>,
    tpu.vector_store %arg11[%swap3A_2046], %add3A_2045 {strides = array<i32>} : memref<512xi32, #tpu.memory_space<vmem>>, vector<16xi32>,
    %get3A_2048 = arith.constant 480 : index
    %get3A_2049 = tpu.vector_load %arg9[%get3A_2048] {strides = array<i32>} : memref<1056xi32, #tpu.memory_space<vmem>>, vector<16xi32>,
    %add3A_2050 = arith.constant 481 : i32
    %add3A_2051 = vector.broadcast %add3A_2050 : i32 to vector<16xi32>
    %add3A_2052 = arith.addi %add3A_2051, %iota3A : vector<16xi32>
    %gather3A_2053 = tpu.vector_load_idx %arg9[%add3A_2052] : memref<1056xi32, #tpu.memory_space<vmem>>[vector<16xi32>], vector<16xi32>,
    %sub3A_2054 = arith.subi %gather3A_2053, %get3A_2049 : vector<16xi32>
    %swap3A_2055 = arith.constant 480 : index
    %swap3A_2056 = tpu.vector_load %arg10[%swap3A_2055] {strides = array<i32>} : memref<1024xi32, #tpu.memory_space<vmem>>, vector<16xi32>,
    tpu.vector_store %arg10[%swap3A_2055], %sub3A_2054 {strides = array<i32>} : memref<1024xi32, #tpu.memory_space<vmem>>, vector<16xi32>,
    %get3A_2057 = arith.constant 496 : index
    %get3A_2058 = tpu.vector_load %arg9[%get3A_2057] {strides = array<i32>} : memref<1056xi32, #tpu.memory_space<vmem>>, vector<16xi32>,
    %add3A_2059 = arith.constant 497 : i32
    %add3A_2060 = vector.broadcast %add3A_2059 : i32 to vector<16xi32>
    %add3A_2061 = arith.addi %add3A_2060, %iota3A : vector<16xi32>
    %gather3A_2062 = tpu.vector_load_idx %arg9[%add3A_2061] : memref<1056xi32, #tpu.memory_space<vmem>>[vector<16xi32>], vector<16xi32>,
    %sub3A_2063 = arith.subi %gather3A_2062, %get3A_2058 : vector<16xi32>
    %swap3A_2064 = arith.constant 496 : index
    %swap3A_2065 = tpu.vector_load %arg10[%swap3A_2064] {strides = array<i32>} : memref<1024xi32, #tpu.memory_space<vmem>>, vector<16xi32>,
    tpu.vector_store %arg10[%swap3A_2064], %sub3A_2063 {strides = array<i32>} : memref<1024xi32, #tpu.memory_space<vmem>>, vector<16xi32>,
    %max3A_2066 = arith.maxsi %sub3A_2054, %sub3A_2063 : vector<16xi32>
    %reduce_max3A_2067 = arith.constant true
    %reduce_max3A_2068 = vector.broadcast %reduce_max3A_2067 : i1 to vector<16xi1>
    %reduce_max3A_2069 = arith.constant -2147483648 : i32
    %reduce_max3A_2070 = vector.broadcast %reduce_max3A_2069 : i32 to vector<16xi32>
    %reduce_max3A_2071 = arith.xori %max3A_2066, %reduce_max3A_2070 : vector<16xi32>
    %reduce_max3A_2072 = tpu.scan <max>, %reduce_max3A_2071 masked %reduce_max3A_2068 : vector<16xi32>, vector<16xi1> -> vector<16xi32>
    %reduce_max3A_2073 = arith.xori %reduce_max3A_2072, %reduce_max3A_2070 : vector<16xi32>
    %reduce_max3A_2074 = vector.extract %reduce_max3A_2073[15] : i32 from vector<16xi32>
    %add3A_2075 = vector.broadcast %reduce_max3A_2074 : i32 to vector<16xi32>
    %add3A_2076 = arith.addi %broadcast_in_dim3A_3, %add3A_2075 : vector<16xi32>
    %swap3A_2077 = arith.constant 240 : index
    %swap3A_2078 = tpu.vector_load %arg11[%swap3A_2077] {strides = array<i32>} : memref<512xi32, #tpu.memory_space<vmem>>, vector<16xi32>,
    tpu.vector_store %arg11[%swap3A_2077], %add3A_2076 {strides = array<i32>} : memref<512xi32, #tpu.memory_space<vmem>>, vector<16xi32>,
    %get3A_2079 = arith.constant 512 : index
    %get3A_2080 = tpu.vector_load %arg9[%get3A_2079] {strides = array<i32>} : memref<1056xi32, #tpu.memory_space<vmem>>, vector<16xi32>,
    %add3A_2081 = arith.constant 513 : i32
    %add3A_2082 = vector.broadcast %add3A_2081 : i32 to vector<16xi32>
    %add3A_2083 = arith.addi %add3A_2082, %iota3A : vector<16xi32>
    %gather3A_2084 = tpu.vector_load_idx %arg9[%add3A_2083] : memref<1056xi32, #tpu.memory_space<vmem>>[vector<16xi32>], vector<16xi32>,
    %sub3A_2085 = arith.subi %gather3A_2084, %get3A_2080 : vector<16xi32>
    %swap3A_2086 = arith.constant 512 : index
    %swap3A_2087 = tpu.vector_load %arg10[%swap3A_2086] {strides = array<i32>} : memref<1024xi32, #tpu.memory_space<vmem>>, vector<16xi32>,
    tpu.vector_store %arg10[%swap3A_2086], %sub3A_2085 {strides = array<i32>} : memref<1024xi32, #tpu.memory_space<vmem>>, vector<16xi32>,
    %get3A_2088 = arith.constant 528 : index
    %get3A_2089 = tpu.vector_load %arg9[%get3A_2088] {strides = array<i32>} : memref<1056xi32, #tpu.memory_space<vmem>>, vector<16xi32>,
    %add3A_2090 = arith.constant 529 : i32
    %add3A_2091 = vector.broadcast %add3A_2090 : i32 to vector<16xi32>
    %add3A_2092 = arith.addi %add3A_2091, %iota3A : vector<16xi32>
    %gather3A_2093 = tpu.vector_load_idx %arg9[%add3A_2092] : memref<1056xi32, #tpu.memory_space<vmem>>[vector<16xi32>], vector<16xi32>,
    %sub3A_2094 = arith.subi %gather3A_2093, %get3A_2089 : vector<16xi32>
    %swap3A_2095 = arith.constant 528 : index
    %swap3A_2096 = tpu.vector_load %arg10[%swap3A_2095] {strides = array<i32>} : memref<1024xi32, #tpu.memory_space<vmem>>, vector<16xi32>,
    tpu.vector_store %arg10[%swap3A_2095], %sub3A_2094 {strides = array<i32>} : memref<1024xi32, #tpu.memory_space<vmem>>, vector<16xi32>,
    %max3A_2097 = arith.maxsi %sub3A_2085, %sub3A_2094 : vector<16xi32>
    %reduce_max3A_2098 = arith.constant true
    %reduce_max3A_2099 = vector.broadcast %reduce_max3A_2098 : i1 to vector<16xi1>
    %reduce_max3A_2100 = arith.constant -2147483648 : i32
    %reduce_max3A_2101 = vector.broadcast %reduce_max3A_2100 : i32 to vector<16xi32>
    %reduce_max3A_2102 = arith.xori %max3A_2097, %reduce_max3A_2101 : vector<16xi32>
    %reduce_max3A_2103 = tpu.scan <max>, %reduce_max3A_2102 masked %reduce_max3A_2099 : vector<16xi32>, vector<16xi1> -> vector<16xi32>
    %reduce_max3A_2104 = arith.xori %reduce_max3A_2103, %reduce_max3A_2101 : vector<16xi32>
    %reduce_max3A_2105 = vector.extract %reduce_max3A_2104[15] : i32 from vector<16xi32>
    %add3A_2106 = vector.broadcast %reduce_max3A_2105 : i32 to vector<16xi32>
    %add3A_2107 = arith.addi %broadcast_in_dim3A_3, %add3A_2106 : vector<16xi32>
    %swap3A_2108 = arith.constant 256 : index
    %swap3A_2109 = tpu.vector_load %arg11[%swap3A_2108] {strides = array<i32>} : memref<512xi32, #tpu.memory_space<vmem>>, vector<16xi32>,
    tpu.vector_store %arg11[%swap3A_2108], %add3A_2107 {strides = array<i32>} : memref<512xi32, #tpu.memory_space<vmem>>, vector<16xi32>,
    %get3A_2110 = arith.constant 544 : index
    %get3A_2111 = tpu.vector_load %arg9[%get3A_2110] {strides = array<i32>} : memref<1056xi32, #tpu.memory_space<vmem>>, vector<16xi32>,
    %add3A_2112 = arith.constant 545 : i32
    %add3A_2113 = vector.broadcast %add3A_2112 : i32 to vector<16xi32>
    %add3A_2114 = arith.addi %add3A_2113, %iota3A : vector<16xi32>
    %gather3A_2115 = tpu.vector_load_idx %arg9[%add3A_2114] : memref<1056xi32, #tpu.memory_space<vmem>>[vector<16xi32>], vector<16xi32>,
    %sub3A_2116 = arith.subi %gather3A_2115, %get3A_2111 : vector<16xi32>
    %swap3A_2117 = arith.constant 544 : index
    %swap3A_2118 = tpu.vector_load %arg10[%swap3A_2117] {strides = array<i32>} : memref<1024xi32, #tpu.memory_space<vmem>>, vector<16xi32>,
    tpu.vector_store %arg10[%swap3A_2117], %sub3A_2116 {strides = array<i32>} : memref<1024xi32, #tpu.memory_space<vmem>>, vector<16xi32>,
    %get3A_2119 = arith.constant 560 : index
    %get3A_2120 = tpu.vector_load %arg9[%get3A_2119] {strides = array<i32>} : memref<1056xi32, #tpu.memory_space<vmem>>, vector<16xi32>,
    %add3A_2121 = arith.constant 561 : i32
    %add3A_2122 = vector.broadcast %add3A_2121 : i32 to vector<16xi32>
    %add3A_2123 = arith.addi %add3A_2122, %iota3A : vector<16xi32>
    %gather3A_2124 = tpu.vector_load_idx %arg9[%add3A_2123] : memref<1056xi32, #tpu.memory_space<vmem>>[vector<16xi32>], vector<16xi32>,
    %sub3A_2125 = arith.subi %gather3A_2124, %get3A_2120 : vector<16xi32>
    %swap3A_2126 = arith.constant 560 : index
    %swap3A_2127 = tpu.vector_load %arg10[%swap3A_2126] {strides = array<i32>} : memref<1024xi32, #tpu.memory_space<vmem>>, vector<16xi32>,
    tpu.vector_store %arg10[%swap3A_2126], %sub3A_2125 {strides = array<i32>} : memref<1024xi32, #tpu.memory_space<vmem>>, vector<16xi32>,
    %max3A_2128 = arith.maxsi %sub3A_2116, %sub3A_2125 : vector<16xi32>
    %reduce_max3A_2129 = arith.constant true
    %reduce_max3A_2130 = vector.broadcast %reduce_max3A_2129 : i1 to vector<16xi1>
    %reduce_max3A_2131 = arith.constant -2147483648 : i32
    %reduce_max3A_2132 = vector.broadcast %reduce_max3A_2131 : i32 to vector<16xi32>
    %reduce_max3A_2133 = arith.xori %max3A_2128, %reduce_max3A_2132 : vector<16xi32>
    %reduce_max3A_2134 = tpu.scan <max>, %reduce_max3A_2133 masked %reduce_max3A_2130 : vector<16xi32>, vector<16xi1> -> vector<16xi32>
    %reduce_max3A_2135 = arith.xori %reduce_max3A_2134, %reduce_max3A_2132 : vector<16xi32>
    %reduce_max3A_2136 = vector.extract %reduce_max3A_2135[15] : i32 from vector<16xi32>
    %add3A_2137 = vector.broadcast %reduce_max3A_2136 : i32 to vector<16xi32>
    %add3A_2138 = arith.addi %broadcast_in_dim3A_3, %add3A_2137 : vector<16xi32>
    %swap3A_2139 = arith.constant 272 : index
    %swap3A_2140 = tpu.vector_load %arg11[%swap3A_2139] {strides = array<i32>} : memref<512xi32, #tpu.memory_space<vmem>>, vector<16xi32>,
    tpu.vector_store %arg11[%swap3A_2139], %add3A_2138 {strides = array<i32>} : memref<512xi32, #tpu.memory_space<vmem>>, vector<16xi32>,
    %get3A_2141 = arith.constant 576 : index
    %get3A_2142 = tpu.vector_load %arg9[%get3A_2141] {strides = array<i32>} : memref<1056xi32, #tpu.memory_space<vmem>>, vector<16xi32>,
    %add3A_2143 = arith.constant 577 : i32
    %add3A_2144 = vector.broadcast %add3A_2143 : i32 to vector<16xi32>
    %add3A_2145 = arith.addi %add3A_2144, %iota3A : vector<16xi32>
    %gather3A_2146 = tpu.vector_load_idx %arg9[%add3A_2145] : memref<1056xi32, #tpu.memory_space<vmem>>[vector<16xi32>], vector<16xi32>,
    %sub3A_2147 = arith.subi %gather3A_2146, %get3A_2142 : vector<16xi32>
    %swap3A_2148 = arith.constant 576 : index
    %swap3A_2149 = tpu.vector_load %arg10[%swap3A_2148] {strides = array<i32>} : memref<1024xi32, #tpu.memory_space<vmem>>, vector<16xi32>,
    tpu.vector_store %arg10[%swap3A_2148], %sub3A_2147 {strides = array<i32>} : memref<1024xi32, #tpu.memory_space<vmem>>, vector<16xi32>,
    %get3A_2150 = arith.constant 592 : index
    %get3A_2151 = tpu.vector_load %arg9[%get3A_2150] {strides = array<i32>} : memref<1056xi32, #tpu.memory_space<vmem>>, vector<16xi32>,
    %add3A_2152 = arith.constant 593 : i32
    %add3A_2153 = vector.broadcast %add3A_2152 : i32 to vector<16xi32>
    %add3A_2154 = arith.addi %add3A_2153, %iota3A : vector<16xi32>
    %gather3A_2155 = tpu.vector_load_idx %arg9[%add3A_2154] : memref<1056xi32, #tpu.memory_space<vmem>>[vector<16xi32>], vector<16xi32>,
    %sub3A_2156 = arith.subi %gather3A_2155, %get3A_2151 : vector<16xi32>
    %swap3A_2157 = arith.constant 592 : index
    %swap3A_2158 = tpu.vector_load %arg10[%swap3A_2157] {strides = array<i32>} : memref<1024xi32, #tpu.memory_space<vmem>>, vector<16xi32>,
    tpu.vector_store %arg10[%swap3A_2157], %sub3A_2156 {strides = array<i32>} : memref<1024xi32, #tpu.memory_space<vmem>>, vector<16xi32>,
    %max3A_2159 = arith.maxsi %sub3A_2147, %sub3A_2156 : vector<16xi32>
    %reduce_max3A_2160 = arith.constant true
    %reduce_max3A_2161 = vector.broadcast %reduce_max3A_2160 : i1 to vector<16xi1>
    %reduce_max3A_2162 = arith.constant -2147483648 : i32
    %reduce_max3A_2163 = vector.broadcast %reduce_max3A_2162 : i32 to vector<16xi32>
    %reduce_max3A_2164 = arith.xori %max3A_2159, %reduce_max3A_2163 : vector<16xi32>
    %reduce_max3A_2165 = tpu.scan <max>, %reduce_max3A_2164 masked %reduce_max3A_2161 : vector<16xi32>, vector<16xi1> -> vector<16xi32>
    %reduce_max3A_2166 = arith.xori %reduce_max3A_2165, %reduce_max3A_2163 : vector<16xi32>
    %reduce_max3A_2167 = vector.extract %reduce_max3A_2166[15] : i32 from vector<16xi32>
    %add3A_2168 = vector.broadcast %reduce_max3A_2167 : i32 to vector<16xi32>
    %add3A_2169 = arith.addi %broadcast_in_dim3A_3, %add3A_2168 : vector<16xi32>
    %swap3A_2170 = arith.constant 288 : index
    %swap3A_2171 = tpu.vector_load %arg11[%swap3A_2170] {strides = array<i32>} : memref<512xi32, #tpu.memory_space<vmem>>, vector<16xi32>,
    tpu.vector_store %arg11[%swap3A_2170], %add3A_2169 {strides = array<i32>} : memref<512xi32, #tpu.memory_space<vmem>>, vector<16xi32>,
    %get3A_2172 = arith.constant 608 : index
    %get3A_2173 = tpu.vector_load %arg9[%get3A_2172] {strides = array<i32>} : memref<1056xi32, #tpu.memory_space<vmem>>, vector<16xi32>,
    %add3A_2174 = arith.constant 609 : i32
    %add3A_2175 = vector.broadcast %add3A_2174 : i32 to vector<16xi32>
    %add3A_2176 = arith.addi %add3A_2175, %iota3A : vector<16xi32>
    %gather3A_2177 = tpu.vector_load_idx %arg9[%add3A_2176] : memref<1056xi32, #tpu.memory_space<vmem>>[vector<16xi32>], vector<16xi32>,
    %sub3A_2178 = arith.subi %gather3A_2177, %get3A_2173 : vector<16xi32>
    %swap3A_2179 = arith.constant 608 : index
    %swap3A_2180 = tpu.vector_load %arg10[%swap3A_2179] {strides = array<i32>} : memref<1024xi32, #tpu.memory_space<vmem>>, vector<16xi32>,
    tpu.vector_store %arg10[%swap3A_2179], %sub3A_2178 {strides = array<i32>} : memref<1024xi32, #tpu.memory_space<vmem>>, vector<16xi32>,
    %get3A_2181 = arith.constant 624 : index
    %get3A_2182 = tpu.vector_load %arg9[%get3A_2181] {strides = array<i32>} : memref<1056xi32, #tpu.memory_space<vmem>>, vector<16xi32>,
    %add3A_2183 = arith.constant 625 : i32
    %add3A_2184 = vector.broadcast %add3A_2183 : i32 to vector<16xi32>
    %add3A_2185 = arith.addi %add3A_2184, %iota3A : vector<16xi32>
    %gather3A_2186 = tpu.vector_load_idx %arg9[%add3A_2185] : memref<1056xi32, #tpu.memory_space<vmem>>[vector<16xi32>], vector<16xi32>,
    %sub3A_2187 = arith.subi %gather3A_2186, %get3A_2182 : vector<16xi32>
    %swap3A_2188 = arith.constant 624 : index
    %swap3A_2189 = tpu.vector_load %arg10[%swap3A_2188] {strides = array<i32>} : memref<1024xi32, #tpu.memory_space<vmem>>, vector<16xi32>,
    tpu.vector_store %arg10[%swap3A_2188], %sub3A_2187 {strides = array<i32>} : memref<1024xi32, #tpu.memory_space<vmem>>, vector<16xi32>,
    %max3A_2190 = arith.maxsi %sub3A_2178, %sub3A_2187 : vector<16xi32>
    %reduce_max3A_2191 = arith.constant true
    %reduce_max3A_2192 = vector.broadcast %reduce_max3A_2191 : i1 to vector<16xi1>
    %reduce_max3A_2193 = arith.constant -2147483648 : i32
    %reduce_max3A_2194 = vector.broadcast %reduce_max3A_2193 : i32 to vector<16xi32>
    %reduce_max3A_2195 = arith.xori %max3A_2190, %reduce_max3A_2194 : vector<16xi32>
    %reduce_max3A_2196 = tpu.scan <max>, %reduce_max3A_2195 masked %reduce_max3A_2192 : vector<16xi32>, vector<16xi1> -> vector<16xi32>
    %reduce_max3A_2197 = arith.xori %reduce_max3A_2196, %reduce_max3A_2194 : vector<16xi32>
    %reduce_max3A_2198 = vector.extract %reduce_max3A_2197[15] : i32 from vector<16xi32>
    %add3A_2199 = vector.broadcast %reduce_max3A_2198 : i32 to vector<16xi32>
    %add3A_2200 = arith.addi %broadcast_in_dim3A_3, %add3A_2199 : vector<16xi32>
    %swap3A_2201 = arith.constant 304 : index
    %swap3A_2202 = tpu.vector_load %arg11[%swap3A_2201] {strides = array<i32>} : memref<512xi32, #tpu.memory_space<vmem>>, vector<16xi32>,
    tpu.vector_store %arg11[%swap3A_2201], %add3A_2200 {strides = array<i32>} : memref<512xi32, #tpu.memory_space<vmem>>, vector<16xi32>,
    %get3A_2203 = arith.constant 640 : index
    %get3A_2204 = tpu.vector_load %arg9[%get3A_2203] {strides = array<i32>} : memref<1056xi32, #tpu.memory_space<vmem>>, vector<16xi32>,
    %add3A_2205 = arith.constant 641 : i32
    %add3A_2206 = vector.broadcast %add3A_2205 : i32 to vector<16xi32>
    %add3A_2207 = arith.addi %add3A_2206, %iota3A : vector<16xi32>
    %gather3A_2208 = tpu.vector_load_idx %arg9[%add3A_2207] : memref<1056xi32, #tpu.memory_space<vmem>>[vector<16xi32>], vector<16xi32>,
    %sub3A_2209 = arith.subi %gather3A_2208, %get3A_2204 : vector<16xi32>
    %swap3A_2210 = arith.constant 640 : index
    %swap3A_2211 = tpu.vector_load %arg10[%swap3A_2210] {strides = array<i32>} : memref<1024xi32, #tpu.memory_space<vmem>>, vector<16xi32>,
    tpu.vector_store %arg10[%swap3A_2210], %sub3A_2209 {strides = array<i32>} : memref<1024xi32, #tpu.memory_space<vmem>>, vector<16xi32>,
    %get3A_2212 = arith.constant 656 : index
    %get3A_2213 = tpu.vector_load %arg9[%get3A_2212] {strides = array<i32>} : memref<1056xi32, #tpu.memory_space<vmem>>, vector<16xi32>,
    %add3A_2214 = arith.constant 657 : i32
    %add3A_2215 = vector.broadcast %add3A_2214 : i32 to vector<16xi32>
    %add3A_2216 = arith.addi %add3A_2215, %iota3A : vector<16xi32>
    %gather3A_2217 = tpu.vector_load_idx %arg9[%add3A_2216] : memref<1056xi32, #tpu.memory_space<vmem>>[vector<16xi32>], vector<16xi32>,
    %sub3A_2218 = arith.subi %gather3A_2217, %get3A_2213 : vector<16xi32>
    %swap3A_2219 = arith.constant 656 : index
    %swap3A_2220 = tpu.vector_load %arg10[%swap3A_2219] {strides = array<i32>} : memref<1024xi32, #tpu.memory_space<vmem>>, vector<16xi32>,
    tpu.vector_store %arg10[%swap3A_2219], %sub3A_2218 {strides = array<i32>} : memref<1024xi32, #tpu.memory_space<vmem>>, vector<16xi32>,
    %max3A_2221 = arith.maxsi %sub3A_2209, %sub3A_2218 : vector<16xi32>
    %reduce_max3A_2222 = arith.constant true
    %reduce_max3A_2223 = vector.broadcast %reduce_max3A_2222 : i1 to vector<16xi1>
    %reduce_max3A_2224 = arith.constant -2147483648 : i32
    %reduce_max3A_2225 = vector.broadcast %reduce_max3A_2224 : i32 to vector<16xi32>
    %reduce_max3A_2226 = arith.xori %max3A_2221, %reduce_max3A_2225 : vector<16xi32>
    %reduce_max3A_2227 = tpu.scan <max>, %reduce_max3A_2226 masked %reduce_max3A_2223 : vector<16xi32>, vector<16xi1> -> vector<16xi32>
    %reduce_max3A_2228 = arith.xori %reduce_max3A_2227, %reduce_max3A_2225 : vector<16xi32>
    %reduce_max3A_2229 = vector.extract %reduce_max3A_2228[15] : i32 from vector<16xi32>
    %add3A_2230 = vector.broadcast %reduce_max3A_2229 : i32 to vector<16xi32>
    %add3A_2231 = arith.addi %broadcast_in_dim3A_3, %add3A_2230 : vector<16xi32>
    %swap3A_2232 = arith.constant 320 : index
    %swap3A_2233 = tpu.vector_load %arg11[%swap3A_2232] {strides = array<i32>} : memref<512xi32, #tpu.memory_space<vmem>>, vector<16xi32>,
    tpu.vector_store %arg11[%swap3A_2232], %add3A_2231 {strides = array<i32>} : memref<512xi32, #tpu.memory_space<vmem>>, vector<16xi32>,
    %get3A_2234 = arith.constant 672 : index
    %get3A_2235 = tpu.vector_load %arg9[%get3A_2234] {strides = array<i32>} : memref<1056xi32, #tpu.memory_space<vmem>>, vector<16xi32>,
    %add3A_2236 = arith.constant 673 : i32
    %add3A_2237 = vector.broadcast %add3A_2236 : i32 to vector<16xi32>
    %add3A_2238 = arith.addi %add3A_2237, %iota3A : vector<16xi32>
    %gather3A_2239 = tpu.vector_load_idx %arg9[%add3A_2238] : memref<1056xi32, #tpu.memory_space<vmem>>[vector<16xi32>], vector<16xi32>,
    %sub3A_2240 = arith.subi %gather3A_2239, %get3A_2235 : vector<16xi32>
    %swap3A_2241 = arith.constant 672 : index
    %swap3A_2242 = tpu.vector_load %arg10[%swap3A_2241] {strides = array<i32>} : memref<1024xi32, #tpu.memory_space<vmem>>, vector<16xi32>,
    tpu.vector_store %arg10[%swap3A_2241], %sub3A_2240 {strides = array<i32>} : memref<1024xi32, #tpu.memory_space<vmem>>, vector<16xi32>,
    %get3A_2243 = arith.constant 688 : index
    %get3A_2244 = tpu.vector_load %arg9[%get3A_2243] {strides = array<i32>} : memref<1056xi32, #tpu.memory_space<vmem>>, vector<16xi32>,
    %add3A_2245 = arith.constant 689 : i32
    %add3A_2246 = vector.broadcast %add3A_2245 : i32 to vector<16xi32>
    %add3A_2247 = arith.addi %add3A_2246, %iota3A : vector<16xi32>
    %gather3A_2248 = tpu.vector_load_idx %arg9[%add3A_2247] : memref<1056xi32, #tpu.memory_space<vmem>>[vector<16xi32>], vector<16xi32>,
    %sub3A_2249 = arith.subi %gather3A_2248, %get3A_2244 : vector<16xi32>
    %swap3A_2250 = arith.constant 688 : index
    %swap3A_2251 = tpu.vector_load %arg10[%swap3A_2250] {strides = array<i32>} : memref<1024xi32, #tpu.memory_space<vmem>>, vector<16xi32>,
    tpu.vector_store %arg10[%swap3A_2250], %sub3A_2249 {strides = array<i32>} : memref<1024xi32, #tpu.memory_space<vmem>>, vector<16xi32>,
    %max3A_2252 = arith.maxsi %sub3A_2240, %sub3A_2249 : vector<16xi32>
    %reduce_max3A_2253 = arith.constant true
    %reduce_max3A_2254 = vector.broadcast %reduce_max3A_2253 : i1 to vector<16xi1>
    %reduce_max3A_2255 = arith.constant -2147483648 : i32
    %reduce_max3A_2256 = vector.broadcast %reduce_max3A_2255 : i32 to vector<16xi32>
    %reduce_max3A_2257 = arith.xori %max3A_2252, %reduce_max3A_2256 : vector<16xi32>
    %reduce_max3A_2258 = tpu.scan <max>, %reduce_max3A_2257 masked %reduce_max3A_2254 : vector<16xi32>, vector<16xi1> -> vector<16xi32>
    %reduce_max3A_2259 = arith.xori %reduce_max3A_2258, %reduce_max3A_2256 : vector<16xi32>
    %reduce_max3A_2260 = vector.extract %reduce_max3A_2259[15] : i32 from vector<16xi32>
    %add3A_2261 = vector.broadcast %reduce_max3A_2260 : i32 to vector<16xi32>
    %add3A_2262 = arith.addi %broadcast_in_dim3A_3, %add3A_2261 : vector<16xi32>
    %swap3A_2263 = arith.constant 336 : index
    %swap3A_2264 = tpu.vector_load %arg11[%swap3A_2263] {strides = array<i32>} : memref<512xi32, #tpu.memory_space<vmem>>, vector<16xi32>,
    tpu.vector_store %arg11[%swap3A_2263], %add3A_2262 {strides = array<i32>} : memref<512xi32, #tpu.memory_space<vmem>>, vector<16xi32>,
    %get3A_2265 = arith.constant 704 : index
    %get3A_2266 = tpu.vector_load %arg9[%get3A_2265] {strides = array<i32>} : memref<1056xi32, #tpu.memory_space<vmem>>, vector<16xi32>,
    %add3A_2267 = arith.constant 705 : i32
    %add3A_2268 = vector.broadcast %add3A_2267 : i32 to vector<16xi32>
    %add3A_2269 = arith.addi %add3A_2268, %iota3A : vector<16xi32>
    %gather3A_2270 = tpu.vector_load_idx %arg9[%add3A_2269] : memref<1056xi32, #tpu.memory_space<vmem>>[vector<16xi32>], vector<16xi32>,
    %sub3A_2271 = arith.subi %gather3A_2270, %get3A_2266 : vector<16xi32>
    %swap3A_2272 = arith.constant 704 : index
    %swap3A_2273 = tpu.vector_load %arg10[%swap3A_2272] {strides = array<i32>} : memref<1024xi32, #tpu.memory_space<vmem>>, vector<16xi32>,
    tpu.vector_store %arg10[%swap3A_2272], %sub3A_2271 {strides = array<i32>} : memref<1024xi32, #tpu.memory_space<vmem>>, vector<16xi32>,
    %get3A_2274 = arith.constant 720 : index
    %get3A_2275 = tpu.vector_load %arg9[%get3A_2274] {strides = array<i32>} : memref<1056xi32, #tpu.memory_space<vmem>>, vector<16xi32>,
    %add3A_2276 = arith.constant 721 : i32
    %add3A_2277 = vector.broadcast %add3A_2276 : i32 to vector<16xi32>
    %add3A_2278 = arith.addi %add3A_2277, %iota3A : vector<16xi32>
    %gather3A_2279 = tpu.vector_load_idx %arg9[%add3A_2278] : memref<1056xi32, #tpu.memory_space<vmem>>[vector<16xi32>], vector<16xi32>,
    %sub3A_2280 = arith.subi %gather3A_2279, %get3A_2275 : vector<16xi32>
    %swap3A_2281 = arith.constant 720 : index
    %swap3A_2282 = tpu.vector_load %arg10[%swap3A_2281] {strides = array<i32>} : memref<1024xi32, #tpu.memory_space<vmem>>, vector<16xi32>,
    tpu.vector_store %arg10[%swap3A_2281], %sub3A_2280 {strides = array<i32>} : memref<1024xi32, #tpu.memory_space<vmem>>, vector<16xi32>,
    %max3A_2283 = arith.maxsi %sub3A_2271, %sub3A_2280 : vector<16xi32>
    %reduce_max3A_2284 = arith.constant true
    %reduce_max3A_2285 = vector.broadcast %reduce_max3A_2284 : i1 to vector<16xi1>
    %reduce_max3A_2286 = arith.constant -2147483648 : i32
    %reduce_max3A_2287 = vector.broadcast %reduce_max3A_2286 : i32 to vector<16xi32>
    %reduce_max3A_2288 = arith.xori %max3A_2283, %reduce_max3A_2287 : vector<16xi32>
    %reduce_max3A_2289 = tpu.scan <max>, %reduce_max3A_2288 masked %reduce_max3A_2285 : vector<16xi32>, vector<16xi1> -> vector<16xi32>
    %reduce_max3A_2290 = arith.xori %reduce_max3A_2289, %reduce_max3A_2287 : vector<16xi32>
    %reduce_max3A_2291 = vector.extract %reduce_max3A_2290[15] : i32 from vector<16xi32>
    %add3A_2292 = vector.broadcast %reduce_max3A_2291 : i32 to vector<16xi32>
    %add3A_2293 = arith.addi %broadcast_in_dim3A_3, %add3A_2292 : vector<16xi32>
    %swap3A_2294 = arith.constant 352 : index
    %swap3A_2295 = tpu.vector_load %arg11[%swap3A_2294] {strides = array<i32>} : memref<512xi32, #tpu.memory_space<vmem>>, vector<16xi32>,
    tpu.vector_store %arg11[%swap3A_2294], %add3A_2293 {strides = array<i32>} : memref<512xi32, #tpu.memory_space<vmem>>, vector<16xi32>,
    %get3A_2296 = arith.constant 736 : index
    %get3A_2297 = tpu.vector_load %arg9[%get3A_2296] {strides = array<i32>} : memref<1056xi32, #tpu.memory_space<vmem>>, vector<16xi32>,
    %add3A_2298 = arith.constant 737 : i32
    %add3A_2299 = vector.broadcast %add3A_2298 : i32 to vector<16xi32>
    %add3A_2300 = arith.addi %add3A_2299, %iota3A : vector<16xi32>
    %gather3A_2301 = tpu.vector_load_idx %arg9[%add3A_2300] : memref<1056xi32, #tpu.memory_space<vmem>>[vector<16xi32>], vector<16xi32>,
    %sub3A_2302 = arith.subi %gather3A_2301, %get3A_2297 : vector<16xi32>
    %swap3A_2303 = arith.constant 736 : index
    %swap3A_2304 = tpu.vector_load %arg10[%swap3A_2303] {strides = array<i32>} : memref<1024xi32, #tpu.memory_space<vmem>>, vector<16xi32>,
    tpu.vector_store %arg10[%swap3A_2303], %sub3A_2302 {strides = array<i32>} : memref<1024xi32, #tpu.memory_space<vmem>>, vector<16xi32>,
    %get3A_2305 = arith.constant 752 : index
    %get3A_2306 = tpu.vector_load %arg9[%get3A_2305] {strides = array<i32>} : memref<1056xi32, #tpu.memory_space<vmem>>, vector<16xi32>,
    %add3A_2307 = arith.constant 753 : i32
    %add3A_2308 = vector.broadcast %add3A_2307 : i32 to vector<16xi32>
    %add3A_2309 = arith.addi %add3A_2308, %iota3A : vector<16xi32>
    %gather3A_2310 = tpu.vector_load_idx %arg9[%add3A_2309] : memref<1056xi32, #tpu.memory_space<vmem>>[vector<16xi32>], vector<16xi32>,
    %sub3A_2311 = arith.subi %gather3A_2310, %get3A_2306 : vector<16xi32>
    %swap3A_2312 = arith.constant 752 : index
    %swap3A_2313 = tpu.vector_load %arg10[%swap3A_2312] {strides = array<i32>} : memref<1024xi32, #tpu.memory_space<vmem>>, vector<16xi32>,
    tpu.vector_store %arg10[%swap3A_2312], %sub3A_2311 {strides = array<i32>} : memref<1024xi32, #tpu.memory_space<vmem>>, vector<16xi32>,
    %max3A_2314 = arith.maxsi %sub3A_2302, %sub3A_2311 : vector<16xi32>
    %reduce_max3A_2315 = arith.constant true
    %reduce_max3A_2316 = vector.broadcast %reduce_max3A_2315 : i1 to vector<16xi1>
    %reduce_max3A_2317 = arith.constant -2147483648 : i32
    %reduce_max3A_2318 = vector.broadcast %reduce_max3A_2317 : i32 to vector<16xi32>
    %reduce_max3A_2319 = arith.xori %max3A_2314, %reduce_max3A_2318 : vector<16xi32>
    %reduce_max3A_2320 = tpu.scan <max>, %reduce_max3A_2319 masked %reduce_max3A_2316 : vector<16xi32>, vector<16xi1> -> vector<16xi32>
    %reduce_max3A_2321 = arith.xori %reduce_max3A_2320, %reduce_max3A_2318 : vector<16xi32>
    %reduce_max3A_2322 = vector.extract %reduce_max3A_2321[15] : i32 from vector<16xi32>
    %add3A_2323 = vector.broadcast %reduce_max3A_2322 : i32 to vector<16xi32>
    %add3A_2324 = arith.addi %broadcast_in_dim3A_3, %add3A_2323 : vector<16xi32>
    %swap3A_2325 = arith.constant 368 : index
    %swap3A_2326 = tpu.vector_load %arg11[%swap3A_2325] {strides = array<i32>} : memref<512xi32, #tpu.memory_space<vmem>>, vector<16xi32>,
    tpu.vector_store %arg11[%swap3A_2325], %add3A_2324 {strides = array<i32>} : memref<512xi32, #tpu.memory_space<vmem>>, vector<16xi32>,
    %get3A_2327 = arith.constant 768 : index
    %get3A_2328 = tpu.vector_load %arg9[%get3A_2327] {strides = array<i32>} : memref<1056xi32, #tpu.memory_space<vmem>>, vector<16xi32>,
    %add3A_2329 = arith.constant 769 : i32
    %add3A_2330 = vector.broadcast %add3A_2329 : i32 to vector<16xi32>
    %add3A_2331 = arith.addi %add3A_2330, %iota3A : vector<16xi32>
    %gather3A_2332 = tpu.vector_load_idx %arg9[%add3A_2331] : memref<1056xi32, #tpu.memory_space<vmem>>[vector<16xi32>], vector<16xi32>,
    %sub3A_2333 = arith.subi %gather3A_2332, %get3A_2328 : vector<16xi32>
    %swap3A_2334 = arith.constant 768 : index
    %swap3A_2335 = tpu.vector_load %arg10[%swap3A_2334] {strides = array<i32>} : memref<1024xi32, #tpu.memory_space<vmem>>, vector<16xi32>,
    tpu.vector_store %arg10[%swap3A_2334], %sub3A_2333 {strides = array<i32>} : memref<1024xi32, #tpu.memory_space<vmem>>, vector<16xi32>,
    %get3A_2336 = arith.constant 784 : index
    %get3A_2337 = tpu.vector_load %arg9[%get3A_2336] {strides = array<i32>} : memref<1056xi32, #tpu.memory_space<vmem>>, vector<16xi32>,
    %add3A_2338 = arith.constant 785 : i32
    %add3A_2339 = vector.broadcast %add3A_2338 : i32 to vector<16xi32>
    %add3A_2340 = arith.addi %add3A_2339, %iota3A : vector<16xi32>
    %gather3A_2341 = tpu.vector_load_idx %arg9[%add3A_2340] : memref<1056xi32, #tpu.memory_space<vmem>>[vector<16xi32>], vector<16xi32>,
    %sub3A_2342 = arith.subi %gather3A_2341, %get3A_2337 : vector<16xi32>
    %swap3A_2343 = arith.constant 784 : index
    %swap3A_2344 = tpu.vector_load %arg10[%swap3A_2343] {strides = array<i32>} : memref<1024xi32, #tpu.memory_space<vmem>>, vector<16xi32>,
    tpu.vector_store %arg10[%swap3A_2343], %sub3A_2342 {strides = array<i32>} : memref<1024xi32, #tpu.memory_space<vmem>>, vector<16xi32>,
    %max3A_2345 = arith.maxsi %sub3A_2333, %sub3A_2342 : vector<16xi32>
    %reduce_max3A_2346 = arith.constant true
    %reduce_max3A_2347 = vector.broadcast %reduce_max3A_2346 : i1 to vector<16xi1>
    %reduce_max3A_2348 = arith.constant -2147483648 : i32
    %reduce_max3A_2349 = vector.broadcast %reduce_max3A_2348 : i32 to vector<16xi32>
    %reduce_max3A_2350 = arith.xori %max3A_2345, %reduce_max3A_2349 : vector<16xi32>
    %reduce_max3A_2351 = tpu.scan <max>, %reduce_max3A_2350 masked %reduce_max3A_2347 : vector<16xi32>, vector<16xi1> -> vector<16xi32>
    %reduce_max3A_2352 = arith.xori %reduce_max3A_2351, %reduce_max3A_2349 : vector<16xi32>
    %reduce_max3A_2353 = vector.extract %reduce_max3A_2352[15] : i32 from vector<16xi32>
    %add3A_2354 = vector.broadcast %reduce_max3A_2353 : i32 to vector<16xi32>
    %add3A_2355 = arith.addi %broadcast_in_dim3A_3, %add3A_2354 : vector<16xi32>
    %swap3A_2356 = arith.constant 384 : index
    %swap3A_2357 = tpu.vector_load %arg11[%swap3A_2356] {strides = array<i32>} : memref<512xi32, #tpu.memory_space<vmem>>, vector<16xi32>,
    tpu.vector_store %arg11[%swap3A_2356], %add3A_2355 {strides = array<i32>} : memref<512xi32, #tpu.memory_space<vmem>>, vector<16xi32>,
    %get3A_2358 = arith.constant 800 : index
    %get3A_2359 = tpu.vector_load %arg9[%get3A_2358] {strides = array<i32>} : memref<1056xi32, #tpu.memory_space<vmem>>, vector<16xi32>,
    %add3A_2360 = arith.constant 801 : i32
    %add3A_2361 = vector.broadcast %add3A_2360 : i32 to vector<16xi32>
    %add3A_2362 = arith.addi %add3A_2361, %iota3A : vector<16xi32>
    %gather3A_2363 = tpu.vector_load_idx %arg9[%add3A_2362] : memref<1056xi32, #tpu.memory_space<vmem>>[vector<16xi32>], vector<16xi32>,
    %sub3A_2364 = arith.subi %gather3A_2363, %get3A_2359 : vector<16xi32>
    %swap3A_2365 = arith.constant 800 : index
    %swap3A_2366 = tpu.vector_load %arg10[%swap3A_2365] {strides = array<i32>} : memref<1024xi32, #tpu.memory_space<vmem>>, vector<16xi32>,
    tpu.vector_store %arg10[%swap3A_2365], %sub3A_2364 {strides = array<i32>} : memref<1024xi32, #tpu.memory_space<vmem>>, vector<16xi32>,
    %get3A_2367 = arith.constant 816 : index
    %get3A_2368 = tpu.vector_load %arg9[%get3A_2367] {strides = array<i32>} : memref<1056xi32, #tpu.memory_space<vmem>>, vector<16xi32>,
    %add3A_2369 = arith.constant 817 : i32
    %add3A_2370 = vector.broadcast %add3A_2369 : i32 to vector<16xi32>
    %add3A_2371 = arith.addi %add3A_2370, %iota3A : vector<16xi32>
    %gather3A_2372 = tpu.vector_load_idx %arg9[%add3A_2371] : memref<1056xi32, #tpu.memory_space<vmem>>[vector<16xi32>], vector<16xi32>,
    %sub3A_2373 = arith.subi %gather3A_2372, %get3A_2368 : vector<16xi32>
    %swap3A_2374 = arith.constant 816 : index
    %swap3A_2375 = tpu.vector_load %arg10[%swap3A_2374] {strides = array<i32>} : memref<1024xi32, #tpu.memory_space<vmem>>, vector<16xi32>,
    tpu.vector_store %arg10[%swap3A_2374], %sub3A_2373 {strides = array<i32>} : memref<1024xi32, #tpu.memory_space<vmem>>, vector<16xi32>,
    %max3A_2376 = arith.maxsi %sub3A_2364, %sub3A_2373 : vector<16xi32>
    %reduce_max3A_2377 = arith.constant true
    %reduce_max3A_2378 = vector.broadcast %reduce_max3A_2377 : i1 to vector<16xi1>
    %reduce_max3A_2379 = arith.constant -2147483648 : i32
    %reduce_max3A_2380 = vector.broadcast %reduce_max3A_2379 : i32 to vector<16xi32>
    %reduce_max3A_2381 = arith.xori %max3A_2376, %reduce_max3A_2380 : vector<16xi32>
    %reduce_max3A_2382 = tpu.scan <max>, %reduce_max3A_2381 masked %reduce_max3A_2378 : vector<16xi32>, vector<16xi1> -> vector<16xi32>
    %reduce_max3A_2383 = arith.xori %reduce_max3A_2382, %reduce_max3A_2380 : vector<16xi32>
    %reduce_max3A_2384 = vector.extract %reduce_max3A_2383[15] : i32 from vector<16xi32>
    %add3A_2385 = vector.broadcast %reduce_max3A_2384 : i32 to vector<16xi32>
    %add3A_2386 = arith.addi %broadcast_in_dim3A_3, %add3A_2385 : vector<16xi32>
    %swap3A_2387 = arith.constant 400 : index
    %swap3A_2388 = tpu.vector_load %arg11[%swap3A_2387] {strides = array<i32>} : memref<512xi32, #tpu.memory_space<vmem>>, vector<16xi32>,
    tpu.vector_store %arg11[%swap3A_2387], %add3A_2386 {strides = array<i32>} : memref<512xi32, #tpu.memory_space<vmem>>, vector<16xi32>,
    %get3A_2389 = arith.constant 832 : index
    %get3A_2390 = tpu.vector_load %arg9[%get3A_2389] {strides = array<i32>} : memref<1056xi32, #tpu.memory_space<vmem>>, vector<16xi32>,
    %add3A_2391 = arith.constant 833 : i32
    %add3A_2392 = vector.broadcast %add3A_2391 : i32 to vector<16xi32>
    %add3A_2393 = arith.addi %add3A_2392, %iota3A : vector<16xi32>
    %gather3A_2394 = tpu.vector_load_idx %arg9[%add3A_2393] : memref<1056xi32, #tpu.memory_space<vmem>>[vector<16xi32>], vector<16xi32>,
    %sub3A_2395 = arith.subi %gather3A_2394, %get3A_2390 : vector<16xi32>
    %swap3A_2396 = arith.constant 832 : index
    %swap3A_2397 = tpu.vector_load %arg10[%swap3A_2396] {strides = array<i32>} : memref<1024xi32, #tpu.memory_space<vmem>>, vector<16xi32>,
    tpu.vector_store %arg10[%swap3A_2396], %sub3A_2395 {strides = array<i32>} : memref<1024xi32, #tpu.memory_space<vmem>>, vector<16xi32>,
    %get3A_2398 = arith.constant 848 : index
    %get3A_2399 = tpu.vector_load %arg9[%get3A_2398] {strides = array<i32>} : memref<1056xi32, #tpu.memory_space<vmem>>, vector<16xi32>,
    %add3A_2400 = arith.constant 849 : i32
    %add3A_2401 = vector.broadcast %add3A_2400 : i32 to vector<16xi32>
    %add3A_2402 = arith.addi %add3A_2401, %iota3A : vector<16xi32>
    %gather3A_2403 = tpu.vector_load_idx %arg9[%add3A_2402] : memref<1056xi32, #tpu.memory_space<vmem>>[vector<16xi32>], vector<16xi32>,
    %sub3A_2404 = arith.subi %gather3A_2403, %get3A_2399 : vector<16xi32>
    %swap3A_2405 = arith.constant 848 : index
    %swap3A_2406 = tpu.vector_load %arg10[%swap3A_2405] {strides = array<i32>} : memref<1024xi32, #tpu.memory_space<vmem>>, vector<16xi32>,
    tpu.vector_store %arg10[%swap3A_2405], %sub3A_2404 {strides = array<i32>} : memref<1024xi32, #tpu.memory_space<vmem>>, vector<16xi32>,
    %max3A_2407 = arith.maxsi %sub3A_2395, %sub3A_2404 : vector<16xi32>
    %reduce_max3A_2408 = arith.constant true
    %reduce_max3A_2409 = vector.broadcast %reduce_max3A_2408 : i1 to vector<16xi1>
    %reduce_max3A_2410 = arith.constant -2147483648 : i32
    %reduce_max3A_2411 = vector.broadcast %reduce_max3A_2410 : i32 to vector<16xi32>
    %reduce_max3A_2412 = arith.xori %max3A_2407, %reduce_max3A_2411 : vector<16xi32>
    %reduce_max3A_2413 = tpu.scan <max>, %reduce_max3A_2412 masked %reduce_max3A_2409 : vector<16xi32>, vector<16xi1> -> vector<16xi32>
    %reduce_max3A_2414 = arith.xori %reduce_max3A_2413, %reduce_max3A_2411 : vector<16xi32>
    %reduce_max3A_2415 = vector.extract %reduce_max3A_2414[15] : i32 from vector<16xi32>
    %add3A_2416 = vector.broadcast %reduce_max3A_2415 : i32 to vector<16xi32>
    %add3A_2417 = arith.addi %broadcast_in_dim3A_3, %add3A_2416 : vector<16xi32>
    %swap3A_2418 = arith.constant 416 : index
    %swap3A_2419 = tpu.vector_load %arg11[%swap3A_2418] {strides = array<i32>} : memref<512xi32, #tpu.memory_space<vmem>>, vector<16xi32>,
    tpu.vector_store %arg11[%swap3A_2418], %add3A_2417 {strides = array<i32>} : memref<512xi32, #tpu.memory_space<vmem>>, vector<16xi32>,
    %get3A_2420 = arith.constant 864 : index
    %get3A_2421 = tpu.vector_load %arg9[%get3A_2420] {strides = array<i32>} : memref<1056xi32, #tpu.memory_space<vmem>>, vector<16xi32>,
    %add3A_2422 = arith.constant 865 : i32
    %add3A_2423 = vector.broadcast %add3A_2422 : i32 to vector<16xi32>
    %add3A_2424 = arith.addi %add3A_2423, %iota3A : vector<16xi32>
    %gather3A_2425 = tpu.vector_load_idx %arg9[%add3A_2424] : memref<1056xi32, #tpu.memory_space<vmem>>[vector<16xi32>], vector<16xi32>,
    %sub3A_2426 = arith.subi %gather3A_2425, %get3A_2421 : vector<16xi32>
    %swap3A_2427 = arith.constant 864 : index
    %swap3A_2428 = tpu.vector_load %arg10[%swap3A_2427] {strides = array<i32>} : memref<1024xi32, #tpu.memory_space<vmem>>, vector<16xi32>,
    tpu.vector_store %arg10[%swap3A_2427], %sub3A_2426 {strides = array<i32>} : memref<1024xi32, #tpu.memory_space<vmem>>, vector<16xi32>,
    %get3A_2429 = arith.constant 880 : index
    %get3A_2430 = tpu.vector_load %arg9[%get3A_2429] {strides = array<i32>} : memref<1056xi32, #tpu.memory_space<vmem>>, vector<16xi32>,
    %add3A_2431 = arith.constant 881 : i32
    %add3A_2432 = vector.broadcast %add3A_2431 : i32 to vector<16xi32>
    %add3A_2433 = arith.addi %add3A_2432, %iota3A : vector<16xi32>
    %gather3A_2434 = tpu.vector_load_idx %arg9[%add3A_2433] : memref<1056xi32, #tpu.memory_space<vmem>>[vector<16xi32>], vector<16xi32>,
    %sub3A_2435 = arith.subi %gather3A_2434, %get3A_2430 : vector<16xi32>
    %swap3A_2436 = arith.constant 880 : index
    %swap3A_2437 = tpu.vector_load %arg10[%swap3A_2436] {strides = array<i32>} : memref<1024xi32, #tpu.memory_space<vmem>>, vector<16xi32>,
    tpu.vector_store %arg10[%swap3A_2436], %sub3A_2435 {strides = array<i32>} : memref<1024xi32, #tpu.memory_space<vmem>>, vector<16xi32>,
    %max3A_2438 = arith.maxsi %sub3A_2426, %sub3A_2435 : vector<16xi32>
    %reduce_max3A_2439 = arith.constant true
    %reduce_max3A_2440 = vector.broadcast %reduce_max3A_2439 : i1 to vector<16xi1>
    %reduce_max3A_2441 = arith.constant -2147483648 : i32
    %reduce_max3A_2442 = vector.broadcast %reduce_max3A_2441 : i32 to vector<16xi32>
    %reduce_max3A_2443 = arith.xori %max3A_2438, %reduce_max3A_2442 : vector<16xi32>
    %reduce_max3A_2444 = tpu.scan <max>, %reduce_max3A_2443 masked %reduce_max3A_2440 : vector<16xi32>, vector<16xi1> -> vector<16xi32>
    %reduce_max3A_2445 = arith.xori %reduce_max3A_2444, %reduce_max3A_2442 : vector<16xi32>
    %reduce_max3A_2446 = vector.extract %reduce_max3A_2445[15] : i32 from vector<16xi32>
    %add3A_2447 = vector.broadcast %reduce_max3A_2446 : i32 to vector<16xi32>
    %add3A_2448 = arith.addi %broadcast_in_dim3A_3, %add3A_2447 : vector<16xi32>
    %swap3A_2449 = arith.constant 432 : index
    %swap3A_2450 = tpu.vector_load %arg11[%swap3A_2449] {strides = array<i32>} : memref<512xi32, #tpu.memory_space<vmem>>, vector<16xi32>,
    tpu.vector_store %arg11[%swap3A_2449], %add3A_2448 {strides = array<i32>} : memref<512xi32, #tpu.memory_space<vmem>>, vector<16xi32>,
    %get3A_2451 = arith.constant 896 : index
    %get3A_2452 = tpu.vector_load %arg9[%get3A_2451] {strides = array<i32>} : memref<1056xi32, #tpu.memory_space<vmem>>, vector<16xi32>,
    %add3A_2453 = arith.constant 897 : i32
    %add3A_2454 = vector.broadcast %add3A_2453 : i32 to vector<16xi32>
    %add3A_2455 = arith.addi %add3A_2454, %iota3A : vector<16xi32>
    %gather3A_2456 = tpu.vector_load_idx %arg9[%add3A_2455] : memref<1056xi32, #tpu.memory_space<vmem>>[vector<16xi32>], vector<16xi32>,
    %sub3A_2457 = arith.subi %gather3A_2456, %get3A_2452 : vector<16xi32>
    %swap3A_2458 = arith.constant 896 : index
    %swap3A_2459 = tpu.vector_load %arg10[%swap3A_2458] {strides = array<i32>} : memref<1024xi32, #tpu.memory_space<vmem>>, vector<16xi32>,
    tpu.vector_store %arg10[%swap3A_2458], %sub3A_2457 {strides = array<i32>} : memref<1024xi32, #tpu.memory_space<vmem>>, vector<16xi32>,
    %get3A_2460 = arith.constant 912 : index
    %get3A_2461 = tpu.vector_load %arg9[%get3A_2460] {strides = array<i32>} : memref<1056xi32, #tpu.memory_space<vmem>>, vector<16xi32>,
    %add3A_2462 = arith.constant 913 : i32
    %add3A_2463 = vector.broadcast %add3A_2462 : i32 to vector<16xi32>
    %add3A_2464 = arith.addi %add3A_2463, %iota3A : vector<16xi32>
    %gather3A_2465 = tpu.vector_load_idx %arg9[%add3A_2464] : memref<1056xi32, #tpu.memory_space<vmem>>[vector<16xi32>], vector<16xi32>,
    %sub3A_2466 = arith.subi %gather3A_2465, %get3A_2461 : vector<16xi32>
    %swap3A_2467 = arith.constant 912 : index
    %swap3A_2468 = tpu.vector_load %arg10[%swap3A_2467] {strides = array<i32>} : memref<1024xi32, #tpu.memory_space<vmem>>, vector<16xi32>,
    tpu.vector_store %arg10[%swap3A_2467], %sub3A_2466 {strides = array<i32>} : memref<1024xi32, #tpu.memory_space<vmem>>, vector<16xi32>,
    %max3A_2469 = arith.maxsi %sub3A_2457, %sub3A_2466 : vector<16xi32>
    %reduce_max3A_2470 = arith.constant true
    %reduce_max3A_2471 = vector.broadcast %reduce_max3A_2470 : i1 to vector<16xi1>
    %reduce_max3A_2472 = arith.constant -2147483648 : i32
    %reduce_max3A_2473 = vector.broadcast %reduce_max3A_2472 : i32 to vector<16xi32>
    %reduce_max3A_2474 = arith.xori %max3A_2469, %reduce_max3A_2473 : vector<16xi32>
    %reduce_max3A_2475 = tpu.scan <max>, %reduce_max3A_2474 masked %reduce_max3A_2471 : vector<16xi32>, vector<16xi1> -> vector<16xi32>
    %reduce_max3A_2476 = arith.xori %reduce_max3A_2475, %reduce_max3A_2473 : vector<16xi32>
    %reduce_max3A_2477 = vector.extract %reduce_max3A_2476[15] : i32 from vector<16xi32>
    %add3A_2478 = vector.broadcast %reduce_max3A_2477 : i32 to vector<16xi32>
    %add3A_2479 = arith.addi %broadcast_in_dim3A_3, %add3A_2478 : vector<16xi32>
    %swap3A_2480 = arith.constant 448 : index
    %swap3A_2481 = tpu.vector_load %arg11[%swap3A_2480] {strides = array<i32>} : memref<512xi32, #tpu.memory_space<vmem>>, vector<16xi32>,
    tpu.vector_store %arg11[%swap3A_2480], %add3A_2479 {strides = array<i32>} : memref<512xi32, #tpu.memory_space<vmem>>, vector<16xi32>,
    %get3A_2482 = arith.constant 928 : index
    %get3A_2483 = tpu.vector_load %arg9[%get3A_2482] {strides = array<i32>} : memref<1056xi32, #tpu.memory_space<vmem>>, vector<16xi32>,
    %add3A_2484 = arith.constant 929 : i32
    %add3A_2485 = vector.broadcast %add3A_2484 : i32 to vector<16xi32>
    %add3A_2486 = arith.addi %add3A_2485, %iota3A : vector<16xi32>
    %gather3A_2487 = tpu.vector_load_idx %arg9[%add3A_2486] : memref<1056xi32, #tpu.memory_space<vmem>>[vector<16xi32>], vector<16xi32>,
    %sub3A_2488 = arith.subi %gather3A_2487, %get3A_2483 : vector<16xi32>
    %swap3A_2489 = arith.constant 928 : index
    %swap3A_2490 = tpu.vector_load %arg10[%swap3A_2489] {strides = array<i32>} : memref<1024xi32, #tpu.memory_space<vmem>>, vector<16xi32>,
    tpu.vector_store %arg10[%swap3A_2489], %sub3A_2488 {strides = array<i32>} : memref<1024xi32, #tpu.memory_space<vmem>>, vector<16xi32>,
    %get3A_2491 = arith.constant 944 : index
    %get3A_2492 = tpu.vector_load %arg9[%get3A_2491] {strides = array<i32>} : memref<1056xi32, #tpu.memory_space<vmem>>, vector<16xi32>,
    %add3A_2493 = arith.constant 945 : i32
    %add3A_2494 = vector.broadcast %add3A_2493 : i32 to vector<16xi32>
    %add3A_2495 = arith.addi %add3A_2494, %iota3A : vector<16xi32>
    %gather3A_2496 = tpu.vector_load_idx %arg9[%add3A_2495] : memref<1056xi32, #tpu.memory_space<vmem>>[vector<16xi32>], vector<16xi32>,
    %sub3A_2497 = arith.subi %gather3A_2496, %get3A_2492 : vector<16xi32>
    %swap3A_2498 = arith.constant 944 : index
    %swap3A_2499 = tpu.vector_load %arg10[%swap3A_2498] {strides = array<i32>} : memref<1024xi32, #tpu.memory_space<vmem>>, vector<16xi32>,
    tpu.vector_store %arg10[%swap3A_2498], %sub3A_2497 {strides = array<i32>} : memref<1024xi32, #tpu.memory_space<vmem>>, vector<16xi32>,
    %max3A_2500 = arith.maxsi %sub3A_2488, %sub3A_2497 : vector<16xi32>
    %reduce_max3A_2501 = arith.constant true
    %reduce_max3A_2502 = vector.broadcast %reduce_max3A_2501 : i1 to vector<16xi1>
    %reduce_max3A_2503 = arith.constant -2147483648 : i32
    %reduce_max3A_2504 = vector.broadcast %reduce_max3A_2503 : i32 to vector<16xi32>
    %reduce_max3A_2505 = arith.xori %max3A_2500, %reduce_max3A_2504 : vector<16xi32>
    %reduce_max3A_2506 = tpu.scan <max>, %reduce_max3A_2505 masked %reduce_max3A_2502 : vector<16xi32>, vector<16xi1> -> vector<16xi32>
    %reduce_max3A_2507 = arith.xori %reduce_max3A_2506, %reduce_max3A_2504 : vector<16xi32>
    %reduce_max3A_2508 = vector.extract %reduce_max3A_2507[15] : i32 from vector<16xi32>
    %add3A_2509 = vector.broadcast %reduce_max3A_2508 : i32 to vector<16xi32>
    %add3A_2510 = arith.addi %broadcast_in_dim3A_3, %add3A_2509 : vector<16xi32>
    %swap3A_2511 = arith.constant 464 : index
    %swap3A_2512 = tpu.vector_load %arg11[%swap3A_2511] {strides = array<i32>} : memref<512xi32, #tpu.memory_space<vmem>>, vector<16xi32>,
    tpu.vector_store %arg11[%swap3A_2511], %add3A_2510 {strides = array<i32>} : memref<512xi32, #tpu.memory_space<vmem>>, vector<16xi32>,
    %get3A_2513 = arith.constant 960 : index
    %get3A_2514 = tpu.vector_load %arg9[%get3A_2513] {strides = array<i32>} : memref<1056xi32, #tpu.memory_space<vmem>>, vector<16xi32>,
    %add3A_2515 = arith.constant 961 : i32
    %add3A_2516 = vector.broadcast %add3A_2515 : i32 to vector<16xi32>
    %add3A_2517 = arith.addi %add3A_2516, %iota3A : vector<16xi32>
    %gather3A_2518 = tpu.vector_load_idx %arg9[%add3A_2517] : memref<1056xi32, #tpu.memory_space<vmem>>[vector<16xi32>], vector<16xi32>,
    %sub3A_2519 = arith.subi %gather3A_2518, %get3A_2514 : vector<16xi32>
    %swap3A_2520 = arith.constant 960 : index
    %swap3A_2521 = tpu.vector_load %arg10[%swap3A_2520] {strides = array<i32>} : memref<1024xi32, #tpu.memory_space<vmem>>, vector<16xi32>,
    tpu.vector_store %arg10[%swap3A_2520], %sub3A_2519 {strides = array<i32>} : memref<1024xi32, #tpu.memory_space<vmem>>, vector<16xi32>,
    %get3A_2522 = arith.constant 976 : index
    %get3A_2523 = tpu.vector_load %arg9[%get3A_2522] {strides = array<i32>} : memref<1056xi32, #tpu.memory_space<vmem>>, vector<16xi32>,
    %add3A_2524 = arith.constant 977 : i32
    %add3A_2525 = vector.broadcast %add3A_2524 : i32 to vector<16xi32>
    %add3A_2526 = arith.addi %add3A_2525, %iota3A : vector<16xi32>
    %gather3A_2527 = tpu.vector_load_idx %arg9[%add3A_2526] : memref<1056xi32, #tpu.memory_space<vmem>>[vector<16xi32>], vector<16xi32>,
    %sub3A_2528 = arith.subi %gather3A_2527, %get3A_2523 : vector<16xi32>
    %swap3A_2529 = arith.constant 976 : index
    %swap3A_2530 = tpu.vector_load %arg10[%swap3A_2529] {strides = array<i32>} : memref<1024xi32, #tpu.memory_space<vmem>>, vector<16xi32>,
    tpu.vector_store %arg10[%swap3A_2529], %sub3A_2528 {strides = array<i32>} : memref<1024xi32, #tpu.memory_space<vmem>>, vector<16xi32>,
    %max3A_2531 = arith.maxsi %sub3A_2519, %sub3A_2528 : vector<16xi32>
    %reduce_max3A_2532 = arith.constant true
    %reduce_max3A_2533 = vector.broadcast %reduce_max3A_2532 : i1 to vector<16xi1>
    %reduce_max3A_2534 = arith.constant -2147483648 : i32
    %reduce_max3A_2535 = vector.broadcast %reduce_max3A_2534 : i32 to vector<16xi32>
    %reduce_max3A_2536 = arith.xori %max3A_2531, %reduce_max3A_2535 : vector<16xi32>
    %reduce_max3A_2537 = tpu.scan <max>, %reduce_max3A_2536 masked %reduce_max3A_2533 : vector<16xi32>, vector<16xi1> -> vector<16xi32>
    %reduce_max3A_2538 = arith.xori %reduce_max3A_2537, %reduce_max3A_2535 : vector<16xi32>
    %reduce_max3A_2539 = vector.extract %reduce_max3A_2538[15] : i32 from vector<16xi32>
    %add3A_2540 = vector.broadcast %reduce_max3A_2539 : i32 to vector<16xi32>
    %add3A_2541 = arith.addi %broadcast_in_dim3A_3, %add3A_2540 : vector<16xi32>
    %swap3A_2542 = arith.constant 480 : index
    %swap3A_2543 = tpu.vector_load %arg11[%swap3A_2542] {strides = array<i32>} : memref<512xi32, #tpu.memory_space<vmem>>, vector<16xi32>,
    tpu.vector_store %arg11[%swap3A_2542], %add3A_2541 {strides = array<i32>} : memref<512xi32, #tpu.memory_space<vmem>>, vector<16xi32>,
    %get3A_2544 = arith.constant 992 : index
    %get3A_2545 = tpu.vector_load %arg9[%get3A_2544] {strides = array<i32>} : memref<1056xi32, #tpu.memory_space<vmem>>, vector<16xi32>,
    %add3A_2546 = arith.constant 993 : i32
    %add3A_2547 = vector.broadcast %add3A_2546 : i32 to vector<16xi32>
    %add3A_2548 = arith.addi %add3A_2547, %iota3A : vector<16xi32>
    %gather3A_2549 = tpu.vector_load_idx %arg9[%add3A_2548] : memref<1056xi32, #tpu.memory_space<vmem>>[vector<16xi32>], vector<16xi32>,
    %sub3A_2550 = arith.subi %gather3A_2549, %get3A_2545 : vector<16xi32>
    %swap3A_2551 = arith.constant 992 : index
    %swap3A_2552 = tpu.vector_load %arg10[%swap3A_2551] {strides = array<i32>} : memref<1024xi32, #tpu.memory_space<vmem>>, vector<16xi32>,
    tpu.vector_store %arg10[%swap3A_2551], %sub3A_2550 {strides = array<i32>} : memref<1024xi32, #tpu.memory_space<vmem>>, vector<16xi32>,
    %get3A_2553 = arith.constant 1008 : index
    %get3A_2554 = tpu.vector_load %arg9[%get3A_2553] {strides = array<i32>} : memref<1056xi32, #tpu.memory_space<vmem>>, vector<16xi32>,
    %add3A_2555 = arith.constant 1009 : i32
    %add3A_2556 = vector.broadcast %add3A_2555 : i32 to vector<16xi32>
    %add3A_2557 = arith.addi %add3A_2556, %iota3A : vector<16xi32>
    %gather3A_2558 = tpu.vector_load_idx %arg9[%add3A_2557] : memref<1056xi32, #tpu.memory_space<vmem>>[vector<16xi32>], vector<16xi32>,
    %sub3A_2559 = arith.subi %gather3A_2558, %get3A_2554 : vector<16xi32>
    %swap3A_2560 = arith.constant 1008 : index
    %swap3A_2561 = tpu.vector_load %arg10[%swap3A_2560] {strides = array<i32>} : memref<1024xi32, #tpu.memory_space<vmem>>, vector<16xi32>,
    tpu.vector_store %arg10[%swap3A_2560], %sub3A_2559 {strides = array<i32>} : memref<1024xi32, #tpu.memory_space<vmem>>, vector<16xi32>,
    %max3A_2562 = arith.maxsi %sub3A_2550, %sub3A_2559 : vector<16xi32>
    %reduce_max3A_2563 = arith.constant true
    %reduce_max3A_2564 = vector.broadcast %reduce_max3A_2563 : i1 to vector<16xi1>
    %reduce_max3A_2565 = arith.constant -2147483648 : i32
    %reduce_max3A_2566 = vector.broadcast %reduce_max3A_2565 : i32 to vector<16xi32>
    %reduce_max3A_2567 = arith.xori %max3A_2562, %reduce_max3A_2566 : vector<16xi32>
    %reduce_max3A_2568 = tpu.scan <max>, %reduce_max3A_2567 masked %reduce_max3A_2564 : vector<16xi32>, vector<16xi1> -> vector<16xi32>
    %reduce_max3A_2569 = arith.xori %reduce_max3A_2568, %reduce_max3A_2566 : vector<16xi32>
    %reduce_max3A_2570 = vector.extract %reduce_max3A_2569[15] : i32 from vector<16xi32>
    %add3A_2571 = vector.broadcast %reduce_max3A_2570 : i32 to vector<16xi32>
    %add3A_2572 = arith.addi %broadcast_in_dim3A_3, %add3A_2571 : vector<16xi32>
    %swap3A_2573 = arith.constant 496 : index
    %swap3A_2574 = tpu.vector_load %arg11[%swap3A_2573] {strides = array<i32>} : memref<512xi32, #tpu.memory_space<vmem>>, vector<16xi32>,
    tpu.vector_store %arg11[%swap3A_2573], %add3A_2572 {strides = array<i32>} : memref<512xi32, #tpu.memory_space<vmem>>, vector<16xi32>,
    %get3A_2575 = arith.constant 0 : index
    %get3A_2576 = tpu.vector_load %arg9[%get3A_2575] {strides = array<i32>} : memref<1056xi32, #tpu.memory_space<vmem>>, vector<16xi32>,
    %slice3A_2577 = vector.extract_strided_slice %get3A_2576 {offsets = [0], sizes = [1], strides = [1]} : vector<16xi32> to vector<1xi32>
    %squeeze3A_2578 = vector.extract %slice3A_2577[0] : i32 from vector<1xi32>
    %get3A_2579 = arith.constant 1024 : index
    %get3A_2580 = tpu.vector_load %arg9[%get3A_2579] {strides = array<i32>} : memref<1056xi32, #tpu.memory_space<vmem>>, vector<16xi32>,
    %slice3A_2581 = vector.extract_strided_slice %get3A_2580 {offsets = [0], sizes = [1], strides = [1]} : vector<16xi32> to vector<1xi32>
    %squeeze3A_2582 = vector.extract %slice3A_2581[0] : i32 from vector<1xi32>
    %and3A_2583 = arith.constant -128 : i32
    %and3A_2584 = arith.andi %squeeze3A_2578, %and3A_2583 : i32
    %sub3A_2585 = arith.subi %squeeze3A_2582, %and3A_2584 : i32
    %add3A_2586 = arith.constant 11264 : i32
    %add3A_2587 = arith.addi %sub3A_2585, %add3A_2586 : i32
    %sub3A_2588 = arith.constant 1 : i32
    %sub3A_2589 = arith.subi %add3A_2587, %sub3A_2588 : i32
    %jit3A_2590 = arith.constant 11264 : i32
    %div3A_2591 = arith.divsi %sub3A_2589, %jit3A_2590 : i32
    %sign3A_2592 = arith.constant 0 : i32
    %sign3A_2593 = arith.cmpi sgt, %sub3A_2589, %sign3A_2592 : i32
    %sign3A_2594 = arith.extui %sign3A_2593 : i1 to i32
    %sign3A_2595 = arith.constant 0 : i32
    %sign3A_2596 = arith.cmpi slt, %sub3A_2589, %sign3A_2595 : i32
    %sign3A_2597 = arith.extui %sign3A_2596 : i1 to i32
    %sign3A_2598 = arith.subi %sign3A_2594, %sign3A_2597 : i32
    %sign3A_2599 = arith.constant 0 : i32
    %sign3A_2600 = arith.cmpi sgt, %jit3A_2590, %sign3A_2599 : i32
    %sign3A_2601 = arith.extui %sign3A_2600 : i1 to i32
    %sign3A_2602 = arith.constant 0 : i32
    %sign3A_2603 = arith.cmpi slt, %jit3A_2590, %sign3A_2602 : i32
    %sign3A_2604 = arith.extui %sign3A_2603 : i1 to i32
    %sign3A_2605 = arith.subi %sign3A_2601, %sign3A_2604 : i32
    %ne3A_2606 = arith.cmpi ne, %sign3A_2598, %sign3A_2605 : i32
    %rem3A_2607 = arith.remsi %sub3A_2589, %jit3A_2590 : i32
    %ne3A_2608 = arith.constant 0 : i32
    %ne3A_2609 = arith.cmpi ne, %rem3A_2607, %ne3A_2608 : i32
    %and3A_2610 = arith.andi %ne3A_2606, %ne3A_2609 : i1
    %sub3A_2611 = arith.constant 1 : i32
    %sub3A_2612 = arith.subi %div3A_2591, %sub3A_2611 : i32
    %select_n3A_2613 = arith.select %and3A_2610, %sub3A_2612, %div3A_2591 : i32
    %max3A_2614 = arith.constant 1 : i32
    %max3A_2615 = arith.maxsi %select_n3A_2613, %max3A_2614 : i32
    %swap3A_2616 = arith.constant 0 : i32
    %swap3A_2617 = arith.index_cast %swap3A_2616 : i32 to index
    %swap3A_2618 = arith.constant 11264 : index
    %swap3A_2619 = tpu.vector_load %arg16[%swap3A_2617, %swap3A_2618] {strides = array<i32>} : memref<8x11280xf32, #tpu.memory_space<vmem>>, vector<16xf32>,
    tpu.vector_store %arg16[%swap3A_2617, %swap3A_2618], %broadcast_in_dim3A_5 {strides = array<i32>} : memref<8x11280xf32, #tpu.memory_space<vmem>>, vector<16xf32>,
    %swap3A_2620 = arith.constant 1 : i32
    %swap3A_2621 = arith.index_cast %swap3A_2620 : i32 to index
    %swap3A_2622 = arith.constant 11264 : index
    %swap3A_2623 = tpu.vector_load %arg16[%swap3A_2621, %swap3A_2622] {strides = array<i32>} : memref<8x11280xf32, #tpu.memory_space<vmem>>, vector<16xf32>,
    tpu.vector_store %arg16[%swap3A_2621, %swap3A_2622], %broadcast_in_dim3A_5 {strides = array<i32>} : memref<8x11280xf32, #tpu.memory_space<vmem>>, vector<16xf32>,
    %swap3A_2624 = arith.constant 2 : i32
    %swap3A_2625 = arith.index_cast %swap3A_2624 : i32 to index
    %swap3A_2626 = arith.constant 11264 : index
    %swap3A_2627 = tpu.vector_load %arg16[%swap3A_2625, %swap3A_2626] {strides = array<i32>} : memref<8x11280xf32, #tpu.memory_space<vmem>>, vector<16xf32>,
    tpu.vector_store %arg16[%swap3A_2625, %swap3A_2626], %broadcast_in_dim3A_5 {strides = array<i32>} : memref<8x11280xf32, #tpu.memory_space<vmem>>, vector<16xf32>,
    %swap3A_2628 = arith.constant 3 : i32
    %swap3A_2629 = arith.index_cast %swap3A_2628 : i32 to index
    %swap3A_2630 = arith.constant 11264 : index
    %swap3A_2631 = tpu.vector_load %arg16[%swap3A_2629, %swap3A_2630] {strides = array<i32>} : memref<8x11280xf32, #tpu.memory_space<vmem>>, vector<16xf32>,
    tpu.vector_store %arg16[%swap3A_2629, %swap3A_2630], %broadcast_in_dim3A_5 {strides = array<i32>} : memref<8x11280xf32, #tpu.memory_space<vmem>>, vector<16xf32>,
    %swap3A_2632 = arith.constant 4 : i32
    %swap3A_2633 = arith.index_cast %swap3A_2632 : i32 to index
    %swap3A_2634 = arith.constant 11264 : index
    %swap3A_2635 = tpu.vector_load %arg16[%swap3A_2633, %swap3A_2634] {strides = array<i32>} : memref<8x11280xf32, #tpu.memory_space<vmem>>, vector<16xf32>,
    tpu.vector_store %arg16[%swap3A_2633, %swap3A_2634], %broadcast_in_dim3A_5 {strides = array<i32>} : memref<8x11280xf32, #tpu.memory_space<vmem>>, vector<16xf32>,
    %swap3A_2636 = arith.constant 5 : i32
    %swap3A_2637 = arith.index_cast %swap3A_2636 : i32 to index
    %swap3A_2638 = arith.constant 11264 : index
    %swap3A_2639 = tpu.vector_load %arg16[%swap3A_2637, %swap3A_2638] {strides = array<i32>} : memref<8x11280xf32, #tpu.memory_space<vmem>>, vector<16xf32>,
    tpu.vector_store %arg16[%swap3A_2637, %swap3A_2638], %broadcast_in_dim3A_5 {strides = array<i32>} : memref<8x11280xf32, #tpu.memory_space<vmem>>, vector<16xf32>,
    %swap3A_2640 = arith.constant 6 : i32
    %swap3A_2641 = arith.index_cast %swap3A_2640 : i32 to index
    %swap3A_2642 = arith.constant 11264 : index
    %swap3A_2643 = tpu.vector_load %arg16[%swap3A_2641, %swap3A_2642] {strides = array<i32>} : memref<8x11280xf32, #tpu.memory_space<vmem>>, vector<16xf32>,
    tpu.vector_store %arg16[%swap3A_2641, %swap3A_2642], %broadcast_in_dim3A_5 {strides = array<i32>} : memref<8x11280xf32, #tpu.memory_space<vmem>>, vector<16xf32>,
    %swap3A_2644 = arith.constant 7 : i32
    %swap3A_2645 = arith.index_cast %swap3A_2644 : i32 to index
    %swap3A_2646 = arith.constant 11264 : index
    %swap3A_2647 = tpu.vector_load %arg16[%swap3A_2645, %swap3A_2646] {strides = array<i32>} : memref<8x11280xf32, #tpu.memory_space<vmem>>, vector<16xf32>,
    tpu.vector_store %arg16[%swap3A_2645, %swap3A_2646], %broadcast_in_dim3A_5 {strides = array<i32>} : memref<8x11280xf32, #tpu.memory_space<vmem>>, vector<16xf32>,
    %scan3A_2648 = arith.constant 0 : i32
    %scan3A_2649 = arith.constant 0 : i32
    %scan3A_2650 = arith.constant 16 : i32
    %scan3A_2651 = arith.addi %scan3A_2649, %scan3A_2650 : i32
    %scan3A_2652 = arith.constant 1 : i32
    %scan3A_2653 = scf.for %scan3A_2655 = %scan3A_2649 to %scan3A_2651 step %scan3A_2652 iter_args(%scan3A_2656 = %scan3A_2648) -> (i32)  : i32 {
      %mul3A_2657 = arith.constant 8 : i32
      %mul3A_2658 = arith.muli %scan3A_2655, %mul3A_2657 : i32
      %multiple_of3A_2659 = tpu.assume_multiple %mul3A_2658, 8 : i32
      %scan3A_2660 = arith.constant 0 : i32
      %scan3A_2661 = arith.constant 0 : i32
      %scan3A_2662 = arith.constant 64 : i32
      %scan3A_2663 = arith.addi %scan3A_2661, %scan3A_2662 : i32
      %scan3A_2664 = arith.constant 1 : i32
      %scan3A_2665 = scf.for %scan3A_2680 = %scan3A_2661 to %scan3A_2663 step %scan3A_2664 iter_args(%scan3A_2681 = %scan3A_2660) -> (i32)  : i32 {
        %mul3A_2682 = arith.constant 16 : i32
        %mul3A_2683 = arith.muli %scan3A_2680, %mul3A_2682 : i32
        %multiple_of3A_2684 = tpu.assume_multiple %mul3A_2683, 16 : i32
        %swap3A_2685 = arith.constant 0 : i32
        %swap3A_2686 = arith.index_cast %swap3A_2685 : i32 to index
        %swap3A_2687 = arith.index_cast %multiple_of3A_2684 : i32 to index
        %swap3A_2688 = tpu.vector_load %arg15[%swap3A_2686, %swap3A_2687] {strides = array<i32>} : memref<8x1024xf32, #tpu.memory_space<vmem>>, vector<16xf32>,
        tpu.vector_store %arg15[%swap3A_2686, %swap3A_2687], %broadcast_in_dim3A_5 {strides = array<i32>} : memref<8x1024xf32, #tpu.memory_space<vmem>>, vector<16xf32>,
        %swap3A_2689 = arith.constant 1 : i32
        %swap3A_2690 = arith.index_cast %swap3A_2689 : i32 to index
        %swap3A_2691 = arith.index_cast %multiple_of3A_2684 : i32 to index
        %swap3A_2692 = tpu.vector_load %arg15[%swap3A_2690, %swap3A_2691] {strides = array<i32>} : memref<8x1024xf32, #tpu.memory_space<vmem>>, vector<16xf32>,
        tpu.vector_store %arg15[%swap3A_2690, %swap3A_2691], %broadcast_in_dim3A_5 {strides = array<i32>} : memref<8x1024xf32, #tpu.memory_space<vmem>>, vector<16xf32>,
        %swap3A_2693 = arith.constant 2 : i32
        %swap3A_2694 = arith.index_cast %swap3A_2693 : i32 to index
        %swap3A_2695 = arith.index_cast %multiple_of3A_2684 : i32 to index
        %swap3A_2696 = tpu.vector_load %arg15[%swap3A_2694, %swap3A_2695] {strides = array<i32>} : memref<8x1024xf32, #tpu.memory_space<vmem>>, vector<16xf32>,
        tpu.vector_store %arg15[%swap3A_2694, %swap3A_2695], %broadcast_in_dim3A_5 {strides = array<i32>} : memref<8x1024xf32, #tpu.memory_space<vmem>>, vector<16xf32>,
        %swap3A_2697 = arith.constant 3 : i32
        %swap3A_2698 = arith.index_cast %swap3A_2697 : i32 to index
        %swap3A_2699 = arith.index_cast %multiple_of3A_2684 : i32 to index
        %swap3A_2700 = tpu.vector_load %arg15[%swap3A_2698, %swap3A_2699] {strides = array<i32>} : memref<8x1024xf32, #tpu.memory_space<vmem>>, vector<16xf32>,
        tpu.vector_store %arg15[%swap3A_2698, %swap3A_2699], %broadcast_in_dim3A_5 {strides = array<i32>} : memref<8x1024xf32, #tpu.memory_space<vmem>>, vector<16xf32>,
        %swap3A_2701 = arith.constant 4 : i32
        %swap3A_2702 = arith.index_cast %swap3A_2701 : i32 to index
        %swap3A_2703 = arith.index_cast %multiple_of3A_2684 : i32 to index
        %swap3A_2704 = tpu.vector_load %arg15[%swap3A_2702, %swap3A_2703] {strides = array<i32>} : memref<8x1024xf32, #tpu.memory_space<vmem>>, vector<16xf32>,
        tpu.vector_store %arg15[%swap3A_2702, %swap3A_2703], %broadcast_in_dim3A_5 {strides = array<i32>} : memref<8x1024xf32, #tpu.memory_space<vmem>>, vector<16xf32>,
        %swap3A_2705 = arith.constant 5 : i32
        %swap3A_2706 = arith.index_cast %swap3A_2705 : i32 to index
        %swap3A_2707 = arith.index_cast %multiple_of3A_2684 : i32 to index
        %swap3A_2708 = tpu.vector_load %arg15[%swap3A_2706, %swap3A_2707] {strides = array<i32>} : memref<8x1024xf32, #tpu.memory_space<vmem>>, vector<16xf32>,
        tpu.vector_store %arg15[%swap3A_2706, %swap3A_2707], %broadcast_in_dim3A_5 {strides = array<i32>} : memref<8x1024xf32, #tpu.memory_space<vmem>>, vector<16xf32>,
        %swap3A_2709 = arith.constant 6 : i32
        %swap3A_2710 = arith.index_cast %swap3A_2709 : i32 to index
        %swap3A_2711 = arith.index_cast %multiple_of3A_2684 : i32 to index
        %swap3A_2712 = tpu.vector_load %arg15[%swap3A_2710, %swap3A_2711] {strides = array<i32>} : memref<8x1024xf32, #tpu.memory_space<vmem>>, vector<16xf32>,
        tpu.vector_store %arg15[%swap3A_2710, %swap3A_2711], %broadcast_in_dim3A_5 {strides = array<i32>} : memref<8x1024xf32, #tpu.memory_space<vmem>>, vector<16xf32>,
        %swap3A_2713 = arith.constant 7 : i32
        %swap3A_2714 = arith.index_cast %swap3A_2713 : i32 to index
        %swap3A_2715 = arith.index_cast %multiple_of3A_2684 : i32 to index
        %swap3A_2716 = tpu.vector_load %arg15[%swap3A_2714, %swap3A_2715] {strides = array<i32>} : memref<8x1024xf32, #tpu.memory_space<vmem>>, vector<16xf32>,
        tpu.vector_store %arg15[%swap3A_2714, %swap3A_2715], %broadcast_in_dim3A_5 {strides = array<i32>} : memref<8x1024xf32, #tpu.memory_space<vmem>>, vector<16xf32>,
        %scan3A_2717 = arith.constant 0 : i32
        scf.yield %scan3A_2717 : i32
      }
      %scan3A_2666 = arith.constant 64 : i32
      %while3A_2667 = arith.constant 0 : i32
      %while3A_2668 = arith.constant 0 : i32
      %while3A_2669 = arith.subi %max3A_2615, %while3A_2667 : i32
      %while3A_2670 = arith.addi %while3A_2667, %while3A_2669 : i32
      %while3A_2671 = arith.constant 1 : i32
      %while3A_2672 = arith.divsi %while3A_2669, %while3A_2671 : i32
      %while3A_2673 = arith.muli %while3A_2672, %while3A_2671 : i32
      %while3A_2674 = arith.addi %while3A_2667, %while3A_2673 : i32
      %while3A_2675 = arith.constant 1 : i32
      %while3A_2676 = scf.for %while3A_2680 = %while3A_2667 to %while3A_2674 step %while3A_2675 iter_args(%while3A_2681 = %while3A_2668) -> (i32)  : i32 {
        %mul3A_2682 = arith.constant 11264 : i32
        %mul3A_2683 = arith.muli %while3A_2680, %mul3A_2682 : i32
        %add3A_2684 = arith.addi %and3A_2584, %mul3A_2683 : i32
        %min3A = arith.constant 250880 : i32
        %min3A_2685 = arith.minsi %add3A_2684, %min3A : i32
        %multiple_of3A_2686 = tpu.assume_multiple %min3A_2685, 128 : i32
        %sub3A_2687 = arith.subi %squeeze3A_2582, %multiple_of3A_2686 : i32
        %add3A_2688 = arith.constant 1024 : i32
        %add3A_2689 = arith.addi %sub3A_2687, %add3A_2688 : i32
        %sub3A_2690 = arith.constant 1 : i32
        %sub3A_2691 = arith.subi %add3A_2689, %sub3A_2690 : i32
        %jit3A_2692 = arith.constant 1024 : i32
        %div3A_2693 = arith.divsi %sub3A_2691, %jit3A_2692 : i32
        %sign3A_2694 = arith.constant 0 : i32
        %sign3A_2695 = arith.cmpi sgt, %sub3A_2691, %sign3A_2694 : i32
        %sign3A_2696 = arith.extui %sign3A_2695 : i1 to i32
        %sign3A_2697 = arith.constant 0 : i32
        %sign3A_2698 = arith.cmpi slt, %sub3A_2691, %sign3A_2697 : i32
        %sign3A_2699 = arith.extui %sign3A_2698 : i1 to i32
        %sign3A_2700 = arith.subi %sign3A_2696, %sign3A_2699 : i32
        %sign3A_2701 = arith.constant 0 : i32
        %sign3A_2702 = arith.cmpi sgt, %jit3A_2692, %sign3A_2701 : i32
        %sign3A_2703 = arith.extui %sign3A_2702 : i1 to i32
        %sign3A_2704 = arith.constant 0 : i32
        %sign3A_2705 = arith.cmpi slt, %jit3A_2692, %sign3A_2704 : i32
        %sign3A_2706 = arith.extui %sign3A_2705 : i1 to i32
        %sign3A_2707 = arith.subi %sign3A_2703, %sign3A_2706 : i32
        %ne3A_2708 = arith.cmpi ne, %sign3A_2700, %sign3A_2707 : i32
        %rem3A_2709 = arith.remsi %sub3A_2691, %jit3A_2692 : i32
        %ne3A_2710 = arith.constant 0 : i32
        %ne3A_2711 = arith.cmpi ne, %rem3A_2709, %ne3A_2710 : i32
        %and3A_2712 = arith.andi %ne3A_2708, %ne3A_2711 : i1
        %sub3A_2713 = arith.constant 1 : i32
        %sub3A_2714 = arith.subi %div3A_2693, %sub3A_2713 : i32
        %select_n3A_2715 = arith.select %and3A_2712, %sub3A_2714, %div3A_2693 : i32
        %jit3A_2716 = arith.constant 1 : i32
        %jit3A_2717 = arith.constant 11 : i32
        %max3A_2718 = arith.maxsi %jit3A_2716, %select_n3A_2715 : i32
        %min3A_2719 = arith.minsi %jit3A_2717, %max3A_2718 : i32
        %while3A_2720 = arith.constant 0 : i32
        %while3A_2721 = arith.constant 0 : i32
        %while3A_2722 = arith.subi %min3A_2719, %while3A_2720 : i32
        %while3A_2723 = arith.addi %while3A_2720, %while3A_2722 : i32
        %while3A_2724 = arith.constant 1 : i32
        %while3A_2725 = arith.divsi %while3A_2722, %while3A_2724 : i32
        %while3A_2726 = arith.muli %while3A_2725, %while3A_2724 : i32
        %while3A_2727 = arith.addi %while3A_2720, %while3A_2726 : i32
        %while3A_2728 = arith.constant 1 : i32
        %while3A_2729 = scf.for %while3A_2772 = %while3A_2720 to %while3A_2727 step %while3A_2728 iter_args(%while3A_2773 = %while3A_2721) -> (i32)  : i32 {
          %mul3A_2774 = arith.constant 1024 : i32
          %mul3A_2775 = arith.muli %while3A_2772, %mul3A_2774 : i32
          %multiple_of3A_2776 = tpu.assume_multiple %mul3A_2775, 1024 : i32
          %add3A_2777 = arith.addi %multiple_of3A_2686, %multiple_of3A_2776 : i32
          %dma_start3A = arith.constant 0 : i32
          %dma_start3A_2778 = tpu.memref_slice %arg16[%dma_start3A, %multiple_of3A_2776] : memref<8x11280xf32, #tpu.memory_space<vmem>> -> memref<8x1024xf32, #tpu.memory_space<vmem>>
          %dma_start3A_2779 = tpu.memref_slice %arg2[%multiple_of3A_2659, %add3A_2777] : memref<128x262144xf32, #tpu.memory_space<hbm>> -> memref<8x1024xf32, #tpu.memory_space<hbm>>
          %dma_start3A_2780 = tpu.memref_slice %arg18[%while3A_2772] : memref<11x!tpu.dma_semaphore, #tpu.memory_space<semaphore_mem>> -> memref<1x!tpu.dma_semaphore, #tpu.memory_space<semaphore_mem>>
          %dma_start3A_2781 = tpu.memref_squeeze %dma_start3A_2780 : memref<1x!tpu.dma_semaphore, #tpu.memory_space<semaphore_mem>> -> memref<!tpu.dma_semaphore, #tpu.memory_space<semaphore_mem>>
          %dma_start3A_2782 = arith.constant 0 : i32
          %dma_start3A_2783 = tpu.memref_slice %arg16[%dma_start3A_2782, %multiple_of3A_2776] : memref<8x11280xf32, #tpu.memory_space<vmem>> -> memref<8x1024xf32, #tpu.memory_space<vmem>>
          %dma_start3A_2784 = tpu.memref_slice %arg2[%multiple_of3A_2659, %add3A_2777] : memref<128x262144xf32, #tpu.memory_space<hbm>> -> memref<8x1024xf32, #tpu.memory_space<hbm>>
          tpu.enqueue_dma source(%dma_start3A_2784 : memref<8x1024xf32, #tpu.memory_space<hbm>>) target(%dma_start3A_2783 : memref<8x1024xf32, #tpu.memory_space<vmem>>) target_semaphore(%dma_start3A_2781 : memref<!tpu.dma_semaphore, #tpu.memory_space<semaphore_mem>>)
          %while3A_2785 = arith.constant 0 : i32
          scf.yield %while3A_2785 : i32
        }
        %while3A_2730 = arith.constant 1 : i32
        %while3A_2731 = scf.for %while3A_2772 = %while3A_2727 to %while3A_2723 step %while3A_2730 iter_args(%while3A_2773 = %while3A_2729) -> (i32)  : i32 {
          %mul3A_2774 = arith.constant 1024 : i32
          %mul3A_2775 = arith.muli %while3A_2772, %mul3A_2774 : i32
          %multiple_of3A_2776 = tpu.assume_multiple %mul3A_2775, 1024 : i32
          %add3A_2777 = arith.addi %multiple_of3A_2686, %multiple_of3A_2776 : i32
          %dma_start3A = arith.constant 0 : i32
          %dma_start3A_2778 = tpu.memref_slice %arg16[%dma_start3A, %multiple_of3A_2776] : memref<8x11280xf32, #tpu.memory_space<vmem>> -> memref<8x1024xf32, #tpu.memory_space<vmem>>
          %dma_start3A_2779 = tpu.memref_slice %arg2[%multiple_of3A_2659, %add3A_2777] : memref<128x262144xf32, #tpu.memory_space<hbm>> -> memref<8x1024xf32, #tpu.memory_space<hbm>>
          %dma_start3A_2780 = tpu.memref_slice %arg18[%while3A_2772] : memref<11x!tpu.dma_semaphore, #tpu.memory_space<semaphore_mem>> -> memref<1x!tpu.dma_semaphore, #tpu.memory_space<semaphore_mem>>
          %dma_start3A_2781 = tpu.memref_squeeze %dma_start3A_2780 : memref<1x!tpu.dma_semaphore, #tpu.memory_space<semaphore_mem>> -> memref<!tpu.dma_semaphore, #tpu.memory_space<semaphore_mem>>
          %dma_start3A_2782 = arith.constant 0 : i32
          %dma_start3A_2783 = tpu.memref_slice %arg16[%dma_start3A_2782, %multiple_of3A_2776] : memref<8x11280xf32, #tpu.memory_space<vmem>> -> memref<8x1024xf32, #tpu.memory_space<vmem>>
          %dma_start3A_2784 = tpu.memref_slice %arg2[%multiple_of3A_2659, %add3A_2777] : memref<128x262144xf32, #tpu.memory_space<hbm>> -> memref<8x1024xf32, #tpu.memory_space<hbm>>
          tpu.enqueue_dma source(%dma_start3A_2784 : memref<8x1024xf32, #tpu.memory_space<hbm>>) target(%dma_start3A_2783 : memref<8x1024xf32, #tpu.memory_space<vmem>>) target_semaphore(%dma_start3A_2781 : memref<!tpu.dma_semaphore, #tpu.memory_space<semaphore_mem>>)
          %while3A_2785 = arith.constant 0 : i32
          scf.yield %while3A_2785 : i32
        }
        %scan3A_2732 = arith.constant 0 : i32
        %scan3A_2733 = arith.constant 0 : i32
        %scan3A_2734 = arith.constant 64 : i32
        %scan3A_2735 = arith.addi %scan3A_2733, %scan3A_2734 : i32
        %scan3A_2736 = arith.constant 1 : i32
        %scan3A_2737 = scf.for %scan3A_2772 = %scan3A_2733 to %scan3A_2735 step %scan3A_2736 iter_args(%scan3A_2773 = %scan3A_2732) -> (i32)  : i32 {
          %mul3A_2774 = arith.constant 16 : i32
          %mul3A_2775 = arith.muli %scan3A_2772, %mul3A_2774 : i32
          %multiple_of3A_2776 = tpu.assume_multiple %mul3A_2775, 16 : i32
          %get3A_2777 = arith.index_cast %multiple_of3A_2776 : i32 to index
          %get3A_2778 = tpu.vector_load %arg9[%get3A_2777] {strides = array<i32>} : memref<1056xi32, #tpu.memory_space<vmem>>, vector<16xi32>,
          %sub3A_2779 = vector.broadcast %multiple_of3A_2686 : i32 to vector<16xi32>
          %sub3A_2780 = arith.subi %get3A_2778, %sub3A_2779 : vector<16xi32>
          %get3A_2781 = arith.index_cast %multiple_of3A_2776 : i32 to index
          %get3A_2782 = tpu.vector_load %arg10[%get3A_2781] {strides = array<i32>} : memref<1024xi32, #tpu.memory_space<vmem>>, vector<16xi32>,
          %eq3A_2783 = arith.constant 0 : i32
          %eq3A_2784 = vector.broadcast %eq3A_2783 : i32 to vector<16xi32>
          %eq3A_2785 = arith.cmpi eq, %get3A_2782, %eq3A_2784 : vector<16xi32>
          %add3A_2786 = arith.addi %sub3A_2780, %get3A_2782 : vector<16xi32>
          %le3A = arith.constant 0 : i32
          %le3A_2787 = vector.broadcast %le3A : i32 to vector<16xi32>
          %le3A_2788 = arith.cmpi sle, %add3A_2786, %le3A_2787 : vector<16xi32>
          %or3A = arith.ori %eq3A_2785, %le3A_2788 : vector<16xi1>
          %ge3A = arith.constant 11264 : i32
          %ge3A_2789 = vector.broadcast %ge3A : i32 to vector<16xi32>
          %ge3A_2790 = arith.cmpi sge, %sub3A_2780, %ge3A_2789 : vector<16xi32>
          %or3A_2791 = arith.ori %or3A, %ge3A_2790 : vector<16xi1>
          %add3A_2792 = arith.addi %sub3A_2780, %get3A_2782 : vector<16xi32>
          %sub3A_2793 = arith.constant 1 : i32
          %sub3A_2794 = vector.broadcast %sub3A_2793 : i32 to vector<16xi32>
          %sub3A_2795 = arith.subi %add3A_2792, %sub3A_2794 : vector<16xi32>
          %min3A_2796 = arith.constant 11263 : i32
          %min3A_2797 = vector.broadcast %min3A_2796 : i32 to vector<16xi32>
          %min3A_2798 = arith.minsi %sub3A_2795, %min3A_2797 : vector<16xi32>
          %jit3A_2799 = arith.constant 11264 : i32
          %broadcast_in_dim3A_2800 = vector.broadcast %jit3A_2799 : i32 to vector<16xi32>
          %select_n3A_2801 = arith.select %or3A_2791, %broadcast_in_dim3A_2800, %min3A_2798 : vector<16xi1>, vector<16xi32>
          %max3A_2802 = arith.constant 0 : i32
          %max3A_2803 = vector.broadcast %max3A_2802 : i32 to vector<16xi32>
          %max3A_2804 = arith.maxsi %sub3A_2780, %max3A_2803 : vector<16xi32>
          %jit3A_2805 = arith.constant 11264 : i32
          %broadcast_in_dim3A_2806 = vector.broadcast %jit3A_2805 : i32 to vector<16xi32>
          %select_n3A_2807 = arith.select %or3A_2791, %broadcast_in_dim3A_2806, %max3A_2804 : vector<16xi1>, vector<16xi32>
          %swap3A_2808 = arith.index_cast %multiple_of3A_2776 : i32 to index
          %swap3A_2809 = tpu.vector_load %arg12[%swap3A_2808] {strides = array<i32>} : memref<1024xi32, #tpu.memory_space<vmem>>, vector<16xi32>,
          tpu.vector_store %arg12[%swap3A_2808], %sub3A_2780 {strides = array<i32>} : memref<1024xi32, #tpu.memory_space<vmem>>, vector<16xi32>,
          %swap3A_2810 = arith.index_cast %multiple_of3A_2776 : i32 to index
          %swap3A_2811 = tpu.vector_load %arg13[%swap3A_2810] {strides = array<i32>} : memref<1024xi32, #tpu.memory_space<vmem>>, vector<16xi32>,
          tpu.vector_store %arg13[%swap3A_2810], %select_n3A_2801 {strides = array<i32>} : memref<1024xi32, #tpu.memory_space<vmem>>, vector<16xi32>,
          %swap3A_2812 = arith.index_cast %multiple_of3A_2776 : i32 to index
          %swap3A_2813 = tpu.vector_load %arg14[%swap3A_2812] {strides = array<i32>} : memref<1024xi32, #tpu.memory_space<vmem>>, vector<16xi32>,
          tpu.vector_store %arg14[%swap3A_2812], %select_n3A_2807 {strides = array<i32>} : memref<1024xi32, #tpu.memory_space<vmem>>, vector<16xi32>,
          %scan3A_2814 = arith.constant 0 : i32
          scf.yield %scan3A_2814 : i32
        }
        %scan3A_2738 = arith.constant 64 : i32
        %add3A_2739 = arith.constant 0 : i32
        %add3A_2740 = vector.broadcast %add3A_2739 : i32 to vector<16xi32>
        %add3A_2741 = arith.addi %broadcast_in_dim3A_3, %add3A_2740 : vector<16xi32>
        %add3A_2742 = arith.constant 1 : i32
        %add3A_2743 = vector.broadcast %add3A_2742 : i32 to vector<16xi32>
        %add3A_2744 = arith.addi %broadcast_in_dim3A_3, %add3A_2743 : vector<16xi32>
        %add3A_2745 = arith.constant 2 : i32
        %add3A_2746 = vector.broadcast %add3A_2745 : i32 to vector<16xi32>
        %add3A_2747 = arith.addi %broadcast_in_dim3A_3, %add3A_2746 : vector<16xi32>
        %add3A_2748 = arith.constant 3 : i32
        %add3A_2749 = vector.broadcast %add3A_2748 : i32 to vector<16xi32>
        %add3A_2750 = arith.addi %broadcast_in_dim3A_3, %add3A_2749 : vector<16xi32>
        %add3A_2751 = arith.constant 4 : i32
        %add3A_2752 = vector.broadcast %add3A_2751 : i32 to vector<16xi32>
        %add3A_2753 = arith.addi %broadcast_in_dim3A_3, %add3A_2752 : vector<16xi32>
        %add3A_2754 = arith.constant 5 : i32
        %add3A_2755 = vector.broadcast %add3A_2754 : i32 to vector<16xi32>
        %add3A_2756 = arith.addi %broadcast_in_dim3A_3, %add3A_2755 : vector<16xi32>
        %add3A_2757 = arith.constant 6 : i32
        %add3A_2758 = vector.broadcast %add3A_2757 : i32 to vector<16xi32>
        %add3A_2759 = arith.addi %broadcast_in_dim3A_3, %add3A_2758 : vector<16xi32>
        %add3A_2760 = arith.constant 7 : i32
        %add3A_2761 = vector.broadcast %add3A_2760 : i32 to vector<16xi32>
        %add3A_2762 = arith.addi %broadcast_in_dim3A_3, %add3A_2761 : vector<16xi32>
        %scan3A_2763 = arith.constant 0 : i32
        %scan3A_2764 = arith.constant 0 : i32
        %scan3A_2765 = arith.constant 32 : i32
        %scan3A_2766 = arith.addi %scan3A_2764, %scan3A_2765 : i32
        %scan3A_2767 = arith.constant 1 : i32
        %scan3A_2768 = scf.for %scan3A_2772 = %scan3A_2764 to %scan3A_2766 step %scan3A_2767 iter_args(%scan3A_2773 = %scan3A_2763) -> (i32)  : i32 {
          %mul3A_2774 = arith.constant 32 : i32
          %mul3A_2775 = arith.muli %scan3A_2772, %mul3A_2774 : i32
          %multiple_of3A_2776 = tpu.assume_multiple %mul3A_2775, 32 : i32
          %mul3A_2777 = arith.constant 16 : i32
          %mul3A_2778 = arith.muli %scan3A_2772, %mul3A_2777 : i32
          %multiple_of3A_2779 = tpu.assume_multiple %mul3A_2778, 16 : i32
          %get3A_2780 = arith.index_cast %multiple_of3A_2779 : i32 to index
          %get3A_2781 = tpu.vector_load %arg11[%get3A_2780] {strides = array<i32>} : memref<512xi32, #tpu.memory_space<vmem>>, vector<16xi32>,
          %slice3A_2782 = vector.extract_strided_slice %get3A_2781 {offsets = [0], sizes = [1], strides = [1]} : vector<16xi32> to vector<1xi32>
          %squeeze3A_2783 = vector.extract %slice3A_2782[0] : i32 from vector<1xi32>
          %add3A_2784 = arith.constant 0 : i32
          %add3A_2785 = arith.addi %multiple_of3A_2776, %add3A_2784 : i32
          %get3A_2786 = arith.index_cast %add3A_2785 : i32 to index
          %get3A_2787 = tpu.vector_load %arg12[%get3A_2786] {strides = array<i32>} : memref<1024xi32, #tpu.memory_space<vmem>>, vector<16xi32>,
          %add3A_2788 = arith.constant 0 : i32
          %add3A_2789 = arith.addi %multiple_of3A_2776, %add3A_2788 : i32
          %get3A_2790 = arith.index_cast %add3A_2789 : i32 to index
          %get3A_2791 = tpu.vector_load %arg13[%get3A_2790] {strides = array<i32>} : memref<1024xi32, #tpu.memory_space<vmem>>, vector<16xi32>,
          %add3A_2792 = arith.constant 0 : i32
          %add3A_2793 = arith.addi %multiple_of3A_2776, %add3A_2792 : i32
          %get3A_2794 = arith.index_cast %add3A_2793 : i32 to index
          %get3A_2795 = tpu.vector_load %arg14[%get3A_2794] {strides = array<i32>} : memref<1024xi32, #tpu.memory_space<vmem>>, vector<16xi32>,
          %add3A_2796 = arith.constant 16 : i32
          %add3A_2797 = arith.addi %multiple_of3A_2776, %add3A_2796 : i32
          %get3A_2798 = arith.index_cast %add3A_2797 : i32 to index
          %get3A_2799 = tpu.vector_load %arg12[%get3A_2798] {strides = array<i32>} : memref<1024xi32, #tpu.memory_space<vmem>>, vector<16xi32>,
          %add3A_2800 = arith.constant 16 : i32
          %add3A_2801 = arith.addi %multiple_of3A_2776, %add3A_2800 : i32
          %get3A_2802 = arith.index_cast %add3A_2801 : i32 to index
          %get3A_2803 = tpu.vector_load %arg13[%get3A_2802] {strides = array<i32>} : memref<1024xi32, #tpu.memory_space<vmem>>, vector<16xi32>,
          %add3A_2804 = arith.constant 16 : i32
          %add3A_2805 = arith.addi %multiple_of3A_2776, %add3A_2804 : i32
          %get3A_2806 = arith.index_cast %add3A_2805 : i32 to index
          %get3A_2807 = tpu.vector_load %arg14[%get3A_2806] {strides = array<i32>} : memref<1024xi32, #tpu.memory_space<vmem>>, vector<16xi32>,
          %add3A_2808 = arith.constant 16 : i32
          %add3A_2809 = arith.addi %multiple_of3A_2776, %add3A_2808 : i32
          %get3A_2810 = arith.index_cast %add3A_2809 : i32 to index
          %get3A_2811 = tpu.vector_load %arg10[%get3A_2810] {strides = array<i32>} : memref<1024xi32, #tpu.memory_space<vmem>>, vector<16xi32>,
          %slice3A_2812 = vector.extract_strided_slice %get3A_2811 {offsets = [15], sizes = [1], strides = [1]} : vector<16xi32> to vector<1xi32>
          %squeeze3A_2813 = vector.extract %slice3A_2812[0] : i32 from vector<1xi32>
          %slice3A_2814 = vector.extract_strided_slice %get3A_2799 {offsets = [15], sizes = [1], strides = [1]} : vector<16xi32> to vector<1xi32>
          %squeeze3A_2815 = vector.extract %slice3A_2814[0] : i32 from vector<1xi32>
          %add3A_2816 = arith.addi %squeeze3A_2815, %squeeze3A_2813 : i32
          %add3A_2817 = arith.constant 1024 : i32
          %add3A_2818 = arith.addi %add3A_2816, %add3A_2817 : i32
          %sub3A_2819 = arith.constant 1 : i32
          %sub3A_2820 = arith.subi %add3A_2818, %sub3A_2819 : i32
          %jit3A_2821 = arith.constant 1024 : i32
          %div3A_2822 = arith.divsi %sub3A_2820, %jit3A_2821 : i32
          %sign3A_2823 = arith.constant 0 : i32
          %sign3A_2824 = arith.cmpi sgt, %sub3A_2820, %sign3A_2823 : i32
          %sign3A_2825 = arith.extui %sign3A_2824 : i1 to i32
          %sign3A_2826 = arith.constant 0 : i32
          %sign3A_2827 = arith.cmpi slt, %sub3A_2820, %sign3A_2826 : i32
          %sign3A_2828 = arith.extui %sign3A_2827 : i1 to i32
          %sign3A_2829 = arith.subi %sign3A_2825, %sign3A_2828 : i32
          %sign3A_2830 = arith.constant 0 : i32
          %sign3A_2831 = arith.cmpi sgt, %jit3A_2821, %sign3A_2830 : i32
          %sign3A_2832 = arith.extui %sign3A_2831 : i1 to i32
          %sign3A_2833 = arith.constant 0 : i32
          %sign3A_2834 = arith.cmpi slt, %jit3A_2821, %sign3A_2833 : i32
          %sign3A_2835 = arith.extui %sign3A_2834 : i1 to i32
          %sign3A_2836 = arith.subi %sign3A_2832, %sign3A_2835 : i32
          %ne3A_2837 = arith.cmpi ne, %sign3A_2829, %sign3A_2836 : i32
          %rem3A_2838 = arith.remsi %sub3A_2820, %jit3A_2821 : i32
          %ne3A_2839 = arith.constant 0 : i32
          %ne3A_2840 = arith.cmpi ne, %rem3A_2838, %ne3A_2839 : i32
          %and3A_2841 = arith.andi %ne3A_2837, %ne3A_2840 : i1
          %sub3A_2842 = arith.constant 1 : i32
          %sub3A_2843 = arith.subi %div3A_2822, %sub3A_2842 : i32
          %select_n3A_2844 = arith.select %and3A_2841, %sub3A_2843, %div3A_2822 : i32
          %jit3A_2845 = arith.constant 0 : i32
          %max3A_2846 = arith.maxsi %jit3A_2845, %select_n3A_2844 : i32
          %min3A_2847 = arith.minsi %min3A_2719, %max3A_2846 : i32
          %while3A_2848 = scf.while (%while3A_3052 = %scan3A_2773) : (i32) -> i32 {
            %lt3A = arith.cmpi slt, %while3A_3052, %min3A_2847 : i32
            scf.condition(%lt3A) %while3A_3052 : i32
          } do {
          ^bb0(%while3A_3052: i32):
            %dma_wait3A = arith.constant 0 : i32
            %dma_wait3A_3053 = arith.constant 0 : i32
            %dma_wait3A_3054 = tpu.memref_slice %arg16[%dma_wait3A, %dma_wait3A_3053] : memref<8x11280xf32, #tpu.memory_space<vmem>> -> memref<8x1024xf32, #tpu.memory_space<vmem>>
            %dma_wait3A_3055 = arith.constant 0 : i32
            %dma_wait3A_3056 = arith.constant 0 : i32
            %dma_wait3A_3057 = tpu.memref_slice %arg2[%dma_wait3A_3055, %dma_wait3A_3056] : memref<128x262144xf32, #tpu.memory_space<hbm>> -> memref<8x1024xf32, #tpu.memory_space<hbm>>
            %dma_wait3A_3058 = tpu.memref_slice %arg18[%while3A_3052] : memref<11x!tpu.dma_semaphore, #tpu.memory_space<semaphore_mem>> -> memref<1x!tpu.dma_semaphore, #tpu.memory_space<semaphore_mem>>
            %dma_wait3A_3059 = tpu.memref_squeeze %dma_wait3A_3058 : memref<1x!tpu.dma_semaphore, #tpu.memory_space<semaphore_mem>> -> memref<!tpu.dma_semaphore, #tpu.memory_space<semaphore_mem>>
            %dma_wait3A_3060 = arith.constant 0 : i32
            %dma_wait3A_3061 = arith.constant 0 : i32
            %dma_wait3A_3062 = tpu.memref_slice %arg16[%dma_wait3A_3060, %dma_wait3A_3061] : memref<8x11280xf32, #tpu.memory_space<vmem>> -> memref<8x1024xf32, #tpu.memory_space<vmem>>
            %dma_wait3A_3063 = arith.constant 0 : i32
            %dma_wait3A_3064 = arith.constant 0 : i32
            %dma_wait3A_3065 = tpu.memref_slice %arg2[%dma_wait3A_3063, %dma_wait3A_3064] : memref<128x262144xf32, #tpu.memory_space<hbm>> -> memref<8x1024xf32, #tpu.memory_space<hbm>>
            tpu.wait_dma2 semaphore(%dma_wait3A_3059 : memref<!tpu.dma_semaphore, #tpu.memory_space<semaphore_mem>>) src(%dma_wait3A_3065 : memref<8x1024xf32, #tpu.memory_space<hbm>>) dst(%dma_wait3A_3062 : memref<8x1024xf32, #tpu.memory_space<vmem>>)
            %add3A_3066 = arith.constant 1 : i32
            %add3A_3067 = arith.addi %while3A_3052, %add3A_3066 : i32
            scf.yield %add3A_3067 : i32
          }
          %add3A_2849 = arith.constant 0 : i32
          %add3A_2850 = arith.addi %multiple_of3A_2776, %add3A_2849 : i32
          %get3A_2851 = arith.constant 0 : i32
          %get3A_2852 = arith.index_cast %get3A_2851 : i32 to index
          %get3A_2853 = arith.index_cast %add3A_2850 : i32 to index
          %get3A_2854 = tpu.vector_load %arg15[%get3A_2852, %get3A_2853] {strides = array<i32>} : memref<8x1024xf32, #tpu.memory_space<vmem>>, vector<16xf32>,
          %add3A_2855 = arith.constant 0 : i32
          %add3A_2856 = arith.addi %multiple_of3A_2776, %add3A_2855 : i32
          %get3A_2857 = arith.constant 1 : i32
          %get3A_2858 = arith.index_cast %get3A_2857 : i32 to index
          %get3A_2859 = arith.index_cast %add3A_2856 : i32 to index
          %get3A_2860 = tpu.vector_load %arg15[%get3A_2858, %get3A_2859] {strides = array<i32>} : memref<8x1024xf32, #tpu.memory_space<vmem>>, vector<16xf32>,
          %add3A_2861 = arith.constant 0 : i32
          %add3A_2862 = arith.addi %multiple_of3A_2776, %add3A_2861 : i32
          %get3A_2863 = arith.constant 2 : i32
          %get3A_2864 = arith.index_cast %get3A_2863 : i32 to index
          %get3A_2865 = arith.index_cast %add3A_2862 : i32 to index
          %get3A_2866 = tpu.vector_load %arg15[%get3A_2864, %get3A_2865] {strides = array<i32>} : memref<8x1024xf32, #tpu.memory_space<vmem>>, vector<16xf32>,
          %add3A_2867 = arith.constant 0 : i32
          %add3A_2868 = arith.addi %multiple_of3A_2776, %add3A_2867 : i32
          %get3A_2869 = arith.constant 3 : i32
          %get3A_2870 = arith.index_cast %get3A_2869 : i32 to index
          %get3A_2871 = arith.index_cast %add3A_2868 : i32 to index
          %get3A_2872 = tpu.vector_load %arg15[%get3A_2870, %get3A_2871] {strides = array<i32>} : memref<8x1024xf32, #tpu.memory_space<vmem>>, vector<16xf32>,
          %add3A_2873 = arith.constant 0 : i32
          %add3A_2874 = arith.addi %multiple_of3A_2776, %add3A_2873 : i32
          %get3A_2875 = arith.constant 4 : i32
          %get3A_2876 = arith.index_cast %get3A_2875 : i32 to index
          %get3A_2877 = arith.index_cast %add3A_2874 : i32 to index
          %get3A_2878 = tpu.vector_load %arg15[%get3A_2876, %get3A_2877] {strides = array<i32>} : memref<8x1024xf32, #tpu.memory_space<vmem>>, vector<16xf32>,
          %add3A_2879 = arith.constant 0 : i32
          %add3A_2880 = arith.addi %multiple_of3A_2776, %add3A_2879 : i32
          %get3A_2881 = arith.constant 5 : i32
          %get3A_2882 = arith.index_cast %get3A_2881 : i32 to index
          %get3A_2883 = arith.index_cast %add3A_2880 : i32 to index
          %get3A_2884 = tpu.vector_load %arg15[%get3A_2882, %get3A_2883] {strides = array<i32>} : memref<8x1024xf32, #tpu.memory_space<vmem>>, vector<16xf32>,
          %add3A_2885 = arith.constant 0 : i32
          %add3A_2886 = arith.addi %multiple_of3A_2776, %add3A_2885 : i32
          %get3A_2887 = arith.constant 6 : i32
          %get3A_2888 = arith.index_cast %get3A_2887 : i32 to index
          %get3A_2889 = arith.index_cast %add3A_2886 : i32 to index
          %get3A_2890 = tpu.vector_load %arg15[%get3A_2888, %get3A_2889] {strides = array<i32>} : memref<8x1024xf32, #tpu.memory_space<vmem>>, vector<16xf32>,
          %add3A_2891 = arith.constant 0 : i32
          %add3A_2892 = arith.addi %multiple_of3A_2776, %add3A_2891 : i32
          %get3A_2893 = arith.constant 7 : i32
          %get3A_2894 = arith.index_cast %get3A_2893 : i32 to index
          %get3A_2895 = arith.index_cast %add3A_2892 : i32 to index
          %get3A_2896 = tpu.vector_load %arg15[%get3A_2894, %get3A_2895] {strides = array<i32>} : memref<8x1024xf32, #tpu.memory_space<vmem>>, vector<16xf32>,
          %add3A_2897 = arith.constant 16 : i32
          %add3A_2898 = arith.addi %multiple_of3A_2776, %add3A_2897 : i32
          %get3A_2899 = arith.constant 0 : i32
          %get3A_2900 = arith.index_cast %get3A_2899 : i32 to index
          %get3A_2901 = arith.index_cast %add3A_2898 : i32 to index
          %get3A_2902 = tpu.vector_load %arg15[%get3A_2900, %get3A_2901] {strides = array<i32>} : memref<8x1024xf32, #tpu.memory_space<vmem>>, vector<16xf32>,
          %add3A_2903 = arith.constant 16 : i32
          %add3A_2904 = arith.addi %multiple_of3A_2776, %add3A_2903 : i32
          %get3A_2905 = arith.constant 1 : i32
          %get3A_2906 = arith.index_cast %get3A_2905 : i32 to index
          %get3A_2907 = arith.index_cast %add3A_2904 : i32 to index
          %get3A_2908 = tpu.vector_load %arg15[%get3A_2906, %get3A_2907] {strides = array<i32>} : memref<8x1024xf32, #tpu.memory_space<vmem>>, vector<16xf32>,
          %add3A_2909 = arith.constant 16 : i32
          %add3A_2910 = arith.addi %multiple_of3A_2776, %add3A_2909 : i32
          %get3A_2911 = arith.constant 2 : i32
          %get3A_2912 = arith.index_cast %get3A_2911 : i32 to index
          %get3A_2913 = arith.index_cast %add3A_2910 : i32 to index
          %get3A_2914 = tpu.vector_load %arg15[%get3A_2912, %get3A_2913] {strides = array<i32>} : memref<8x1024xf32, #tpu.memory_space<vmem>>, vector<16xf32>,
          %add3A_2915 = arith.constant 16 : i32
          %add3A_2916 = arith.addi %multiple_of3A_2776, %add3A_2915 : i32
          %get3A_2917 = arith.constant 3 : i32
          %get3A_2918 = arith.index_cast %get3A_2917 : i32 to index
          %get3A_2919 = arith.index_cast %add3A_2916 : i32 to index
          %get3A_2920 = tpu.vector_load %arg15[%get3A_2918, %get3A_2919] {strides = array<i32>} : memref<8x1024xf32, #tpu.memory_space<vmem>>, vector<16xf32>,
          %add3A_2921 = arith.constant 16 : i32
          %add3A_2922 = arith.addi %multiple_of3A_2776, %add3A_2921 : i32
          %get3A_2923 = arith.constant 4 : i32
          %get3A_2924 = arith.index_cast %get3A_2923 : i32 to index
          %get3A_2925 = arith.index_cast %add3A_2922 : i32 to index
          %get3A_2926 = tpu.vector_load %arg15[%get3A_2924, %get3A_2925] {strides = array<i32>} : memref<8x1024xf32, #tpu.memory_space<vmem>>, vector<16xf32>,
          %add3A_2927 = arith.constant 16 : i32
          %add3A_2928 = arith.addi %multiple_of3A_2776, %add3A_2927 : i32
          %get3A_2929 = arith.constant 5 : i32
          %get3A_2930 = arith.index_cast %get3A_2929 : i32 to index
          %get3A_2931 = arith.index_cast %add3A_2928 : i32 to index
          %get3A_2932 = tpu.vector_load %arg15[%get3A_2930, %get3A_2931] {strides = array<i32>} : memref<8x1024xf32, #tpu.memory_space<vmem>>, vector<16xf32>,
          %add3A_2933 = arith.constant 16 : i32
          %add3A_2934 = arith.addi %multiple_of3A_2776, %add3A_2933 : i32
          %get3A_2935 = arith.constant 6 : i32
          %get3A_2936 = arith.index_cast %get3A_2935 : i32 to index
          %get3A_2937 = arith.index_cast %add3A_2934 : i32 to index
          %get3A_2938 = tpu.vector_load %arg15[%get3A_2936, %get3A_2937] {strides = array<i32>} : memref<8x1024xf32, #tpu.memory_space<vmem>>, vector<16xf32>,
          %add3A_2939 = arith.constant 16 : i32
          %add3A_2940 = arith.addi %multiple_of3A_2776, %add3A_2939 : i32
          %get3A_2941 = arith.constant 7 : i32
          %get3A_2942 = arith.index_cast %get3A_2941 : i32 to index
          %get3A_2943 = arith.index_cast %add3A_2940 : i32 to index
          %get3A_2944 = tpu.vector_load %arg15[%get3A_2942, %get3A_2943] {strides = array<i32>} : memref<8x1024xf32, #tpu.memory_space<vmem>>, vector<16xf32>,
          %while3A_2945 = arith.constant 0 : i32
          %while3A_2946 = arith.subi %squeeze3A_2783, %while3A_2945 : i32
          %while3A_2947 = arith.addi %while3A_2945, %while3A_2946 : i32
          %while3A_2948 = arith.constant 1 : i32
          %while3A_2949 = arith.divsi %while3A_2946, %while3A_2948 : i32
          %while3A_2950 = arith.muli %while3A_2949, %while3A_2948 : i32
          %while3A_2951 = arith.addi %while3A_2945, %while3A_2950 : i32
          %while3A_2952 = arith.constant 1 : i32
          %while3A_2953:16 = scf.for %while3A_3052 = %while3A_2945 to %while3A_2951 step %while3A_2952 iter_args(%while3A_3053 = %get3A_2854, %while3A_3054 = %get3A_2860, %while3A_3055 = %get3A_2866, %while3A_3056 = %get3A_2872, %while3A_3057 = %get3A_2878, %while3A_3058 = %get3A_2884, %while3A_3059 = %get3A_2890, %while3A_3060 = %get3A_2896, %while3A_3061 = %get3A_2902, %while3A_3062 = %get3A_2908, %while3A_3063 = %get3A_2914, %while3A_3064 = %get3A_2920, %while3A_3065 = %get3A_2926, %while3A_3066 = %get3A_2932, %while3A_3067 = %get3A_2938, %while3A_3068 = %get3A_2944) -> (vector<16xf32>, vector<16xf32>, vector<16xf32>, vector<16xf32>, vector<16xf32>, vector<16xf32>, vector<16xf32>, vector<16xf32>, vector<16xf32>, vector<16xf32>, vector<16xf32>, vector<16xf32>, vector<16xf32>, vector<16xf32>, vector<16xf32>, vector<16xf32>)  : i32 {
            %add3A_3069 = vector.broadcast %while3A_3052 : i32 to vector<16xi32>
            %add3A_3070 = arith.addi %broadcast_in_dim3A_3, %add3A_3069 : vector<16xi32>
            %add3A_3071 = arith.addi %get3A_2787, %add3A_3070 : vector<16xi32>
            %min3A_3072 = arith.minsi %add3A_3071, %get3A_2791 : vector<16xi32>
            %max3A_3073 = arith.maxsi %min3A_3072, %get3A_2795 : vector<16xi32>
            %gather3A_3074 = tpu.vector_load_idx %arg16[%add3A_2741, %max3A_3073] : memref<8x11280xf32, #tpu.memory_space<vmem>>[vector<16xi32>, vector<16xi32>], vector<16xf32>,
            %max3A_3075 = arith.maximumf %while3A_3053, %gather3A_3074 : vector<16xf32>
            %gather3A_3076 = tpu.vector_load_idx %arg16[%add3A_2744, %max3A_3073] : memref<8x11280xf32, #tpu.memory_space<vmem>>[vector<16xi32>, vector<16xi32>], vector<16xf32>,
            %max3A_3077 = arith.maximumf %while3A_3054, %gather3A_3076 : vector<16xf32>
            %gather3A_3078 = tpu.vector_load_idx %arg16[%add3A_2747, %max3A_3073] : memref<8x11280xf32, #tpu.memory_space<vmem>>[vector<16xi32>, vector<16xi32>], vector<16xf32>,
            %max3A_3079 = arith.maximumf %while3A_3055, %gather3A_3078 : vector<16xf32>
            %gather3A_3080 = tpu.vector_load_idx %arg16[%add3A_2750, %max3A_3073] : memref<8x11280xf32, #tpu.memory_space<vmem>>[vector<16xi32>, vector<16xi32>], vector<16xf32>,
            %max3A_3081 = arith.maximumf %while3A_3056, %gather3A_3080 : vector<16xf32>
            %gather3A_3082 = tpu.vector_load_idx %arg16[%add3A_2753, %max3A_3073] : memref<8x11280xf32, #tpu.memory_space<vmem>>[vector<16xi32>, vector<16xi32>], vector<16xf32>,
            %max3A_3083 = arith.maximumf %while3A_3057, %gather3A_3082 : vector<16xf32>
            %gather3A_3084 = tpu.vector_load_idx %arg16[%add3A_2756, %max3A_3073] : memref<8x11280xf32, #tpu.memory_space<vmem>>[vector<16xi32>, vector<16xi32>], vector<16xf32>,
            %max3A_3085 = arith.maximumf %while3A_3058, %gather3A_3084 : vector<16xf32>
            %gather3A_3086 = tpu.vector_load_idx %arg16[%add3A_2759, %max3A_3073] : memref<8x11280xf32, #tpu.memory_space<vmem>>[vector<16xi32>, vector<16xi32>], vector<16xf32>,
            %max3A_3087 = arith.maximumf %while3A_3059, %gather3A_3086 : vector<16xf32>
            %gather3A_3088 = tpu.vector_load_idx %arg16[%add3A_2762, %max3A_3073] : memref<8x11280xf32, #tpu.memory_space<vmem>>[vector<16xi32>, vector<16xi32>], vector<16xf32>,
            %max3A_3089 = arith.maximumf %while3A_3060, %gather3A_3088 : vector<16xf32>
            %add3A_3090 = arith.addi %get3A_2799, %add3A_3070 : vector<16xi32>
            %min3A_3091 = arith.minsi %add3A_3090, %get3A_2803 : vector<16xi32>
            %max3A_3092 = arith.maxsi %min3A_3091, %get3A_2807 : vector<16xi32>
            %gather3A_3093 = tpu.vector_load_idx %arg16[%add3A_2741, %max3A_3092] : memref<8x11280xf32, #tpu.memory_space<vmem>>[vector<16xi32>, vector<16xi32>], vector<16xf32>,
            %max3A_3094 = arith.maximumf %while3A_3061, %gather3A_3093 : vector<16xf32>
            %gather3A_3095 = tpu.vector_load_idx %arg16[%add3A_2744, %max3A_3092] : memref<8x11280xf32, #tpu.memory_space<vmem>>[vector<16xi32>, vector<16xi32>], vector<16xf32>,
            %max3A_3096 = arith.maximumf %while3A_3062, %gather3A_3095 : vector<16xf32>
            %gather3A_3097 = tpu.vector_load_idx %arg16[%add3A_2747, %max3A_3092] : memref<8x11280xf32, #tpu.memory_space<vmem>>[vector<16xi32>, vector<16xi32>], vector<16xf32>,
            %max3A_3098 = arith.maximumf %while3A_3063, %gather3A_3097 : vector<16xf32>
            %gather3A_3099 = tpu.vector_load_idx %arg16[%add3A_2750, %max3A_3092] : memref<8x11280xf32, #tpu.memory_space<vmem>>[vector<16xi32>, vector<16xi32>], vector<16xf32>,
            %max3A_3100 = arith.maximumf %while3A_3064, %gather3A_3099 : vector<16xf32>
            %gather3A_3101 = tpu.vector_load_idx %arg16[%add3A_2753, %max3A_3092] : memref<8x11280xf32, #tpu.memory_space<vmem>>[vector<16xi32>, vector<16xi32>], vector<16xf32>,
            %max3A_3102 = arith.maximumf %while3A_3065, %gather3A_3101 : vector<16xf32>
            %gather3A_3103 = tpu.vector_load_idx %arg16[%add3A_2756, %max3A_3092] : memref<8x11280xf32, #tpu.memory_space<vmem>>[vector<16xi32>, vector<16xi32>], vector<16xf32>,
            %max3A_3104 = arith.maximumf %while3A_3066, %gather3A_3103 : vector<16xf32>
            %gather3A_3105 = tpu.vector_load_idx %arg16[%add3A_2759, %max3A_3092] : memref<8x11280xf32, #tpu.memory_space<vmem>>[vector<16xi32>, vector<16xi32>], vector<16xf32>,
            %max3A_3106 = arith.maximumf %while3A_3067, %gather3A_3105 : vector<16xf32>
            %gather3A_3107 = tpu.vector_load_idx %arg16[%add3A_2762, %max3A_3092] : memref<8x11280xf32, #tpu.memory_space<vmem>>[vector<16xi32>, vector<16xi32>], vector<16xf32>,
            %max3A_3108 = arith.maximumf %while3A_3068, %gather3A_3107 : vector<16xf32>
            scf.yield %max3A_3075, %max3A_3077, %max3A_3079, %max3A_3081, %max3A_3083, %max3A_3085, %max3A_3087, %max3A_3089, %max3A_3094, %max3A_3096, %max3A_3098, %max3A_3100, %max3A_3102, %max3A_3104, %max3A_3106, %max3A_3108 : vector<16xf32>, vector<16xf32>, vector<16xf32>, vector<16xf32>, vector<16xf32>, vector<16xf32>, vector<16xf32>, vector<16xf32>, vector<16xf32>, vector<16xf32>, vector<16xf32>, vector<16xf32>, vector<16xf32>, vector<16xf32>, vector<16xf32>, vector<16xf32>
          }
          %while3A_2954 = arith.constant 1 : i32
          %while3A_2955:16 = scf.for %while3A_3052 = %while3A_2951 to %while3A_2947 step %while3A_2954 iter_args(%while3A_3053 = %while3A_2953#0, %while3A_3054 = %while3A_2953#1, %while3A_3055 = %while3A_2953#2, %while3A_3056 = %while3A_2953#3, %while3A_3057 = %while3A_2953#4, %while3A_3058 = %while3A_2953#5, %while3A_3059 = %while3A_2953#6, %while3A_3060 = %while3A_2953#7, %while3A_3061 = %while3A_2953#8, %while3A_3062 = %while3A_2953#9, %while3A_3063 = %while3A_2953#10, %while3A_3064 = %while3A_2953#11, %while3A_3065 = %while3A_2953#12, %while3A_3066 = %while3A_2953#13, %while3A_3067 = %while3A_2953#14, %while3A_3068 = %while3A_2953#15) -> (vector<16xf32>, vector<16xf32>, vector<16xf32>, vector<16xf32>, vector<16xf32>, vector<16xf32>, vector<16xf32>, vector<16xf32>, vector<16xf32>, vector<16xf32>, vector<16xf32>, vector<16xf32>, vector<16xf32>, vector<16xf32>, vector<16xf32>, vector<16xf32>)  : i32 {
            %add3A_3069 = vector.broadcast %while3A_3052 : i32 to vector<16xi32>
            %add3A_3070 = arith.addi %broadcast_in_dim3A_3, %add3A_3069 : vector<16xi32>
            %add3A_3071 = arith.addi %get3A_2787, %add3A_3070 : vector<16xi32>
            %min3A_3072 = arith.minsi %add3A_3071, %get3A_2791 : vector<16xi32>
            %max3A_3073 = arith.maxsi %min3A_3072, %get3A_2795 : vector<16xi32>
            %gather3A_3074 = tpu.vector_load_idx %arg16[%add3A_2741, %max3A_3073] : memref<8x11280xf32, #tpu.memory_space<vmem>>[vector<16xi32>, vector<16xi32>], vector<16xf32>,
            %max3A_3075 = arith.maximumf %while3A_3053, %gather3A_3074 : vector<16xf32>
            %gather3A_3076 = tpu.vector_load_idx %arg16[%add3A_2744, %max3A_3073] : memref<8x11280xf32, #tpu.memory_space<vmem>>[vector<16xi32>, vector<16xi32>], vector<16xf32>,
            %max3A_3077 = arith.maximumf %while3A_3054, %gather3A_3076 : vector<16xf32>
            %gather3A_3078 = tpu.vector_load_idx %arg16[%add3A_2747, %max3A_3073] : memref<8x11280xf32, #tpu.memory_space<vmem>>[vector<16xi32>, vector<16xi32>], vector<16xf32>,
            %max3A_3079 = arith.maximumf %while3A_3055, %gather3A_3078 : vector<16xf32>
            %gather3A_3080 = tpu.vector_load_idx %arg16[%add3A_2750, %max3A_3073] : memref<8x11280xf32, #tpu.memory_space<vmem>>[vector<16xi32>, vector<16xi32>], vector<16xf32>,
            %max3A_3081 = arith.maximumf %while3A_3056, %gather3A_3080 : vector<16xf32>
            %gather3A_3082 = tpu.vector_load_idx %arg16[%add3A_2753, %max3A_3073] : memref<8x11280xf32, #tpu.memory_space<vmem>>[vector<16xi32>, vector<16xi32>], vector<16xf32>,
            %max3A_3083 = arith.maximumf %while3A_3057, %gather3A_3082 : vector<16xf32>
            %gather3A_3084 = tpu.vector_load_idx %arg16[%add3A_2756, %max3A_3073] : memref<8x11280xf32, #tpu.memory_space<vmem>>[vector<16xi32>, vector<16xi32>], vector<16xf32>,
            %max3A_3085 = arith.maximumf %while3A_3058, %gather3A_3084 : vector<16xf32>
            %gather3A_3086 = tpu.vector_load_idx %arg16[%add3A_2759, %max3A_3073] : memref<8x11280xf32, #tpu.memory_space<vmem>>[vector<16xi32>, vector<16xi32>], vector<16xf32>,
            %max3A_3087 = arith.maximumf %while3A_3059, %gather3A_3086 : vector<16xf32>
            %gather3A_3088 = tpu.vector_load_idx %arg16[%add3A_2762, %max3A_3073] : memref<8x11280xf32, #tpu.memory_space<vmem>>[vector<16xi32>, vector<16xi32>], vector<16xf32>,
            %max3A_3089 = arith.maximumf %while3A_3060, %gather3A_3088 : vector<16xf32>
            %add3A_3090 = arith.addi %get3A_2799, %add3A_3070 : vector<16xi32>
            %min3A_3091 = arith.minsi %add3A_3090, %get3A_2803 : vector<16xi32>
            %max3A_3092 = arith.maxsi %min3A_3091, %get3A_2807 : vector<16xi32>
            %gather3A_3093 = tpu.vector_load_idx %arg16[%add3A_2741, %max3A_3092] : memref<8x11280xf32, #tpu.memory_space<vmem>>[vector<16xi32>, vector<16xi32>], vector<16xf32>,
            %max3A_3094 = arith.maximumf %while3A_3061, %gather3A_3093 : vector<16xf32>
            %gather3A_3095 = tpu.vector_load_idx %arg16[%add3A_2744, %max3A_3092] : memref<8x11280xf32, #tpu.memory_space<vmem>>[vector<16xi32>, vector<16xi32>], vector<16xf32>,
            %max3A_3096 = arith.maximumf %while3A_3062, %gather3A_3095 : vector<16xf32>
            %gather3A_3097 = tpu.vector_load_idx %arg16[%add3A_2747, %max3A_3092] : memref<8x11280xf32, #tpu.memory_space<vmem>>[vector<16xi32>, vector<16xi32>], vector<16xf32>,
            %max3A_3098 = arith.maximumf %while3A_3063, %gather3A_3097 : vector<16xf32>
            %gather3A_3099 = tpu.vector_load_idx %arg16[%add3A_2750, %max3A_3092] : memref<8x11280xf32, #tpu.memory_space<vmem>>[vector<16xi32>, vector<16xi32>], vector<16xf32>,
            %max3A_3100 = arith.maximumf %while3A_3064, %gather3A_3099 : vector<16xf32>
            %gather3A_3101 = tpu.vector_load_idx %arg16[%add3A_2753, %max3A_3092] : memref<8x11280xf32, #tpu.memory_space<vmem>>[vector<16xi32>, vector<16xi32>], vector<16xf32>,
            %max3A_3102 = arith.maximumf %while3A_3065, %gather3A_3101 : vector<16xf32>
            %gather3A_3103 = tpu.vector_load_idx %arg16[%add3A_2756, %max3A_3092] : memref<8x11280xf32, #tpu.memory_space<vmem>>[vector<16xi32>, vector<16xi32>], vector<16xf32>,
            %max3A_3104 = arith.maximumf %while3A_3066, %gather3A_3103 : vector<16xf32>
            %gather3A_3105 = tpu.vector_load_idx %arg16[%add3A_2759, %max3A_3092] : memref<8x11280xf32, #tpu.memory_space<vmem>>[vector<16xi32>, vector<16xi32>], vector<16xf32>,
            %max3A_3106 = arith.maximumf %while3A_3067, %gather3A_3105 : vector<16xf32>
            %gather3A_3107 = tpu.vector_load_idx %arg16[%add3A_2762, %max3A_3092] : memref<8x11280xf32, #tpu.memory_space<vmem>>[vector<16xi32>, vector<16xi32>], vector<16xf32>,
            %max3A_3108 = arith.maximumf %while3A_3068, %gather3A_3107 : vector<16xf32>
            scf.yield %max3A_3075, %max3A_3077, %max3A_3079, %max3A_3081, %max3A_3083, %max3A_3085, %max3A_3087, %max3A_3089, %max3A_3094, %max3A_3096, %max3A_3098, %max3A_3100, %max3A_3102, %max3A_3104, %max3A_3106, %max3A_3108 : vector<16xf32>, vector<16xf32>, vector<16xf32>, vector<16xf32>, vector<16xf32>, vector<16xf32>, vector<16xf32>, vector<16xf32>, vector<16xf32>, vector<16xf32>, vector<16xf32>, vector<16xf32>, vector<16xf32>, vector<16xf32>, vector<16xf32>, vector<16xf32>
          }
          %add3A_2956 = arith.constant 0 : i32
          %add3A_2957 = arith.addi %multiple_of3A_2776, %add3A_2956 : i32
          %swap3A_2958 = arith.constant 0 : i32
          %swap3A_2959 = arith.index_cast %swap3A_2958 : i32 to index
          %swap3A_2960 = arith.index_cast %add3A_2957 : i32 to index
          %swap3A_2961 = tpu.vector_load %arg15[%swap3A_2959, %swap3A_2960] {strides = array<i32>} : memref<8x1024xf32, #tpu.memory_space<vmem>>, vector<16xf32>,
          tpu.vector_store %arg15[%swap3A_2959, %swap3A_2960], %while3A_2955#0 {strides = array<i32>} : memref<8x1024xf32, #tpu.memory_space<vmem>>, vector<16xf32>,
          %add3A_2962 = arith.constant 0 : i32
          %add3A_2963 = arith.addi %multiple_of3A_2776, %add3A_2962 : i32
          %swap3A_2964 = arith.constant 1 : i32
          %swap3A_2965 = arith.index_cast %swap3A_2964 : i32 to index
          %swap3A_2966 = arith.index_cast %add3A_2963 : i32 to index
          %swap3A_2967 = tpu.vector_load %arg15[%swap3A_2965, %swap3A_2966] {strides = array<i32>} : memref<8x1024xf32, #tpu.memory_space<vmem>>, vector<16xf32>,
          tpu.vector_store %arg15[%swap3A_2965, %swap3A_2966], %while3A_2955#1 {strides = array<i32>} : memref<8x1024xf32, #tpu.memory_space<vmem>>, vector<16xf32>,
          %add3A_2968 = arith.constant 0 : i32
          %add3A_2969 = arith.addi %multiple_of3A_2776, %add3A_2968 : i32
          %swap3A_2970 = arith.constant 2 : i32
          %swap3A_2971 = arith.index_cast %swap3A_2970 : i32 to index
          %swap3A_2972 = arith.index_cast %add3A_2969 : i32 to index
          %swap3A_2973 = tpu.vector_load %arg15[%swap3A_2971, %swap3A_2972] {strides = array<i32>} : memref<8x1024xf32, #tpu.memory_space<vmem>>, vector<16xf32>,
          tpu.vector_store %arg15[%swap3A_2971, %swap3A_2972], %while3A_2955#2 {strides = array<i32>} : memref<8x1024xf32, #tpu.memory_space<vmem>>, vector<16xf32>,
          %add3A_2974 = arith.constant 0 : i32
          %add3A_2975 = arith.addi %multiple_of3A_2776, %add3A_2974 : i32
          %swap3A_2976 = arith.constant 3 : i32
          %swap3A_2977 = arith.index_cast %swap3A_2976 : i32 to index
          %swap3A_2978 = arith.index_cast %add3A_2975 : i32 to index
          %swap3A_2979 = tpu.vector_load %arg15[%swap3A_2977, %swap3A_2978] {strides = array<i32>} : memref<8x1024xf32, #tpu.memory_space<vmem>>, vector<16xf32>,
          tpu.vector_store %arg15[%swap3A_2977, %swap3A_2978], %while3A_2955#3 {strides = array<i32>} : memref<8x1024xf32, #tpu.memory_space<vmem>>, vector<16xf32>,
          %add3A_2980 = arith.constant 0 : i32
          %add3A_2981 = arith.addi %multiple_of3A_2776, %add3A_2980 : i32
          %swap3A_2982 = arith.constant 4 : i32
          %swap3A_2983 = arith.index_cast %swap3A_2982 : i32 to index
          %swap3A_2984 = arith.index_cast %add3A_2981 : i32 to index
          %swap3A_2985 = tpu.vector_load %arg15[%swap3A_2983, %swap3A_2984] {strides = array<i32>} : memref<8x1024xf32, #tpu.memory_space<vmem>>, vector<16xf32>,
          tpu.vector_store %arg15[%swap3A_2983, %swap3A_2984], %while3A_2955#4 {strides = array<i32>} : memref<8x1024xf32, #tpu.memory_space<vmem>>, vector<16xf32>,
          %add3A_2986 = arith.constant 0 : i32
          %add3A_2987 = arith.addi %multiple_of3A_2776, %add3A_2986 : i32
          %swap3A_2988 = arith.constant 5 : i32
          %swap3A_2989 = arith.index_cast %swap3A_2988 : i32 to index
          %swap3A_2990 = arith.index_cast %add3A_2987 : i32 to index
          %swap3A_2991 = tpu.vector_load %arg15[%swap3A_2989, %swap3A_2990] {strides = array<i32>} : memref<8x1024xf32, #tpu.memory_space<vmem>>, vector<16xf32>,
          tpu.vector_store %arg15[%swap3A_2989, %swap3A_2990], %while3A_2955#5 {strides = array<i32>} : memref<8x1024xf32, #tpu.memory_space<vmem>>, vector<16xf32>,
          %add3A_2992 = arith.constant 0 : i32
          %add3A_2993 = arith.addi %multiple_of3A_2776, %add3A_2992 : i32
          %swap3A_2994 = arith.constant 6 : i32
          %swap3A_2995 = arith.index_cast %swap3A_2994 : i32 to index
          %swap3A_2996 = arith.index_cast %add3A_2993 : i32 to index
          %swap3A_2997 = tpu.vector_load %arg15[%swap3A_2995, %swap3A_2996] {strides = array<i32>} : memref<8x1024xf32, #tpu.memory_space<vmem>>, vector<16xf32>,
          tpu.vector_store %arg15[%swap3A_2995, %swap3A_2996], %while3A_2955#6 {strides = array<i32>} : memref<8x1024xf32, #tpu.memory_space<vmem>>, vector<16xf32>,
          %add3A_2998 = arith.constant 0 : i32
          %add3A_2999 = arith.addi %multiple_of3A_2776, %add3A_2998 : i32
          %swap3A_3000 = arith.constant 7 : i32
          %swap3A_3001 = arith.index_cast %swap3A_3000 : i32 to index
          %swap3A_3002 = arith.index_cast %add3A_2999 : i32 to index
          %swap3A_3003 = tpu.vector_load %arg15[%swap3A_3001, %swap3A_3002] {strides = array<i32>} : memref<8x1024xf32, #tpu.memory_space<vmem>>, vector<16xf32>,
          tpu.vector_store %arg15[%swap3A_3001, %swap3A_3002], %while3A_2955#7 {strides = array<i32>} : memref<8x1024xf32, #tpu.memory_space<vmem>>, vector<16xf32>,
          %add3A_3004 = arith.constant 16 : i32
          %add3A_3005 = arith.addi %multiple_of3A_2776, %add3A_3004 : i32
          %swap3A_3006 = arith.constant 0 : i32
          %swap3A_3007 = arith.index_cast %swap3A_3006 : i32 to index
          %swap3A_3008 = arith.index_cast %add3A_3005 : i32 to index
          %swap3A_3009 = tpu.vector_load %arg15[%swap3A_3007, %swap3A_3008] {strides = array<i32>} : memref<8x1024xf32, #tpu.memory_space<vmem>>, vector<16xf32>,
          tpu.vector_store %arg15[%swap3A_3007, %swap3A_3008], %while3A_2955#8 {strides = array<i32>} : memref<8x1024xf32, #tpu.memory_space<vmem>>, vector<16xf32>,
          %add3A_3010 = arith.constant 16 : i32
          %add3A_3011 = arith.addi %multiple_of3A_2776, %add3A_3010 : i32
          %swap3A_3012 = arith.constant 1 : i32
          %swap3A_3013 = arith.index_cast %swap3A_3012 : i32 to index
          %swap3A_3014 = arith.index_cast %add3A_3011 : i32 to index
          %swap3A_3015 = tpu.vector_load %arg15[%swap3A_3013, %swap3A_3014] {strides = array<i32>} : memref<8x1024xf32, #tpu.memory_space<vmem>>, vector<16xf32>,
          tpu.vector_store %arg15[%swap3A_3013, %swap3A_3014], %while3A_2955#9 {strides = array<i32>} : memref<8x1024xf32, #tpu.memory_space<vmem>>, vector<16xf32>,
          %add3A_3016 = arith.constant 16 : i32
          %add3A_3017 = arith.addi %multiple_of3A_2776, %add3A_3016 : i32
          %swap3A_3018 = arith.constant 2 : i32
          %swap3A_3019 = arith.index_cast %swap3A_3018 : i32 to index
          %swap3A_3020 = arith.index_cast %add3A_3017 : i32 to index
          %swap3A_3021 = tpu.vector_load %arg15[%swap3A_3019, %swap3A_3020] {strides = array<i32>} : memref<8x1024xf32, #tpu.memory_space<vmem>>, vector<16xf32>,
          tpu.vector_store %arg15[%swap3A_3019, %swap3A_3020], %while3A_2955#10 {strides = array<i32>} : memref<8x1024xf32, #tpu.memory_space<vmem>>, vector<16xf32>,
          %add3A_3022 = arith.constant 16 : i32
          %add3A_3023 = arith.addi %multiple_of3A_2776, %add3A_3022 : i32
          %swap3A_3024 = arith.constant 3 : i32
          %swap3A_3025 = arith.index_cast %swap3A_3024 : i32 to index
          %swap3A_3026 = arith.index_cast %add3A_3023 : i32 to index
          %swap3A_3027 = tpu.vector_load %arg15[%swap3A_3025, %swap3A_3026] {strides = array<i32>} : memref<8x1024xf32, #tpu.memory_space<vmem>>, vector<16xf32>,
          tpu.vector_store %arg15[%swap3A_3025, %swap3A_3026], %while3A_2955#11 {strides = array<i32>} : memref<8x1024xf32, #tpu.memory_space<vmem>>, vector<16xf32>,
          %add3A_3028 = arith.constant 16 : i32
          %add3A_3029 = arith.addi %multiple_of3A_2776, %add3A_3028 : i32
          %swap3A_3030 = arith.constant 4 : i32
          %swap3A_3031 = arith.index_cast %swap3A_3030 : i32 to index
          %swap3A_3032 = arith.index_cast %add3A_3029 : i32 to index
          %swap3A_3033 = tpu.vector_load %arg15[%swap3A_3031, %swap3A_3032] {strides = array<i32>} : memref<8x1024xf32, #tpu.memory_space<vmem>>, vector<16xf32>,
          tpu.vector_store %arg15[%swap3A_3031, %swap3A_3032], %while3A_2955#12 {strides = array<i32>} : memref<8x1024xf32, #tpu.memory_space<vmem>>, vector<16xf32>,
          %add3A_3034 = arith.constant 16 : i32
          %add3A_3035 = arith.addi %multiple_of3A_2776, %add3A_3034 : i32
          %swap3A_3036 = arith.constant 5 : i32
          %swap3A_3037 = arith.index_cast %swap3A_3036 : i32 to index
          %swap3A_3038 = arith.index_cast %add3A_3035 : i32 to index
          %swap3A_3039 = tpu.vector_load %arg15[%swap3A_3037, %swap3A_3038] {strides = array<i32>} : memref<8x1024xf32, #tpu.memory_space<vmem>>, vector<16xf32>,
          tpu.vector_store %arg15[%swap3A_3037, %swap3A_3038], %while3A_2955#13 {strides = array<i32>} : memref<8x1024xf32, #tpu.memory_space<vmem>>, vector<16xf32>,
          %add3A_3040 = arith.constant 16 : i32
          %add3A_3041 = arith.addi %multiple_of3A_2776, %add3A_3040 : i32
          %swap3A_3042 = arith.constant 6 : i32
          %swap3A_3043 = arith.index_cast %swap3A_3042 : i32 to index
          %swap3A_3044 = arith.index_cast %add3A_3041 : i32 to index
          %swap3A_3045 = tpu.vector_load %arg15[%swap3A_3043, %swap3A_3044] {strides = array<i32>} : memref<8x1024xf32, #tpu.memory_space<vmem>>, vector<16xf32>,
          tpu.vector_store %arg15[%swap3A_3043, %swap3A_3044], %while3A_2955#14 {strides = array<i32>} : memref<8x1024xf32, #tpu.memory_space<vmem>>, vector<16xf32>,
          %add3A_3046 = arith.constant 16 : i32
          %add3A_3047 = arith.addi %multiple_of3A_2776, %add3A_3046 : i32
          %swap3A_3048 = arith.constant 7 : i32
          %swap3A_3049 = arith.index_cast %swap3A_3048 : i32 to index
          %swap3A_3050 = arith.index_cast %add3A_3047 : i32 to index
          %swap3A_3051 = tpu.vector_load %arg15[%swap3A_3049, %swap3A_3050] {strides = array<i32>} : memref<8x1024xf32, #tpu.memory_space<vmem>>, vector<16xf32>,
          tpu.vector_store %arg15[%swap3A_3049, %swap3A_3050], %while3A_2955#15 {strides = array<i32>} : memref<8x1024xf32, #tpu.memory_space<vmem>>, vector<16xf32>,
          scf.yield %while3A_2848 : i32
        }
        %scan3A_2769 = arith.constant 32 : i32
        %while3A_2770 = scf.while (%while3A_2772 = %scan3A_2768) : (i32) -> i32 {
          %lt3A = arith.cmpi slt, %while3A_2772, %min3A_2719 : i32
          scf.condition(%lt3A) %while3A_2772 : i32
        } do {
        ^bb0(%while3A_2772: i32):
          %dma_wait3A = arith.constant 0 : i32
          %dma_wait3A_2773 = arith.constant 0 : i32
          %dma_wait3A_2774 = tpu.memref_slice %arg16[%dma_wait3A, %dma_wait3A_2773] : memref<8x11280xf32, #tpu.memory_space<vmem>> -> memref<8x1024xf32, #tpu.memory_space<vmem>>
          %dma_wait3A_2775 = arith.constant 0 : i32
          %dma_wait3A_2776 = arith.constant 0 : i32
          %dma_wait3A_2777 = tpu.memref_slice %arg2[%dma_wait3A_2775, %dma_wait3A_2776] : memref<128x262144xf32, #tpu.memory_space<hbm>> -> memref<8x1024xf32, #tpu.memory_space<hbm>>
          %dma_wait3A_2778 = tpu.memref_slice %arg18[%while3A_2772] : memref<11x!tpu.dma_semaphore, #tpu.memory_space<semaphore_mem>> -> memref<1x!tpu.dma_semaphore, #tpu.memory_space<semaphore_mem>>
          %dma_wait3A_2779 = tpu.memref_squeeze %dma_wait3A_2778 : memref<1x!tpu.dma_semaphore, #tpu.memory_space<semaphore_mem>> -> memref<!tpu.dma_semaphore, #tpu.memory_space<semaphore_mem>>
          %dma_wait3A_2780 = arith.constant 0 : i32
          %dma_wait3A_2781 = arith.constant 0 : i32
          %dma_wait3A_2782 = tpu.memref_slice %arg16[%dma_wait3A_2780, %dma_wait3A_2781] : memref<8x11280xf32, #tpu.memory_space<vmem>> -> memref<8x1024xf32, #tpu.memory_space<vmem>>
          %dma_wait3A_2783 = arith.constant 0 : i32
          %dma_wait3A_2784 = arith.constant 0 : i32
          %dma_wait3A_2785 = tpu.memref_slice %arg2[%dma_wait3A_2783, %dma_wait3A_2784] : memref<128x262144xf32, #tpu.memory_space<hbm>> -> memref<8x1024xf32, #tpu.memory_space<hbm>>
          tpu.wait_dma2 semaphore(%dma_wait3A_2779 : memref<!tpu.dma_semaphore, #tpu.memory_space<semaphore_mem>>) src(%dma_wait3A_2785 : memref<8x1024xf32, #tpu.memory_space<hbm>>) dst(%dma_wait3A_2782 : memref<8x1024xf32, #tpu.memory_space<vmem>>)
          %add3A_2786 = arith.constant 1 : i32
          %add3A_2787 = arith.addi %while3A_2772, %add3A_2786 : i32
          scf.yield %add3A_2787 : i32
        }
        %while3A_2771 = arith.constant 0 : i32
        scf.yield %while3A_2771 : i32
      }
      %while3A_2677 = arith.constant 1 : i32
      %while3A_2678 = scf.for %while3A_2680 = %while3A_2674 to %while3A_2670 step %while3A_2677 iter_args(%while3A_2681 = %while3A_2676) -> (i32)  : i32 {
        %mul3A_2682 = arith.constant 11264 : i32
        %mul3A_2683 = arith.muli %while3A_2680, %mul3A_2682 : i32
        %add3A_2684 = arith.addi %and3A_2584, %mul3A_2683 : i32
        %min3A = arith.constant 250880 : i32
        %min3A_2685 = arith.minsi %add3A_2684, %min3A : i32
        %multiple_of3A_2686 = tpu.assume_multiple %min3A_2685, 128 : i32
        %sub3A_2687 = arith.subi %squeeze3A_2582, %multiple_of3A_2686 : i32
        %add3A_2688 = arith.constant 1024 : i32
        %add3A_2689 = arith.addi %sub3A_2687, %add3A_2688 : i32
        %sub3A_2690 = arith.constant 1 : i32
        %sub3A_2691 = arith.subi %add3A_2689, %sub3A_2690 : i32
        %jit3A_2692 = arith.constant 1024 : i32
        %div3A_2693 = arith.divsi %sub3A_2691, %jit3A_2692 : i32
        %sign3A_2694 = arith.constant 0 : i32
        %sign3A_2695 = arith.cmpi sgt, %sub3A_2691, %sign3A_2694 : i32
        %sign3A_2696 = arith.extui %sign3A_2695 : i1 to i32
        %sign3A_2697 = arith.constant 0 : i32
        %sign3A_2698 = arith.cmpi slt, %sub3A_2691, %sign3A_2697 : i32
        %sign3A_2699 = arith.extui %sign3A_2698 : i1 to i32
        %sign3A_2700 = arith.subi %sign3A_2696, %sign3A_2699 : i32
        %sign3A_2701 = arith.constant 0 : i32
        %sign3A_2702 = arith.cmpi sgt, %jit3A_2692, %sign3A_2701 : i32
        %sign3A_2703 = arith.extui %sign3A_2702 : i1 to i32
        %sign3A_2704 = arith.constant 0 : i32
        %sign3A_2705 = arith.cmpi slt, %jit3A_2692, %sign3A_2704 : i32
        %sign3A_2706 = arith.extui %sign3A_2705 : i1 to i32
        %sign3A_2707 = arith.subi %sign3A_2703, %sign3A_2706 : i32
        %ne3A_2708 = arith.cmpi ne, %sign3A_2700, %sign3A_2707 : i32
        %rem3A_2709 = arith.remsi %sub3A_2691, %jit3A_2692 : i32
        %ne3A_2710 = arith.constant 0 : i32
        %ne3A_2711 = arith.cmpi ne, %rem3A_2709, %ne3A_2710 : i32
        %and3A_2712 = arith.andi %ne3A_2708, %ne3A_2711 : i1
        %sub3A_2713 = arith.constant 1 : i32
        %sub3A_2714 = arith.subi %div3A_2693, %sub3A_2713 : i32
        %select_n3A_2715 = arith.select %and3A_2712, %sub3A_2714, %div3A_2693 : i32
        %jit3A_2716 = arith.constant 1 : i32
        %jit3A_2717 = arith.constant 11 : i32
        %max3A_2718 = arith.maxsi %jit3A_2716, %select_n3A_2715 : i32
        %min3A_2719 = arith.minsi %jit3A_2717, %max3A_2718 : i32
        %while3A_2720 = arith.constant 0 : i32
        %while3A_2721 = arith.constant 0 : i32
        %while3A_2722 = arith.subi %min3A_2719, %while3A_2720 : i32
        %while3A_2723 = arith.addi %while3A_2720, %while3A_2722 : i32
        %while3A_2724 = arith.constant 1 : i32
        %while3A_2725 = arith.divsi %while3A_2722, %while3A_2724 : i32
        %while3A_2726 = arith.muli %while3A_2725, %while3A_2724 : i32
        %while3A_2727 = arith.addi %while3A_2720, %while3A_2726 : i32
        %while3A_2728 = arith.constant 1 : i32
        %while3A_2729 = scf.for %while3A_2772 = %while3A_2720 to %while3A_2727 step %while3A_2728 iter_args(%while3A_2773 = %while3A_2721) -> (i32)  : i32 {
          %mul3A_2774 = arith.constant 1024 : i32
          %mul3A_2775 = arith.muli %while3A_2772, %mul3A_2774 : i32
          %multiple_of3A_2776 = tpu.assume_multiple %mul3A_2775, 1024 : i32
          %add3A_2777 = arith.addi %multiple_of3A_2686, %multiple_of3A_2776 : i32
          %dma_start3A = arith.constant 0 : i32
          %dma_start3A_2778 = tpu.memref_slice %arg16[%dma_start3A, %multiple_of3A_2776] : memref<8x11280xf32, #tpu.memory_space<vmem>> -> memref<8x1024xf32, #tpu.memory_space<vmem>>
          %dma_start3A_2779 = tpu.memref_slice %arg2[%multiple_of3A_2659, %add3A_2777] : memref<128x262144xf32, #tpu.memory_space<hbm>> -> memref<8x1024xf32, #tpu.memory_space<hbm>>
          %dma_start3A_2780 = tpu.memref_slice %arg18[%while3A_2772] : memref<11x!tpu.dma_semaphore, #tpu.memory_space<semaphore_mem>> -> memref<1x!tpu.dma_semaphore, #tpu.memory_space<semaphore_mem>>
          %dma_start3A_2781 = tpu.memref_squeeze %dma_start3A_2780 : memref<1x!tpu.dma_semaphore, #tpu.memory_space<semaphore_mem>> -> memref<!tpu.dma_semaphore, #tpu.memory_space<semaphore_mem>>
          %dma_start3A_2782 = arith.constant 0 : i32
          %dma_start3A_2783 = tpu.memref_slice %arg16[%dma_start3A_2782, %multiple_of3A_2776] : memref<8x11280xf32, #tpu.memory_space<vmem>> -> memref<8x1024xf32, #tpu.memory_space<vmem>>
          %dma_start3A_2784 = tpu.memref_slice %arg2[%multiple_of3A_2659, %add3A_2777] : memref<128x262144xf32, #tpu.memory_space<hbm>> -> memref<8x1024xf32, #tpu.memory_space<hbm>>
          tpu.enqueue_dma source(%dma_start3A_2784 : memref<8x1024xf32, #tpu.memory_space<hbm>>) target(%dma_start3A_2783 : memref<8x1024xf32, #tpu.memory_space<vmem>>) target_semaphore(%dma_start3A_2781 : memref<!tpu.dma_semaphore, #tpu.memory_space<semaphore_mem>>)
          %while3A_2785 = arith.constant 0 : i32
          scf.yield %while3A_2785 : i32
        }
        %while3A_2730 = arith.constant 1 : i32
        %while3A_2731 = scf.for %while3A_2772 = %while3A_2727 to %while3A_2723 step %while3A_2730 iter_args(%while3A_2773 = %while3A_2729) -> (i32)  : i32 {
          %mul3A_2774 = arith.constant 1024 : i32
          %mul3A_2775 = arith.muli %while3A_2772, %mul3A_2774 : i32
          %multiple_of3A_2776 = tpu.assume_multiple %mul3A_2775, 1024 : i32
          %add3A_2777 = arith.addi %multiple_of3A_2686, %multiple_of3A_2776 : i32
          %dma_start3A = arith.constant 0 : i32
          %dma_start3A_2778 = tpu.memref_slice %arg16[%dma_start3A, %multiple_of3A_2776] : memref<8x11280xf32, #tpu.memory_space<vmem>> -> memref<8x1024xf32, #tpu.memory_space<vmem>>
          %dma_start3A_2779 = tpu.memref_slice %arg2[%multiple_of3A_2659, %add3A_2777] : memref<128x262144xf32, #tpu.memory_space<hbm>> -> memref<8x1024xf32, #tpu.memory_space<hbm>>
          %dma_start3A_2780 = tpu.memref_slice %arg18[%while3A_2772] : memref<11x!tpu.dma_semaphore, #tpu.memory_space<semaphore_mem>> -> memref<1x!tpu.dma_semaphore, #tpu.memory_space<semaphore_mem>>
          %dma_start3A_2781 = tpu.memref_squeeze %dma_start3A_2780 : memref<1x!tpu.dma_semaphore, #tpu.memory_space<semaphore_mem>> -> memref<!tpu.dma_semaphore, #tpu.memory_space<semaphore_mem>>
          %dma_start3A_2782 = arith.constant 0 : i32
          %dma_start3A_2783 = tpu.memref_slice %arg16[%dma_start3A_2782, %multiple_of3A_2776] : memref<8x11280xf32, #tpu.memory_space<vmem>> -> memref<8x1024xf32, #tpu.memory_space<vmem>>
          %dma_start3A_2784 = tpu.memref_slice %arg2[%multiple_of3A_2659, %add3A_2777] : memref<128x262144xf32, #tpu.memory_space<hbm>> -> memref<8x1024xf32, #tpu.memory_space<hbm>>
          tpu.enqueue_dma source(%dma_start3A_2784 : memref<8x1024xf32, #tpu.memory_space<hbm>>) target(%dma_start3A_2783 : memref<8x1024xf32, #tpu.memory_space<vmem>>) target_semaphore(%dma_start3A_2781 : memref<!tpu.dma_semaphore, #tpu.memory_space<semaphore_mem>>)
          %while3A_2785 = arith.constant 0 : i32
          scf.yield %while3A_2785 : i32
        }
        %scan3A_2732 = arith.constant 0 : i32
        %scan3A_2733 = arith.constant 0 : i32
        %scan3A_2734 = arith.constant 64 : i32
        %scan3A_2735 = arith.addi %scan3A_2733, %scan3A_2734 : i32
        %scan3A_2736 = arith.constant 1 : i32
        %scan3A_2737 = scf.for %scan3A_2772 = %scan3A_2733 to %scan3A_2735 step %scan3A_2736 iter_args(%scan3A_2773 = %scan3A_2732) -> (i32)  : i32 {
          %mul3A_2774 = arith.constant 16 : i32
          %mul3A_2775 = arith.muli %scan3A_2772, %mul3A_2774 : i32
          %multiple_of3A_2776 = tpu.assume_multiple %mul3A_2775, 16 : i32
          %get3A_2777 = arith.index_cast %multiple_of3A_2776 : i32 to index
          %get3A_2778 = tpu.vector_load %arg9[%get3A_2777] {strides = array<i32>} : memref<1056xi32, #tpu.memory_space<vmem>>, vector<16xi32>,
          %sub3A_2779 = vector.broadcast %multiple_of3A_2686 : i32 to vector<16xi32>
          %sub3A_2780 = arith.subi %get3A_2778, %sub3A_2779 : vector<16xi32>
          %get3A_2781 = arith.index_cast %multiple_of3A_2776 : i32 to index
          %get3A_2782 = tpu.vector_load %arg10[%get3A_2781] {strides = array<i32>} : memref<1024xi32, #tpu.memory_space<vmem>>, vector<16xi32>,
          %eq3A_2783 = arith.constant 0 : i32
          %eq3A_2784 = vector.broadcast %eq3A_2783 : i32 to vector<16xi32>
          %eq3A_2785 = arith.cmpi eq, %get3A_2782, %eq3A_2784 : vector<16xi32>
          %add3A_2786 = arith.addi %sub3A_2780, %get3A_2782 : vector<16xi32>
          %le3A = arith.constant 0 : i32
          %le3A_2787 = vector.broadcast %le3A : i32 to vector<16xi32>
          %le3A_2788 = arith.cmpi sle, %add3A_2786, %le3A_2787 : vector<16xi32>
          %or3A = arith.ori %eq3A_2785, %le3A_2788 : vector<16xi1>
          %ge3A = arith.constant 11264 : i32
          %ge3A_2789 = vector.broadcast %ge3A : i32 to vector<16xi32>
          %ge3A_2790 = arith.cmpi sge, %sub3A_2780, %ge3A_2789 : vector<16xi32>
          %or3A_2791 = arith.ori %or3A, %ge3A_2790 : vector<16xi1>
          %add3A_2792 = arith.addi %sub3A_2780, %get3A_2782 : vector<16xi32>
          %sub3A_2793 = arith.constant 1 : i32
          %sub3A_2794 = vector.broadcast %sub3A_2793 : i32 to vector<16xi32>
          %sub3A_2795 = arith.subi %add3A_2792, %sub3A_2794 : vector<16xi32>
          %min3A_2796 = arith.constant 11263 : i32
          %min3A_2797 = vector.broadcast %min3A_2796 : i32 to vector<16xi32>
          %min3A_2798 = arith.minsi %sub3A_2795, %min3A_2797 : vector<16xi32>
          %jit3A_2799 = arith.constant 11264 : i32
          %broadcast_in_dim3A_2800 = vector.broadcast %jit3A_2799 : i32 to vector<16xi32>
          %select_n3A_2801 = arith.select %or3A_2791, %broadcast_in_dim3A_2800, %min3A_2798 : vector<16xi1>, vector<16xi32>
          %max3A_2802 = arith.constant 0 : i32
          %max3A_2803 = vector.broadcast %max3A_2802 : i32 to vector<16xi32>
          %max3A_2804 = arith.maxsi %sub3A_2780, %max3A_2803 : vector<16xi32>
          %jit3A_2805 = arith.constant 11264 : i32
          %broadcast_in_dim3A_2806 = vector.broadcast %jit3A_2805 : i32 to vector<16xi32>
          %select_n3A_2807 = arith.select %or3A_2791, %broadcast_in_dim3A_2806, %max3A_2804 : vector<16xi1>, vector<16xi32>
          %swap3A_2808 = arith.index_cast %multiple_of3A_2776 : i32 to index
          %swap3A_2809 = tpu.vector_load %arg12[%swap3A_2808] {strides = array<i32>} : memref<1024xi32, #tpu.memory_space<vmem>>, vector<16xi32>,
          tpu.vector_store %arg12[%swap3A_2808], %sub3A_2780 {strides = array<i32>} : memref<1024xi32, #tpu.memory_space<vmem>>, vector<16xi32>,
          %swap3A_2810 = arith.index_cast %multiple_of3A_2776 : i32 to index
          %swap3A_2811 = tpu.vector_load %arg13[%swap3A_2810] {strides = array<i32>} : memref<1024xi32, #tpu.memory_space<vmem>>, vector<16xi32>,
          tpu.vector_store %arg13[%swap3A_2810], %select_n3A_2801 {strides = array<i32>} : memref<1024xi32, #tpu.memory_space<vmem>>, vector<16xi32>,
          %swap3A_2812 = arith.index_cast %multiple_of3A_2776 : i32 to index
          %swap3A_2813 = tpu.vector_load %arg14[%swap3A_2812] {strides = array<i32>} : memref<1024xi32, #tpu.memory_space<vmem>>, vector<16xi32>,
          tpu.vector_store %arg14[%swap3A_2812], %select_n3A_2807 {strides = array<i32>} : memref<1024xi32, #tpu.memory_space<vmem>>, vector<16xi32>,
          %scan3A_2814 = arith.constant 0 : i32
          scf.yield %scan3A_2814 : i32
        }
        %scan3A_2738 = arith.constant 64 : i32
        %add3A_2739 = arith.constant 0 : i32
        %add3A_2740 = vector.broadcast %add3A_2739 : i32 to vector<16xi32>
        %add3A_2741 = arith.addi %broadcast_in_dim3A_3, %add3A_2740 : vector<16xi32>
        %add3A_2742 = arith.constant 1 : i32
        %add3A_2743 = vector.broadcast %add3A_2742 : i32 to vector<16xi32>
        %add3A_2744 = arith.addi %broadcast_in_dim3A_3, %add3A_2743 : vector<16xi32>
        %add3A_2745 = arith.constant 2 : i32
        %add3A_2746 = vector.broadcast %add3A_2745 : i32 to vector<16xi32>
        %add3A_2747 = arith.addi %broadcast_in_dim3A_3, %add3A_2746 : vector<16xi32>
        %add3A_2748 = arith.constant 3 : i32
        %add3A_2749 = vector.broadcast %add3A_2748 : i32 to vector<16xi32>
        %add3A_2750 = arith.addi %broadcast_in_dim3A_3, %add3A_2749 : vector<16xi32>
        %add3A_2751 = arith.constant 4 : i32
        %add3A_2752 = vector.broadcast %add3A_2751 : i32 to vector<16xi32>
        %add3A_2753 = arith.addi %broadcast_in_dim3A_3, %add3A_2752 : vector<16xi32>
        %add3A_2754 = arith.constant 5 : i32
        %add3A_2755 = vector.broadcast %add3A_2754 : i32 to vector<16xi32>
        %add3A_2756 = arith.addi %broadcast_in_dim3A_3, %add3A_2755 : vector<16xi32>
        %add3A_2757 = arith.constant 6 : i32
        %add3A_2758 = vector.broadcast %add3A_2757 : i32 to vector<16xi32>
        %add3A_2759 = arith.addi %broadcast_in_dim3A_3, %add3A_2758 : vector<16xi32>
        %add3A_2760 = arith.constant 7 : i32
        %add3A_2761 = vector.broadcast %add3A_2760 : i32 to vector<16xi32>
        %add3A_2762 = arith.addi %broadcast_in_dim3A_3, %add3A_2761 : vector<16xi32>
        %scan3A_2763 = arith.constant 0 : i32
        %scan3A_2764 = arith.constant 0 : i32
        %scan3A_2765 = arith.constant 32 : i32
        %scan3A_2766 = arith.addi %scan3A_2764, %scan3A_2765 : i32
        %scan3A_2767 = arith.constant 1 : i32
        %scan3A_2768 = scf.for %scan3A_2772 = %scan3A_2764 to %scan3A_2766 step %scan3A_2767 iter_args(%scan3A_2773 = %scan3A_2763) -> (i32)  : i32 {
          %mul3A_2774 = arith.constant 32 : i32
          %mul3A_2775 = arith.muli %scan3A_2772, %mul3A_2774 : i32
          %multiple_of3A_2776 = tpu.assume_multiple %mul3A_2775, 32 : i32
          %mul3A_2777 = arith.constant 16 : i32
          %mul3A_2778 = arith.muli %scan3A_2772, %mul3A_2777 : i32
          %multiple_of3A_2779 = tpu.assume_multiple %mul3A_2778, 16 : i32
          %get3A_2780 = arith.index_cast %multiple_of3A_2779 : i32 to index
          %get3A_2781 = tpu.vector_load %arg11[%get3A_2780] {strides = array<i32>} : memref<512xi32, #tpu.memory_space<vmem>>, vector<16xi32>,
          %slice3A_2782 = vector.extract_strided_slice %get3A_2781 {offsets = [0], sizes = [1], strides = [1]} : vector<16xi32> to vector<1xi32>
          %squeeze3A_2783 = vector.extract %slice3A_2782[0] : i32 from vector<1xi32>
          %add3A_2784 = arith.constant 0 : i32
          %add3A_2785 = arith.addi %multiple_of3A_2776, %add3A_2784 : i32
          %get3A_2786 = arith.index_cast %add3A_2785 : i32 to index
          %get3A_2787 = tpu.vector_load %arg12[%get3A_2786] {strides = array<i32>} : memref<1024xi32, #tpu.memory_space<vmem>>, vector<16xi32>,
          %add3A_2788 = arith.constant 0 : i32
          %add3A_2789 = arith.addi %multiple_of3A_2776, %add3A_2788 : i32
          %get3A_2790 = arith.index_cast %add3A_2789 : i32 to index
          %get3A_2791 = tpu.vector_load %arg13[%get3A_2790] {strides = array<i32>} : memref<1024xi32, #tpu.memory_space<vmem>>, vector<16xi32>,
          %add3A_2792 = arith.constant 0 : i32
          %add3A_2793 = arith.addi %multiple_of3A_2776, %add3A_2792 : i32
          %get3A_2794 = arith.index_cast %add3A_2793 : i32 to index
          %get3A_2795 = tpu.vector_load %arg14[%get3A_2794] {strides = array<i32>} : memref<1024xi32, #tpu.memory_space<vmem>>, vector<16xi32>,
          %add3A_2796 = arith.constant 16 : i32
          %add3A_2797 = arith.addi %multiple_of3A_2776, %add3A_2796 : i32
          %get3A_2798 = arith.index_cast %add3A_2797 : i32 to index
          %get3A_2799 = tpu.vector_load %arg12[%get3A_2798] {strides = array<i32>} : memref<1024xi32, #tpu.memory_space<vmem>>, vector<16xi32>,
          %add3A_2800 = arith.constant 16 : i32
          %add3A_2801 = arith.addi %multiple_of3A_2776, %add3A_2800 : i32
          %get3A_2802 = arith.index_cast %add3A_2801 : i32 to index
          %get3A_2803 = tpu.vector_load %arg13[%get3A_2802] {strides = array<i32>} : memref<1024xi32, #tpu.memory_space<vmem>>, vector<16xi32>,
          %add3A_2804 = arith.constant 16 : i32
          %add3A_2805 = arith.addi %multiple_of3A_2776, %add3A_2804 : i32
          %get3A_2806 = arith.index_cast %add3A_2805 : i32 to index
          %get3A_2807 = tpu.vector_load %arg14[%get3A_2806] {strides = array<i32>} : memref<1024xi32, #tpu.memory_space<vmem>>, vector<16xi32>,
          %add3A_2808 = arith.constant 16 : i32
          %add3A_2809 = arith.addi %multiple_of3A_2776, %add3A_2808 : i32
          %get3A_2810 = arith.index_cast %add3A_2809 : i32 to index
          %get3A_2811 = tpu.vector_load %arg10[%get3A_2810] {strides = array<i32>} : memref<1024xi32, #tpu.memory_space<vmem>>, vector<16xi32>,
          %slice3A_2812 = vector.extract_strided_slice %get3A_2811 {offsets = [15], sizes = [1], strides = [1]} : vector<16xi32> to vector<1xi32>
          %squeeze3A_2813 = vector.extract %slice3A_2812[0] : i32 from vector<1xi32>
          %slice3A_2814 = vector.extract_strided_slice %get3A_2799 {offsets = [15], sizes = [1], strides = [1]} : vector<16xi32> to vector<1xi32>
          %squeeze3A_2815 = vector.extract %slice3A_2814[0] : i32 from vector<1xi32>
          %add3A_2816 = arith.addi %squeeze3A_2815, %squeeze3A_2813 : i32
          %add3A_2817 = arith.constant 1024 : i32
          %add3A_2818 = arith.addi %add3A_2816, %add3A_2817 : i32
          %sub3A_2819 = arith.constant 1 : i32
          %sub3A_2820 = arith.subi %add3A_2818, %sub3A_2819 : i32
          %jit3A_2821 = arith.constant 1024 : i32
          %div3A_2822 = arith.divsi %sub3A_2820, %jit3A_2821 : i32
          %sign3A_2823 = arith.constant 0 : i32
          %sign3A_2824 = arith.cmpi sgt, %sub3A_2820, %sign3A_2823 : i32
          %sign3A_2825 = arith.extui %sign3A_2824 : i1 to i32
          %sign3A_2826 = arith.constant 0 : i32
          %sign3A_2827 = arith.cmpi slt, %sub3A_2820, %sign3A_2826 : i32
          %sign3A_2828 = arith.extui %sign3A_2827 : i1 to i32
          %sign3A_2829 = arith.subi %sign3A_2825, %sign3A_2828 : i32
          %sign3A_2830 = arith.constant 0 : i32
          %sign3A_2831 = arith.cmpi sgt, %jit3A_2821, %sign3A_2830 : i32
          %sign3A_2832 = arith.extui %sign3A_2831 : i1 to i32
          %sign3A_2833 = arith.constant 0 : i32
          %sign3A_2834 = arith.cmpi slt, %jit3A_2821, %sign3A_2833 : i32
          %sign3A_2835 = arith.extui %sign3A_2834 : i1 to i32
          %sign3A_2836 = arith.subi %sign3A_2832, %sign3A_2835 : i32
          %ne3A_2837 = arith.cmpi ne, %sign3A_2829, %sign3A_2836 : i32
          %rem3A_2838 = arith.remsi %sub3A_2820, %jit3A_2821 : i32
          %ne3A_2839 = arith.constant 0 : i32
          %ne3A_2840 = arith.cmpi ne, %rem3A_2838, %ne3A_2839 : i32
          %and3A_2841 = arith.andi %ne3A_2837, %ne3A_2840 : i1
          %sub3A_2842 = arith.constant 1 : i32
          %sub3A_2843 = arith.subi %div3A_2822, %sub3A_2842 : i32
          %select_n3A_2844 = arith.select %and3A_2841, %sub3A_2843, %div3A_2822 : i32
          %jit3A_2845 = arith.constant 0 : i32
          %max3A_2846 = arith.maxsi %jit3A_2845, %select_n3A_2844 : i32
          %min3A_2847 = arith.minsi %min3A_2719, %max3A_2846 : i32
          %while3A_2848 = scf.while (%while3A_3052 = %scan3A_2773) : (i32) -> i32 {
            %lt3A = arith.cmpi slt, %while3A_3052, %min3A_2847 : i32
            scf.condition(%lt3A) %while3A_3052 : i32
          } do {
          ^bb0(%while3A_3052: i32):
            %dma_wait3A = arith.constant 0 : i32
            %dma_wait3A_3053 = arith.constant 0 : i32
            %dma_wait3A_3054 = tpu.memref_slice %arg16[%dma_wait3A, %dma_wait3A_3053] : memref<8x11280xf32, #tpu.memory_space<vmem>> -> memref<8x1024xf32, #tpu.memory_space<vmem>>
            %dma_wait3A_3055 = arith.constant 0 : i32
            %dma_wait3A_3056 = arith.constant 0 : i32
            %dma_wait3A_3057 = tpu.memref_slice %arg2[%dma_wait3A_3055, %dma_wait3A_3056] : memref<128x262144xf32, #tpu.memory_space<hbm>> -> memref<8x1024xf32, #tpu.memory_space<hbm>>
            %dma_wait3A_3058 = tpu.memref_slice %arg18[%while3A_3052] : memref<11x!tpu.dma_semaphore, #tpu.memory_space<semaphore_mem>> -> memref<1x!tpu.dma_semaphore, #tpu.memory_space<semaphore_mem>>
            %dma_wait3A_3059 = tpu.memref_squeeze %dma_wait3A_3058 : memref<1x!tpu.dma_semaphore, #tpu.memory_space<semaphore_mem>> -> memref<!tpu.dma_semaphore, #tpu.memory_space<semaphore_mem>>
            %dma_wait3A_3060 = arith.constant 0 : i32
            %dma_wait3A_3061 = arith.constant 0 : i32
            %dma_wait3A_3062 = tpu.memref_slice %arg16[%dma_wait3A_3060, %dma_wait3A_3061] : memref<8x11280xf32, #tpu.memory_space<vmem>> -> memref<8x1024xf32, #tpu.memory_space<vmem>>
            %dma_wait3A_3063 = arith.constant 0 : i32
            %dma_wait3A_3064 = arith.constant 0 : i32
            %dma_wait3A_3065 = tpu.memref_slice %arg2[%dma_wait3A_3063, %dma_wait3A_3064] : memref<128x262144xf32, #tpu.memory_space<hbm>> -> memref<8x1024xf32, #tpu.memory_space<hbm>>
            tpu.wait_dma2 semaphore(%dma_wait3A_3059 : memref<!tpu.dma_semaphore, #tpu.memory_space<semaphore_mem>>) src(%dma_wait3A_3065 : memref<8x1024xf32, #tpu.memory_space<hbm>>) dst(%dma_wait3A_3062 : memref<8x1024xf32, #tpu.memory_space<vmem>>)
            %add3A_3066 = arith.constant 1 : i32
            %add3A_3067 = arith.addi %while3A_3052, %add3A_3066 : i32
            scf.yield %add3A_3067 : i32
          }
          %add3A_2849 = arith.constant 0 : i32
          %add3A_2850 = arith.addi %multiple_of3A_2776, %add3A_2849 : i32
          %get3A_2851 = arith.constant 0 : i32
          %get3A_2852 = arith.index_cast %get3A_2851 : i32 to index
          %get3A_2853 = arith.index_cast %add3A_2850 : i32 to index
          %get3A_2854 = tpu.vector_load %arg15[%get3A_2852, %get3A_2853] {strides = array<i32>} : memref<8x1024xf32, #tpu.memory_space<vmem>>, vector<16xf32>,
          %add3A_2855 = arith.constant 0 : i32
          %add3A_2856 = arith.addi %multiple_of3A_2776, %add3A_2855 : i32
          %get3A_2857 = arith.constant 1 : i32
          %get3A_2858 = arith.index_cast %get3A_2857 : i32 to index
          %get3A_2859 = arith.index_cast %add3A_2856 : i32 to index
          %get3A_2860 = tpu.vector_load %arg15[%get3A_2858, %get3A_2859] {strides = array<i32>} : memref<8x1024xf32, #tpu.memory_space<vmem>>, vector<16xf32>,
          %add3A_2861 = arith.constant 0 : i32
          %add3A_2862 = arith.addi %multiple_of3A_2776, %add3A_2861 : i32
          %get3A_2863 = arith.constant 2 : i32
          %get3A_2864 = arith.index_cast %get3A_2863 : i32 to index
          %get3A_2865 = arith.index_cast %add3A_2862 : i32 to index
          %get3A_2866 = tpu.vector_load %arg15[%get3A_2864, %get3A_2865] {strides = array<i32>} : memref<8x1024xf32, #tpu.memory_space<vmem>>, vector<16xf32>,
          %add3A_2867 = arith.constant 0 : i32
          %add3A_2868 = arith.addi %multiple_of3A_2776, %add3A_2867 : i32
          %get3A_2869 = arith.constant 3 : i32
          %get3A_2870 = arith.index_cast %get3A_2869 : i32 to index
          %get3A_2871 = arith.index_cast %add3A_2868 : i32 to index
          %get3A_2872 = tpu.vector_load %arg15[%get3A_2870, %get3A_2871] {strides = array<i32>} : memref<8x1024xf32, #tpu.memory_space<vmem>>, vector<16xf32>,
          %add3A_2873 = arith.constant 0 : i32
          %add3A_2874 = arith.addi %multiple_of3A_2776, %add3A_2873 : i32
          %get3A_2875 = arith.constant 4 : i32
          %get3A_2876 = arith.index_cast %get3A_2875 : i32 to index
          %get3A_2877 = arith.index_cast %add3A_2874 : i32 to index
          %get3A_2878 = tpu.vector_load %arg15[%get3A_2876, %get3A_2877] {strides = array<i32>} : memref<8x1024xf32, #tpu.memory_space<vmem>>, vector<16xf32>,
          %add3A_2879 = arith.constant 0 : i32
          %add3A_2880 = arith.addi %multiple_of3A_2776, %add3A_2879 : i32
          %get3A_2881 = arith.constant 5 : i32
          %get3A_2882 = arith.index_cast %get3A_2881 : i32 to index
          %get3A_2883 = arith.index_cast %add3A_2880 : i32 to index
          %get3A_2884 = tpu.vector_load %arg15[%get3A_2882, %get3A_2883] {strides = array<i32>} : memref<8x1024xf32, #tpu.memory_space<vmem>>, vector<16xf32>,
          %add3A_2885 = arith.constant 0 : i32
          %add3A_2886 = arith.addi %multiple_of3A_2776, %add3A_2885 : i32
          %get3A_2887 = arith.constant 6 : i32
          %get3A_2888 = arith.index_cast %get3A_2887 : i32 to index
          %get3A_2889 = arith.index_cast %add3A_2886 : i32 to index
          %get3A_2890 = tpu.vector_load %arg15[%get3A_2888, %get3A_2889] {strides = array<i32>} : memref<8x1024xf32, #tpu.memory_space<vmem>>, vector<16xf32>,
          %add3A_2891 = arith.constant 0 : i32
          %add3A_2892 = arith.addi %multiple_of3A_2776, %add3A_2891 : i32
          %get3A_2893 = arith.constant 7 : i32
          %get3A_2894 = arith.index_cast %get3A_2893 : i32 to index
          %get3A_2895 = arith.index_cast %add3A_2892 : i32 to index
          %get3A_2896 = tpu.vector_load %arg15[%get3A_2894, %get3A_2895] {strides = array<i32>} : memref<8x1024xf32, #tpu.memory_space<vmem>>, vector<16xf32>,
          %add3A_2897 = arith.constant 16 : i32
          %add3A_2898 = arith.addi %multiple_of3A_2776, %add3A_2897 : i32
          %get3A_2899 = arith.constant 0 : i32
          %get3A_2900 = arith.index_cast %get3A_2899 : i32 to index
          %get3A_2901 = arith.index_cast %add3A_2898 : i32 to index
          %get3A_2902 = tpu.vector_load %arg15[%get3A_2900, %get3A_2901] {strides = array<i32>} : memref<8x1024xf32, #tpu.memory_space<vmem>>, vector<16xf32>,
          %add3A_2903 = arith.constant 16 : i32
          %add3A_2904 = arith.addi %multiple_of3A_2776, %add3A_2903 : i32
          %get3A_2905 = arith.constant 1 : i32
          %get3A_2906 = arith.index_cast %get3A_2905 : i32 to index
          %get3A_2907 = arith.index_cast %add3A_2904 : i32 to index
          %get3A_2908 = tpu.vector_load %arg15[%get3A_2906, %get3A_2907] {strides = array<i32>} : memref<8x1024xf32, #tpu.memory_space<vmem>>, vector<16xf32>,
          %add3A_2909 = arith.constant 16 : i32
          %add3A_2910 = arith.addi %multiple_of3A_2776, %add3A_2909 : i32
          %get3A_2911 = arith.constant 2 : i32
          %get3A_2912 = arith.index_cast %get3A_2911 : i32 to index
          %get3A_2913 = arith.index_cast %add3A_2910 : i32 to index
          %get3A_2914 = tpu.vector_load %arg15[%get3A_2912, %get3A_2913] {strides = array<i32>} : memref<8x1024xf32, #tpu.memory_space<vmem>>, vector<16xf32>,
          %add3A_2915 = arith.constant 16 : i32
          %add3A_2916 = arith.addi %multiple_of3A_2776, %add3A_2915 : i32
          %get3A_2917 = arith.constant 3 : i32
          %get3A_2918 = arith.index_cast %get3A_2917 : i32 to index
          %get3A_2919 = arith.index_cast %add3A_2916 : i32 to index
          %get3A_2920 = tpu.vector_load %arg15[%get3A_2918, %get3A_2919] {strides = array<i32>} : memref<8x1024xf32, #tpu.memory_space<vmem>>, vector<16xf32>,
          %add3A_2921 = arith.constant 16 : i32
          %add3A_2922 = arith.addi %multiple_of3A_2776, %add3A_2921 : i32
          %get3A_2923 = arith.constant 4 : i32
          %get3A_2924 = arith.index_cast %get3A_2923 : i32 to index
          %get3A_2925 = arith.index_cast %add3A_2922 : i32 to index
          %get3A_2926 = tpu.vector_load %arg15[%get3A_2924, %get3A_2925] {strides = array<i32>} : memref<8x1024xf32, #tpu.memory_space<vmem>>, vector<16xf32>,
          %add3A_2927 = arith.constant 16 : i32
          %add3A_2928 = arith.addi %multiple_of3A_2776, %add3A_2927 : i32
          %get3A_2929 = arith.constant 5 : i32
          %get3A_2930 = arith.index_cast %get3A_2929 : i32 to index
          %get3A_2931 = arith.index_cast %add3A_2928 : i32 to index
          %get3A_2932 = tpu.vector_load %arg15[%get3A_2930, %get3A_2931] {strides = array<i32>} : memref<8x1024xf32, #tpu.memory_space<vmem>>, vector<16xf32>,
          %add3A_2933 = arith.constant 16 : i32
          %add3A_2934 = arith.addi %multiple_of3A_2776, %add3A_2933 : i32
          %get3A_2935 = arith.constant 6 : i32
          %get3A_2936 = arith.index_cast %get3A_2935 : i32 to index
          %get3A_2937 = arith.index_cast %add3A_2934 : i32 to index
          %get3A_2938 = tpu.vector_load %arg15[%get3A_2936, %get3A_2937] {strides = array<i32>} : memref<8x1024xf32, #tpu.memory_space<vmem>>, vector<16xf32>,
          %add3A_2939 = arith.constant 16 : i32
          %add3A_2940 = arith.addi %multiple_of3A_2776, %add3A_2939 : i32
          %get3A_2941 = arith.constant 7 : i32
          %get3A_2942 = arith.index_cast %get3A_2941 : i32 to index
          %get3A_2943 = arith.index_cast %add3A_2940 : i32 to index
          %get3A_2944 = tpu.vector_load %arg15[%get3A_2942, %get3A_2943] {strides = array<i32>} : memref<8x1024xf32, #tpu.memory_space<vmem>>, vector<16xf32>,
          %while3A_2945 = arith.constant 0 : i32
          %while3A_2946 = arith.subi %squeeze3A_2783, %while3A_2945 : i32
          %while3A_2947 = arith.addi %while3A_2945, %while3A_2946 : i32
          %while3A_2948 = arith.constant 1 : i32
          %while3A_2949 = arith.divsi %while3A_2946, %while3A_2948 : i32
          %while3A_2950 = arith.muli %while3A_2949, %while3A_2948 : i32
          %while3A_2951 = arith.addi %while3A_2945, %while3A_2950 : i32
          %while3A_2952 = arith.constant 1 : i32
          %while3A_2953:16 = scf.for %while3A_3052 = %while3A_2945 to %while3A_2951 step %while3A_2952 iter_args(%while3A_3053 = %get3A_2854, %while3A_3054 = %get3A_2860, %while3A_3055 = %get3A_2866, %while3A_3056 = %get3A_2872, %while3A_3057 = %get3A_2878, %while3A_3058 = %get3A_2884, %while3A_3059 = %get3A_2890, %while3A_3060 = %get3A_2896, %while3A_3061 = %get3A_2902, %while3A_3062 = %get3A_2908, %while3A_3063 = %get3A_2914, %while3A_3064 = %get3A_2920, %while3A_3065 = %get3A_2926, %while3A_3066 = %get3A_2932, %while3A_3067 = %get3A_2938, %while3A_3068 = %get3A_2944) -> (vector<16xf32>, vector<16xf32>, vector<16xf32>, vector<16xf32>, vector<16xf32>, vector<16xf32>, vector<16xf32>, vector<16xf32>, vector<16xf32>, vector<16xf32>, vector<16xf32>, vector<16xf32>, vector<16xf32>, vector<16xf32>, vector<16xf32>, vector<16xf32>)  : i32 {
            %add3A_3069 = vector.broadcast %while3A_3052 : i32 to vector<16xi32>
            %add3A_3070 = arith.addi %broadcast_in_dim3A_3, %add3A_3069 : vector<16xi32>
            %add3A_3071 = arith.addi %get3A_2787, %add3A_3070 : vector<16xi32>
            %min3A_3072 = arith.minsi %add3A_3071, %get3A_2791 : vector<16xi32>
            %max3A_3073 = arith.maxsi %min3A_3072, %get3A_2795 : vector<16xi32>
            %gather3A_3074 = tpu.vector_load_idx %arg16[%add3A_2741, %max3A_3073] : memref<8x11280xf32, #tpu.memory_space<vmem>>[vector<16xi32>, vector<16xi32>], vector<16xf32>,
            %max3A_3075 = arith.maximumf %while3A_3053, %gather3A_3074 : vector<16xf32>
            %gather3A_3076 = tpu.vector_load_idx %arg16[%add3A_2744, %max3A_3073] : memref<8x11280xf32, #tpu.memory_space<vmem>>[vector<16xi32>, vector<16xi32>], vector<16xf32>,
            %max3A_3077 = arith.maximumf %while3A_3054, %gather3A_3076 : vector<16xf32>
            %gather3A_3078 = tpu.vector_load_idx %arg16[%add3A_2747, %max3A_3073] : memref<8x11280xf32, #tpu.memory_space<vmem>>[vector<16xi32>, vector<16xi32>], vector<16xf32>,
            %max3A_3079 = arith.maximumf %while3A_3055, %gather3A_3078 : vector<16xf32>
            %gather3A_3080 = tpu.vector_load_idx %arg16[%add3A_2750, %max3A_3073] : memref<8x11280xf32, #tpu.memory_space<vmem>>[vector<16xi32>, vector<16xi32>], vector<16xf32>,
            %max3A_3081 = arith.maximumf %while3A_3056, %gather3A_3080 : vector<16xf32>
            %gather3A_3082 = tpu.vector_load_idx %arg16[%add3A_2753, %max3A_3073] : memref<8x11280xf32, #tpu.memory_space<vmem>>[vector<16xi32>, vector<16xi32>], vector<16xf32>,
            %max3A_3083 = arith.maximumf %while3A_3057, %gather3A_3082 : vector<16xf32>
            %gather3A_3084 = tpu.vector_load_idx %arg16[%add3A_2756, %max3A_3073] : memref<8x11280xf32, #tpu.memory_space<vmem>>[vector<16xi32>, vector<16xi32>], vector<16xf32>,
            %max3A_3085 = arith.maximumf %while3A_3058, %gather3A_3084 : vector<16xf32>
            %gather3A_3086 = tpu.vector_load_idx %arg16[%add3A_2759, %max3A_3073] : memref<8x11280xf32, #tpu.memory_space<vmem>>[vector<16xi32>, vector<16xi32>], vector<16xf32>,
            %max3A_3087 = arith.maximumf %while3A_3059, %gather3A_3086 : vector<16xf32>
            %gather3A_3088 = tpu.vector_load_idx %arg16[%add3A_2762, %max3A_3073] : memref<8x11280xf32, #tpu.memory_space<vmem>>[vector<16xi32>, vector<16xi32>], vector<16xf32>,
            %max3A_3089 = arith.maximumf %while3A_3060, %gather3A_3088 : vector<16xf32>
            %add3A_3090 = arith.addi %get3A_2799, %add3A_3070 : vector<16xi32>
            %min3A_3091 = arith.minsi %add3A_3090, %get3A_2803 : vector<16xi32>
            %max3A_3092 = arith.maxsi %min3A_3091, %get3A_2807 : vector<16xi32>
            %gather3A_3093 = tpu.vector_load_idx %arg16[%add3A_2741, %max3A_3092] : memref<8x11280xf32, #tpu.memory_space<vmem>>[vector<16xi32>, vector<16xi32>], vector<16xf32>,
            %max3A_3094 = arith.maximumf %while3A_3061, %gather3A_3093 : vector<16xf32>
            %gather3A_3095 = tpu.vector_load_idx %arg16[%add3A_2744, %max3A_3092] : memref<8x11280xf32, #tpu.memory_space<vmem>>[vector<16xi32>, vector<16xi32>], vector<16xf32>,
            %max3A_3096 = arith.maximumf %while3A_3062, %gather3A_3095 : vector<16xf32>
            %gather3A_3097 = tpu.vector_load_idx %arg16[%add3A_2747, %max3A_3092] : memref<8x11280xf32, #tpu.memory_space<vmem>>[vector<16xi32>, vector<16xi32>], vector<16xf32>,
            %max3A_3098 = arith.maximumf %while3A_3063, %gather3A_3097 : vector<16xf32>
            %gather3A_3099 = tpu.vector_load_idx %arg16[%add3A_2750, %max3A_3092] : memref<8x11280xf32, #tpu.memory_space<vmem>>[vector<16xi32>, vector<16xi32>], vector<16xf32>,
            %max3A_3100 = arith.maximumf %while3A_3064, %gather3A_3099 : vector<16xf32>
            %gather3A_3101 = tpu.vector_load_idx %arg16[%add3A_2753, %max3A_3092] : memref<8x11280xf32, #tpu.memory_space<vmem>>[vector<16xi32>, vector<16xi32>], vector<16xf32>,
            %max3A_3102 = arith.maximumf %while3A_3065, %gather3A_3101 : vector<16xf32>
            %gather3A_3103 = tpu.vector_load_idx %arg16[%add3A_2756, %max3A_3092] : memref<8x11280xf32, #tpu.memory_space<vmem>>[vector<16xi32>, vector<16xi32>], vector<16xf32>,
            %max3A_3104 = arith.maximumf %while3A_3066, %gather3A_3103 : vector<16xf32>
            %gather3A_3105 = tpu.vector_load_idx %arg16[%add3A_2759, %max3A_3092] : memref<8x11280xf32, #tpu.memory_space<vmem>>[vector<16xi32>, vector<16xi32>], vector<16xf32>,
            %max3A_3106 = arith.maximumf %while3A_3067, %gather3A_3105 : vector<16xf32>
            %gather3A_3107 = tpu.vector_load_idx %arg16[%add3A_2762, %max3A_3092] : memref<8x11280xf32, #tpu.memory_space<vmem>>[vector<16xi32>, vector<16xi32>], vector<16xf32>,
            %max3A_3108 = arith.maximumf %while3A_3068, %gather3A_3107 : vector<16xf32>
            scf.yield %max3A_3075, %max3A_3077, %max3A_3079, %max3A_3081, %max3A_3083, %max3A_3085, %max3A_3087, %max3A_3089, %max3A_3094, %max3A_3096, %max3A_3098, %max3A_3100, %max3A_3102, %max3A_3104, %max3A_3106, %max3A_3108 : vector<16xf32>, vector<16xf32>, vector<16xf32>, vector<16xf32>, vector<16xf32>, vector<16xf32>, vector<16xf32>, vector<16xf32>, vector<16xf32>, vector<16xf32>, vector<16xf32>, vector<16xf32>, vector<16xf32>, vector<16xf32>, vector<16xf32>, vector<16xf32>
          }
          %while3A_2954 = arith.constant 1 : i32
          %while3A_2955:16 = scf.for %while3A_3052 = %while3A_2951 to %while3A_2947 step %while3A_2954 iter_args(%while3A_3053 = %while3A_2953#0, %while3A_3054 = %while3A_2953#1, %while3A_3055 = %while3A_2953#2, %while3A_3056 = %while3A_2953#3, %while3A_3057 = %while3A_2953#4, %while3A_3058 = %while3A_2953#5, %while3A_3059 = %while3A_2953#6, %while3A_3060 = %while3A_2953#7, %while3A_3061 = %while3A_2953#8, %while3A_3062 = %while3A_2953#9, %while3A_3063 = %while3A_2953#10, %while3A_3064 = %while3A_2953#11, %while3A_3065 = %while3A_2953#12, %while3A_3066 = %while3A_2953#13, %while3A_3067 = %while3A_2953#14, %while3A_3068 = %while3A_2953#15) -> (vector<16xf32>, vector<16xf32>, vector<16xf32>, vector<16xf32>, vector<16xf32>, vector<16xf32>, vector<16xf32>, vector<16xf32>, vector<16xf32>, vector<16xf32>, vector<16xf32>, vector<16xf32>, vector<16xf32>, vector<16xf32>, vector<16xf32>, vector<16xf32>)  : i32 {
            %add3A_3069 = vector.broadcast %while3A_3052 : i32 to vector<16xi32>
            %add3A_3070 = arith.addi %broadcast_in_dim3A_3, %add3A_3069 : vector<16xi32>
            %add3A_3071 = arith.addi %get3A_2787, %add3A_3070 : vector<16xi32>
            %min3A_3072 = arith.minsi %add3A_3071, %get3A_2791 : vector<16xi32>
            %max3A_3073 = arith.maxsi %min3A_3072, %get3A_2795 : vector<16xi32>
            %gather3A_3074 = tpu.vector_load_idx %arg16[%add3A_2741, %max3A_3073] : memref<8x11280xf32, #tpu.memory_space<vmem>>[vector<16xi32>, vector<16xi32>], vector<16xf32>,
            %max3A_3075 = arith.maximumf %while3A_3053, %gather3A_3074 : vector<16xf32>
            %gather3A_3076 = tpu.vector_load_idx %arg16[%add3A_2744, %max3A_3073] : memref<8x11280xf32, #tpu.memory_space<vmem>>[vector<16xi32>, vector<16xi32>], vector<16xf32>,
            %max3A_3077 = arith.maximumf %while3A_3054, %gather3A_3076 : vector<16xf32>
            %gather3A_3078 = tpu.vector_load_idx %arg16[%add3A_2747, %max3A_3073] : memref<8x11280xf32, #tpu.memory_space<vmem>>[vector<16xi32>, vector<16xi32>], vector<16xf32>,
            %max3A_3079 = arith.maximumf %while3A_3055, %gather3A_3078 : vector<16xf32>
            %gather3A_3080 = tpu.vector_load_idx %arg16[%add3A_2750, %max3A_3073] : memref<8x11280xf32, #tpu.memory_space<vmem>>[vector<16xi32>, vector<16xi32>], vector<16xf32>,
            %max3A_3081 = arith.maximumf %while3A_3056, %gather3A_3080 : vector<16xf32>
            %gather3A_3082 = tpu.vector_load_idx %arg16[%add3A_2753, %max3A_3073] : memref<8x11280xf32, #tpu.memory_space<vmem>>[vector<16xi32>, vector<16xi32>], vector<16xf32>,
            %max3A_3083 = arith.maximumf %while3A_3057, %gather3A_3082 : vector<16xf32>
            %gather3A_3084 = tpu.vector_load_idx %arg16[%add3A_2756, %max3A_3073] : memref<8x11280xf32, #tpu.memory_space<vmem>>[vector<16xi32>, vector<16xi32>], vector<16xf32>,
            %max3A_3085 = arith.maximumf %while3A_3058, %gather3A_3084 : vector<16xf32>
            %gather3A_3086 = tpu.vector_load_idx %arg16[%add3A_2759, %max3A_3073] : memref<8x11280xf32, #tpu.memory_space<vmem>>[vector<16xi32>, vector<16xi32>], vector<16xf32>,
            %max3A_3087 = arith.maximumf %while3A_3059, %gather3A_3086 : vector<16xf32>
            %gather3A_3088 = tpu.vector_load_idx %arg16[%add3A_2762, %max3A_3073] : memref<8x11280xf32, #tpu.memory_space<vmem>>[vector<16xi32>, vector<16xi32>], vector<16xf32>,
            %max3A_3089 = arith.maximumf %while3A_3060, %gather3A_3088 : vector<16xf32>
            %add3A_3090 = arith.addi %get3A_2799, %add3A_3070 : vector<16xi32>
            %min3A_3091 = arith.minsi %add3A_3090, %get3A_2803 : vector<16xi32>
            %max3A_3092 = arith.maxsi %min3A_3091, %get3A_2807 : vector<16xi32>
            %gather3A_3093 = tpu.vector_load_idx %arg16[%add3A_2741, %max3A_3092] : memref<8x11280xf32, #tpu.memory_space<vmem>>[vector<16xi32>, vector<16xi32>], vector<16xf32>,
            %max3A_3094 = arith.maximumf %while3A_3061, %gather3A_3093 : vector<16xf32>
            %gather3A_3095 = tpu.vector_load_idx %arg16[%add3A_2744, %max3A_3092] : memref<8x11280xf32, #tpu.memory_space<vmem>>[vector<16xi32>, vector<16xi32>], vector<16xf32>,
            %max3A_3096 = arith.maximumf %while3A_3062, %gather3A_3095 : vector<16xf32>
            %gather3A_3097 = tpu.vector_load_idx %arg16[%add3A_2747, %max3A_3092] : memref<8x11280xf32, #tpu.memory_space<vmem>>[vector<16xi32>, vector<16xi32>], vector<16xf32>,
            %max3A_3098 = arith.maximumf %while3A_3063, %gather3A_3097 : vector<16xf32>
            %gather3A_3099 = tpu.vector_load_idx %arg16[%add3A_2750, %max3A_3092] : memref<8x11280xf32, #tpu.memory_space<vmem>>[vector<16xi32>, vector<16xi32>], vector<16xf32>,
            %max3A_3100 = arith.maximumf %while3A_3064, %gather3A_3099 : vector<16xf32>
            %gather3A_3101 = tpu.vector_load_idx %arg16[%add3A_2753, %max3A_3092] : memref<8x11280xf32, #tpu.memory_space<vmem>>[vector<16xi32>, vector<16xi32>], vector<16xf32>,
            %max3A_3102 = arith.maximumf %while3A_3065, %gather3A_3101 : vector<16xf32>
            %gather3A_3103 = tpu.vector_load_idx %arg16[%add3A_2756, %max3A_3092] : memref<8x11280xf32, #tpu.memory_space<vmem>>[vector<16xi32>, vector<16xi32>], vector<16xf32>,
            %max3A_3104 = arith.maximumf %while3A_3066, %gather3A_3103 : vector<16xf32>
            %gather3A_3105 = tpu.vector_load_idx %arg16[%add3A_2759, %max3A_3092] : memref<8x11280xf32, #tpu.memory_space<vmem>>[vector<16xi32>, vector<16xi32>], vector<16xf32>,
            %max3A_3106 = arith.maximumf %while3A_3067, %gather3A_3105 : vector<16xf32>
            %gather3A_3107 = tpu.vector_load_idx %arg16[%add3A_2762, %max3A_3092] : memref<8x11280xf32, #tpu.memory_space<vmem>>[vector<16xi32>, vector<16xi32>], vector<16xf32>,
            %max3A_3108 = arith.maximumf %while3A_3068, %gather3A_3107 : vector<16xf32>
            scf.yield %max3A_3075, %max3A_3077, %max3A_3079, %max3A_3081, %max3A_3083, %max3A_3085, %max3A_3087, %max3A_3089, %max3A_3094, %max3A_3096, %max3A_3098, %max3A_3100, %max3A_3102, %max3A_3104, %max3A_3106, %max3A_3108 : vector<16xf32>, vector<16xf32>, vector<16xf32>, vector<16xf32>, vector<16xf32>, vector<16xf32>, vector<16xf32>, vector<16xf32>, vector<16xf32>, vector<16xf32>, vector<16xf32>, vector<16xf32>, vector<16xf32>, vector<16xf32>, vector<16xf32>, vector<16xf32>
          }
          %add3A_2956 = arith.constant 0 : i32
          %add3A_2957 = arith.addi %multiple_of3A_2776, %add3A_2956 : i32
          %swap3A_2958 = arith.constant 0 : i32
          %swap3A_2959 = arith.index_cast %swap3A_2958 : i32 to index
          %swap3A_2960 = arith.index_cast %add3A_2957 : i32 to index
          %swap3A_2961 = tpu.vector_load %arg15[%swap3A_2959, %swap3A_2960] {strides = array<i32>} : memref<8x1024xf32, #tpu.memory_space<vmem>>, vector<16xf32>,
          tpu.vector_store %arg15[%swap3A_2959, %swap3A_2960], %while3A_2955#0 {strides = array<i32>} : memref<8x1024xf32, #tpu.memory_space<vmem>>, vector<16xf32>,
          %add3A_2962 = arith.constant 0 : i32
          %add3A_2963 = arith.addi %multiple_of3A_2776, %add3A_2962 : i32
          %swap3A_2964 = arith.constant 1 : i32
          %swap3A_2965 = arith.index_cast %swap3A_2964 : i32 to index
          %swap3A_2966 = arith.index_cast %add3A_2963 : i32 to index
          %swap3A_2967 = tpu.vector_load %arg15[%swap3A_2965, %swap3A_2966] {strides = array<i32>} : memref<8x1024xf32, #tpu.memory_space<vmem>>, vector<16xf32>,
          tpu.vector_store %arg15[%swap3A_2965, %swap3A_2966], %while3A_2955#1 {strides = array<i32>} : memref<8x1024xf32, #tpu.memory_space<vmem>>, vector<16xf32>,
          %add3A_2968 = arith.constant 0 : i32
          %add3A_2969 = arith.addi %multiple_of3A_2776, %add3A_2968 : i32
          %swap3A_2970 = arith.constant 2 : i32
          %swap3A_2971 = arith.index_cast %swap3A_2970 : i32 to index
          %swap3A_2972 = arith.index_cast %add3A_2969 : i32 to index
          %swap3A_2973 = tpu.vector_load %arg15[%swap3A_2971, %swap3A_2972] {strides = array<i32>} : memref<8x1024xf32, #tpu.memory_space<vmem>>, vector<16xf32>,
          tpu.vector_store %arg15[%swap3A_2971, %swap3A_2972], %while3A_2955#2 {strides = array<i32>} : memref<8x1024xf32, #tpu.memory_space<vmem>>, vector<16xf32>,
          %add3A_2974 = arith.constant 0 : i32
          %add3A_2975 = arith.addi %multiple_of3A_2776, %add3A_2974 : i32
          %swap3A_2976 = arith.constant 3 : i32
          %swap3A_2977 = arith.index_cast %swap3A_2976 : i32 to index
          %swap3A_2978 = arith.index_cast %add3A_2975 : i32 to index
          %swap3A_2979 = tpu.vector_load %arg15[%swap3A_2977, %swap3A_2978] {strides = array<i32>} : memref<8x1024xf32, #tpu.memory_space<vmem>>, vector<16xf32>,
          tpu.vector_store %arg15[%swap3A_2977, %swap3A_2978], %while3A_2955#3 {strides = array<i32>} : memref<8x1024xf32, #tpu.memory_space<vmem>>, vector<16xf32>,
          %add3A_2980 = arith.constant 0 : i32
          %add3A_2981 = arith.addi %multiple_of3A_2776, %add3A_2980 : i32
          %swap3A_2982 = arith.constant 4 : i32
          %swap3A_2983 = arith.index_cast %swap3A_2982 : i32 to index
          %swap3A_2984 = arith.index_cast %add3A_2981 : i32 to index
          %swap3A_2985 = tpu.vector_load %arg15[%swap3A_2983, %swap3A_2984] {strides = array<i32>} : memref<8x1024xf32, #tpu.memory_space<vmem>>, vector<16xf32>,
          tpu.vector_store %arg15[%swap3A_2983, %swap3A_2984], %while3A_2955#4 {strides = array<i32>} : memref<8x1024xf32, #tpu.memory_space<vmem>>, vector<16xf32>,
          %add3A_2986 = arith.constant 0 : i32
          %add3A_2987 = arith.addi %multiple_of3A_2776, %add3A_2986 : i32
          %swap3A_2988 = arith.constant 5 : i32
          %swap3A_2989 = arith.index_cast %swap3A_2988 : i32 to index
          %swap3A_2990 = arith.index_cast %add3A_2987 : i32 to index
          %swap3A_2991 = tpu.vector_load %arg15[%swap3A_2989, %swap3A_2990] {strides = array<i32>} : memref<8x1024xf32, #tpu.memory_space<vmem>>, vector<16xf32>,
          tpu.vector_store %arg15[%swap3A_2989, %swap3A_2990], %while3A_2955#5 {strides = array<i32>} : memref<8x1024xf32, #tpu.memory_space<vmem>>, vector<16xf32>,
          %add3A_2992 = arith.constant 0 : i32
          %add3A_2993 = arith.addi %multiple_of3A_2776, %add3A_2992 : i32
          %swap3A_2994 = arith.constant 6 : i32
          %swap3A_2995 = arith.index_cast %swap3A_2994 : i32 to index
          %swap3A_2996 = arith.index_cast %add3A_2993 : i32 to index
          %swap3A_2997 = tpu.vector_load %arg15[%swap3A_2995, %swap3A_2996] {strides = array<i32>} : memref<8x1024xf32, #tpu.memory_space<vmem>>, vector<16xf32>,
          tpu.vector_store %arg15[%swap3A_2995, %swap3A_2996], %while3A_2955#6 {strides = array<i32>} : memref<8x1024xf32, #tpu.memory_space<vmem>>, vector<16xf32>,
          %add3A_2998 = arith.constant 0 : i32
          %add3A_2999 = arith.addi %multiple_of3A_2776, %add3A_2998 : i32
          %swap3A_3000 = arith.constant 7 : i32
          %swap3A_3001 = arith.index_cast %swap3A_3000 : i32 to index
          %swap3A_3002 = arith.index_cast %add3A_2999 : i32 to index
          %swap3A_3003 = tpu.vector_load %arg15[%swap3A_3001, %swap3A_3002] {strides = array<i32>} : memref<8x1024xf32, #tpu.memory_space<vmem>>, vector<16xf32>,
          tpu.vector_store %arg15[%swap3A_3001, %swap3A_3002], %while3A_2955#7 {strides = array<i32>} : memref<8x1024xf32, #tpu.memory_space<vmem>>, vector<16xf32>,
          %add3A_3004 = arith.constant 16 : i32
          %add3A_3005 = arith.addi %multiple_of3A_2776, %add3A_3004 : i32
          %swap3A_3006 = arith.constant 0 : i32
          %swap3A_3007 = arith.index_cast %swap3A_3006 : i32 to index
          %swap3A_3008 = arith.index_cast %add3A_3005 : i32 to index
          %swap3A_3009 = tpu.vector_load %arg15[%swap3A_3007, %swap3A_3008] {strides = array<i32>} : memref<8x1024xf32, #tpu.memory_space<vmem>>, vector<16xf32>,
          tpu.vector_store %arg15[%swap3A_3007, %swap3A_3008], %while3A_2955#8 {strides = array<i32>} : memref<8x1024xf32, #tpu.memory_space<vmem>>, vector<16xf32>,
          %add3A_3010 = arith.constant 16 : i32
          %add3A_3011 = arith.addi %multiple_of3A_2776, %add3A_3010 : i32
          %swap3A_3012 = arith.constant 1 : i32
          %swap3A_3013 = arith.index_cast %swap3A_3012 : i32 to index
          %swap3A_3014 = arith.index_cast %add3A_3011 : i32 to index
          %swap3A_3015 = tpu.vector_load %arg15[%swap3A_3013, %swap3A_3014] {strides = array<i32>} : memref<8x1024xf32, #tpu.memory_space<vmem>>, vector<16xf32>,
          tpu.vector_store %arg15[%swap3A_3013, %swap3A_3014], %while3A_2955#9 {strides = array<i32>} : memref<8x1024xf32, #tpu.memory_space<vmem>>, vector<16xf32>,
          %add3A_3016 = arith.constant 16 : i32
          %add3A_3017 = arith.addi %multiple_of3A_2776, %add3A_3016 : i32
          %swap3A_3018 = arith.constant 2 : i32
          %swap3A_3019 = arith.index_cast %swap3A_3018 : i32 to index
          %swap3A_3020 = arith.index_cast %add3A_3017 : i32 to index
          %swap3A_3021 = tpu.vector_load %arg15[%swap3A_3019, %swap3A_3020] {strides = array<i32>} : memref<8x1024xf32, #tpu.memory_space<vmem>>, vector<16xf32>,
          tpu.vector_store %arg15[%swap3A_3019, %swap3A_3020], %while3A_2955#10 {strides = array<i32>} : memref<8x1024xf32, #tpu.memory_space<vmem>>, vector<16xf32>,
          %add3A_3022 = arith.constant 16 : i32
          %add3A_3023 = arith.addi %multiple_of3A_2776, %add3A_3022 : i32
          %swap3A_3024 = arith.constant 3 : i32
          %swap3A_3025 = arith.index_cast %swap3A_3024 : i32 to index
          %swap3A_3026 = arith.index_cast %add3A_3023 : i32 to index
          %swap3A_3027 = tpu.vector_load %arg15[%swap3A_3025, %swap3A_3026] {strides = array<i32>} : memref<8x1024xf32, #tpu.memory_space<vmem>>, vector<16xf32>,
          tpu.vector_store %arg15[%swap3A_3025, %swap3A_3026], %while3A_2955#11 {strides = array<i32>} : memref<8x1024xf32, #tpu.memory_space<vmem>>, vector<16xf32>,
          %add3A_3028 = arith.constant 16 : i32
          %add3A_3029 = arith.addi %multiple_of3A_2776, %add3A_3028 : i32
          %swap3A_3030 = arith.constant 4 : i32
          %swap3A_3031 = arith.index_cast %swap3A_3030 : i32 to index
          %swap3A_3032 = arith.index_cast %add3A_3029 : i32 to index
          %swap3A_3033 = tpu.vector_load %arg15[%swap3A_3031, %swap3A_3032] {strides = array<i32>} : memref<8x1024xf32, #tpu.memory_space<vmem>>, vector<16xf32>,
          tpu.vector_store %arg15[%swap3A_3031, %swap3A_3032], %while3A_2955#12 {strides = array<i32>} : memref<8x1024xf32, #tpu.memory_space<vmem>>, vector<16xf32>,
          %add3A_3034 = arith.constant 16 : i32
          %add3A_3035 = arith.addi %multiple_of3A_2776, %add3A_3034 : i32
          %swap3A_3036 = arith.constant 5 : i32
          %swap3A_3037 = arith.index_cast %swap3A_3036 : i32 to index
          %swap3A_3038 = arith.index_cast %add3A_3035 : i32 to index
          %swap3A_3039 = tpu.vector_load %arg15[%swap3A_3037, %swap3A_3038] {strides = array<i32>} : memref<8x1024xf32, #tpu.memory_space<vmem>>, vector<16xf32>,
          tpu.vector_store %arg15[%swap3A_3037, %swap3A_3038], %while3A_2955#13 {strides = array<i32>} : memref<8x1024xf32, #tpu.memory_space<vmem>>, vector<16xf32>,
          %add3A_3040 = arith.constant 16 : i32
          %add3A_3041 = arith.addi %multiple_of3A_2776, %add3A_3040 : i32
          %swap3A_3042 = arith.constant 6 : i32
          %swap3A_3043 = arith.index_cast %swap3A_3042 : i32 to index
          %swap3A_3044 = arith.index_cast %add3A_3041 : i32 to index
          %swap3A_3045 = tpu.vector_load %arg15[%swap3A_3043, %swap3A_3044] {strides = array<i32>} : memref<8x1024xf32, #tpu.memory_space<vmem>>, vector<16xf32>,
          tpu.vector_store %arg15[%swap3A_3043, %swap3A_3044], %while3A_2955#14 {strides = array<i32>} : memref<8x1024xf32, #tpu.memory_space<vmem>>, vector<16xf32>,
          %add3A_3046 = arith.constant 16 : i32
          %add3A_3047 = arith.addi %multiple_of3A_2776, %add3A_3046 : i32
          %swap3A_3048 = arith.constant 7 : i32
          %swap3A_3049 = arith.index_cast %swap3A_3048 : i32 to index
          %swap3A_3050 = arith.index_cast %add3A_3047 : i32 to index
          %swap3A_3051 = tpu.vector_load %arg15[%swap3A_3049, %swap3A_3050] {strides = array<i32>} : memref<8x1024xf32, #tpu.memory_space<vmem>>, vector<16xf32>,
          tpu.vector_store %arg15[%swap3A_3049, %swap3A_3050], %while3A_2955#15 {strides = array<i32>} : memref<8x1024xf32, #tpu.memory_space<vmem>>, vector<16xf32>,
          scf.yield %while3A_2848 : i32
        }
        %scan3A_2769 = arith.constant 32 : i32
        %while3A_2770 = scf.while (%while3A_2772 = %scan3A_2768) : (i32) -> i32 {
          %lt3A = arith.cmpi slt, %while3A_2772, %min3A_2719 : i32
          scf.condition(%lt3A) %while3A_2772 : i32
        } do {
        ^bb0(%while3A_2772: i32):
          %dma_wait3A = arith.constant 0 : i32
          %dma_wait3A_2773 = arith.constant 0 : i32
          %dma_wait3A_2774 = tpu.memref_slice %arg16[%dma_wait3A, %dma_wait3A_2773] : memref<8x11280xf32, #tpu.memory_space<vmem>> -> memref<8x1024xf32, #tpu.memory_space<vmem>>
          %dma_wait3A_2775 = arith.constant 0 : i32
          %dma_wait3A_2776 = arith.constant 0 : i32
          %dma_wait3A_2777 = tpu.memref_slice %arg2[%dma_wait3A_2775, %dma_wait3A_2776] : memref<128x262144xf32, #tpu.memory_space<hbm>> -> memref<8x1024xf32, #tpu.memory_space<hbm>>
          %dma_wait3A_2778 = tpu.memref_slice %arg18[%while3A_2772] : memref<11x!tpu.dma_semaphore, #tpu.memory_space<semaphore_mem>> -> memref<1x!tpu.dma_semaphore, #tpu.memory_space<semaphore_mem>>
          %dma_wait3A_2779 = tpu.memref_squeeze %dma_wait3A_2778 : memref<1x!tpu.dma_semaphore, #tpu.memory_space<semaphore_mem>> -> memref<!tpu.dma_semaphore, #tpu.memory_space<semaphore_mem>>
          %dma_wait3A_2780 = arith.constant 0 : i32
          %dma_wait3A_2781 = arith.constant 0 : i32
          %dma_wait3A_2782 = tpu.memref_slice %arg16[%dma_wait3A_2780, %dma_wait3A_2781] : memref<8x11280xf32, #tpu.memory_space<vmem>> -> memref<8x1024xf32, #tpu.memory_space<vmem>>
          %dma_wait3A_2783 = arith.constant 0 : i32
          %dma_wait3A_2784 = arith.constant 0 : i32
          %dma_wait3A_2785 = tpu.memref_slice %arg2[%dma_wait3A_2783, %dma_wait3A_2784] : memref<128x262144xf32, #tpu.memory_space<hbm>> -> memref<8x1024xf32, #tpu.memory_space<hbm>>
          tpu.wait_dma2 semaphore(%dma_wait3A_2779 : memref<!tpu.dma_semaphore, #tpu.memory_space<semaphore_mem>>) src(%dma_wait3A_2785 : memref<8x1024xf32, #tpu.memory_space<hbm>>) dst(%dma_wait3A_2782 : memref<8x1024xf32, #tpu.memory_space<vmem>>)
          %add3A_2786 = arith.constant 1 : i32
          %add3A_2787 = arith.addi %while3A_2772, %add3A_2786 : i32
          scf.yield %add3A_2787 : i32
        }
        %while3A_2771 = arith.constant 0 : i32
        scf.yield %while3A_2771 : i32
      }
      "tpu.region"() ({
        %run_scoped3A = tpu.sem_alloc : memref<!tpu.dma_semaphore, #tpu.memory_space<semaphore_mem>>
        %dma_start3A = tpu.memref_slice %arg4[%multiple_of3A_2659, %multiple_of3A] : memref<128x32768xf32, #tpu.memory_space<hbm>> -> memref<8x1024xf32, #tpu.memory_space<hbm>>
        %dma_start3A_2680 = tpu.memref_slice %arg4[%multiple_of3A_2659, %multiple_of3A] : memref<128x32768xf32, #tpu.memory_space<hbm>> -> memref<8x1024xf32, #tpu.memory_space<hbm>>
        tpu.enqueue_dma source(%arg15 : memref<8x1024xf32, #tpu.memory_space<vmem>>) target(%dma_start3A_2680 : memref<8x1024xf32, #tpu.memory_space<hbm>>) target_semaphore(%run_scoped3A : memref<!tpu.dma_semaphore, #tpu.memory_space<semaphore_mem>>)
        %dma_wait3A = tpu.memref_slice %arg4[%multiple_of3A_2659, %multiple_of3A] : memref<128x32768xf32, #tpu.memory_space<hbm>> -> memref<8x1024xf32, #tpu.memory_space<hbm>>
        %dma_wait3A_2681 = tpu.memref_slice %arg4[%multiple_of3A_2659, %multiple_of3A] : memref<128x32768xf32, #tpu.memory_space<hbm>> -> memref<8x1024xf32, #tpu.memory_space<hbm>>
        tpu.wait_dma2 semaphore(%run_scoped3A : memref<!tpu.dma_semaphore, #tpu.memory_space<semaphore_mem>>) src(%arg15 : memref<8x1024xf32, #tpu.memory_space<vmem>>) dst(%dma_wait3A_2681 : memref<8x1024xf32, #tpu.memory_space<hbm>>)
        tpu.yield
      }) : () -> ()
      %scan3A_2679 = arith.constant 0 : i32
      scf.yield %scan3A_2679 : i32
    }
    %scan3A_2654 = arith.constant 16 : i32
    return
  }
}

</mosaic_0001>

<sc_bundles>
// kernel: kernel.3.cloned.1.call-start
scs
__scs_entry_jumppad:
0x0: {  	(pc) =	sbr.rel $0x88, $3  }
0x1: {  	(tag) =	ssettag $0x0;
	lr =	simm.s32 $0x1  }
0x2: {  	[smem:$0x3F9F] =	sst lr;
	_ =	strace $0xD0000000  }
0x3: {  	_ = 	snop  }
0x4: {  	_ = 	snop  }
0x5: {  	_ = 	snop  }
0x6: {  	_ = 	snop  }
0x7: {  	_ = 	snop  }
__scs_overlays_trampoline_lowered:
0x8: {  	[smem:$0x3FAE] =	sst s0  }
0x9: {  	[smem:$0x3FAF] =	sst s1  }
0xa: {  	[smem:$0x3FB0] =	sst s2  }
0xb: {  	[smem:$0x3FB1] =	sst s3  }
0xc: {  	[smem:$0x3FB2] =	sst s4  }
0xd: {  	[smem:$0x3FB3] =	sst s5  }
0xe: {  	[smem:$0x3FB4] =	sst s6  }
0xf: {  	[smem:$0x3FB5] =	sst s7  }
0x10: {  	[smem:$0x3FB6] =	sst s8  }
0x11: {  	[smem:$0x3FB7] =	sst s9;
	s0 =	simm.s32 @!p0 $0x0  }
0x12: {  	s1 =	sld [smem:$0x3F9D];
	s0 =	simm.s32 @p0 $0x1  }
0x13: {  	[smem:$0x3FB8] =	sst s0;
	s0 =	simm.s32 @!p1 $0x0  }
0x14: {  	s2 =	sld [smem:$0x3F9C];
	s0 =	simm.s32 @p1 $0x1  }
0x15: {  	[smem:$0x3FB9] =	sst s0;
	s0 =	simm.s32 @!p2 $0x0  }
0x16: {  	s3 =	sld [smem:$0x3FDB];
	s0 =	simm.s32 @p2 $0x1  }
0x17: {  	s4 =	simm.s32 $0x1BF5;
	[smem:$0x3FBB] =	sst s0  }
0x18: {  	s0 =	sld [smem:$0x3F9E];
	_ =	swait.ge [sflag:s4], $0x0  }
0x19: {  	s7 =	sld [smem:$0x3F9F]  }
0x1a: {  	s8 =	sadd.s32 $0xFFFFE003, lr  }
0x1b: {  	s9 =	sadd.s32 $0xFFFFFEF7, lr;
	s5 =	simm.s32 $0xFFFFFFFF;
	p2 =	slt.u32 s8, $0xFFFFF086  }
0x1c: {  	p1 =	slt.u32 s9, $0xF7A;
	s5 =	simm.s32 @!p2 $0x0  }
0x1d: {  	s5 =	simm.s32 @p1 $0x1;
	p0 =	seq.s32 s7, s2  }
0x1e: {  	s7 =	smul.u32 @!p0 $0xF7A, s2;
	p2 =	seq.s32 @!p0 s5, $0x0  }
0x1f: {  	s9 =	smul.u32 $0xF7A, s1;
	s8 =	simm.s32 @!p0 $0x1BF5;
	p2 =	por !p2, p0  }
0x20: {  	[sflag:s8] =	ssyncset.s32 @!p0 $0xFFFFF086;
	s6 =	sadd.s32 @!p0 s3, s7;
	s7 =	simm.s32 @!p0 $0x108  }
0x21: {  	s3 =	sadd.s32 s3, s9;
	s6 =	sadd.s32 @!p0 $0x88, s6;
	s7 =	simm.s32 @p2 $0x1082  }
0x22: {  	[simem:s7], [sflag:s8] =	dma.local @!p0 [hbm:s6], $0xF7A  }
0x23: {  	s9 =	sor.u32 $0xD0000000, s2;
	s6 =	simm.s32 $0x108;
	_ =	swait.ge @!p0 [sflag:s8], $0x0  }
0x24: {  	s3 =	sadd.s32 $0x88, s3;
	s6 =	simm.s32 @!p1 $0x1082;
	[sflag:s4] =	ssyncset.s32 $0xFFFFF086  }
0x25: {  	[simem:s6], [sflag:s4] =	dma.local [hbm:s3], $0xF7A  }
0x26: {  	[smem:$0x3F9F] =	sst s1;
	(tag) =	ssettag s2;
	_ =	strace s9  }
0x27: {  	s1 =	sld [smem:$0x3FAF]  }
0x28: {  	s2 =	sld [smem:$0x3FB0]  }
0x29: {  	s4 =	sld [smem:$0x3FB2]  }
0x2a: {  	p0 =	seq.s32 s5, $0x0;
	s5 =	sld [smem:$0x3FB3]  }
0x2b: {  	s6 =	sld [smem:$0x3FB4]  }
0x2c: {  	s7 =	sld [smem:$0x3FB5]  }
0x2d: {  	s3 =	simm.s32 $0x108;
	s8 =	sld [smem:$0x3FB6]  }
0x2e: {  	s3 =	simm.s32 @!p0 $0x1082;
	s9 =	sld [smem:$0x3FB7]  }
0x2f: {  	lr =	sadd.s32 s0, s3;
	s0 =	sld [smem:$0x3FAE]  }
0x30: {  	s3 =	sld [smem:$0x3FB1]  }
0x31: {  	[smem:$0x3FBA] =	sst s10  }
0x32: {  	s10 =	sld [smem:$0x3FB8];
	_ =	sdelay $0x3  }
0x33: {  	p0 =	seq.s32 s10, $0x1;
	s10 =	sld [smem:$0x3FBA];
	_ =	sdelay $0x3  }
0x34: {  	[smem:$0x3FBA] =	sst s10  }
0x35: {  	s10 =	sld [smem:$0x3FB9];
	_ =	sdelay $0x3  }
0x36: {  	p1 =	seq.s32 s10, $0x1;
	s10 =	sld [smem:$0x3FBA];
	_ =	sdelay $0x3  }
0x37: {  	[smem:$0x3FBA] =	sst s10  }
0x38: {  	s10 =	sld [smem:$0x3FBB]  }
0x39: {  	_ = 	snop;
	(pc) =	sbr.ind lr, $3  }
0x3a: {  	_ = 	snop  }
0x3b: {  	_ = 	snop  }
0x3c: {  	p2 =	seq.s32 s10, $0x1;
	s10 =	sld [smem:$0x3FBA]  }
0x3d: {  	_ =	shalt  }
0x3e: {  	_ =	shalt  }
0x3f: {  	_ =	shalt  }
0x40: {  	_ =	shalt  }
0x41: {  	_ =	shalt  }
0x42: {  	_ =	shalt  }
0x43: {  	_ =	shalt  }
0x44: {  	_ =	shalt  }
0x45: {  	_ =	shalt  }
0x46: {  	_ =	shalt  }
0x47: {  	_ =	shalt  }
0x48: {  	_ =	shalt  }
0x49: {  	_ =	shalt  }
0x4a: {  	_ =	shalt  }
0x4b: {  	_ =	shalt  }
0x4c: {  	_ =	shalt  }
0x4d: {  	_ =	shalt  }
0x4e: {  	_ =	shalt  }
0x4f: {  	_ =	shalt  }
0x50: {  	_ =	shalt  }
0x51: {  	_ =	shalt  }
0x52: {  	_ =	shalt  }
0x53: {  	_ =	shalt  }
0x54: {  	_ =	shalt  }
0x55: {  	_ =	shalt  }
0x56: {  	_ =	shalt  }
0x57: {  	_ =	shalt  }
0x58: {  	_ =	shalt  }
0x59: {  	_ =	shalt  }
0x5a: {  	_ =	shalt  }
0x5b: {  	_ =	shalt  }
0x5c: {  	_ =	shalt  }
0x5d: {  	_ =	shalt  }
0x5e: {  	_ =	shalt  }
0x5f: {  	_ =	shalt  }
0x60: {  	_ =	shalt  }
0x61: {  	_ =	shalt  }
0x62: {  	_ =	shalt  }
0x63: {  	_ =	shalt  }
0x64: {  	_ =	shalt  }
0x65: {  	_ =	shalt  }
0x66: {  	_ =	shalt  }
0x67: {  	_ =	shalt  }
0x68: {  	_ =	shalt  }
0x69: {  	_ =	shalt  }
0x6a: {  	_ =	shalt  }
0x6b: {  	_ =	shalt  }
0x6c: {  	_ =	shalt  }
0x6d: {  	_ =	shalt  }
0x6e: {  	_ =	shalt  }
0x6f: {  	_ =	shalt  }
0x70: {  	_ =	shalt  }
0x71: {  	_ =	shalt  }
0x72: {  	_ =	shalt  }
0x73: {  	_ =	shalt  }
0x74: {  	_ =	shalt  }
0x75: {  	_ =	shalt  }
0x76: {  	_ =	shalt  }
0x77: {  	_ =	shalt  }
0x78: {  	_ =	shalt  }
0x79: {  	_ =	shalt  }
0x7a: {  	_ =	shalt  }
0x7b: {  	_ =	shalt  }
0x7c: {  	_ =	shalt  }
0x7d: {  	_ =	shalt  }
0x7e: {  	_ =	shalt  }
0x7f: {  	_ =	shalt  }
0x80: {  	_ =	shalt  }
0x81: {  	_ =	shalt  }
0x82: {  	_ =	shalt  }
0x83: {  	_ =	shalt  }
0x84: {  	_ =	shalt  }
0x85: {  	_ =	shalt  }
0x86: {  	_ =	shalt  }
0x87: {  	_ =	shalt  }
.Lfunc_end0:
.L_simem_size_0:
called_computation_lowered:
.L_overlay_start_0:
0x88: {  	s2 =	sld [smem:$0x3FD9]  }
0x89: {  	s3 =	sld [smem:$0x3FFE];
	_ =	sdelay $0x1  }
0x8a: {  	s1 =	srdreg.scid  }
0x8b: {  	s0 =	sand.u32 $0x1, s1  }
0x8c: {  	s18 =	sshll.u32 s0, $0xA;
	s2 =	sadd.s32 s3, s2  }
0x8d: {  	s2 =	sadd.s32 s2, s18  }
0x8e: {  	[smem:$0x3FC6] =	sst s2  }
0x8f: {  	_ = 	snop  }
0x90: {  	s2 =	sld [smem:$0x3FC9]  }
0x91: {  	s19 =	sld [smem:$0x3FC8]  }
0x92: {  	s4 =	sld [smem:$0x3FD0];
	(tm) =	ssettm $0x1  }
0x93: {  	s5 =	sld [smem:$0x3FFB];
	_ =	sdelay $0x3  }
0x94: {  	_ =	strace s5  }
0x95: {  	s5 =	sld [smem:$0x3FFC];
	_ =	sdelay $0x3  }
0x96: {  	_ =	strace s5  }
0x97: {  	s5 =	sld [smem:$0x3FFD];
	_ =	sdelay $0x3  }
0x98: {  	_ =	strace s5  }
0x99: {  	_ =	strace $0x8FFFFFFF  }
0x9a: {  	s20 =	sld [smem:$0x3FDB];
	_ =	sdelay $0x1  }
0x9b: {  	s6 =	simm.s32 $_scs_section_size  }
0x9c: {  	s7 =	simm.s32 $_size__tile_overlayer_lowered;
	s8 =	simm.s32 $_tile_overlayer_lowered  }
0x9d: {  	s23 =	simm.s32 $0x1BFF;
	s22 =	sshll.u32 s8, $0x1;
	s5 =	sadd.s32 s6, s20  }
0x9e: {  	s9 =	simm.s32 $0x0;
	s21 =	sshll.u32 s7, $0x1;
	s7 =	sadd.s32 s22, s5  }
0x9f: {  	[timem:s9], [sflag:s23] =	dma.local [hbm:s7], s21  }
0xa0: {  	_ =	swait.ge [sflag:s23], s21  }
0xa1: {  	s6 =	ssub.s32 $0x0, s21;
	[sflag:s23] =	ssyncset.done $0x0  }
0xa2: {  	[sflag:s23] =	ssyncadd.s32 s6;
	_ =	sdelay $0x1  }
0xa3: {  	s24 =	simm.s32 $0x1B8B  }
0xa4: {  	_ =	swait.ge [sflag:s24], $0x1  }
0xa5: {  	[sflag:s24] =	ssyncset.done $0x0  }
0xa6: {  	s25 =	simm.s32 $0x1B8E;
	[sflag:s24] =	ssyncadd.s32 $0xFFFFFFFF  }
0xa7: {  	s26 =	simm.s32 $execute0_lowered;
	[smem:$0x3FD2] =	sst s25  }
0xa8: {  	s6 =	sshll.u32 s26, $0x1;
	_ =	strace $0x80000046;
	[dreg:$0x1] =	wrdreg $0xFFFFFFFF  }
0xa9: {  	s28 =	simm.s32 $_size_execute0_lowered;
	s5 =	sadd.s32 s5, s6;
	[dreg:$0x0] =	wrdreg $0x0  }
0xaa: {  	s6 =	sshll.u32 s28, $0x1;
	[dreg:$0x2] =	wrdreg s5  }
0xab: {  	[dreg:$0x3] =	wrdreg s6  }
0xac: {  	[dreg:$0x4] =	wrdreg $0xC0  }
0xad: {  	_ =	task [dreg:s9], $0x5FFFF  }
0xae: {  	[dreg:$0x1] =	wrdreg $0xFFFFFFFF  }
0xaf: {  	[dreg:$0x0] =	wrdreg $0x60  }
0xb0: {  	[dreg:$0x2] =	wrdreg s2  }
0xb1: {  	[dreg:$0x3] =	wrdreg s19  }
0xb2: {  	[dreg:$0x4] =	wrdreg s4  }
0xb3: {  	[dreg:$0x5] =	wrdreg $0x9  }
0xb4: {  	_ =	task.clear_ibuf [dreg:s9], $0x6FFFF;
	_ =	strace $0x90000046  }
0xb5: {  	s29 =	simm.s32 $0x9;
	_ =	strace $0x80000048  }
0xb6: {  	_ =	swait.ge [sflag:s29], $0x1  }
0xb7: {  	[sflag:s29] =	ssyncadd.s32 $0xFFFFFFFF  }
0xb8: {  	_ =	strace $0x90000048  }
0xb9: {  	_ =	sfence  }
0xba: {  	s30 =	sld [smem:$0x0];
	_ =	sdelay $0x2  }
0xbb: {  	s31 =	sshll.u32 s1, $0xD;
	s1 =	sshrl.u32 s1, $0x2  }
0xbc: {  	s3 =	sand.u32 $0x4000, s31;
	s1 =	sadd.s32 s1, s30  }
0xbd: {  	s0 =	sor.u32 s3, s0;
	s1 =	sshll.u32 s1, $0x11  }
0xbe: {  	s0 =	sor.u32 s1, s0  }
0xbf: {  	s0 =	sadd.s32 $0x8F2B, s0  }
0xc0: {  	[sflag:s0] =	ssyncadd.remote.s32 $0x1  }
0xc1: {  	_ =	sfence.sel $0xFFFF  }
0xc2: {  	[dreg:$0x0] =	wrdreg $0xFFFFFFFF;
	(pc) =	sbr.abs _section_cstart, $3  }
0xc3: {  	[dreg:$0x1] =	wrdreg $0xFFFFFFFF  }
0xc4: {  	_ =	task.clear_ibuf [dreg:s9], $0x2FFFF;
	_ =	strace $0x9FFFFFFF  }
0xc5: {  	(tm) =	ssettm $0x7FFFFFFF  }
tec
execute0_lowered:
.L_overlay_start_1:
0x0: {  	(tag) =	ssettag $0x1  }
0x1: {  	v0 =	vlaneseq.u32  }
0x2: {  	v6 =	vadd.s32 $0x1, v0  }
0x3: {  	[tilespmem:$0x1FE20] =	vst v6;
	v6 =	vadd.s32 $0x11, v0  }
0x4: {  	[tilespmem:$0x1FE30] =	vst v6;
	v6 =	vadd.s32 $0x21, v0  }
0x5: {  	[tilespmem:$0x1FE40] =	vst v6;
	v6 =	vadd.s32 $0x31, v0  }
0x6: {  	[tilespmem:$0x1FE50] =	vst v6;
	v6 =	vadd.s32 $0x41, v0  }
0x7: {  	[tilespmem:$0x1FE60] =	vst v6;
	v6 =	vadd.s32 $0x51, v0  }
0x8: {  	[tilespmem:$0x1FE70] =	vst v6;
	v6 =	vadd.s32 $0x61, v0  }
0x9: {  	[tilespmem:$0x1FE80] =	vst v6;
	v6 =	vadd.s32 $0x71, v0  }
0xa: {  	[tilespmem:$0x1FE90] =	vst v6;
	v6 =	vadd.s32 $0x81, v0  }
0xb: {  	[tilespmem:$0x1FEA0] =	vst v6;
	v6 =	vadd.s32 $0x91, v0  }
0xc: {  	[tilespmem:$0x1FEB0] =	vst v6;
	v6 =	vadd.s32 $0xA1, v0  }
0xd: {  	[tilespmem:$0x1FEC0] =	vst v6;
	v6 =	vadd.s32 $0xB1, v0  }
0xe: {  	[tilespmem:$0x1FED0] =	vst v6;
	v6 =	vadd.s32 $0xC1, v0  }
0xf: {  	[tilespmem:$0x1FEE0] =	vst v6;
	v6 =	vadd.s32 $0xD1, v0  }
0x10: {  	[tilespmem:$0x1FEF0] =	vst v6;
	v6 =	vadd.s32 $0xE1, v0  }
0x11: {  	[tilespmem:$0x1FF00] =	vst v6;
	v6 =	vadd.s32 $0xF1, v0  }
0x12: {  	s0 =	srdreg.scid;
	[tilespmem:$0x1FF10] =	vst v6;
	v6 =	vadd.s32 $0x101, v0  }
0x13: {  	s1 =	stileid.u32;
	s5 =	rddreg [dreg:$0x2];
	s0 =	sand.u32 $0x1, s0;
	[tilespmem:$0x1FF20] =	vst v6;
	v6 =	vadd.s32 $0x111, v0  }
0x14: {  	s4 =	simm.s32 $0x0;
	s1 =	sshll.u32 s1, $0xB;
	s2 =	sshll.u32 s0, $0xA;
	[tilespmem:$0x1FF30] =	vst v6;
	v6 =	vadd.s32 $0x121, v0  }
0x15: {  	[smem:$0x7FF] =	sst s4;
	s3 =	sor.u32 s2, s1;
	[tilespmem:$0x1FF40] =	vst v6;
	v6 =	vadd.s32 $0x131, v0  }
0x16: {  	s2 =	rddreg [dreg:$0x1];
	s1 =	sadd.s32 $0x400, s3;
	[tilespmem:$0x1FF50] =	vst v6;
	v6 =	vadd.s32 $0x141, v0  }
0x17: {  	v1 =	vmov s1;
	s1 =	rddreg [dreg:$0x0];
	_ =	strace $0x80000047;
	[tilespmem:$0x1FF60] =	vst v6;
	v6 =	vadd.s32 $0x151, v0  }
0x18: {  	[tilespmem:$0x1FF70] =	vst v6;
	v6 =	vadd.s32 $0x161, v0  }
0x19: {  	[tilespmem:$0x1FF80] =	vst v6;
	v6 =	vadd.s32 $0x171, v0  }
0x1a: {  	[tilespmem:$0x1FF90] =	vst v6;
	v6 =	vadd.s32 $0x181, v0  }
0x1b: {  	s7 =	simm.s32 $0x10;
	s8 =	simm.s32 $0x80;
	[tilespmem:$0x1FFA0] =	vst v6;
	v6 =	vadd.s32 $0x191, v0  }
.Ltmp0:
0x1c: {  	v4 =	vimm.s32 $0x0;
	v5 =	vimm.s32 $0x7FFFFFFF;
	s9 =	simm.s32 $0x1;
	s0 =	ssub.s32 $0x2, s0;
	[tilespmem:$0x1FFB0] =	vst v6;
	v6 =	vadd.s32 $0x1A1, v0;
	(pc) =	sbr.rel .LBB2_1-.Ltmp0, $4  }
0x1d: {  	s10 =	simm.s32 $0x100;
	s11 =	simm.s32 $0xD;
	v40 =	vimm.f32 $-3.402823470e+38;
	vm0 =	veq.s32 v0, $0x0;
	s6 =	sshrl.u32 s0, $0x1;
	[tilespmem:$0x1FFC0] =	vst v6;
	v6 =	vadd.s32 $0x1B1, v0  }
0x1e: {  	v36 =	vadd.s32 $0x1E1, v0;
	s31 =	sadd.s32 $0xFFFFFFFF, s3;
	s0 =	ssub.s32 s0, s6;
	v2 =	vsel vm0, s3, v1;
	s3 =	sadd.s32 s5, s3;
	[tilespmem:$0x1FFD0] =	vst v6;
	v6 =	vadd.s32 $0x1C1, v0  }
0x1f: {  	s12 =	simm.s32 $0x980;
	v37 =	vadd.s32 $0x1F1, v0;
	v38 =	vadd.s32 $0x201, v0;
	s0 =	smax.u32 s0, $0x1;
	[dreg:$0x4] =	wrdreg s3;
	[tilespmem:$0x1FFE0] =	vst v6;
	v6 =	vadd.s32 $0x1D1, v0  }
0x20: {  	s14 =	simm.s32 $0x4480;
	v39 =	vadd.s32 $0x211, v0;
	v3 =	vmov s31;
	vm0 =	vmmov $0x1;
	[dreg:$0x5] =	wrdreg s0;
	s3 =	simm.s32 $0x0;
	[tilespmem:$0x1FFF0] =	vst v6  }
.LBB2_29:
0x21: {  	s3 =	rddreg [dreg:$0x6]  }
0x22: {  	s0 =	rddreg [dreg:$0x5];
	s3 =	sadd.s32 $0x1, s3  }
0x23: {  	p0 =	sne.s32 s3, s0  }
.Ltmp1:
0x24: {  	_ = 	snop;
	(pc) =	sbr.rel @!p0 .LBB2_30-.Ltmp1, $1  }
0x25: {  	_ =	sdelay $0x3  }
.LBB2_1:
0x26: {  	v8 =	vimm.s32 $0x40000  }
0x27: {  	v6 =	vadd.s32 v4, v8  }
0x28: {  	v9 =	vshra.s32 v6, $0x1  }
0x29: {  	[dreg:$0x6] =	wrdreg s3;
	[tilespmem:$0x0] =	vst v9  }
0x2a: {  	[tilespmem:s8], [sflag:$0x1] =	stream.indirect.gather [hbm4b:s2+s7], $0x1, s4, s7, $0xb8;
	[tilespmem:$0x1A880] =	vst v63  }
0x2b: {  	_ =	swait.ge [sflag:s9], $0x10  }
0x2c: {  	[sflag:s9] =	ssyncset.done $0x0  }
0x2d: {  	[sflag:s9] =	ssyncadd.s32 $0xFFFFFFF0  }
0x2e: {  	v6 =	vld [tilespmem:$0x80];
	_ =	sdelay $0x4  }
0x2f: {  	s0 =	simm.s32 $0x11;
	v7 =	vadd.s32 $0x1, v9;
	vm1 =	vlt.s32 v6, v2;
	v6 =	vimm.s32 $0x0  }
.LBB2_2:
0x30: {  	p0 =	sne.s32 s0, $0x1;
	s0 =	sadd.s32 $0xFFFFFFFF, s0;
	v6 =	vsel vm1, v7, v6;
	v8 =	vsel vm1, v8, v9  }
0x31: {  	v7 =	vadd.s32 v6, v8  }
0x32: {  	v9 =	vshra.s32 v7, $0x1  }
0x33: {  	[tilespmem:$0x0] =	vst v9  }
0x34: {  	[tilespmem:s8], [sflag:$0x1] =	stream.indirect.gather [hbm4b:s2+s7], $0x1, s4, s7, $0xb8;
	[tilespmem:$0x1A880] =	vst v63  }
0x35: {  	_ =	swait.ge [sflag:s9], $0x10  }
0x36: {  	[sflag:s9] =	ssyncset.done $0x0  }
0x37: {  	[sflag:s9] =	ssyncadd.s32 $0xFFFFFFF0  }
0x38: {  	v7 =	vld [tilespmem:$0x80]  }
.Ltmp2:
0x39: {  	(pc) =	sbr.rel @p0 .LBB2_2-.Ltmp2, $2  }
0x3a: {  	_ =	sdelay $0x2  }
0x3b: {  	vm1 =	vlt.s32 v7, v2;
	v7 =	vadd.s32 $0x1, v9  }
0x3c: {  	[tilespmem:$0x990] =	vst v4  }
0x3d: {  	[tilespmem:$0x9A0] =	vst v4  }
0x3e: {  	[tilespmem:$0x9B0] =	vst v4  }
0x3f: {  	[tilespmem:$0x9C0] =	vst v4  }
0x40: {  	[tilespmem:$0x9D0] =	vst v4  }
0x41: {  	[tilespmem:$0x9E0] =	vst v4  }
0x42: {  	[tilespmem:$0x9F0] =	vst v4  }
0x43: {  	[tilespmem:$0xA00] =	vst v4  }
0x44: {  	[tilespmem:$0xA10] =	vst v4  }
0x45: {  	[tilespmem:$0xA20] =	vst v4  }
0x46: {  	[tilespmem:$0xA30] =	vst v4  }
0x47: {  	[tilespmem:$0xA40] =	vst v4  }
0x48: {  	[tilespmem:$0xA50] =	vst v4  }
0x49: {  	[tilespmem:$0xA60] =	vst v4  }
0x4a: {  	[tilespmem:$0xA70] =	vst v4  }
0x4b: {  	[tilespmem:$0xA80] =	vst v4  }
0x4c: {  	[tilespmem:$0xA90] =	vst v4  }
0x4d: {  	[tilespmem:$0xAA0] =	vst v4  }
0x4e: {  	[tilespmem:$0xAB0] =	vst v4  }
0x4f: {  	[tilespmem:$0xAC0] =	vst v4  }
0x50: {  	[tilespmem:$0xAD0] =	vst v4  }
0x51: {  	[tilespmem:$0xAE0] =	vst v4  }
0x52: {  	[tilespmem:$0xAF0] =	vst v4  }
0x53: {  	[tilespmem:$0xB00] =	vst v4  }
0x54: {  	[tilespmem:$0xB10] =	vst v4  }
0x55: {  	[tilespmem:$0xB20] =	vst v4  }
0x56: {  	[tilespmem:$0xB30] =	vst v4  }
0x57: {  	[tilespmem:$0xB40] =	vst v4  }
0x58: {  	[tilespmem:$0xB50] =	vst v4  }
0x59: {  	[tilespmem:$0xB60] =	vst v4  }
0x5a: {  	[tilespmem:$0xB70] =	vst v4  }
0x5b: {  	[tilespmem:$0xB80] =	vst v4  }
0x5c: {  	[tilespmem:$0xB90] =	vst v4  }
0x5d: {  	[tilespmem:$0xBA0] =	vst v4  }
0x5e: {  	[tilespmem:$0xBB0] =	vst v4  }
0x5f: {  	[tilespmem:$0xBC0] =	vst v4  }
0x60: {  	[tilespmem:$0xBD0] =	vst v4  }
0x61: {  	[tilespmem:$0xBE0] =	vst v4  }
0x62: {  	v6 =	vsel vm1, v7, v6;
	[tilespmem:$0xBF0] =	vst v4  }
0x63: {  	[tilespmem:$0xC00] =	vst v4;
	(v2sf) =	vpush v6, $0x0  }
0x64: {  	[tilespmem:$0xC10] =	vst v4;
	(v2sf) =	vpush v6, $0x1  }
0x65: {  	[tilespmem:$0xC20] =	vst v4  }
0x66: {  	[tilespmem:$0xC30] =	vst v4  }
0x67: {  	[tilespmem:$0xC40] =	vst v4  }
0x68: {  	[tilespmem:$0xC50] =	vst v4  }
0x69: {  	[tilespmem:$0xC60] =	vst v4  }
0x6a: {  	[tilespmem:$0xC70] =	vst v4  }
0x6b: {  	[tilespmem:$0xC80] =	vst v4  }
0x6c: {  	[tilespmem:$0xC90] =	vst v4  }
0x6d: {  	[tilespmem:$0xCA0] =	vst v4  }
0x6e: {  	[tilespmem:$0xCB0] =	vst v4  }
0x6f: {  	[tilespmem:$0xCC0] =	vst v4  }
0x70: {  	[tilespmem:$0xCD0] =	vst v4  }
0x71: {  	[tilespmem:$0xCE0] =	vst v4  }
0x72: {  	[tilespmem:$0xCF0] =	vst v4;
	s0 =	spop (v2sf)  }
0x73: {  	[tilespmem:$0xD00] =	vst v4;
	s3 =	spop (v2sf);
	s0 =	sand.u32 $0xFFFFFFF8, s0  }
0x74: {  	[tilespmem:$0xD10] =	vst v4;
	s3 =	ssub.s32 s3, s0  }
0x75: {  	[tilespmem:$0xD20] =	vst v4;
	s3 =	sadd.s32 $0x7FF, s3  }
0x76: {  	[tilespmem:$0xD30] =	vst v4;
	s5 =	sand.u32 $0x7FF, s3  }
0x77: {  	[tilespmem:$0xD40] =	vst v4;
	s6 =	sshra.s32 s3, $0x1F;
	p0 =	slt.s32 s3, $0x1;
	p1 =	sne.s32 s5, $0x0  }
0x78: {  	[tilespmem:$0xD50] =	vst v4;
	s31 =	sshrl.u32 s6, $0x15;
	p0 =	por !p0, !p1  }
0x79: {  	[tilespmem:$0xD60] =	vst v4;
	s5 =	simm.s32 $0x1;
	s3 =	sadd.s32 s31, s3;
	p0 =	por !p0, !p0  }
0x7a: {  	[tilespmem:$0xD70] =	vst v4;
	s3 =	sshra.s32 s3, $0xB;
	s5 =	simm.s32 @!p0 $0x0  }
0x7b: {  	[tilespmem:$0xD80] =	vst v4;
	s3 =	ssub.s32 s3, s5  }
0x7c: {  	[tilespmem:$0xD90] =	vst v4;
	s13 =	simm.s32 $0x0;
	v6 =	vnsel vm0, $0x0, v6;
	p0 =	sgt.s32 s3, $0x1  }
0x7d: {  	[tilespmem:$0x980] =	vst v6;
	s6 =	smov.u32 s0;
	s5 =	simm.s32 $0x0;
	s3 =	simm.s32 @!p0 $0x1  }
.LBB2_4:
0x7e: {  	s15 =	sshll.u32 s13, $0xB  }
0x7f: {  	s15 =	sadd.s32 s0, s15  }
0x80: {  	p0 =	slt.s32 s15, $0x3F800  }
0x81: {  	s15 =	simm.s32 @!p0 $0x3F800  }
0x82: {  	s15 =	sshrl.u32 s15, $0x3  }
0x83: {  	s15 =	sadd.s32 s2, s15  }
0x84: {  	[tilespmem:s10], [sflag:$0xD] =	stream.linear.gather [hbm4b:s15+s5], $0x800, $0x38;
	[tilespmem:$0x1A880] =	vst v63  }
0x85: {  	_ =	swait.ge [sflag:s11], $0x800  }
0x86: {  	s16 =	simm.s32 $0xFFFFFFFC;
	[sflag:s11] =	ssyncset.done $0x0  }
0x87: {  	p0 =	slt.s32 s6, $0x3F800;
	s15 =	smov.u32 s6;
	[sflag:s11] =	ssyncadd.s32 $0xFFFFF800  }
0x88: {  	s17 =	simm.s32 $0x120;
	s18 =	simm.s32 $0x0;
	s15 =	simm.s32 @!p0 $0x3F800;
	[tilespmem:$0x900] =	vst v5  }
.LBB2_5:
0x89: {  	s19 =	sadd.s32 $0x1, s18  }
0x8a: {  	v6 =	vadd.s32 s19, v0;
	_ =	sdelay $0x3  }
0x8b: {  	v7 =	vld [tilespmem:s17+$0xFFFFFFE0]  }
0x8c: {  	v6 =	vld.idx.msk [tilespmem:v6+s10+$0x0], $0xffff;
	_ =	sdelay $0x4  }
0x8d: {  	vm1 =	vgt.s32 v3, v7;
	vm2 =	vgt.s32 v3, v6  }
0x8e: {  	v7 =	vsel vm1, v3, v7;
	v6 =	vsel vm2, v3, v6  }
0x8f: {  	vm1 =	vlt.s32 v1, v7;
	vm2 =	vlt.s32 v1, v6  }
0x90: {  	v7 =	vsel vm1, v1, v7;
	v6 =	vsel vm2, v1, v6  }
0x91: {  	vm1 =	vne.s32 v7, v6  }
0x92: {  	v6 =	vsub.s32 v7, v3  }
0x93: {  	s24 =	sadd.s32 $0x11, s18  }
0x94: {  	s20 =	sadd.s32 s18, s15;
	v7 =	vadd.s32 s24, v0  }
0x95: {  	s25 =	sadd.s32 $0x1, s20  }
0x96: {  	v8 =	vadd.s32 s25, v0  }
0x97: {  	[tilespmem:v6+s12+$0x0] =	vst.idx.msk vm1, v8  }
0x98: {  	v6 =	vld [tilespmem:s17+$0xFFFFFFF0]  }
0x99: {  	v7 =	vld.idx.msk [tilespmem:v7+s10+$0x0], $0xffff;
	_ =	sdelay $0x4  }
0x9a: {  	vm1 =	vgt.s32 v3, v6;
	vm2 =	vgt.s32 v3, v7  }
0x9b: {  	v6 =	vsel vm1, v3, v6;
	v7 =	vsel vm2, v3, v7  }
0x9c: {  	vm1 =	vlt.s32 v1, v6;
	vm2 =	vlt.s32 v1, v7  }
0x9d: {  	v6 =	vsel vm1, v1, v6;
	v7 =	vsel vm2, v1, v7  }
0x9e: {  	vm1 =	vne.s32 v6, v7  }
0x9f: {  	v6 =	vsub.s32 v6, v3  }
0xa0: {  	s26 =	sadd.s32 $0x21, s18  }
0xa1: {  	v7 =	vadd.s32 s26, v0  }
0xa2: {  	s28 =	sadd.s32 $0x11, s20  }
0xa3: {  	v62 =	vadd.s32 s28, v0  }
0xa4: {  	[tilespmem:v6+s12+$0x0] =	vst.idx.msk vm1, v62  }
0xa5: {  	v6 =	vld [tilespmem:s17+$0x0]  }
0xa6: {  	v7 =	vld.idx.msk [tilespmem:v7+s10+$0x0], $0xffff;
	_ =	sdelay $0x4  }
0xa7: {  	vm1 =	vgt.s32 v3, v6;
	vm2 =	vgt.s32 v3, v7  }
0xa8: {  	v6 =	vsel vm1, v3, v6;
	v7 =	vsel vm2, v3, v7  }
0xa9: {  	vm1 =	vlt.s32 v1, v6;
	vm2 =	vlt.s32 v1, v7  }
0xaa: {  	v6 =	vsel vm1, v1, v6;
	v7 =	vsel vm2, v1, v7  }
0xab: {  	vm1 =	vne.s32 v6, v7  }
0xac: {  	v6 =	vsub.s32 v6, v3  }
0xad: {  	s29 =	sadd.s32 $0x31, s18  }
0xae: {  	v7 =	vadd.s32 s29, v0  }
0xaf: {  	s30 =	sadd.s32 $0x21, s20  }
0xb0: {  	v63 =	vadd.s32 s30, v0  }
0xb1: {  	[tilespmem:v6+s12+$0x0] =	vst.idx.msk vm1, v63  }
0xb2: {  	v6 =	vld [tilespmem:s17+$0x10]  }
0xb3: {  	v7 =	vld.idx.msk [tilespmem:v7+s10+$0x0], $0xffff;
	_ =	sdelay $0x4  }
0xb4: {  	vm1 =	vgt.s32 v3, v6;
	vm2 =	vgt.s32 v3, v7  }
0xb5: {  	v6 =	vsel vm1, v3, v6;
	v7 =	vsel vm2, v3, v7  }
0xb6: {  	vm1 =	vlt.s32 v1, v6;
	vm2 =	vlt.s32 v1, v7  }
0xb7: {  	v6 =	vsel vm1, v1, v6;
	v7 =	vsel vm2, v1, v7  }
0xb8: {  	s16 =	sadd.s32 $0x4, s16;
	vm1 =	vne.s32 v6, v7  }
0xb9: {  	p0 =	slt.u32 s16, $0x7C;
	v6 =	vsub.s32 v6, v3  }
.Ltmp3:
0xba: {  	_ = 	snop;
	(pc) =	sbr.rel @p0 .LBB2_5-.Ltmp3, $4  }
0xbb: {  	_ = 	snop  }
0xbc: {  	s31 =	sadd.s32 $0x31, s20  }
0xbd: {  	v7 =	vadd.s32 s31, v0  }
0xbe: {  	s18 =	sadd.s32 $0x40, s18;
	s17 =	sadd.s32 $0x40, s17;
	[tilespmem:v6+s12+$0x0] =	vst.idx.msk vm1, v7  }
0xbf: {  	s13 =	sadd.s32 $0x1, s13  }
0xc0: {  	p0 =	sne.s32 s13, s3  }
.Ltmp4:
0xc1: {  	_ = 	snop;
	(pc) =	sbr.rel @p0 .LBB2_4-.Ltmp4, $2  }
0xc2: {  	_ =	sdelay $0x2  }
0xc3: {  	s6 =	sadd.s32 $0x800, s6  }
0xc4: {  	v6 =	vld [tilespmem:$0x980];
	_ =	sdelay $0x4  }
0xc5: {  	v6 =	vxor.u32 $0x80000000, v6  }
0xc6: {  	(xrf0) =	vmax.scan.msk.u32 $0xffff, v6;
	_ =	sdelay $0x5  }
0xc7: {  	v6, _, _ =	vpop (xrf0)  }
0xc8: {  	v6 =	vxor.u32 $0x80000000, v6  }
0xc9: {  	vm1 =	vgt.s32 v6, $0x0  }
0xca: {  	v41 =	vnsel vm1, $0x0, v6  }
0xcb: {  	v6 =	vor.u32 $0x80000000, v41  }
0xcc: {  	(xrf0) =	vmax.scan.msk.u32 $0xffff, v6;
	_ =	sdelay $0x5  }
0xcd: {  	v6, _, _ =	vpop (xrf0)  }
0xce: {  	(v2sf) =	vpush v6, $0xF;
	_ =	sdelay $0x2  }
0xcf: {  	v6 =	vld [tilespmem:$0x990];
	_ =	sdelay $0x4  }
0xd0: {  	v6 =	vxor.u32 $0x80000000, v6  }
0xd1: {  	(xrf0) =	vmax.scan.msk.u32 $0xffff, v6;
	_ =	sdelay $0x5  }
0xd2: {  	v6, _, _ =	vpop (xrf0);
	s0 =	spop (v2sf)  }
0xd3: {  	v6 =	vxor.u32 $0x80000000, v6;
	s0 =	sxor.u32 $0x80000000, s0  }
0xd4: {  	vm1 =	vgt.s32 v6, s0  }
0xd5: {  	v42 =	vnsel vm1, s0, v6  }
0xd6: {  	v6 =	vxor.u32 $0x80000000, v42  }
0xd7: {  	(xrf0) =	vmax.scan.msk.u32 $0xffff, v6;
	_ =	sdelay $0x5  }
0xd8: {  	v6, _, _ =	vpop (xrf0)  }
0xd9: {  	(v2sf) =	vpush v6, $0xF;
	_ =	sdelay $0x2  }
0xda: {  	v6 =	vld [tilespmem:$0x9A0];
	_ =	sdelay $0x4  }
0xdb: {  	v6 =	vxor.u32 $0x80000000, v6  }
0xdc: {  	(xrf0) =	vmax.scan.msk.u32 $0xffff, v6;
	_ =	sdelay $0x5  }
0xdd: {  	v6, _, _ =	vpop (xrf0);
	s5 =	spop (v2sf)  }
0xde: {  	v6 =	vxor.u32 $0x80000000, v6;
	s0 =	sxor.u32 $0x80000000, s5  }
0xdf: {  	vm1 =	vgt.s32 v6, s0  }
0xe0: {  	v43 =	vnsel vm1, s0, v6  }
0xe1: {  	v6 =	vxor.u32 $0x80000000, v43  }
0xe2: {  	(xrf0) =	vmax.scan.msk.u32 $0xffff, v6;
	_ =	sdelay $0x5  }
0xe3: {  	v6, _, _ =	vpop (xrf0)  }
0xe4: {  	(v2sf) =	vpush v6, $0xF;
	_ =	sdelay $0x2  }
0xe5: {  	v6 =	vld [tilespmem:$0x9B0];
	_ =	sdelay $0x4  }
0xe6: {  	v6 =	vxor.u32 $0x80000000, v6  }
0xe7: {  	(xrf0) =	vmax.scan.msk.u32 $0xffff, v6;
	_ =	sdelay $0x5  }
0xe8: {  	v6, _, _ =	vpop (xrf0);
	s6 =	spop (v2sf)  }
0xe9: {  	v6 =	vxor.u32 $0x80000000, v6;
	s0 =	sxor.u32 $0x80000000, s6  }
0xea: {  	vm1 =	vgt.s32 v6, s0  }
0xeb: {  	v44 =	vnsel vm1, s0, v6  }
0xec: {  	v6 =	vxor.u32 $0x80000000, v44  }
0xed: {  	(xrf0) =	vmax.scan.msk.u32 $0xffff, v6;
	_ =	sdelay $0x5  }
0xee: {  	v6, _, _ =	vpop (xrf0)  }
0xef: {  	(v2sf) =	vpush v6, $0xF;
	_ =	sdelay $0x2  }
0xf0: {  	v6 =	vld [tilespmem:$0x9C0];
	_ =	sdelay $0x4  }
0xf1: {  	v6 =	vxor.u32 $0x80000000, v6  }
0xf2: {  	(xrf0) =	vmax.scan.msk.u32 $0xffff, v6;
	_ =	sdelay $0x5  }
0xf3: {  	v6, _, _ =	vpop (xrf0);
	s13 =	spop (v2sf)  }
0xf4: {  	v6 =	vxor.u32 $0x80000000, v6;
	s0 =	sxor.u32 $0x80000000, s13  }
0xf5: {  	vm1 =	vgt.s32 v6, s0  }
0xf6: {  	v45 =	vnsel vm1, s0, v6  }
0xf7: {  	v6 =	vxor.u32 $0x80000000, v45  }
0xf8: {  	(xrf0) =	vmax.scan.msk.u32 $0xffff, v6;
	_ =	sdelay $0x5  }
0xf9: {  	v6, _, _ =	vpop (xrf0)  }
0xfa: {  	(v2sf) =	vpush v6, $0xF;
	_ =	sdelay $0x2  }
0xfb: {  	v6 =	vld [tilespmem:$0x9D0];
	_ =	sdelay $0x4  }
0xfc: {  	v6 =	vxor.u32 $0x80000000, v6  }
0xfd: {  	(xrf0) =	vmax.scan.msk.u32 $0xffff, v6;
	_ =	sdelay $0x5  }
0xfe: {  	v6, _, _ =	vpop (xrf0);
	s15 =	spop (v2sf)  }
0xff: {  	v6 =	vxor.u32 $0x80000000, v6;
	s0 =	sxor.u32 $0x80000000, s15  }
0x100: {  	vm1 =	vgt.s32 v6, s0  }
0x101: {  	v46 =	vnsel vm1, s0, v6  }
0x102: {  	v6 =	vxor.u32 $0x80000000, v46  }
0x103: {  	(xrf0) =	vmax.scan.msk.u32 $0xffff, v6;
	_ =	sdelay $0x5  }
0x104: {  	v6, _, _ =	vpop (xrf0)  }
0x105: {  	(v2sf) =	vpush v6, $0xF;
	_ =	sdelay $0x2  }
0x106: {  	v6 =	vld [tilespmem:$0x9E0];
	_ =	sdelay $0x4  }
0x107: {  	v6 =	vxor.u32 $0x80000000, v6  }
0x108: {  	(xrf0) =	vmax.scan.msk.u32 $0xffff, v6;
	_ =	sdelay $0x5  }
0x109: {  	v6, _, _ =	vpop (xrf0);
	s16 =	spop (v2sf)  }
0x10a: {  	v6 =	vxor.u32 $0x80000000, v6;
	s0 =	sxor.u32 $0x80000000, s16  }
0x10b: {  	vm1 =	vgt.s32 v6, s0  }
0x10c: {  	v47 =	vnsel vm1, s0, v6  }
0x10d: {  	v6 =	vxor.u32 $0x80000000, v47  }
0x10e: {  	(xrf0) =	vmax.scan.msk.u32 $0xffff, v6;
	_ =	sdelay $0x5  }
0x10f: {  	v6, _, _ =	vpop (xrf0)  }
0x110: {  	(v2sf) =	vpush v6, $0xF;
	_ =	sdelay $0x2  }
0x111: {  	v6 =	vld [tilespmem:$0x9F0];
	_ =	sdelay $0x4  }
0x112: {  	v6 =	vxor.u32 $0x80000000, v6  }
0x113: {  	(xrf0) =	vmax.scan.msk.u32 $0xffff, v6;
	_ =	sdelay $0x5  }
0x114: {  	v6, _, _ =	vpop (xrf0);
	s17 =	spop (v2sf)  }
0x115: {  	v6 =	vxor.u32 $0x80000000, v6;
	s0 =	sxor.u32 $0x80000000, s17  }
0x116: {  	vm1 =	vgt.s32 v6, s0  }
0x117: {  	v48 =	vnsel vm1, s0, v6  }
0x118: {  	v6 =	vxor.u32 $0x80000000, v48  }
0x119: {  	(xrf0) =	vmax.scan.msk.u32 $0xffff, v6;
	_ =	sdelay $0x5  }
0x11a: {  	v6, _, _ =	vpop (xrf0)  }
0x11b: {  	(v2sf) =	vpush v6, $0xF;
	_ =	sdelay $0x2  }
0x11c: {  	v6 =	vld [tilespmem:$0xA00];
	_ =	sdelay $0x4  }
0x11d: {  	v6 =	vxor.u32 $0x80000000, v6  }
0x11e: {  	(xrf0) =	vmax.scan.msk.u32 $0xffff, v6;
	_ =	sdelay $0x5  }
0x11f: {  	v6, _, _ =	vpop (xrf0);
	s18 =	spop (v2sf)  }
0x120: {  	v6 =	vxor.u32 $0x80000000, v6;
	s0 =	sxor.u32 $0x80000000, s18  }
0x121: {  	vm1 =	vgt.s32 v6, s0  }
0x122: {  	v49 =	vnsel vm1, s0, v6  }
0x123: {  	v6 =	vxor.u32 $0x80000000, v49  }
0x124: {  	(xrf0) =	vmax.scan.msk.u32 $0xffff, v6;
	_ =	sdelay $0x5  }
0x125: {  	v6, _, _ =	vpop (xrf0)  }
0x126: {  	(v2sf) =	vpush v6, $0xF;
	_ =	sdelay $0x2  }
0x127: {  	v6 =	vld [tilespmem:$0xA10];
	_ =	sdelay $0x4  }
0x128: {  	v6 =	vxor.u32 $0x80000000, v6  }
0x129: {  	(xrf0) =	vmax.scan.msk.u32 $0xffff, v6;
	_ =	sdelay $0x5  }
0x12a: {  	v6, _, _ =	vpop (xrf0);
	s19 =	spop (v2sf)  }
0x12b: {  	v6 =	vxor.u32 $0x80000000, v6;
	s0 =	sxor.u32 $0x80000000, s19  }
0x12c: {  	vm1 =	vgt.s32 v6, s0  }
0x12d: {  	v50 =	vnsel vm1, s0, v6  }
0x12e: {  	v6 =	vxor.u32 $0x80000000, v50  }
0x12f: {  	(xrf0) =	vmax.scan.msk.u32 $0xffff, v6;
	_ =	sdelay $0x5  }
0x130: {  	v6, _, _ =	vpop (xrf0)  }
0x131: {  	(v2sf) =	vpush v6, $0xF;
	_ =	sdelay $0x2  }
0x132: {  	v6 =	vld [tilespmem:$0xA20];
	_ =	sdelay $0x4  }
0x133: {  	v6 =	vxor.u32 $0x80000000, v6  }
0x134: {  	(xrf0) =	vmax.scan.msk.u32 $0xffff, v6;
	_ =	sdelay $0x5  }
0x135: {  	v6, _, _ =	vpop (xrf0);
	s20 =	spop (v2sf)  }
0x136: {  	v6 =	vxor.u32 $0x80000000, v6;
	s0 =	sxor.u32 $0x80000000, s20  }
0x137: {  	vm1 =	vgt.s32 v6, s0  }
0x138: {  	v51 =	vnsel vm1, s0, v6  }
0x139: {  	v6 =	vxor.u32 $0x80000000, v51  }
0x13a: {  	(xrf0) =	vmax.scan.msk.u32 $0xffff, v6;
	_ =	sdelay $0x5  }
0x13b: {  	v6, _, _ =	vpop (xrf0)  }
0x13c: {  	(v2sf) =	vpush v6, $0xF;
	_ =	sdelay $0x2  }
0x13d: {  	v6 =	vld [tilespmem:$0xA30];
	_ =	sdelay $0x4  }
0x13e: {  	v6 =	vxor.u32 $0x80000000, v6  }
0x13f: {  	(xrf0) =	vmax.scan.msk.u32 $0xffff, v6;
	_ =	sdelay $0x5  }
0x140: {  	v6, _, _ =	vpop (xrf0);
	s21 =	spop (v2sf)  }
0x141: {  	v6 =	vxor.u32 $0x80000000, v6;
	s0 =	sxor.u32 $0x80000000, s21  }
0x142: {  	vm1 =	vgt.s32 v6, s0  }
0x143: {  	v52 =	vnsel vm1, s0, v6  }
0x144: {  	v6 =	vxor.u32 $0x80000000, v52  }
0x145: {  	(xrf0) =	vmax.scan.msk.u32 $0xffff, v6;
	_ =	sdelay $0x5  }
0x146: {  	v6, _, _ =	vpop (xrf0)  }
0x147: {  	(v2sf) =	vpush v6, $0xF;
	_ =	sdelay $0x2  }
0x148: {  	v6 =	vld [tilespmem:$0xA40];
	_ =	sdelay $0x4  }
0x149: {  	v6 =	vxor.u32 $0x80000000, v6  }
0x14a: {  	(xrf0) =	vmax.scan.msk.u32 $0xffff, v6;
	_ =	sdelay $0x5  }
0x14b: {  	v6, _, _ =	vpop (xrf0);
	s22 =	spop (v2sf)  }
0x14c: {  	v6 =	vxor.u32 $0x80000000, v6;
	s0 =	sxor.u32 $0x80000000, s22  }
0x14d: {  	vm1 =	vgt.s32 v6, s0  }
0x14e: {  	v53 =	vnsel vm1, s0, v6  }
0x14f: {  	v6 =	vxor.u32 $0x80000000, v53  }
0x150: {  	(xrf0) =	vmax.scan.msk.u32 $0xffff, v6;
	_ =	sdelay $0x5  }
0x151: {  	v6, _, _ =	vpop (xrf0)  }
0x152: {  	(v2sf) =	vpush v6, $0xF;
	_ =	sdelay $0x2  }
0x153: {  	v6 =	vld [tilespmem:$0xA50];
	_ =	sdelay $0x4  }
0x154: {  	v6 =	vxor.u32 $0x80000000, v6  }
0x155: {  	(xrf0) =	vmax.scan.msk.u32 $0xffff, v6;
	_ =	sdelay $0x5  }
0x156: {  	v6, _, _ =	vpop (xrf0);
	s23 =	spop (v2sf)  }
0x157: {  	v6 =	vxor.u32 $0x80000000, v6;
	s0 =	sxor.u32 $0x80000000, s23  }
0x158: {  	vm1 =	vgt.s32 v6, s0  }
0x159: {  	v54 =	vnsel vm1, s0, v6  }
0x15a: {  	v6 =	vxor.u32 $0x80000000, v54  }
0x15b: {  	(xrf0) =	vmax.scan.msk.u32 $0xffff, v6;
	_ =	sdelay $0x5  }
0x15c: {  	v6, _, _ =	vpop (xrf0)  }
0x15d: {  	(v2sf) =	vpush v6, $0xF;
	_ =	sdelay $0x2  }
0x15e: {  	v6 =	vld [tilespmem:$0xA60];
	_ =	sdelay $0x4  }
0x15f: {  	v6 =	vxor.u32 $0x80000000, v6  }
0x160: {  	(xrf0) =	vmax.scan.msk.u32 $0xffff, v6;
	_ =	sdelay $0x5  }
0x161: {  	v6, _, _ =	vpop (xrf0);
	s24 =	spop (v2sf)  }
0x162: {  	v6 =	vxor.u32 $0x80000000, v6;
	s0 =	sxor.u32 $0x80000000, s24  }
0x163: {  	vm1 =	vgt.s32 v6, s0  }
0x164: {  	v55 =	vnsel vm1, s0, v6  }
0x165: {  	v6 =	vxor.u32 $0x80000000, v55  }
0x166: {  	(xrf0) =	vmax.scan.msk.u32 $0xffff, v6;
	_ =	sdelay $0x5  }
0x167: {  	v6, _, _ =	vpop (xrf0)  }
0x168: {  	(v2sf) =	vpush v6, $0xF;
	_ =	sdelay $0x2  }
0x169: {  	v6 =	vld [tilespmem:$0xA70];
	_ =	sdelay $0x4  }
0x16a: {  	v6 =	vxor.u32 $0x80000000, v6  }
0x16b: {  	(xrf0) =	vmax.scan.msk.u32 $0xffff, v6;
	_ =	sdelay $0x5  }
0x16c: {  	v6, _, _ =	vpop (xrf0);
	s25 =	spop (v2sf)  }
0x16d: {  	v6 =	vxor.u32 $0x80000000, v6;
	s0 =	sxor.u32 $0x80000000, s25  }
0x16e: {  	vm1 =	vgt.s32 v6, s0  }
0x16f: {  	v56 =	vnsel vm1, s0, v6  }
0x170: {  	v6 =	vxor.u32 $0x80000000, v56  }
0x171: {  	(xrf0) =	vmax.scan.msk.u32 $0xffff, v6;
	_ =	sdelay $0x5  }
0x172: {  	v6, _, _ =	vpop (xrf0)  }
0x173: {  	(v2sf) =	vpush v6, $0xF;
	_ =	sdelay $0x2  }
0x174: {  	v6 =	vld [tilespmem:$0xA80];
	_ =	sdelay $0x4  }
0x175: {  	v6 =	vxor.u32 $0x80000000, v6  }
0x176: {  	(xrf0) =	vmax.scan.msk.u32 $0xffff, v6;
	_ =	sdelay $0x5  }
0x177: {  	v6, _, _ =	vpop (xrf0);
	s26 =	spop (v2sf)  }
0x178: {  	v6 =	vxor.u32 $0x80000000, v6;
	s0 =	sxor.u32 $0x80000000, s26  }
0x179: {  	vm1 =	vgt.s32 v6, s0  }
0x17a: {  	v57 =	vnsel vm1, s0, v6  }
0x17b: {  	v6 =	vxor.u32 $0x80000000, v57  }
0x17c: {  	(xrf0) =	vmax.scan.msk.u32 $0xffff, v6;
	_ =	sdelay $0x5  }
0x17d: {  	v6, _, _ =	vpop (xrf0)  }
0x17e: {  	(v2sf) =	vpush v6, $0xF;
	_ =	sdelay $0x2  }
0x17f: {  	v6 =	vld [tilespmem:$0xA90];
	_ =	sdelay $0x4  }
0x180: {  	v6 =	vxor.u32 $0x80000000, v6  }
0x181: {  	(xrf0) =	vmax.scan.msk.u32 $0xffff, v6;
	_ =	sdelay $0x5  }
0x182: {  	v6, _, _ =	vpop (xrf0);
	s28 =	spop (v2sf)  }
0x183: {  	v6 =	vxor.u32 $0x80000000, v6;
	s0 =	sxor.u32 $0x80000000, s28  }
0x184: {  	vm1 =	vgt.s32 v6, s0  }
0x185: {  	v58 =	vnsel vm1, s0, v6  }
0x186: {  	v6 =	vxor.u32 $0x80000000, v58  }
0x187: {  	(xrf0) =	vmax.scan.msk.u32 $0xffff, v6;
	_ =	sdelay $0x5  }
0x188: {  	v6, _, _ =	vpop (xrf0)  }
0x189: {  	(v2sf) =	vpush v6, $0xF;
	_ =	sdelay $0x2  }
0x18a: {  	v6 =	vld [tilespmem:$0xAA0];
	_ =	sdelay $0x4  }
0x18b: {  	v6 =	vxor.u32 $0x80000000, v6  }
0x18c: {  	(xrf0) =	vmax.scan.msk.u32 $0xffff, v6;
	_ =	sdelay $0x5  }
0x18d: {  	v6, _, _ =	vpop (xrf0);
	s29 =	spop (v2sf)  }
0x18e: {  	v6 =	vxor.u32 $0x80000000, v6;
	s0 =	sxor.u32 $0x80000000, s29  }
0x18f: {  	vm1 =	vgt.s32 v6, s0  }
0x190: {  	v59 =	vnsel vm1, s0, v6  }
0x191: {  	v6 =	vxor.u32 $0x80000000, v59  }
0x192: {  	(xrf0) =	vmax.scan.msk.u32 $0xffff, v6;
	_ =	sdelay $0x5  }
0x193: {  	v6, _, _ =	vpop (xrf0)  }
0x194: {  	(v2sf) =	vpush v6, $0xF;
	_ =	sdelay $0x2  }
0x195: {  	v6 =	vld [tilespmem:$0xAB0];
	_ =	sdelay $0x4  }
0x196: {  	v6 =	vxor.u32 $0x80000000, v6  }
0x197: {  	(xrf0) =	vmax.scan.msk.u32 $0xffff, v6;
	_ =	sdelay $0x5  }
0x198: {  	v6, _, _ =	vpop (xrf0);
	s30 =	spop (v2sf)  }
0x199: {  	v6 =	vxor.u32 $0x80000000, v6;
	s0 =	sxor.u32 $0x80000000, s30  }
0x19a: {  	vm1 =	vgt.s32 v6, s0  }
0x19b: {  	v60 =	vnsel vm1, s0, v6  }
0x19c: {  	v6 =	vxor.u32 $0x80000000, v60  }
0x19d: {  	(xrf0) =	vmax.scan.msk.u32 $0xffff, v6;
	_ =	sdelay $0x5  }
0x19e: {  	v6, _, _ =	vpop (xrf0)  }
0x19f: {  	(v2sf) =	vpush v6, $0xF;
	_ =	sdelay $0x2  }
0x1a0: {  	v6 =	vld [tilespmem:$0xAC0];
	_ =	sdelay $0x4  }
0x1a1: {  	v6 =	vxor.u32 $0x80000000, v6  }
0x1a2: {  	(xrf0) =	vmax.scan.msk.u32 $0xffff, v6;
	_ =	sdelay $0x5  }
0x1a3: {  	v6, _, _ =	vpop (xrf0);
	s31 =	spop (v2sf)  }
0x1a4: {  	v6 =	vxor.u32 $0x80000000, v6;
	s0 =	sxor.u32 $0x80000000, s31  }
0x1a5: {  	vm1 =	vgt.s32 v6, s0  }
0x1a6: {  	v61 =	vnsel vm1, s0, v6  }
0x1a7: {  	v6 =	vxor.u32 $0x80000000, v61  }
0x1a8: {  	(xrf0) =	vmax.scan.msk.u32 $0xffff, v6;
	_ =	sdelay $0x5  }
0x1a9: {  	v6, _, _ =	vpop (xrf0)  }
0x1aa: {  	(v2sf) =	vpush v6, $0xF;
	_ =	sdelay $0x2  }
0x1ab: {  	v6 =	vld [tilespmem:$0xAD0];
	_ =	sdelay $0x4  }
0x1ac: {  	v6 =	vxor.u32 $0x80000000, v6  }
0x1ad: {  	(xrf0) =	vmax.scan.msk.u32 $0xffff, v6;
	_ =	sdelay $0x5  }
0x1ae: {  	v6, _, _ =	vpop (xrf0);
	s3 =	spop (v2sf)  }
0x1af: {  	v6 =	vxor.u32 $0x80000000, v6;
	s0 =	sxor.u32 $0x80000000, s3  }
0x1b0: {  	vm1 =	vgt.s32 v6, s0  }
0x1b1: {  	v62 =	vnsel vm1, s0, v6  }
0x1b2: {  	v6 =	vxor.u32 $0x80000000, v62  }
0x1b3: {  	(xrf0) =	vmax.scan.msk.u32 $0xffff, v6;
	_ =	sdelay $0x5  }
0x1b4: {  	v6, _, _ =	vpop (xrf0)  }
0x1b5: {  	(v2sf) =	vpush v6, $0xF;
	_ =	sdelay $0x2  }
0x1b6: {  	v6 =	vld [tilespmem:$0xAE0];
	_ =	sdelay $0x4  }
0x1b7: {  	v6 =	vxor.u32 $0x80000000, v6  }
0x1b8: {  	(xrf0) =	vmax.scan.msk.u32 $0xffff, v6;
	_ =	sdelay $0x5  }
0x1b9: {  	v6, _, _ =	vpop (xrf0);
	s5 =	spop (v2sf)  }
0x1ba: {  	v6 =	vxor.u32 $0x80000000, v6;
	s0 =	sxor.u32 $0x80000000, s5  }
0x1bb: {  	vm1 =	vgt.s32 v6, s0  }
0x1bc: {  	v63 =	vnsel vm1, s0, v6  }
0x1bd: {  	v6 =	vxor.u32 $0x80000000, v63  }
0x1be: {  	(xrf0) =	vmax.scan.msk.u32 $0xffff, v6;
	_ =	sdelay $0x5  }
0x1bf: {  	v6, _, _ =	vpop (xrf0)  }
0x1c0: {  	(v2sf) =	vpush v6, $0xF;
	_ =	sdelay $0x2  }
0x1c1: {  	v6 =	vld [tilespmem:$0xAF0];
	_ =	sdelay $0x4  }
0x1c2: {  	v6 =	vxor.u32 $0x80000000, v6  }
0x1c3: {  	(xrf0) =	vmax.scan.msk.u32 $0xffff, v6;
	_ =	sdelay $0x5  }
0x1c4: {  	v6, _, _ =	vpop (xrf0);
	s6 =	spop (v2sf)  }
0x1c5: {  	v6 =	vxor.u32 $0x80000000, v6;
	s0 =	sxor.u32 $0x80000000, s6  }
0x1c6: {  	vm1 =	vgt.s32 v6, s0  }
0x1c7: {  	v6 =	vnsel vm1, s0, v6  }
0x1c8: {  	v7 =	vxor.u32 $0x80000000, v6  }
0x1c9: {  	(xrf0) =	vmax.scan.msk.u32 $0xffff, v7;
	_ =	sdelay $0x5  }
0x1ca: {  	v7, _, _ =	vpop (xrf0)  }
0x1cb: {  	(v2sf) =	vpush v7, $0xF;
	_ =	sdelay $0x2  }
0x1cc: {  	v7 =	vld [tilespmem:$0xB00];
	_ =	sdelay $0x4  }
0x1cd: {  	v7 =	vxor.u32 $0x80000000, v7  }
0x1ce: {  	(xrf0) =	vmax.scan.msk.u32 $0xffff, v7;
	_ =	sdelay $0x5  }
0x1cf: {  	v7, _, _ =	vpop (xrf0);
	s13 =	spop (v2sf)  }
0x1d0: {  	v7 =	vxor.u32 $0x80000000, v7;
	s0 =	sxor.u32 $0x80000000, s13  }
0x1d1: {  	vm1 =	vgt.s32 v7, s0  }
0x1d2: {  	v7 =	vnsel vm1, s0, v7  }
0x1d3: {  	v8 =	vxor.u32 $0x80000000, v7  }
0x1d4: {  	(xrf0) =	vmax.scan.msk.u32 $0xffff, v8;
	_ =	sdelay $0x5  }
0x1d5: {  	v8, _, _ =	vpop (xrf0)  }
0x1d6: {  	(v2sf) =	vpush v8, $0xF;
	_ =	sdelay $0x2  }
0x1d7: {  	v13 =	vld [tilespmem:$0xB10];
	_ =	sdelay $0x4  }
0x1d8: {  	v8 =	vxor.u32 $0x80000000, v13  }
0x1d9: {  	(xrf0) =	vmax.scan.msk.u32 $0xffff, v8;
	_ =	sdelay $0x5  }
0x1da: {  	v8, _, _ =	vpop (xrf0);
	s15 =	spop (v2sf)  }
0x1db: {  	v8 =	vxor.u32 $0x80000000, v8;
	s0 =	sxor.u32 $0x80000000, s15  }
0x1dc: {  	vm1 =	vgt.s32 v8, s0  }
0x1dd: {  	v8 =	vnsel vm1, s0, v8  }
0x1de: {  	v9 =	vxor.u32 $0x80000000, v8  }
0x1df: {  	(xrf0) =	vmax.scan.msk.u32 $0xffff, v9;
	_ =	sdelay $0x5  }
0x1e0: {  	v9, _, _ =	vpop (xrf0)  }
0x1e1: {  	(v2sf) =	vpush v9, $0xF;
	_ =	sdelay $0x2  }
0x1e2: {  	v14 =	vld [tilespmem:$0xB20];
	_ =	sdelay $0x4  }
0x1e3: {  	v9 =	vxor.u32 $0x80000000, v14  }
0x1e4: {  	(xrf0) =	vmax.scan.msk.u32 $0xffff, v9;
	_ =	sdelay $0x5  }
0x1e5: {  	v9, _, _ =	vpop (xrf0);
	s16 =	spop (v2sf)  }
0x1e6: {  	v9 =	vxor.u32 $0x80000000, v9;
	s0 =	sxor.u32 $0x80000000, s16  }
0x1e7: {  	vm1 =	vgt.s32 v9, s0  }
0x1e8: {  	v9 =	vnsel vm1, s0, v9  }
0x1e9: {  	v10 =	vxor.u32 $0x80000000, v9  }
0x1ea: {  	(xrf0) =	vmax.scan.msk.u32 $0xffff, v10;
	_ =	sdelay $0x5  }
0x1eb: {  	v10, _, _ =	vpop (xrf0)  }
0x1ec: {  	(v2sf) =	vpush v10, $0xF;
	_ =	sdelay $0x2  }
0x1ed: {  	v15 =	vld [tilespmem:$0xB30];
	_ =	sdelay $0x4  }
0x1ee: {  	v10 =	vxor.u32 $0x80000000, v15  }
0x1ef: {  	(xrf0) =	vmax.scan.msk.u32 $0xffff, v10;
	_ =	sdelay $0x5  }
0x1f0: {  	v10, _, _ =	vpop (xrf0);
	s17 =	spop (v2sf)  }
0x1f1: {  	v10 =	vxor.u32 $0x80000000, v10;
	s0 =	sxor.u32 $0x80000000, s17  }
0x1f2: {  	vm1 =	vgt.s32 v10, s0  }
0x1f3: {  	v10 =	vnsel vm1, s0, v10  }
0x1f4: {  	v11 =	vxor.u32 $0x80000000, v10  }
0x1f5: {  	(xrf0) =	vmax.scan.msk.u32 $0xffff, v11;
	_ =	sdelay $0x5  }
0x1f6: {  	v11, _, _ =	vpop (xrf0)  }
0x1f7: {  	(v2sf) =	vpush v11, $0xF;
	_ =	sdelay $0x2  }
0x1f8: {  	v16 =	vld [tilespmem:$0xB40];
	_ =	sdelay $0x4  }
0x1f9: {  	v11 =	vxor.u32 $0x80000000, v16  }
0x1fa: {  	(xrf0) =	vmax.scan.msk.u32 $0xffff, v11;
	_ =	sdelay $0x5  }
0x1fb: {  	v11, _, _ =	vpop (xrf0);
	s18 =	spop (v2sf)  }
0x1fc: {  	v11 =	vxor.u32 $0x80000000, v11;
	s0 =	sxor.u32 $0x80000000, s18  }
0x1fd: {  	vm1 =	vgt.s32 v11, s0  }
0x1fe: {  	v11 =	vnsel vm1, s0, v11  }
0x1ff: {  	v12 =	vxor.u32 $0x80000000, v11  }
0x200: {  	(xrf0) =	vmax.scan.msk.u32 $0xffff, v12;
	_ =	sdelay $0x5  }
0x201: {  	v12, _, _ =	vpop (xrf0)  }
0x202: {  	(v2sf) =	vpush v12, $0xF;
	_ =	sdelay $0x2  }
0x203: {  	v17 =	vld [tilespmem:$0xB50];
	_ =	sdelay $0x4  }
0x204: {  	v12 =	vxor.u32 $0x80000000, v17  }
0x205: {  	(xrf0) =	vmax.scan.msk.u32 $0xffff, v12;
	_ =	sdelay $0x5  }
0x206: {  	v12, _, _ =	vpop (xrf0);
	s19 =	spop (v2sf)  }
0x207: {  	v12 =	vxor.u32 $0x80000000, v12;
	s0 =	sxor.u32 $0x80000000, s19  }
0x208: {  	vm1 =	vgt.s32 v12, s0  }
0x209: {  	v12 =	vnsel vm1, s0, v12  }
0x20a: {  	v13 =	vxor.u32 $0x80000000, v12  }
0x20b: {  	(xrf0) =	vmax.scan.msk.u32 $0xffff, v13;
	_ =	sdelay $0x5  }
0x20c: {  	v13, _, _ =	vpop (xrf0)  }
0x20d: {  	(v2sf) =	vpush v13, $0xF;
	_ =	sdelay $0x2  }
0x20e: {  	v18 =	vld [tilespmem:$0xB60];
	_ =	sdelay $0x4  }
0x20f: {  	v13 =	vxor.u32 $0x80000000, v18  }
0x210: {  	(xrf0) =	vmax.scan.msk.u32 $0xffff, v13;
	_ =	sdelay $0x5  }
0x211: {  	v13, _, _ =	vpop (xrf0);
	s20 =	spop (v2sf)  }
0x212: {  	v13 =	vxor.u32 $0x80000000, v13;
	s0 =	sxor.u32 $0x80000000, s20  }
0x213: {  	vm1 =	vgt.s32 v13, s0  }
0x214: {  	v13 =	vnsel vm1, s0, v13  }
0x215: {  	v14 =	vxor.u32 $0x80000000, v13  }
0x216: {  	(xrf0) =	vmax.scan.msk.u32 $0xffff, v14;
	_ =	sdelay $0x5  }
0x217: {  	v14, _, _ =	vpop (xrf0)  }
0x218: {  	(v2sf) =	vpush v14, $0xF;
	_ =	sdelay $0x2  }
0x219: {  	v19 =	vld [tilespmem:$0xB70];
	_ =	sdelay $0x4  }
0x21a: {  	v14 =	vxor.u32 $0x80000000, v19  }
0x21b: {  	(xrf0) =	vmax.scan.msk.u32 $0xffff, v14;
	_ =	sdelay $0x5  }
0x21c: {  	v14, _, _ =	vpop (xrf0);
	s21 =	spop (v2sf)  }
0x21d: {  	v14 =	vxor.u32 $0x80000000, v14;
	s0 =	sxor.u32 $0x80000000, s21  }
0x21e: {  	vm1 =	vgt.s32 v14, s0  }
0x21f: {  	v14 =	vnsel vm1, s0, v14  }
0x220: {  	v15 =	vxor.u32 $0x80000000, v14  }
0x221: {  	(xrf0) =	vmax.scan.msk.u32 $0xffff, v15;
	_ =	sdelay $0x5  }
0x222: {  	v15, _, _ =	vpop (xrf0)  }
0x223: {  	(v2sf) =	vpush v15, $0xF;
	_ =	sdelay $0x2  }
0x224: {  	v20 =	vld [tilespmem:$0xB80];
	_ =	sdelay $0x4  }
0x225: {  	v15 =	vxor.u32 $0x80000000, v20  }
0x226: {  	(xrf0) =	vmax.scan.msk.u32 $0xffff, v15;
	_ =	sdelay $0x5  }
0x227: {  	v15, _, _ =	vpop (xrf0);
	s22 =	spop (v2sf)  }
0x228: {  	v15 =	vxor.u32 $0x80000000, v15;
	s0 =	sxor.u32 $0x80000000, s22  }
0x229: {  	vm1 =	vgt.s32 v15, s0  }
0x22a: {  	v15 =	vnsel vm1, s0, v15  }
0x22b: {  	v16 =	vxor.u32 $0x80000000, v15  }
0x22c: {  	(xrf0) =	vmax.scan.msk.u32 $0xffff, v16;
	_ =	sdelay $0x5  }
0x22d: {  	v16, _, _ =	vpop (xrf0)  }
0x22e: {  	(v2sf) =	vpush v16, $0xF;
	_ =	sdelay $0x2  }
0x22f: {  	v21 =	vld [tilespmem:$0xB90];
	_ =	sdelay $0x4  }
0x230: {  	v16 =	vxor.u32 $0x80000000, v21  }
0x231: {  	(xrf0) =	vmax.scan.msk.u32 $0xffff, v16;
	_ =	sdelay $0x5  }
0x232: {  	v16, _, _ =	vpop (xrf0);
	s23 =	spop (v2sf)  }
0x233: {  	v16 =	vxor.u32 $0x80000000, v16;
	s0 =	sxor.u32 $0x80000000, s23  }
0x234: {  	vm1 =	vgt.s32 v16, s0  }
0x235: {  	v16 =	vnsel vm1, s0, v16  }
0x236: {  	v17 =	vxor.u32 $0x80000000, v16  }
0x237: {  	(xrf0) =	vmax.scan.msk.u32 $0xffff, v17;
	_ =	sdelay $0x5  }
0x238: {  	v17, _, _ =	vpop (xrf0)  }
0x239: {  	(v2sf) =	vpush v17, $0xF;
	_ =	sdelay $0x2  }
0x23a: {  	v22 =	vld [tilespmem:$0xBA0];
	_ =	sdelay $0x4  }
0x23b: {  	v17 =	vxor.u32 $0x80000000, v22  }
0x23c: {  	(xrf0) =	vmax.scan.msk.u32 $0xffff, v17;
	_ =	sdelay $0x5  }
0x23d: {  	v17, _, _ =	vpop (xrf0);
	s24 =	spop (v2sf)  }
0x23e: {  	v17 =	vxor.u32 $0x80000000, v17;
	s0 =	sxor.u32 $0x80000000, s24  }
0x23f: {  	vm1 =	vgt.s32 v17, s0  }
0x240: {  	v17 =	vnsel vm1, s0, v17  }
0x241: {  	v18 =	vxor.u32 $0x80000000, v17  }
0x242: {  	(xrf0) =	vmax.scan.msk.u32 $0xffff, v18;
	_ =	sdelay $0x5  }
0x243: {  	v18, _, _ =	vpop (xrf0)  }
0x244: {  	(v2sf) =	vpush v18, $0xF;
	_ =	sdelay $0x2  }
0x245: {  	v23 =	vld [tilespmem:$0xBB0];
	_ =	sdelay $0x4  }
0x246: {  	v18 =	vxor.u32 $0x80000000, v23  }
0x247: {  	(xrf0) =	vmax.scan.msk.u32 $0xffff, v18;
	_ =	sdelay $0x5  }
0x248: {  	v18, _, _ =	vpop (xrf0);
	s25 =	spop (v2sf)  }
0x249: {  	v18 =	vxor.u32 $0x80000000, v18;
	s0 =	sxor.u32 $0x80000000, s25  }
0x24a: {  	vm1 =	vgt.s32 v18, s0  }
0x24b: {  	v18 =	vnsel vm1, s0, v18  }
0x24c: {  	v19 =	vxor.u32 $0x80000000, v18  }
0x24d: {  	(xrf0) =	vmax.scan.msk.u32 $0xffff, v19;
	_ =	sdelay $0x5  }
0x24e: {  	v19, _, _ =	vpop (xrf0)  }
0x24f: {  	(v2sf) =	vpush v19, $0xF;
	_ =	sdelay $0x2  }
0x250: {  	v24 =	vld [tilespmem:$0xBC0];
	_ =	sdelay $0x4  }
0x251: {  	v19 =	vxor.u32 $0x80000000, v24  }
0x252: {  	(xrf0) =	vmax.scan.msk.u32 $0xffff, v19;
	_ =	sdelay $0x5  }
0x253: {  	v19, _, _ =	vpop (xrf0);
	s26 =	spop (v2sf)  }
0x254: {  	v19 =	vxor.u32 $0x80000000, v19;
	s0 =	sxor.u32 $0x80000000, s26  }
0x255: {  	vm1 =	vgt.s32 v19, s0  }
0x256: {  	v19 =	vnsel vm1, s0, v19  }
0x257: {  	v20 =	vxor.u32 $0x80000000, v19  }
0x258: {  	(xrf0) =	vmax.scan.msk.u32 $0xffff, v20;
	_ =	sdelay $0x5  }
0x259: {  	v20, _, _ =	vpop (xrf0)  }
0x25a: {  	(v2sf) =	vpush v20, $0xF;
	_ =	sdelay $0x2  }
0x25b: {  	v25 =	vld [tilespmem:$0xBD0];
	_ =	sdelay $0x4  }
0x25c: {  	v20 =	vxor.u32 $0x80000000, v25  }
0x25d: {  	(xrf0) =	vmax.scan.msk.u32 $0xffff, v20;
	_ =	sdelay $0x5  }
0x25e: {  	v20, _, _ =	vpop (xrf0);
	s28 =	spop (v2sf)  }
0x25f: {  	v20 =	vxor.u32 $0x80000000, v20;
	s0 =	sxor.u32 $0x80000000, s28  }
0x260: {  	vm1 =	vgt.s32 v20, s0  }
0x261: {  	v20 =	vnsel vm1, s0, v20  }
0x262: {  	v21 =	vxor.u32 $0x80000000, v20  }
0x263: {  	(xrf0) =	vmax.scan.msk.u32 $0xffff, v21;
	_ =	sdelay $0x5  }
0x264: {  	v21, _, _ =	vpop (xrf0)  }
0x265: {  	(v2sf) =	vpush v21, $0xF;
	_ =	sdelay $0x2  }
0x266: {  	v26 =	vld [tilespmem:$0xBE0];
	_ =	sdelay $0x4  }
0x267: {  	v21 =	vxor.u32 $0x80000000, v26  }
0x268: {  	(xrf0) =	vmax.scan.msk.u32 $0xffff, v21;
	_ =	sdelay $0x5  }
0x269: {  	v21, _, _ =	vpop (xrf0);
	s29 =	spop (v2sf)  }
0x26a: {  	v21 =	vxor.u32 $0x80000000, v21;
	s0 =	sxor.u32 $0x80000000, s29  }
0x26b: {  	vm1 =	vgt.s32 v21, s0  }
0x26c: {  	v21 =	vnsel vm1, s0, v21  }
0x26d: {  	v22 =	vxor.u32 $0x80000000, v21  }
0x26e: {  	(xrf0) =	vmax.scan.msk.u32 $0xffff, v22;
	_ =	sdelay $0x5  }
0x26f: {  	v22, _, _ =	vpop (xrf0)  }
0x270: {  	(v2sf) =	vpush v22, $0xF;
	_ =	sdelay $0x2  }
0x271: {  	v27 =	vld [tilespmem:$0xBF0];
	_ =	sdelay $0x4  }
0x272: {  	v22 =	vxor.u32 $0x80000000, v27  }
0x273: {  	(xrf0) =	vmax.scan.msk.u32 $0xffff, v22;
	_ =	sdelay $0x5  }
0x274: {  	v22, _, _ =	vpop (xrf0);
	s30 =	spop (v2sf)  }
0x275: {  	v22 =	vxor.u32 $0x80000000, v22;
	s0 =	sxor.u32 $0x80000000, s30  }
0x276: {  	vm1 =	vgt.s32 v22, s0  }
0x277: {  	v22 =	vnsel vm1, s0, v22  }
0x278: {  	v23 =	vxor.u32 $0x80000000, v22  }
0x279: {  	(xrf0) =	vmax.scan.msk.u32 $0xffff, v23;
	_ =	sdelay $0x5  }
0x27a: {  	v23, _, _ =	vpop (xrf0)  }
0x27b: {  	(v2sf) =	vpush v23, $0xF;
	_ =	sdelay $0x2  }
0x27c: {  	v28 =	vld [tilespmem:$0xC00];
	_ =	sdelay $0x4  }
0x27d: {  	v23 =	vxor.u32 $0x80000000, v28  }
0x27e: {  	(xrf0) =	vmax.scan.msk.u32 $0xffff, v23;
	_ =	sdelay $0x5  }
0x27f: {  	v23, _, _ =	vpop (xrf0);
	s31 =	spop (v2sf)  }
0x280: {  	v23 =	vxor.u32 $0x80000000, v23;
	s0 =	sxor.u32 $0x80000000, s31  }
0x281: {  	vm1 =	vgt.s32 v23, s0  }
0x282: {  	v23 =	vnsel vm1, s0, v23  }
0x283: {  	v24 =	vxor.u32 $0x80000000, v23  }
0x284: {  	(xrf0) =	vmax.scan.msk.u32 $0xffff, v24;
	_ =	sdelay $0x5  }
0x285: {  	v24, _, _ =	vpop (xrf0)  }
0x286: {  	(v2sf) =	vpush v24, $0xF;
	_ =	sdelay $0x2  }
0x287: {  	v29 =	vld [tilespmem:$0xC10];
	_ =	sdelay $0x4  }
0x288: {  	v24 =	vxor.u32 $0x80000000, v29  }
0x289: {  	(xrf0) =	vmax.scan.msk.u32 $0xffff, v24;
	_ =	sdelay $0x5  }
0x28a: {  	v24, _, _ =	vpop (xrf0);
	s3 =	spop (v2sf)  }
0x28b: {  	v24 =	vxor.u32 $0x80000000, v24;
	s0 =	sxor.u32 $0x80000000, s3  }
0x28c: {  	vm1 =	vgt.s32 v24, s0  }
0x28d: {  	v24 =	vnsel vm1, s0, v24  }
0x28e: {  	v25 =	vxor.u32 $0x80000000, v24  }
0x28f: {  	(xrf0) =	vmax.scan.msk.u32 $0xffff, v25;
	_ =	sdelay $0x5  }
0x290: {  	v25, _, _ =	vpop (xrf0)  }
0x291: {  	(v2sf) =	vpush v25, $0xF;
	_ =	sdelay $0x2  }
0x292: {  	v30 =	vld [tilespmem:$0xC20];
	_ =	sdelay $0x4  }
0x293: {  	v25 =	vxor.u32 $0x80000000, v30  }
0x294: {  	(xrf0) =	vmax.scan.msk.u32 $0xffff, v25;
	_ =	sdelay $0x5  }
0x295: {  	v25, _, _ =	vpop (xrf0);
	s5 =	spop (v2sf)  }
0x296: {  	v25 =	vxor.u32 $0x80000000, v25;
	s0 =	sxor.u32 $0x80000000, s5  }
0x297: {  	vm1 =	vgt.s32 v25, s0  }
0x298: {  	v25 =	vnsel vm1, s0, v25  }
0x299: {  	v26 =	vxor.u32 $0x80000000, v25  }
0x29a: {  	(xrf0) =	vmax.scan.msk.u32 $0xffff, v26;
	_ =	sdelay $0x5  }
0x29b: {  	v26, _, _ =	vpop (xrf0)  }
0x29c: {  	(v2sf) =	vpush v26, $0xF;
	_ =	sdelay $0x2  }
0x29d: {  	v31 =	vld [tilespmem:$0xC30];
	_ =	sdelay $0x4  }
0x29e: {  	v26 =	vxor.u32 $0x80000000, v31  }
0x29f: {  	(xrf0) =	vmax.scan.msk.u32 $0xffff, v26;
	_ =	sdelay $0x5  }
0x2a0: {  	v26, _, _ =	vpop (xrf0);
	s6 =	spop (v2sf)  }
0x2a1: {  	v26 =	vxor.u32 $0x80000000, v26;
	s0 =	sxor.u32 $0x80000000, s6  }
0x2a2: {  	vm1 =	vgt.s32 v26, s0  }
0x2a3: {  	v26 =	vnsel vm1, s0, v26  }
0x2a4: {  	v27 =	vxor.u32 $0x80000000, v26  }
0x2a5: {  	(xrf0) =	vmax.scan.msk.u32 $0xffff, v27;
	_ =	sdelay $0x5  }
0x2a6: {  	v27, _, _ =	vpop (xrf0)  }
0x2a7: {  	(v2sf) =	vpush v27, $0xF;
	_ =	sdelay $0x2  }
0x2a8: {  	v32 =	vld [tilespmem:$0xC40];
	_ =	sdelay $0x4  }
0x2a9: {  	v27 =	vxor.u32 $0x80000000, v32  }
0x2aa: {  	(xrf0) =	vmax.scan.msk.u32 $0xffff, v27;
	_ =	sdelay $0x5  }
0x2ab: {  	v27, _, _ =	vpop (xrf0);
	s13 =	spop (v2sf)  }
0x2ac: {  	v27 =	vxor.u32 $0x80000000, v27;
	s0 =	sxor.u32 $0x80000000, s13  }
0x2ad: {  	vm1 =	vgt.s32 v27, s0  }
0x2ae: {  	v27 =	vnsel vm1, s0, v27  }
0x2af: {  	v28 =	vxor.u32 $0x80000000, v27  }
0x2b0: {  	(xrf0) =	vmax.scan.msk.u32 $0xffff, v28;
	_ =	sdelay $0x5  }
0x2b1: {  	v28, _, _ =	vpop (xrf0)  }
0x2b2: {  	(v2sf) =	vpush v28, $0xF;
	_ =	sdelay $0x2  }
0x2b3: {  	v33 =	vld [tilespmem:$0xC50];
	_ =	sdelay $0x4  }
0x2b4: {  	v28 =	vxor.u32 $0x80000000, v33  }
0x2b5: {  	(xrf0) =	vmax.scan.msk.u32 $0xffff, v28;
	_ =	sdelay $0x5  }
0x2b6: {  	v28, _, _ =	vpop (xrf0);
	s15 =	spop (v2sf)  }
0x2b7: {  	v28 =	vxor.u32 $0x80000000, v28;
	s0 =	sxor.u32 $0x80000000, s15  }
0x2b8: {  	vm1 =	vgt.s32 v28, s0  }
0x2b9: {  	v28 =	vnsel vm1, s0, v28  }
0x2ba: {  	v29 =	vxor.u32 $0x80000000, v28  }
0x2bb: {  	(xrf0) =	vmax.scan.msk.u32 $0xffff, v29;
	_ =	sdelay $0x5  }
0x2bc: {  	v29, _, _ =	vpop (xrf0)  }
0x2bd: {  	(v2sf) =	vpush v29, $0xF;
	_ =	sdelay $0x2  }
0x2be: {  	v34 =	vld [tilespmem:$0xC60];
	_ =	sdelay $0x4  }
0x2bf: {  	v29 =	vxor.u32 $0x80000000, v34  }
0x2c0: {  	(xrf0) =	vmax.scan.msk.u32 $0xffff, v29;
	_ =	sdelay $0x5  }
0x2c1: {  	v29, _, _ =	vpop (xrf0);
	s16 =	spop (v2sf)  }
0x2c2: {  	v29 =	vxor.u32 $0x80000000, v29;
	s0 =	sxor.u32 $0x80000000, s16  }
0x2c3: {  	vm1 =	vgt.s32 v29, s0  }
0x2c4: {  	v29 =	vnsel vm1, s0, v29  }
0x2c5: {  	v30 =	vxor.u32 $0x80000000, v29  }
0x2c6: {  	(xrf0) =	vmax.scan.msk.u32 $0xffff, v30;
	_ =	sdelay $0x5  }
0x2c7: {  	v30, _, _ =	vpop (xrf0)  }
0x2c8: {  	(v2sf) =	vpush v30, $0xF;
	_ =	sdelay $0x2  }
0x2c9: {  	v35 =	vld [tilespmem:$0xC70];
	_ =	sdelay $0x4  }
0x2ca: {  	v30 =	vxor.u32 $0x80000000, v35  }
0x2cb: {  	(xrf0) =	vmax.scan.msk.u32 $0xffff, v30;
	_ =	sdelay $0x5  }
0x2cc: {  	v30, _, _ =	vpop (xrf0);
	s17 =	spop (v2sf)  }
0x2cd: {  	v30 =	vxor.u32 $0x80000000, v30;
	s0 =	sxor.u32 $0x80000000, s17  }
0x2ce: {  	vm1 =	vgt.s32 v30, s0  }
0x2cf: {  	v30 =	vnsel vm1, s0, v30  }
0x2d0: {  	v31 =	vxor.u32 $0x80000000, v30  }
0x2d1: {  	(xrf0) =	vmax.scan.msk.u32 $0xffff, v31;
	_ =	sdelay $0x5  }
0x2d2: {  	[tilespmem:$0xF70] =	vst v6;
	v6, _, _ =	vpop (xrf0)  }
0x2d3: {  	(v2sf) =	vpush v6, $0xF;
	_ =	sdelay $0x2  }
0x2d4: {  	v6 =	vld [tilespmem:$0xC80];
	_ =	sdelay $0x4  }
0x2d5: {  	v6 =	vxor.u32 $0x80000000, v6  }
0x2d6: {  	(xrf0) =	vmax.scan.msk.u32 $0xffff, v6;
	_ =	sdelay $0x5  }
0x2d7: {  	v6, _, _ =	vpop (xrf0);
	s18 =	spop (v2sf)  }
0x2d8: {  	v6 =	vxor.u32 $0x80000000, v6;
	s0 =	sxor.u32 $0x80000000, s18  }
0x2d9: {  	vm1 =	vgt.s32 v6, s0  }
0x2da: {  	v6 =	vnsel vm1, s0, v6  }
0x2db: {  	[tilespmem:$0xF80] =	vst v7;
	v7 =	vxor.u32 $0x80000000, v6  }
0x2dc: {  	(xrf0) =	vmax.scan.msk.u32 $0xffff, v7;
	_ =	sdelay $0x5  }
0x2dd: {  	[tilespmem:$0x1100] =	vst v6;
	v6, _, _ =	vpop (xrf0)  }
0x2de: {  	(v2sf) =	vpush v6, $0xF;
	_ =	sdelay $0x2  }
0x2df: {  	v6 =	vld [tilespmem:$0xC90];
	_ =	sdelay $0x4  }
0x2e0: {  	v6 =	vxor.u32 $0x80000000, v6  }
0x2e1: {  	(xrf0) =	vmax.scan.msk.u32 $0xffff, v6;
	_ =	sdelay $0x5  }
0x2e2: {  	v6, _, _ =	vpop (xrf0);
	s19 =	spop (v2sf)  }
0x2e3: {  	v6 =	vxor.u32 $0x80000000, v6;
	s0 =	sxor.u32 $0x80000000, s19  }
0x2e4: {  	vm1 =	vgt.s32 v6, s0  }
0x2e5: {  	v6 =	vnsel vm1, s0, v6  }
0x2e6: {  	v7 =	vxor.u32 $0x80000000, v6  }
0x2e7: {  	(xrf0) =	vmax.scan.msk.u32 $0xffff, v7;
	_ =	sdelay $0x5  }
0x2e8: {  	v7, _, _ =	vpop (xrf0)  }
0x2e9: {  	(v2sf) =	vpush v7, $0xF;
	_ =	sdelay $0x2  }
0x2ea: {  	v7 =	vld [tilespmem:$0xCA0];
	_ =	sdelay $0x4  }
0x2eb: {  	v7 =	vxor.u32 $0x80000000, v7  }
0x2ec: {  	(xrf0) =	vmax.scan.msk.u32 $0xffff, v7;
	_ =	sdelay $0x5  }
0x2ed: {  	v7, _, _ =	vpop (xrf0);
	s20 =	spop (v2sf)  }
0x2ee: {  	v7 =	vxor.u32 $0x80000000, v7;
	s0 =	sxor.u32 $0x80000000, s20  }
0x2ef: {  	vm1 =	vgt.s32 v7, s0  }
0x2f0: {  	v7 =	vnsel vm1, s0, v7  }
0x2f1: {  	v31 =	vxor.u32 $0x80000000, v7  }
0x2f2: {  	(xrf0) =	vmax.scan.msk.u32 $0xffff, v31;
	_ =	sdelay $0x5  }
0x2f3: {  	[tilespmem:$0xF90] =	vst v8;
	v8, _, _ =	vpop (xrf0)  }
0x2f4: {  	(v2sf) =	vpush v8, $0xF;
	_ =	sdelay $0x2  }
0x2f5: {  	v32 =	vld [tilespmem:$0xCB0];
	_ =	sdelay $0x4  }
0x2f6: {  	v8 =	vxor.u32 $0x80000000, v32  }
0x2f7: {  	(xrf0) =	vmax.scan.msk.u32 $0xffff, v8;
	_ =	sdelay $0x2  }
0x2f8: {  	[tilespmem:$0xE00] =	vst v41  }
0x2f9: {  	[tilespmem:$0xE10] =	vst v42  }
0x2fa: {  	[tilespmem:$0xE20] =	vst v43  }
0x2fb: {  	[tilespmem:$0xE30] =	vst v44;
	v8, _, _ =	vpop (xrf0);
	s21 =	spop (v2sf)  }
0x2fc: {  	[tilespmem:$0xE40] =	vst v45;
	v8 =	vxor.u32 $0x80000000, v8;
	s0 =	sxor.u32 $0x80000000, s21  }
0x2fd: {  	[tilespmem:$0xE50] =	vst v46;
	vm1 =	vgt.s32 v8, s0  }
0x2fe: {  	[tilespmem:$0xE60] =	vst v47;
	v8 =	vnsel vm1, s0, v8  }
0x2ff: {  	[tilespmem:$0xE70] =	vst v48;
	v33 =	vxor.u32 $0x80000000, v8  }
0x300: {  	[tilespmem:$0xE80] =	vst v49;
	(xrf0) =	vmax.scan.msk.u32 $0xffff, v33  }
0x301: {  	[tilespmem:$0xE90] =	vst v50  }
0x302: {  	[tilespmem:$0xEA0] =	vst v51  }
0x303: {  	[tilespmem:$0xEB0] =	vst v52  }
0x304: {  	[tilespmem:$0xEC0] =	vst v53  }
0x305: {  	[tilespmem:$0xED0] =	vst v54  }
0x306: {  	[tilespmem:$0xFA0] =	vst v9;
	v9, _, _ =	vpop (xrf0)  }
0x307: {  	[tilespmem:$0xEE0] =	vst v55;
	(v2sf) =	vpush v9, $0xF  }
0x308: {  	[tilespmem:$0xEF0] =	vst v56  }
0x309: {  	[tilespmem:$0xF00] =	vst v57  }
0x30a: {  	[tilespmem:$0xF10] =	vst v58;
	v34 =	vld [tilespmem:$0xCC0]  }
0x30b: {  	[tilespmem:$0xF20] =	vst v59  }
0x30c: {  	[tilespmem:$0xF30] =	vst v60  }
0x30d: {  	[tilespmem:$0xF40] =	vst v61  }
0x30e: {  	[tilespmem:$0xF50] =	vst v62  }
0x30f: {  	[tilespmem:$0xF60] =	vst v63;
	v9 =	vxor.u32 $0x80000000, v34  }
0x310: {  	[tilespmem:$0xFB0] =	vst v10;
	(xrf0) =	vmax.scan.msk.u32 $0xffff, v9  }
0x311: {  	[tilespmem:$0xFC0] =	vst v11  }
0x312: {  	[tilespmem:$0xFD0] =	vst v12  }
0x313: {  	[tilespmem:$0xFE0] =	vst v13  }
0x314: {  	[tilespmem:$0xFF0] =	vst v14  }
0x315: {  	[tilespmem:$0x1000] =	vst v15  }
0x316: {  	[tilespmem:$0x1010] =	vst v16;
	v9, _, _ =	vpop (xrf0);
	s22 =	spop (v2sf)  }
0x317: {  	[tilespmem:$0x1020] =	vst v17;
	v9 =	vxor.u32 $0x80000000, v9;
	s0 =	sxor.u32 $0x80000000, s22  }
0x318: {  	[tilespmem:$0x1030] =	vst v18;
	vm1 =	vgt.s32 v9, s0  }
0x319: {  	[tilespmem:$0x1040] =	vst v19;
	v9 =	vnsel vm1, s0, v9  }
0x31a: {  	[tilespmem:$0x1050] =	vst v20;
	v35 =	vxor.u32 $0x80000000, v9  }
0x31b: {  	[tilespmem:$0x1060] =	vst v21;
	(xrf0) =	vmax.scan.msk.u32 $0xffff, v35  }
0x31c: {  	[tilespmem:$0x1070] =	vst v22  }
0x31d: {  	[tilespmem:$0x1080] =	vst v23  }
0x31e: {  	[tilespmem:$0x1090] =	vst v24  }
0x31f: {  	[tilespmem:$0x10A0] =	vst v25  }
0x320: {  	[tilespmem:$0x10B0] =	vst v26  }
0x321: {  	[tilespmem:$0x10C0] =	vst v27;
	v10, _, _ =	vpop (xrf0)  }
0x322: {  	[tilespmem:$0x10D0] =	vst v28;
	(v2sf) =	vpush v10, $0xF  }
0x323: {  	[tilespmem:$0x10E0] =	vst v29  }
0x324: {  	[tilespmem:$0x10F0] =	vst v30  }
0x325: {  	v10 =	vld [tilespmem:$0xCD0];
	_ =	sdelay $0x4  }
0x326: {  	v10 =	vxor.u32 $0x80000000, v10  }
0x327: {  	(xrf0) =	vmax.scan.msk.u32 $0xffff, v10;
	_ =	sdelay $0x5  }
0x328: {  	v10, _, _ =	vpop (xrf0);
	s23 =	spop (v2sf)  }
0x329: {  	v10 =	vxor.u32 $0x80000000, v10;
	s0 =	sxor.u32 $0x80000000, s23  }
0x32a: {  	vm1 =	vgt.s32 v10, s0  }
0x32b: {  	v10 =	vnsel vm1, s0, v10  }
0x32c: {  	v42 =	vxor.u32 $0x80000000, v10  }
0x32d: {  	(xrf0) =	vmax.scan.msk.u32 $0xffff, v42;
	_ =	sdelay $0x5  }
0x32e: {  	v11, _, _ =	vpop (xrf0)  }
0x32f: {  	(v2sf) =	vpush v11, $0xF;
	_ =	sdelay $0x2  }
0x330: {  	v43 =	vld [tilespmem:$0xCE0];
	_ =	sdelay $0x4  }
0x331: {  	v11 =	vxor.u32 $0x80000000, v43  }
0x332: {  	(xrf0) =	vmax.scan.msk.u32 $0xffff, v11;
	_ =	sdelay $0x5  }
0x333: {  	v11, _, _ =	vpop (xrf0);
	s24 =	spop (v2sf)  }
0x334: {  	v11 =	vxor.u32 $0x80000000, v11;
	s0 =	sxor.u32 $0x80000000, s24  }
0x335: {  	vm1 =	vgt.s32 v11, s0  }
0x336: {  	v11 =	vnsel vm1, s0, v11  }
0x337: {  	v44 =	vxor.u32 $0x80000000, v11  }
0x338: {  	(xrf0) =	vmax.scan.msk.u32 $0xffff, v44;
	_ =	sdelay $0x5  }
0x339: {  	v12, _, _ =	vpop (xrf0)  }
0x33a: {  	(v2sf) =	vpush v12, $0xF;
	_ =	sdelay $0x2  }
0x33b: {  	v45 =	vld [tilespmem:$0xCF0];
	_ =	sdelay $0x4  }
0x33c: {  	v12 =	vxor.u32 $0x80000000, v45  }
0x33d: {  	(xrf0) =	vmax.scan.msk.u32 $0xffff, v12;
	_ =	sdelay $0x5  }
0x33e: {  	v12, _, _ =	vpop (xrf0);
	s25 =	spop (v2sf)  }
0x33f: {  	v12 =	vxor.u32 $0x80000000, v12;
	s0 =	sxor.u32 $0x80000000, s25  }
0x340: {  	vm1 =	vgt.s32 v12, s0  }
0x341: {  	v12 =	vnsel vm1, s0, v12  }
0x342: {  	v46 =	vxor.u32 $0x80000000, v12  }
0x343: {  	(xrf0) =	vmax.scan.msk.u32 $0xffff, v46;
	_ =	sdelay $0x5  }
0x344: {  	v13, _, _ =	vpop (xrf0)  }
0x345: {  	(v2sf) =	vpush v13, $0xF;
	_ =	sdelay $0x2  }
0x346: {  	v47 =	vld [tilespmem:$0xD00];
	_ =	sdelay $0x4  }
0x347: {  	v13 =	vxor.u32 $0x80000000, v47  }
0x348: {  	(xrf0) =	vmax.scan.msk.u32 $0xffff, v13;
	_ =	sdelay $0x5  }
0x349: {  	v13, _, _ =	vpop (xrf0);
	s26 =	spop (v2sf)  }
0x34a: {  	v13 =	vxor.u32 $0x80000000, v13;
	s0 =	sxor.u32 $0x80000000, s26  }
0x34b: {  	vm1 =	vgt.s32 v13, s0  }
0x34c: {  	v13 =	vnsel vm1, s0, v13  }
0x34d: {  	v48 =	vxor.u32 $0x80000000, v13  }
0x34e: {  	(xrf0) =	vmax.scan.msk.u32 $0xffff, v48;
	_ =	sdelay $0x5  }
0x34f: {  	v14, _, _ =	vpop (xrf0)  }
0x350: {  	(v2sf) =	vpush v14, $0xF;
	_ =	sdelay $0x2  }
0x351: {  	v49 =	vld [tilespmem:$0xD10];
	_ =	sdelay $0x4  }
0x352: {  	v14 =	vxor.u32 $0x80000000, v49  }
0x353: {  	(xrf0) =	vmax.scan.msk.u32 $0xffff, v14;
	_ =	sdelay $0x5  }
0x354: {  	v14, _, _ =	vpop (xrf0);
	s28 =	spop (v2sf)  }
0x355: {  	v14 =	vxor.u32 $0x80000000, v14;
	s0 =	sxor.u32 $0x80000000, s28  }
0x356: {  	vm1 =	vgt.s32 v14, s0  }
0x357: {  	v14 =	vnsel vm1, s0, v14  }
0x358: {  	v50 =	vxor.u32 $0x80000000, v14  }
0x359: {  	(xrf0) =	vmax.scan.msk.u32 $0xffff, v50;
	_ =	sdelay $0x5  }
0x35a: {  	v15, _, _ =	vpop (xrf0)  }
0x35b: {  	(v2sf) =	vpush v15, $0xF;
	_ =	sdelay $0x2  }
0x35c: {  	v51 =	vld [tilespmem:$0xD20];
	_ =	sdelay $0x4  }
0x35d: {  	v15 =	vxor.u32 $0x80000000, v51  }
0x35e: {  	(xrf0) =	vmax.scan.msk.u32 $0xffff, v15;
	_ =	sdelay $0x5  }
0x35f: {  	v15, _, _ =	vpop (xrf0);
	s29 =	spop (v2sf)  }
0x360: {  	v15 =	vxor.u32 $0x80000000, v15;
	s0 =	sxor.u32 $0x80000000, s29  }
0x361: {  	vm1 =	vgt.s32 v15, s0  }
0x362: {  	v15 =	vnsel vm1, s0, v15  }
0x363: {  	v52 =	vxor.u32 $0x80000000, v15  }
0x364: {  	(xrf0) =	vmax.scan.msk.u32 $0xffff, v52;
	_ =	sdelay $0x5  }
0x365: {  	v16, _, _ =	vpop (xrf0)  }
0x366: {  	(v2sf) =	vpush v16, $0xF;
	_ =	sdelay $0x2  }
0x367: {  	v53 =	vld [tilespmem:$0xD30];
	_ =	sdelay $0x4  }
0x368: {  	v16 =	vxor.u32 $0x80000000, v53  }
0x369: {  	(xrf0) =	vmax.scan.msk.u32 $0xffff, v16;
	_ =	sdelay $0x5  }
0x36a: {  	v16, _, _ =	vpop (xrf0);
	s30 =	spop (v2sf)  }
0x36b: {  	v16 =	vxor.u32 $0x80000000, v16;
	s0 =	sxor.u32 $0x80000000, s30  }
0x36c: {  	vm1 =	vgt.s32 v16, s0  }
0x36d: {  	v16 =	vnsel vm1, s0, v16  }
0x36e: {  	v54 =	vxor.u32 $0x80000000, v16  }
0x36f: {  	(xrf0) =	vmax.scan.msk.u32 $0xffff, v54;
	_ =	sdelay $0x5  }
0x370: {  	v17, _, _ =	vpop (xrf0)  }
0x371: {  	(v2sf) =	vpush v17, $0xF;
	_ =	sdelay $0x2  }
0x372: {  	v55 =	vld [tilespmem:$0xD40];
	_ =	sdelay $0x4  }
0x373: {  	v17 =	vxor.u32 $0x80000000, v55  }
0x374: {  	(xrf0) =	vmax.scan.msk.u32 $0xffff, v17;
	_ =	sdelay $0x5  }
0x375: {  	v17, _, _ =	vpop (xrf0);
	s31 =	spop (v2sf)  }
0x376: {  	v17 =	vxor.u32 $0x80000000, v17;
	s0 =	sxor.u32 $0x80000000, s31  }
0x377: {  	vm1 =	vgt.s32 v17, s0  }
0x378: {  	v17 =	vnsel vm1, s0, v17  }
0x379: {  	v56 =	vxor.u32 $0x80000000, v17  }
0x37a: {  	(xrf0) =	vmax.scan.msk.u32 $0xffff, v56;
	_ =	sdelay $0x5  }
0x37b: {  	v18, _, _ =	vpop (xrf0)  }
0x37c: {  	(v2sf) =	vpush v18, $0xF;
	_ =	sdelay $0x2  }
0x37d: {  	v57 =	vld [tilespmem:$0xD50];
	_ =	sdelay $0x4  }
0x37e: {  	v18 =	vxor.u32 $0x80000000, v57  }
0x37f: {  	(xrf0) =	vmax.scan.msk.u32 $0xffff, v18;
	_ =	sdelay $0x5  }
0x380: {  	v18, _, _ =	vpop (xrf0);
	s3 =	spop (v2sf)  }
0x381: {  	v18 =	vxor.u32 $0x80000000, v18;
	s0 =	sxor.u32 $0x80000000, s3  }
0x382: {  	vm1 =	vgt.s32 v18, s0  }
0x383: {  	v18 =	vnsel vm1, s0, v18  }
0x384: {  	v58 =	vxor.u32 $0x80000000, v18  }
0x385: {  	(xrf0) =	vmax.scan.msk.u32 $0xffff, v58;
	_ =	sdelay $0x5  }
0x386: {  	v19, _, _ =	vpop (xrf0)  }
0x387: {  	(v2sf) =	vpush v19, $0xF;
	_ =	sdelay $0x2  }
0x388: {  	v59 =	vld [tilespmem:$0xD60];
	_ =	sdelay $0x4  }
0x389: {  	v19 =	vxor.u32 $0x80000000, v59  }
0x38a: {  	(xrf0) =	vmax.scan.msk.u32 $0xffff, v19;
	_ =	sdelay $0x5  }
0x38b: {  	v19, _, _ =	vpop (xrf0);
	s5 =	spop (v2sf)  }
0x38c: {  	v19 =	vxor.u32 $0x80000000, v19;
	s0 =	sxor.u32 $0x80000000, s5  }
0x38d: {  	vm1 =	vgt.s32 v19, s0  }
0x38e: {  	v19 =	vnsel vm1, s0, v19  }
0x38f: {  	v60 =	vxor.u32 $0x80000000, v19  }
0x390: {  	(xrf0) =	vmax.scan.msk.u32 $0xffff, v60;
	_ =	sdelay $0x5  }
0x391: {  	v20, _, _ =	vpop (xrf0)  }
0x392: {  	(v2sf) =	vpush v20, $0xF;
	_ =	sdelay $0x2  }
0x393: {  	v61 =	vld [tilespmem:$0xD70];
	_ =	sdelay $0x4  }
0x394: {  	v20 =	vxor.u32 $0x80000000, v61  }
0x395: {  	(xrf0) =	vmax.scan.msk.u32 $0xffff, v20;
	_ =	sdelay $0x5  }
0x396: {  	v20, _, _ =	vpop (xrf0);
	s6 =	spop (v2sf)  }
0x397: {  	v20 =	vxor.u32 $0x80000000, v20;
	s0 =	sxor.u32 $0x80000000, s6  }
0x398: {  	vm1 =	vgt.s32 v20, s0  }
0x399: {  	v20 =	vnsel vm1, s0, v20  }
0x39a: {  	v62 =	vxor.u32 $0x80000000, v20  }
0x39b: {  	(xrf0) =	vmax.scan.msk.u32 $0xffff, v62;
	_ =	sdelay $0x5  }
0x39c: {  	v21, _, _ =	vpop (xrf0)  }
0x39d: {  	(v2sf) =	vpush v21, $0xF;
	_ =	sdelay $0x2  }
0x39e: {  	v63 =	vld [tilespmem:$0xD80];
	_ =	sdelay $0x4  }
0x39f: {  	v21 =	vxor.u32 $0x80000000, v63  }
0x3a0: {  	(xrf0) =	vmax.scan.msk.u32 $0xffff, v21;
	_ =	sdelay $0x5  }
0x3a1: {  	v21, _, _ =	vpop (xrf0);
	s13 =	spop (v2sf)  }
0x3a2: {  	v21 =	vxor.u32 $0x80000000, v21;
	s0 =	sxor.u32 $0x80000000, s13  }
0x3a3: {  	vm1 =	vgt.s32 v21, s0  }
0x3a4: {  	v21 =	vnsel vm1, s0, v21  }
0x3a5: {  	v24 =	vxor.u32 $0x80000000, v21  }
0x3a6: {  	(xrf0) =	vmax.scan.msk.u32 $0xffff, v24;
	_ =	sdelay $0x5  }
0x3a7: {  	v22, _, _ =	vpop (xrf0)  }
0x3a8: {  	(v2sf) =	vpush v22, $0xF;
	_ =	sdelay $0x2  }
0x3a9: {  	[tilespmem:$0x1110] =	vst v6;
	v6 =	vld [tilespmem:$0xD90];
	_ =	sdelay $0x4  }
0x3aa: {  	v6 =	vxor.u32 $0x80000000, v6  }
0x3ab: {  	(xrf0) =	vmax.scan.msk.u32 $0xffff, v6;
	_ =	sdelay $0x1  }
0x3ac: {  	[tilespmem:$0x1120] =	vst v7  }
0x3ad: {  	[tilespmem:$0x1130] =	vst v8  }
0x3ae: {  	[tilespmem:$0x1140] =	vst v9  }
0x3af: {  	[tilespmem:$0x1150] =	vst v10  }
0x3b0: {  	[tilespmem:$0x1160] =	vst v11;
	v6, _, _ =	vpop (xrf0);
	s15 =	spop (v2sf)  }
0x3b1: {  	[tilespmem:$0x1170] =	vst v12;
	v6 =	vxor.u32 $0x80000000, v6;
	s0 =	sxor.u32 $0x80000000, s15  }
0x3b2: {  	[tilespmem:$0x1180] =	vst v13;
	vm1 =	vgt.s32 v6, s0  }
0x3b3: {  	[tilespmem:$0x1190] =	vst v14;
	v6 =	vnsel vm1, s0, v6  }
0x3b4: {  	[tilespmem:$0x1210] =	vst v6;
	v6 =	vld [tilespmem:$0x1FE20]  }
0x3b5: {  	[tilespmem:$0x11A0] =	vst v15  }
0x3b6: {  	[tilespmem:$0x11B0] =	vst v16  }
0x3b7: {  	[tilespmem:$0x11C0] =	vst v17  }
0x3b8: {  	[tilespmem:$0x11D0] =	vst v18  }
0x3b9: {  	[tilespmem:$0x11E0] =	vst v19  }
0x3ba: {  	[tilespmem:$0x11F0] =	vst v20  }
0x3bb: {  	v25 =	vld [tilespmem:$0x1FE30];
	s3 =	simm.s32 $0xE00;
	[tilespmem:$0x1200] =	vst v21  }
0x3bc: {  	v6 =	vld.idx.msk [tilespmem:v6+s3+$0x0], $0xffff;
	_ =	sdelay $0x4  }
0x3bd: {  	v6 =	vsub.s32 v6, v41  }
0x3be: {  	v7 =	vld [tilespmem:$0xE10];
	[tilespmem:$0x1280] =	vst v6  }
0x3bf: {  	v8 =	vld.idx.msk [tilespmem:v25+s3+$0x0], $0xffff;
	_ =	sdelay $0x4  }
0x3c0: {  	v7 =	vsub.s32 v8, v7  }
0x3c1: {  	vm1 =	vgt.s32 v6, v7  }
0x3c2: {  	v6 =	vsel vm1, v6, v7  }
0x3c3: {  	v6 =	vxor.u32 $0x80000000, v6  }
0x3c4: {  	(xrf0) =	vmax.scan.msk.u32 $0xffff, v6;
	_ =	sdelay $0x5  }
0x3c5: {  	v6, _, _ =	vpop (xrf0)  }
0x3c6: {  	(v2sf) =	vpush v6, $0xF;
	_ =	sdelay $0xa  }
0x3c7: {  	[tilespmem:$0x1290] =	vst v7;
	v7 =	vld [tilespmem:$0x1FE40];
	_ =	sdelay $0x3  }
0x3c8: {  	s16 =	spop (v2sf)  }
0x3c9: {  	s0 =	sxor.u32 $0x80000000, s16  }
0x3ca: {  	v26 =	vld [tilespmem:$0x1FE50];
	v6 =	vmov s0  }
0x3cb: {  	[tilespmem:$0x1680] =	vst v6;
	v6 =	vld [tilespmem:$0xE20]  }
0x3cc: {  	v7 =	vld.idx.msk [tilespmem:v7+s3+$0x0], $0xffff;
	_ =	sdelay $0x4  }
0x3cd: {  	v6 =	vsub.s32 v7, v6  }
0x3ce: {  	v7 =	vld [tilespmem:$0xE30];
	[tilespmem:$0x12A0] =	vst v6  }
0x3cf: {  	v8 =	vld.idx.msk [tilespmem:v26+s3+$0x0], $0xffff;
	_ =	sdelay $0x4  }
0x3d0: {  	v7 =	vsub.s32 v8, v7  }
0x3d1: {  	vm1 =	vgt.s32 v6, v7  }
0x3d2: {  	v6 =	vsel vm1, v6, v7  }
0x3d3: {  	v6 =	vxor.u32 $0x80000000, v6  }
0x3d4: {  	(xrf0) =	vmax.scan.msk.u32 $0xffff, v6;
	_ =	sdelay $0x5  }
0x3d5: {  	v6, _, _ =	vpop (xrf0)  }
0x3d6: {  	(v2sf) =	vpush v6, $0xF;
	_ =	sdelay $0xa  }
0x3d7: {  	[tilespmem:$0x12B0] =	vst v7;
	v7 =	vld [tilespmem:$0x1FE60];
	_ =	sdelay $0x3  }
0x3d8: {  	s17 =	spop (v2sf)  }
0x3d9: {  	s0 =	sxor.u32 $0x80000000, s17  }
0x3da: {  	v27 =	vld [tilespmem:$0x1FE70];
	v6 =	vmov s0  }
0x3db: {  	[tilespmem:$0x1690] =	vst v6;
	v6 =	vld [tilespmem:$0xE40]  }
0x3dc: {  	v7 =	vld.idx.msk [tilespmem:v7+s3+$0x0], $0xffff;
	_ =	sdelay $0x4  }
0x3dd: {  	v6 =	vsub.s32 v7, v6  }
0x3de: {  	v7 =	vld [tilespmem:$0xE50];
	[tilespmem:$0x12C0] =	vst v6  }
0x3df: {  	v8 =	vld.idx.msk [tilespmem:v27+s3+$0x0], $0xffff;
	_ =	sdelay $0x4  }
0x3e0: {  	v7 =	vsub.s32 v8, v7  }
0x3e1: {  	vm1 =	vgt.s32 v6, v7  }
0x3e2: {  	v6 =	vsel vm1, v6, v7  }
0x3e3: {  	v6 =	vxor.u32 $0x80000000, v6  }
0x3e4: {  	(xrf0) =	vmax.scan.msk.u32 $0xffff, v6;
	_ =	sdelay $0x5  }
0x3e5: {  	v6, _, _ =	vpop (xrf0)  }
0x3e6: {  	(v2sf) =	vpush v6, $0xF;
	_ =	sdelay $0xa  }
0x3e7: {  	[tilespmem:$0x12D0] =	vst v7;
	v7 =	vld [tilespmem:$0x1FE80];
	_ =	sdelay $0x3  }
0x3e8: {  	s18 =	spop (v2sf)  }
0x3e9: {  	s0 =	sxor.u32 $0x80000000, s18  }
0x3ea: {  	v28 =	vld [tilespmem:$0x1FE90];
	v6 =	vmov s0  }
0x3eb: {  	[tilespmem:$0x16A0] =	vst v6;
	v6 =	vld [tilespmem:$0xE60]  }
0x3ec: {  	v7 =	vld.idx.msk [tilespmem:v7+s3+$0x0], $0xffff;
	_ =	sdelay $0x4  }
0x3ed: {  	v6 =	vsub.s32 v7, v6  }
0x3ee: {  	v7 =	vld [tilespmem:$0xE70];
	[tilespmem:$0x12E0] =	vst v6  }
0x3ef: {  	v8 =	vld.idx.msk [tilespmem:v28+s3+$0x0], $0xffff;
	_ =	sdelay $0x4  }
0x3f0: {  	v7 =	vsub.s32 v8, v7  }
0x3f1: {  	vm1 =	vgt.s32 v6, v7  }
0x3f2: {  	v6 =	vsel vm1, v6, v7  }
0x3f3: {  	v6 =	vxor.u32 $0x80000000, v6  }
0x3f4: {  	(xrf0) =	vmax.scan.msk.u32 $0xffff, v6;
	_ =	sdelay $0x5  }
0x3f5: {  	v6, _, _ =	vpop (xrf0)  }
0x3f6: {  	(v2sf) =	vpush v6, $0xF;
	_ =	sdelay $0xa  }
0x3f7: {  	[tilespmem:$0x12F0] =	vst v7;
	v7 =	vld [tilespmem:$0x1FEA0];
	_ =	sdelay $0x3  }
0x3f8: {  	s19 =	spop (v2sf)  }
0x3f9: {  	s0 =	sxor.u32 $0x80000000, s19  }
0x3fa: {  	v29 =	vld [tilespmem:$0x1FEB0];
	v6 =	vmov s0  }
0x3fb: {  	[tilespmem:$0x16B0] =	vst v6;
	v6 =	vld [tilespmem:$0xE80]  }
0x3fc: {  	v7 =	vld.idx.msk [tilespmem:v7+s3+$0x0], $0xffff;
	_ =	sdelay $0x4  }
0x3fd: {  	v6 =	vsub.s32 v7, v6  }
0x3fe: {  	v7 =	vld [tilespmem:$0xE90];
	[tilespmem:$0x1300] =	vst v6  }
0x3ff: {  	v8 =	vld.idx.msk [tilespmem:v29+s3+$0x0], $0xffff;
	_ =	sdelay $0x4  }
0x400: {  	v7 =	vsub.s32 v8, v7  }
0x401: {  	vm1 =	vgt.s32 v6, v7  }
0x402: {  	v6 =	vsel vm1, v6, v7  }
0x403: {  	v6 =	vxor.u32 $0x80000000, v6  }
0x404: {  	(xrf0) =	vmax.scan.msk.u32 $0xffff, v6;
	_ =	sdelay $0x5  }
0x405: {  	v6, _, _ =	vpop (xrf0)  }
0x406: {  	(v2sf) =	vpush v6, $0xF;
	_ =	sdelay $0xa  }
0x407: {  	[tilespmem:$0x1310] =	vst v7;
	v7 =	vld [tilespmem:$0x1FEC0];
	_ =	sdelay $0x3  }
0x408: {  	s20 =	spop (v2sf)  }
0x409: {  	s0 =	sxor.u32 $0x80000000, s20  }
0x40a: {  	v30 =	vld [tilespmem:$0x1FED0];
	v6 =	vmov s0  }
0x40b: {  	[tilespmem:$0x16C0] =	vst v6;
	v6 =	vld [tilespmem:$0xEA0]  }
0x40c: {  	v7 =	vld.idx.msk [tilespmem:v7+s3+$0x0], $0xffff;
	_ =	sdelay $0x4  }
0x40d: {  	v6 =	vsub.s32 v7, v6  }
0x40e: {  	v7 =	vld [tilespmem:$0xEB0];
	[tilespmem:$0x1320] =	vst v6  }
0x40f: {  	v8 =	vld.idx.msk [tilespmem:v30+s3+$0x0], $0xffff;
	_ =	sdelay $0x4  }
0x410: {  	v7 =	vsub.s32 v8, v7  }
0x411: {  	vm1 =	vgt.s32 v6, v7  }
0x412: {  	v6 =	vsel vm1, v6, v7  }
0x413: {  	v6 =	vxor.u32 $0x80000000, v6  }
0x414: {  	(xrf0) =	vmax.scan.msk.u32 $0xffff, v6;
	_ =	sdelay $0x5  }
0x415: {  	v6, _, _ =	vpop (xrf0)  }
0x416: {  	(v2sf) =	vpush v6, $0xF;
	_ =	sdelay $0xa  }
0x417: {  	[tilespmem:$0x1330] =	vst v7;
	v7 =	vld [tilespmem:$0x1FEE0];
	_ =	sdelay $0x3  }
0x418: {  	s21 =	spop (v2sf)  }
0x419: {  	s0 =	sxor.u32 $0x80000000, s21  }
0x41a: {  	v31 =	vld [tilespmem:$0x1FEF0];
	v6 =	vmov s0  }
0x41b: {  	[tilespmem:$0x16D0] =	vst v6;
	v6 =	vld [tilespmem:$0xEC0]  }
0x41c: {  	v7 =	vld.idx.msk [tilespmem:v7+s3+$0x0], $0xffff;
	_ =	sdelay $0x4  }
0x41d: {  	v6 =	vsub.s32 v7, v6  }
0x41e: {  	v7 =	vld [tilespmem:$0xED0];
	[tilespmem:$0x1340] =	vst v6  }
0x41f: {  	v8 =	vld.idx.msk [tilespmem:v31+s3+$0x0], $0xffff;
	_ =	sdelay $0x4  }
0x420: {  	v7 =	vsub.s32 v8, v7  }
0x421: {  	vm1 =	vgt.s32 v6, v7  }
0x422: {  	v6 =	vsel vm1, v6, v7  }
0x423: {  	v6 =	vxor.u32 $0x80000000, v6  }
0x424: {  	(xrf0) =	vmax.scan.msk.u32 $0xffff, v6;
	_ =	sdelay $0x5  }
0x425: {  	v6, _, _ =	vpop (xrf0)  }
0x426: {  	(v2sf) =	vpush v6, $0xF;
	_ =	sdelay $0xa  }
0x427: {  	[tilespmem:$0x1350] =	vst v7;
	v7 =	vld [tilespmem:$0x1FF00];
	_ =	sdelay $0x3  }
0x428: {  	s22 =	spop (v2sf)  }
0x429: {  	s0 =	sxor.u32 $0x80000000, s22  }
0x42a: {  	v32 =	vld [tilespmem:$0x1FF10];
	v6 =	vmov s0  }
0x42b: {  	[tilespmem:$0x16E0] =	vst v6;
	v6 =	vld [tilespmem:$0xEE0]  }
0x42c: {  	v7 =	vld.idx.msk [tilespmem:v7+s3+$0x0], $0xffff;
	_ =	sdelay $0x4  }
0x42d: {  	v6 =	vsub.s32 v7, v6  }
0x42e: {  	v7 =	vld [tilespmem:$0xEF0];
	[tilespmem:$0x1360] =	vst v6  }
0x42f: {  	v8 =	vld.idx.msk [tilespmem:v32+s3+$0x0], $0xffff;
	_ =	sdelay $0x4  }
0x430: {  	v7 =	vsub.s32 v8, v7  }
0x431: {  	vm1 =	vgt.s32 v6, v7  }
0x432: {  	v6 =	vsel vm1, v6, v7  }
0x433: {  	v6 =	vxor.u32 $0x80000000, v6  }
0x434: {  	(xrf0) =	vmax.scan.msk.u32 $0xffff, v6;
	_ =	sdelay $0x5  }
0x435: {  	v6, _, _ =	vpop (xrf0)  }
0x436: {  	(v2sf) =	vpush v6, $0xF;
	_ =	sdelay $0xa  }
0x437: {  	[tilespmem:$0x1370] =	vst v7;
	v7 =	vld [tilespmem:$0x1FF20];
	_ =	sdelay $0x3  }
0x438: {  	s23 =	spop (v2sf)  }
0x439: {  	s0 =	sxor.u32 $0x80000000, s23  }
0x43a: {  	v33 =	vld [tilespmem:$0x1FF30];
	v6 =	vmov s0  }
0x43b: {  	[tilespmem:$0x16F0] =	vst v6;
	v6 =	vld [tilespmem:$0xF00]  }
0x43c: {  	v7 =	vld.idx.msk [tilespmem:v7+s3+$0x0], $0xffff;
	_ =	sdelay $0x4  }
0x43d: {  	v6 =	vsub.s32 v7, v6  }
0x43e: {  	v7 =	vld [tilespmem:$0xF10];
	[tilespmem:$0x1380] =	vst v6  }
0x43f: {  	v8 =	vld.idx.msk [tilespmem:v33+s3+$0x0], $0xffff;
	_ =	sdelay $0x4  }
0x440: {  	v7 =	vsub.s32 v8, v7  }
0x441: {  	vm1 =	vgt.s32 v6, v7  }
0x442: {  	v6 =	vsel vm1, v6, v7  }
0x443: {  	v6 =	vxor.u32 $0x80000000, v6  }
0x444: {  	(xrf0) =	vmax.scan.msk.u32 $0xffff, v6;
	_ =	sdelay $0x5  }
0x445: {  	v6, _, _ =	vpop (xrf0)  }
0x446: {  	(v2sf) =	vpush v6, $0xF;
	_ =	sdelay $0xa  }
0x447: {  	[tilespmem:$0x1390] =	vst v7;
	v7 =	vld [tilespmem:$0x1FF40];
	_ =	sdelay $0x3  }
0x448: {  	s24 =	spop (v2sf)  }
0x449: {  	s0 =	sxor.u32 $0x80000000, s24  }
0x44a: {  	v34 =	vld [tilespmem:$0x1FF50];
	v6 =	vmov s0  }
0x44b: {  	[tilespmem:$0x1700] =	vst v6;
	v6 =	vld [tilespmem:$0xF20]  }
0x44c: {  	v7 =	vld.idx.msk [tilespmem:v7+s3+$0x0], $0xffff;
	_ =	sdelay $0x4  }
0x44d: {  	v6 =	vsub.s32 v7, v6  }
0x44e: {  	v7 =	vld [tilespmem:$0xF30];
	[tilespmem:$0x13A0] =	vst v6  }
0x44f: {  	v8 =	vld.idx.msk [tilespmem:v34+s3+$0x0], $0xffff;
	_ =	sdelay $0x4  }
0x450: {  	v7 =	vsub.s32 v8, v7  }
0x451: {  	vm1 =	vgt.s32 v6, v7  }
0x452: {  	v6 =	vsel vm1, v6, v7  }
0x453: {  	v6 =	vxor.u32 $0x80000000, v6  }
0x454: {  	(xrf0) =	vmax.scan.msk.u32 $0xffff, v6;
	_ =	sdelay $0x5  }
0x455: {  	v6, _, _ =	vpop (xrf0)  }
0x456: {  	(v2sf) =	vpush v6, $0xF;
	_ =	sdelay $0xa  }
0x457: {  	[tilespmem:$0x13B0] =	vst v7;
	v7 =	vld [tilespmem:$0x1FF60];
	_ =	sdelay $0x3  }
0x458: {  	s25 =	spop (v2sf)  }
0x459: {  	s0 =	sxor.u32 $0x80000000, s25  }
0x45a: {  	v35 =	vld [tilespmem:$0x1FF70];
	v6 =	vmov s0  }
0x45b: {  	[tilespmem:$0x1710] =	vst v6;
	v6 =	vld [tilespmem:$0xF40]  }
0x45c: {  	v7 =	vld.idx.msk [tilespmem:v7+s3+$0x0], $0xffff;
	_ =	sdelay $0x4  }
0x45d: {  	v6 =	vsub.s32 v7, v6  }
0x45e: {  	v7 =	vld [tilespmem:$0xF50];
	[tilespmem:$0x13C0] =	vst v6  }
0x45f: {  	v8 =	vld.idx.msk [tilespmem:v35+s3+$0x0], $0xffff;
	_ =	sdelay $0x4  }
0x460: {  	v7 =	vsub.s32 v8, v7  }
0x461: {  	vm1 =	vgt.s32 v6, v7  }
0x462: {  	v6 =	vsel vm1, v6, v7  }
0x463: {  	v6 =	vxor.u32 $0x80000000, v6  }
0x464: {  	(xrf0) =	vmax.scan.msk.u32 $0xffff, v6;
	_ =	sdelay $0x5  }
0x465: {  	v6, _, _ =	vpop (xrf0)  }
0x466: {  	(v2sf) =	vpush v6, $0xF;
	_ =	sdelay $0xa  }
0x467: {  	[tilespmem:$0x13D0] =	vst v7;
	v7 =	vld [tilespmem:$0x1FF80];
	_ =	sdelay $0x3  }
0x468: {  	s26 =	spop (v2sf)  }
0x469: {  	s0 =	sxor.u32 $0x80000000, s26  }
0x46a: {  	v41 =	vld [tilespmem:$0x1FF90];
	v6 =	vmov s0  }
0x46b: {  	[tilespmem:$0x1720] =	vst v6;
	v6 =	vld [tilespmem:$0xF60]  }
0x46c: {  	v7 =	vld.idx.msk [tilespmem:v7+s3+$0x0], $0xffff;
	_ =	sdelay $0x4  }
0x46d: {  	v6 =	vsub.s32 v7, v6  }
0x46e: {  	v7 =	vld [tilespmem:$0xF70];
	[tilespmem:$0x13E0] =	vst v6  }
0x46f: {  	v8 =	vld.idx.msk [tilespmem:v41+s3+$0x0], $0xffff;
	_ =	sdelay $0x4  }
0x470: {  	v7 =	vsub.s32 v8, v7  }
0x471: {  	vm1 =	vgt.s32 v6, v7  }
0x472: {  	v6 =	vsel vm1, v6, v7  }
0x473: {  	v6 =	vxor.u32 $0x80000000, v6  }
0x474: {  	(xrf0) =	vmax.scan.msk.u32 $0xffff, v6;
	_ =	sdelay $0x5  }
0x475: {  	v6, _, _ =	vpop (xrf0)  }
0x476: {  	(v2sf) =	vpush v6, $0xF;
	_ =	sdelay $0xa  }
0x477: {  	[tilespmem:$0x13F0] =	vst v7;
	v7 =	vld [tilespmem:$0x1FFA0];
	_ =	sdelay $0x3  }
0x478: {  	s28 =	spop (v2sf)  }
0x479: {  	s0 =	sxor.u32 $0x80000000, s28  }
0x47a: {  	v42 =	vld [tilespmem:$0x1FFB0];
	v6 =	vmov s0  }
0x47b: {  	[tilespmem:$0x1730] =	vst v6;
	v6 =	vld [tilespmem:$0xF80]  }
0x47c: {  	v7 =	vld.idx.msk [tilespmem:v7+s3+$0x0], $0xffff;
	_ =	sdelay $0x4  }
0x47d: {  	v6 =	vsub.s32 v7, v6  }
0x47e: {  	v7 =	vld [tilespmem:$0xF90];
	[tilespmem:$0x1400] =	vst v6  }
0x47f: {  	v8 =	vld.idx.msk [tilespmem:v42+s3+$0x0], $0xffff;
	_ =	sdelay $0x4  }
0x480: {  	v7 =	vsub.s32 v8, v7  }
0x481: {  	vm1 =	vgt.s32 v6, v7  }
0x482: {  	v6 =	vsel vm1, v6, v7  }
0x483: {  	v6 =	vxor.u32 $0x80000000, v6  }
0x484: {  	(xrf0) =	vmax.scan.msk.u32 $0xffff, v6;
	_ =	sdelay $0x5  }
0x485: {  	v6, _, _ =	vpop (xrf0)  }
0x486: {  	(v2sf) =	vpush v6, $0xF;
	_ =	sdelay $0xa  }
0x487: {  	[tilespmem:$0x1410] =	vst v7;
	v7 =	vld [tilespmem:$0x1FFC0];
	_ =	sdelay $0x3  }
0x488: {  	s29 =	spop (v2sf)  }
0x489: {  	s0 =	sxor.u32 $0x80000000, s29  }
0x48a: {  	v43 =	vld [tilespmem:$0x1FFD0];
	v6 =	vmov s0  }
0x48b: {  	[tilespmem:$0x1740] =	vst v6;
	v6 =	vld [tilespmem:$0xFA0]  }
0x48c: {  	v7 =	vld.idx.msk [tilespmem:v7+s3+$0x0], $0xffff;
	_ =	sdelay $0x4  }
0x48d: {  	v6 =	vsub.s32 v7, v6  }
0x48e: {  	v7 =	vld [tilespmem:$0xFB0];
	[tilespmem:$0x1420] =	vst v6  }
0x48f: {  	v8 =	vld.idx.msk [tilespmem:v43+s3+$0x0], $0xffff;
	_ =	sdelay $0x4  }
0x490: {  	v7 =	vsub.s32 v8, v7  }
0x491: {  	vm1 =	vgt.s32 v6, v7  }
0x492: {  	v6 =	vsel vm1, v6, v7  }
0x493: {  	v6 =	vxor.u32 $0x80000000, v6  }
0x494: {  	(xrf0) =	vmax.scan.msk.u32 $0xffff, v6;
	_ =	sdelay $0x5  }
0x495: {  	v6, _, _ =	vpop (xrf0)  }
0x496: {  	(v2sf) =	vpush v6, $0xF;
	_ =	sdelay $0xa  }
0x497: {  	[tilespmem:$0x1430] =	vst v7;
	v7 =	vld [tilespmem:$0x1FFE0];
	_ =	sdelay $0x3  }
0x498: {  	s30 =	spop (v2sf)  }
0x499: {  	s0 =	sxor.u32 $0x80000000, s30  }
0x49a: {  	v44 =	vld [tilespmem:$0x1FFF0];
	v6 =	vmov s0  }
0x49b: {  	[tilespmem:$0x1750] =	vst v6;
	v6 =	vld [tilespmem:$0xFC0]  }
0x49c: {  	v7 =	vld.idx.msk [tilespmem:v7+s3+$0x0], $0xffff;
	_ =	sdelay $0x4  }
0x49d: {  	v6 =	vsub.s32 v7, v6  }
0x49e: {  	v7 =	vld [tilespmem:$0xFD0];
	[tilespmem:$0x1440] =	vst v6  }
0x49f: {  	v8 =	vld.idx.msk [tilespmem:v44+s3+$0x0], $0xffff;
	_ =	sdelay $0x4  }
0x4a0: {  	v7 =	vsub.s32 v8, v7  }
0x4a1: {  	vm1 =	vgt.s32 v6, v7  }
0x4a2: {  	v6 =	vsel vm1, v6, v7  }
0x4a3: {  	v6 =	vxor.u32 $0x80000000, v6  }
0x4a4: {  	(xrf0) =	vmax.scan.msk.u32 $0xffff, v6;
	_ =	sdelay $0x5  }
0x4a5: {  	v6, _, _ =	vpop (xrf0)  }
0x4a6: {  	(v2sf) =	vpush v6, $0xF;
	_ =	sdelay $0xe  }
0x4a7: {  	s31 =	spop (v2sf)  }
0x4a8: {  	s0 =	sxor.u32 $0x80000000, s31  }
0x4a9: {  	[tilespmem:$0x1450] =	vst v7;
	v6 =	vmov s0  }
0x4aa: {  	[tilespmem:$0x1760] =	vst v6;
	v6 =	vld [tilespmem:$0xFE0]  }
0x4ab: {  	v7 =	vld.idx.msk [tilespmem:v36+s3+$0x0], $0xffff;
	_ =	sdelay $0x4  }
0x4ac: {  	v6 =	vsub.s32 v7, v6  }
0x4ad: {  	v7 =	vld [tilespmem:$0xFF0];
	[tilespmem:$0x1460] =	vst v6  }
0x4ae: {  	v45 =	vld.idx.msk [tilespmem:v37+s3+$0x0], $0xffff;
	_ =	sdelay $0x4  }
0x4af: {  	v7 =	vsub.s32 v45, v7  }
0x4b0: {  	vm1 =	vgt.s32 v6, v7  }
0x4b1: {  	v6 =	vsel vm1, v6, v7  }
0x4b2: {  	v6 =	vxor.u32 $0x80000000, v6  }
0x4b3: {  	(xrf0) =	vmax.scan.msk.u32 $0xffff, v6;
	_ =	sdelay $0x5  }
0x4b4: {  	v6, _, _ =	vpop (xrf0)  }
0x4b5: {  	(v2sf) =	vpush v6, $0xF;
	_ =	sdelay $0xe  }
0x4b6: {  	s5 =	spop (v2sf)  }
0x4b7: {  	s0 =	sxor.u32 $0x80000000, s5  }
0x4b8: {  	[tilespmem:$0x1470] =	vst v7;
	v6 =	vmov s0  }
0x4b9: {  	[tilespmem:$0x1770] =	vst v6;
	v6 =	vld [tilespmem:$0x1000]  }
0x4ba: {  	v7 =	vld.idx.msk [tilespmem:v38+s3+$0x0], $0xffff;
	_ =	sdelay $0x4  }
0x4bb: {  	v6 =	vsub.s32 v7, v6  }
0x4bc: {  	v7 =	vld [tilespmem:$0x1010];
	[tilespmem:$0x1480] =	vst v6  }
0x4bd: {  	v46 =	vld.idx.msk [tilespmem:v39+s3+$0x0], $0xffff;
	_ =	sdelay $0x4  }
0x4be: {  	v7 =	vsub.s32 v46, v7  }
0x4bf: {  	vm1 =	vgt.s32 v6, v7  }
0x4c0: {  	v6 =	vsel vm1, v6, v7  }
0x4c1: {  	v6 =	vxor.u32 $0x80000000, v6  }
0x4c2: {  	(xrf0) =	vmax.scan.msk.u32 $0xffff, v6;
	_ =	sdelay $0x5  }
0x4c3: {  	v6, _, _ =	vpop (xrf0)  }
0x4c4: {  	(v2sf) =	vpush v6, $0xF;
	_ =	sdelay $0xd  }
0x4c5: {  	v6 =	vadd.s32 $0x221, v0  }
0x4c6: {  	s6 =	spop (v2sf)  }
0x4c7: {  	s0 =	sxor.u32 $0x80000000, s6  }
0x4c8: {  	[tilespmem:$0x1490] =	vst v7;
	v7 =	vmov s0  }
0x4c9: {  	[tilespmem:$0x1780] =	vst v7;
	v7 =	vld [tilespmem:$0x1020]  }
0x4ca: {  	v6 =	vld.idx.msk [tilespmem:v6+s3+$0x0], $0xffff;
	_ =	sdelay $0x1  }
0x4cb: {  	v47 =	vadd.s32 $0x231, v0;
	_ =	sdelay $0x2  }
0x4cc: {  	v6 =	vsub.s32 v6, v7  }
0x4cd: {  	v7 =	vld [tilespmem:$0x1030];
	[tilespmem:$0x14A0] =	vst v6  }
0x4ce: {  	v8 =	vld.idx.msk [tilespmem:v47+s3+$0x0], $0xffff;
	_ =	sdelay $0x4  }
0x4cf: {  	v7 =	vsub.s32 v8, v7  }
0x4d0: {  	vm1 =	vgt.s32 v6, v7  }
0x4d1: {  	v6 =	vsel vm1, v6, v7  }
0x4d2: {  	v6 =	vxor.u32 $0x80000000, v6  }
0x4d3: {  	(xrf0) =	vmax.scan.msk.u32 $0xffff, v6;
	_ =	sdelay $0x5  }
0x4d4: {  	v6, _, _ =	vpop (xrf0)  }
0x4d5: {  	(v2sf) =	vpush v6, $0xF;
	_ =	sdelay $0xd  }
0x4d6: {  	v6 =	vadd.s32 $0x241, v0  }
0x4d7: {  	s13 =	spop (v2sf)  }
0x4d8: {  	s0 =	sxor.u32 $0x80000000, s13  }
0x4d9: {  	[tilespmem:$0x14B0] =	vst v7;
	v7 =	vmov s0  }
0x4da: {  	[tilespmem:$0x1790] =	vst v7;
	v7 =	vld [tilespmem:$0x1040]  }
0x4db: {  	v6 =	vld.idx.msk [tilespmem:v6+s3+$0x0], $0xffff;
	_ =	sdelay $0x1  }
0x4dc: {  	v48 =	vadd.s32 $0x251, v0;
	_ =	sdelay $0x2  }
0x4dd: {  	v6 =	vsub.s32 v6, v7  }
0x4de: {  	v7 =	vld [tilespmem:$0x1050];
	[tilespmem:$0x14C0] =	vst v6  }
0x4df: {  	v8 =	vld.idx.msk [tilespmem:v48+s3+$0x0], $0xffff;
	_ =	sdelay $0x4  }
0x4e0: {  	v7 =	vsub.s32 v8, v7  }
0x4e1: {  	vm1 =	vgt.s32 v6, v7  }
0x4e2: {  	v6 =	vsel vm1, v6, v7  }
0x4e3: {  	v6 =	vxor.u32 $0x80000000, v6  }
0x4e4: {  	(xrf0) =	vmax.scan.msk.u32 $0xffff, v6;
	_ =	sdelay $0x5  }
0x4e5: {  	v6, _, _ =	vpop (xrf0)  }
0x4e6: {  	(v2sf) =	vpush v6, $0xF;
	_ =	sdelay $0xd  }
0x4e7: {  	v6 =	vadd.s32 $0x261, v0  }
0x4e8: {  	s15 =	spop (v2sf)  }
0x4e9: {  	s0 =	sxor.u32 $0x80000000, s15  }
0x4ea: {  	[tilespmem:$0x14D0] =	vst v7;
	v7 =	vmov s0  }
0x4eb: {  	[tilespmem:$0x17A0] =	vst v7;
	v7 =	vld [tilespmem:$0x1060]  }
0x4ec: {  	v6 =	vld.idx.msk [tilespmem:v6+s3+$0x0], $0xffff;
	_ =	sdelay $0x1  }
0x4ed: {  	v49 =	vadd.s32 $0x271, v0;
	_ =	sdelay $0x2  }
0x4ee: {  	v6 =	vsub.s32 v6, v7  }
0x4ef: {  	v7 =	vld [tilespmem:$0x1070];
	[tilespmem:$0x14E0] =	vst v6  }
0x4f0: {  	v8 =	vld.idx.msk [tilespmem:v49+s3+$0x0], $0xffff;
	_ =	sdelay $0x4  }
0x4f1: {  	v7 =	vsub.s32 v8, v7  }
0x4f2: {  	vm1 =	vgt.s32 v6, v7  }
0x4f3: {  	v6 =	vsel vm1, v6, v7  }
0x4f4: {  	v6 =	vxor.u32 $0x80000000, v6  }
0x4f5: {  	(xrf0) =	vmax.scan.msk.u32 $0xffff, v6;
	_ =	sdelay $0x5  }
0x4f6: {  	v6, _, _ =	vpop (xrf0)  }
0x4f7: {  	(v2sf) =	vpush v6, $0xF;
	_ =	sdelay $0xd  }
0x4f8: {  	v6 =	vadd.s32 $0x281, v0  }
0x4f9: {  	s16 =	spop (v2sf)  }
0x4fa: {  	s0 =	sxor.u32 $0x80000000, s16  }
0x4fb: {  	[tilespmem:$0x14F0] =	vst v7;
	v7 =	vmov s0  }
0x4fc: {  	[tilespmem:$0x17B0] =	vst v7;
	v7 =	vld [tilespmem:$0x1080]  }
0x4fd: {  	v6 =	vld.idx.msk [tilespmem:v6+s3+$0x0], $0xffff;
	_ =	sdelay $0x1  }
0x4fe: {  	v50 =	vadd.s32 $0x291, v0;
	_ =	sdelay $0x2  }
0x4ff: {  	v6 =	vsub.s32 v6, v7  }
0x500: {  	v7 =	vld [tilespmem:$0x1090];
	[tilespmem:$0x1500] =	vst v6  }
0x501: {  	v8 =	vld.idx.msk [tilespmem:v50+s3+$0x0], $0xffff;
	_ =	sdelay $0x4  }
0x502: {  	v7 =	vsub.s32 v8, v7  }
0x503: {  	vm1 =	vgt.s32 v6, v7  }
0x504: {  	v6 =	vsel vm1, v6, v7  }
0x505: {  	v6 =	vxor.u32 $0x80000000, v6  }
0x506: {  	(xrf0) =	vmax.scan.msk.u32 $0xffff, v6;
	_ =	sdelay $0x5  }
0x507: {  	v6, _, _ =	vpop (xrf0)  }
0x508: {  	(v2sf) =	vpush v6, $0xF;
	_ =	sdelay $0xd  }
0x509: {  	v6 =	vadd.s32 $0x2A1, v0  }
0x50a: {  	s17 =	spop (v2sf)  }
0x50b: {  	s0 =	sxor.u32 $0x80000000, s17  }
0x50c: {  	[tilespmem:$0x1510] =	vst v7;
	v7 =	vmov s0  }
0x50d: {  	[tilespmem:$0x17C0] =	vst v7;
	v7 =	vld [tilespmem:$0x10A0]  }
0x50e: {  	v6 =	vld.idx.msk [tilespmem:v6+s3+$0x0], $0xffff;
	_ =	sdelay $0x1  }
0x50f: {  	v51 =	vadd.s32 $0x2B1, v0;
	_ =	sdelay $0x2  }
0x510: {  	v6 =	vsub.s32 v6, v7  }
0x511: {  	v7 =	vld [tilespmem:$0x10B0];
	[tilespmem:$0x1520] =	vst v6  }
0x512: {  	v8 =	vld.idx.msk [tilespmem:v51+s3+$0x0], $0xffff;
	_ =	sdelay $0x4  }
0x513: {  	v7 =	vsub.s32 v8, v7  }
0x514: {  	vm1 =	vgt.s32 v6, v7  }
0x515: {  	v6 =	vsel vm1, v6, v7  }
0x516: {  	v6 =	vxor.u32 $0x80000000, v6  }
0x517: {  	(xrf0) =	vmax.scan.msk.u32 $0xffff, v6;
	_ =	sdelay $0x5  }
0x518: {  	v6, _, _ =	vpop (xrf0)  }
0x519: {  	(v2sf) =	vpush v6, $0xF;
	_ =	sdelay $0xd  }
0x51a: {  	v6 =	vadd.s32 $0x2C1, v0  }
0x51b: {  	s18 =	spop (v2sf)  }
0x51c: {  	s0 =	sxor.u32 $0x80000000, s18  }
0x51d: {  	[tilespmem:$0x1530] =	vst v7;
	v7 =	vmov s0  }
0x51e: {  	[tilespmem:$0x17D0] =	vst v7;
	v7 =	vld [tilespmem:$0x10C0]  }
0x51f: {  	v6 =	vld.idx.msk [tilespmem:v6+s3+$0x0], $0xffff;
	_ =	sdelay $0x1  }
0x520: {  	v52 =	vadd.s32 $0x2D1, v0;
	_ =	sdelay $0x2  }
0x521: {  	v6 =	vsub.s32 v6, v7  }
0x522: {  	v7 =	vld [tilespmem:$0x10D0];
	[tilespmem:$0x1540] =	vst v6  }
0x523: {  	v8 =	vld.idx.msk [tilespmem:v52+s3+$0x0], $0xffff;
	_ =	sdelay $0x4  }
0x524: {  	v7 =	vsub.s32 v8, v7  }
0x525: {  	vm1 =	vgt.s32 v6, v7  }
0x526: {  	v6 =	vsel vm1, v6, v7  }
0x527: {  	v6 =	vxor.u32 $0x80000000, v6  }
0x528: {  	(xrf0) =	vmax.scan.msk.u32 $0xffff, v6;
	_ =	sdelay $0x5  }
0x529: {  	v6, _, _ =	vpop (xrf0)  }
0x52a: {  	(v2sf) =	vpush v6, $0xF;
	_ =	sdelay $0xd  }
0x52b: {  	v6 =	vadd.s32 $0x2E1, v0  }
0x52c: {  	s19 =	spop (v2sf)  }
0x52d: {  	s0 =	sxor.u32 $0x80000000, s19  }
0x52e: {  	[tilespmem:$0x1550] =	vst v7;
	v7 =	vmov s0  }
0x52f: {  	[tilespmem:$0x17E0] =	vst v7;
	v7 =	vld [tilespmem:$0x10E0]  }
0x530: {  	v6 =	vld.idx.msk [tilespmem:v6+s3+$0x0], $0xffff;
	_ =	sdelay $0x1  }
0x531: {  	v53 =	vadd.s32 $0x2F1, v0;
	_ =	sdelay $0x2  }
0x532: {  	v6 =	vsub.s32 v6, v7  }
0x533: {  	v7 =	vld [tilespmem:$0x10F0];
	[tilespmem:$0x1560] =	vst v6  }
0x534: {  	v8 =	vld.idx.msk [tilespmem:v53+s3+$0x0], $0xffff;
	_ =	sdelay $0x4  }
0x535: {  	v7 =	vsub.s32 v8, v7  }
0x536: {  	vm1 =	vgt.s32 v6, v7  }
0x537: {  	v6 =	vsel vm1, v6, v7  }
0x538: {  	v6 =	vxor.u32 $0x80000000, v6  }
0x539: {  	(xrf0) =	vmax.scan.msk.u32 $0xffff, v6;
	_ =	sdelay $0x5  }
0x53a: {  	v6, _, _ =	vpop (xrf0)  }
0x53b: {  	(v2sf) =	vpush v6, $0xF;
	_ =	sdelay $0xd  }
0x53c: {  	v6 =	vadd.s32 $0x301, v0  }
0x53d: {  	s20 =	spop (v2sf)  }
0x53e: {  	s0 =	sxor.u32 $0x80000000, s20  }
0x53f: {  	[tilespmem:$0x1570] =	vst v7;
	v7 =	vmov s0  }
0x540: {  	[tilespmem:$0x17F0] =	vst v7;
	v7 =	vld [tilespmem:$0x1100]  }
0x541: {  	v6 =	vld.idx.msk [tilespmem:v6+s3+$0x0], $0xffff;
	_ =	sdelay $0x1  }
0x542: {  	v54 =	vadd.s32 $0x311, v0;
	_ =	sdelay $0x2  }
0x543: {  	v6 =	vsub.s32 v6, v7  }
0x544: {  	v7 =	vld [tilespmem:$0x1110];
	[tilespmem:$0x1580] =	vst v6  }
0x545: {  	v8 =	vld.idx.msk [tilespmem:v54+s3+$0x0], $0xffff;
	_ =	sdelay $0x4  }
0x546: {  	v7 =	vsub.s32 v8, v7  }
0x547: {  	vm1 =	vgt.s32 v6, v7  }
0x548: {  	v6 =	vsel vm1, v6, v7  }
0x549: {  	v6 =	vxor.u32 $0x80000000, v6  }
0x54a: {  	(xrf0) =	vmax.scan.msk.u32 $0xffff, v6;
	_ =	sdelay $0x5  }
0x54b: {  	v6, _, _ =	vpop (xrf0)  }
0x54c: {  	(v2sf) =	vpush v6, $0xF;
	_ =	sdelay $0xd  }
0x54d: {  	v6 =	vadd.s32 $0x321, v0  }
0x54e: {  	s21 =	spop (v2sf)  }
0x54f: {  	s0 =	sxor.u32 $0x80000000, s21  }
0x550: {  	[tilespmem:$0x1590] =	vst v7;
	v7 =	vmov s0  }
0x551: {  	[tilespmem:$0x1800] =	vst v7;
	v7 =	vld [tilespmem:$0x1120]  }
0x552: {  	v6 =	vld.idx.msk [tilespmem:v6+s3+$0x0], $0xffff;
	_ =	sdelay $0x1  }
0x553: {  	v55 =	vadd.s32 $0x331, v0;
	_ =	sdelay $0x2  }
0x554: {  	v6 =	vsub.s32 v6, v7  }
0x555: {  	v7 =	vld [tilespmem:$0x1130];
	[tilespmem:$0x15A0] =	vst v6  }
0x556: {  	v8 =	vld.idx.msk [tilespmem:v55+s3+$0x0], $0xffff;
	_ =	sdelay $0x4  }
0x557: {  	v7 =	vsub.s32 v8, v7  }
0x558: {  	vm1 =	vgt.s32 v6, v7  }
0x559: {  	v6 =	vsel vm1, v6, v7  }
0x55a: {  	v6 =	vxor.u32 $0x80000000, v6  }
0x55b: {  	(xrf0) =	vmax.scan.msk.u32 $0xffff, v6;
	_ =	sdelay $0x5  }
0x55c: {  	v6, _, _ =	vpop (xrf0)  }
0x55d: {  	(v2sf) =	vpush v6, $0xF;
	_ =	sdelay $0xd  }
0x55e: {  	v6 =	vadd.s32 $0x341, v0  }
0x55f: {  	s22 =	spop (v2sf)  }
0x560: {  	s0 =	sxor.u32 $0x80000000, s22  }
0x561: {  	[tilespmem:$0x15B0] =	vst v7;
	v7 =	vmov s0  }
0x562: {  	[tilespmem:$0x1810] =	vst v7;
	v7 =	vld [tilespmem:$0x1140]  }
0x563: {  	v6 =	vld.idx.msk [tilespmem:v6+s3+$0x0], $0xffff;
	_ =	sdelay $0x1  }
0x564: {  	v56 =	vadd.s32 $0x351, v0;
	_ =	sdelay $0x2  }
0x565: {  	v6 =	vsub.s32 v6, v7  }
0x566: {  	v7 =	vld [tilespmem:$0x1150];
	[tilespmem:$0x15C0] =	vst v6  }
0x567: {  	v8 =	vld.idx.msk [tilespmem:v56+s3+$0x0], $0xffff;
	_ =	sdelay $0x4  }
0x568: {  	v7 =	vsub.s32 v8, v7  }
0x569: {  	vm1 =	vgt.s32 v6, v7  }
0x56a: {  	v6 =	vsel vm1, v6, v7  }
0x56b: {  	v6 =	vxor.u32 $0x80000000, v6  }
0x56c: {  	(xrf0) =	vmax.scan.msk.u32 $0xffff, v6;
	_ =	sdelay $0x5  }
0x56d: {  	v6, _, _ =	vpop (xrf0)  }
0x56e: {  	(v2sf) =	vpush v6, $0xF;
	_ =	sdelay $0xd  }
0x56f: {  	v6 =	vadd.s32 $0x361, v0  }
0x570: {  	s23 =	spop (v2sf)  }
0x571: {  	s0 =	sxor.u32 $0x80000000, s23  }
0x572: {  	[tilespmem:$0x15D0] =	vst v7;
	v7 =	vmov s0  }
0x573: {  	[tilespmem:$0x1820] =	vst v7;
	v7 =	vld [tilespmem:$0x1160]  }
0x574: {  	v6 =	vld.idx.msk [tilespmem:v6+s3+$0x0], $0xffff;
	_ =	sdelay $0x1  }
0x575: {  	v57 =	vadd.s32 $0x371, v0;
	_ =	sdelay $0x2  }
0x576: {  	v6 =	vsub.s32 v6, v7  }
0x577: {  	v7 =	vld [tilespmem:$0x1170];
	[tilespmem:$0x15E0] =	vst v6  }
0x578: {  	v8 =	vld.idx.msk [tilespmem:v57+s3+$0x0], $0xffff;
	_ =	sdelay $0x4  }
0x579: {  	v7 =	vsub.s32 v8, v7  }
0x57a: {  	vm1 =	vgt.s32 v6, v7  }
0x57b: {  	v6 =	vsel vm1, v6, v7  }
0x57c: {  	v6 =	vxor.u32 $0x80000000, v6  }
0x57d: {  	(xrf0) =	vmax.scan.msk.u32 $0xffff, v6;
	_ =	sdelay $0x5  }
0x57e: {  	v6, _, _ =	vpop (xrf0)  }
0x57f: {  	(v2sf) =	vpush v6, $0xF;
	_ =	sdelay $0xd  }
0x580: {  	v6 =	vadd.s32 $0x381, v0  }
0x581: {  	s24 =	spop (v2sf)  }
0x582: {  	s0 =	sxor.u32 $0x80000000, s24  }
0x583: {  	[tilespmem:$0x15F0] =	vst v7;
	v7 =	vmov s0  }
0x584: {  	[tilespmem:$0x1830] =	vst v7;
	v7 =	vld [tilespmem:$0x1180]  }
0x585: {  	v6 =	vld.idx.msk [tilespmem:v6+s3+$0x0], $0xffff;
	_ =	sdelay $0x1  }
0x586: {  	v58 =	vadd.s32 $0x391, v0;
	_ =	sdelay $0x2  }
0x587: {  	v6 =	vsub.s32 v6, v7  }
0x588: {  	v7 =	vld [tilespmem:$0x1190];
	[tilespmem:$0x1600] =	vst v6  }
0x589: {  	v8 =	vld.idx.msk [tilespmem:v58+s3+$0x0], $0xffff;
	_ =	sdelay $0x4  }
0x58a: {  	v7 =	vsub.s32 v8, v7  }
0x58b: {  	vm1 =	vgt.s32 v6, v7  }
0x58c: {  	v6 =	vsel vm1, v6, v7  }
0x58d: {  	v6 =	vxor.u32 $0x80000000, v6  }
0x58e: {  	(xrf0) =	vmax.scan.msk.u32 $0xffff, v6;
	_ =	sdelay $0x5  }
0x58f: {  	v6, _, _ =	vpop (xrf0)  }
0x590: {  	(v2sf) =	vpush v6, $0xF;
	_ =	sdelay $0xd  }
0x591: {  	v6 =	vadd.s32 $0x3A1, v0  }
0x592: {  	s25 =	spop (v2sf)  }
0x593: {  	s0 =	sxor.u32 $0x80000000, s25  }
0x594: {  	[tilespmem:$0x1610] =	vst v7;
	v7 =	vmov s0  }
0x595: {  	[tilespmem:$0x1840] =	vst v7;
	v7 =	vld [tilespmem:$0x11A0]  }
0x596: {  	v6 =	vld.idx.msk [tilespmem:v6+s3+$0x0], $0xffff;
	_ =	sdelay $0x1  }
0x597: {  	v59 =	vadd.s32 $0x3B1, v0;
	_ =	sdelay $0x2  }
0x598: {  	v6 =	vsub.s32 v6, v7  }
0x599: {  	v7 =	vld [tilespmem:$0x11B0];
	[tilespmem:$0x1620] =	vst v6  }
0x59a: {  	v8 =	vld.idx.msk [tilespmem:v59+s3+$0x0], $0xffff;
	_ =	sdelay $0x4  }
0x59b: {  	v7 =	vsub.s32 v8, v7  }
0x59c: {  	vm1 =	vgt.s32 v6, v7  }
0x59d: {  	v6 =	vsel vm1, v6, v7  }
0x59e: {  	v6 =	vxor.u32 $0x80000000, v6  }
0x59f: {  	(xrf0) =	vmax.scan.msk.u32 $0xffff, v6;
	_ =	sdelay $0x5  }
0x5a0: {  	v6, _, _ =	vpop (xrf0)  }
0x5a1: {  	(v2sf) =	vpush v6, $0xF;
	_ =	sdelay $0xd  }
0x5a2: {  	v6 =	vadd.s32 $0x3C1, v0  }
0x5a3: {  	s26 =	spop (v2sf)  }
0x5a4: {  	s0 =	sxor.u32 $0x80000000, s26  }
0x5a5: {  	[tilespmem:$0x1630] =	vst v7;
	v7 =	vmov s0  }
0x5a6: {  	[tilespmem:$0x1850] =	vst v7;
	v7 =	vld [tilespmem:$0x11C0]  }
0x5a7: {  	v6 =	vld.idx.msk [tilespmem:v6+s3+$0x0], $0xffff;
	_ =	sdelay $0x1  }
0x5a8: {  	v60 =	vadd.s32 $0x3D1, v0;
	_ =	sdelay $0x2  }
0x5a9: {  	v6 =	vsub.s32 v6, v7  }
0x5aa: {  	v7 =	vld [tilespmem:$0x11D0];
	[tilespmem:$0x1640] =	vst v6  }
0x5ab: {  	v8 =	vld.idx.msk [tilespmem:v60+s3+$0x0], $0xffff;
	_ =	sdelay $0x4  }
0x5ac: {  	v7 =	vsub.s32 v8, v7  }
0x5ad: {  	vm1 =	vgt.s32 v6, v7  }
0x5ae: {  	v6 =	vsel vm1, v6, v7  }
0x5af: {  	v6 =	vxor.u32 $0x80000000, v6  }
0x5b0: {  	(xrf0) =	vmax.scan.msk.u32 $0xffff, v6;
	_ =	sdelay $0x5  }
0x5b1: {  	v6, _, _ =	vpop (xrf0)  }
0x5b2: {  	(v2sf) =	vpush v6, $0xF;
	_ =	sdelay $0xd  }
0x5b3: {  	v6 =	vadd.s32 $0x3E1, v0  }
0x5b4: {  	s28 =	spop (v2sf)  }
0x5b5: {  	s0 =	sxor.u32 $0x80000000, s28  }
0x5b6: {  	[tilespmem:$0x1650] =	vst v7;
	v7 =	vmov s0  }
0x5b7: {  	[tilespmem:$0x1860] =	vst v7;
	v7 =	vld [tilespmem:$0x11E0]  }
0x5b8: {  	v6 =	vld.idx.msk [tilespmem:v6+s3+$0x0], $0xffff;
	_ =	sdelay $0x1  }
0x5b9: {  	v61 =	vadd.s32 $0x3F1, v0;
	_ =	sdelay $0x2  }
0x5ba: {  	v6 =	vsub.s32 v6, v7  }
0x5bb: {  	v7 =	vld [tilespmem:$0x11F0];
	[tilespmem:$0x1660] =	vst v6  }
0x5bc: {  	v8 =	vld.idx.msk [tilespmem:v61+s3+$0x0], $0xffff;
	_ =	sdelay $0x4  }
0x5bd: {  	v7 =	vsub.s32 v8, v7  }
0x5be: {  	vm1 =	vgt.s32 v6, v7  }
0x5bf: {  	v6 =	vsel vm1, v6, v7  }
0x5c0: {  	v6 =	vxor.u32 $0x80000000, v6  }
0x5c1: {  	(xrf0) =	vmax.scan.msk.u32 $0xffff, v6;
	_ =	sdelay $0x2  }
0x5c2: {  	v6 =	vld [tilespmem:$0xE00]  }
0x5c3: {  	v62 =	vld [tilespmem:$0x1200];
	_ =	sdelay $0x1  }
0x5c4: {  	v63, _, _ =	vpop (xrf0)  }
0x5c5: {  	(v2sf) =	vpush v63, $0xF  }
0x5c6: {  	(v2sf) =	vpush v6, $0x0  }
0x5c7: {  	(v2sf) =	vpush v62, $0x0;
	_ =	sdelay $0xc  }
0x5c8: {  	s29 =	spop (v2sf)  }
0x5c9: {  	s30 =	spop (v2sf)  }
0x5ca: {  	s17 =	spop (v2sf);
	s18 =	sand.u32 $0xFFFFFF80, s30  }
0x5cb: {  	s3 =	ssub.s32 s17, s18  }
0x5cc: {  	s5 =	sadd.s32 $0x2BFF, s3  }
0x5cd: {  	s6 =	smulhi.u32 $0x2E8BA2E9, s5;
	s13 =	sshra.s32 s5, $0x1F  }
0x5ce: {  	s13 =	smul.u32 $0x2E8BA2E9, s13;
	_ =	sdelay $0x1  }
0x5cf: {  	s6 =	sadd.s32 s13, s6  }
0x5d0: {  	s13 =	sshrl.u32 s6, $0x1F;
	s6 =	sshra.s32 s6, $0xB  }
0x5d1: {  	[tilespmem:$0x1A480] =	vst v40;
	s6 =	sadd.s32 s13, s6  }
0x5d2: {  	[tilespmem:$0x1A500] =	vst v40;
	s31 =	smul.u32 $0xFFFFD400, s6  }
0x5d3: {  	[tilespmem:$0x1A580] =	vst v40;
	s3 =	ssub.s32 $0xFFFFD401, s3  }
0x5d4: {  	[tilespmem:$0x1A600] =	vst v40;
	p0 =	slt.s32 s5, $0x1;
	p1 =	sne.s32 s31, s3  }
0x5d5: {  	[tilespmem:$0x1A680] =	vst v40;
	s0 =	sxor.u32 $0x80000000, s29;
	p0 =	por !p0, !p1  }
.Ltmp5:
0x5d6: {  	[tilespmem:$0x1A700] =	vst v40;
	v6 =	vmov s0;
	s0 =	simm.s32 $0x1;
	p0 =	por !p0, !p0;
	(pc) =	sbr.rel .LBB2_8-.Ltmp5, $4  }
0x5d7: {  	[tilespmem:$0x1A780] =	vst v40;
	s0 =	simm.s32 @!p0 $0x0  }
0x5d8: {  	[tilespmem:$0x1A800] =	vst v40;
	s19 =	ssub.s32 s6, s0  }
0x5d9: {  	s20 =	simm.s32 $0x0;
	[tilespmem:$0x1670] =	vst v7;
	p0 =	sgt.s32 s19, $0x1  }
0x5da: {  	s21 =	simm.s32 $0x0;
	s22 =	simm.s32 $0x0;
	[tilespmem:$0x1870] =	vst v6;
	s19 =	simm.s32 @!p0 $0x1  }
.LBB2_28:
0x5db: {  	s0 =	sshll.u32 s22, $0xF;
	s22 =	sadd.s32 $0x1, s22  }
0x5dc: {  	s3 =	rddreg [dreg:$0x4];
	p0 =	sne.s32 s22, $0x10  }
.Ltmp6:
0x5dd: {  	s31 =	simm.s32 $0x2480;
	s0 =	sadd.s32 s0, s3;
	(pc) =	sbr.rel @!p0 .LBB2_29-.Ltmp6, $4  }
0x5de: {  	[hbm4b:s0+s4] =	stream.linear.scatter [tilespmem:s31], [sflag:$0xD], $0x2000, $0x38;
	[tilespmem:$0x1A880] =	vst v63  }
0x5df: {  	_ =	swait.ge [sflag:s11], $0x2000  }
0x5e0: {  	[sflag:s11] =	ssyncset.done $0x0  }
0x5e1: {  	s21 =	sadd.s32 $0x200000, s21;
	[sflag:s11] =	ssyncadd.s32 $0xFFFFE000  }
.LBB2_8:
0x5e2: {  	s0 =	sand.u32 $0x70, s20;
	s3 =	sand.u32 $0x1C00, s20  }
0x5e3: {  	s0 =	sor.u32 s0, s3  }
0x5e4: {  	[tilespmem:s0+$0x2780] =	vst v40  }
0x5e5: {  	[tilespmem:s0+$0x2700] =	vst v40  }
0x5e6: {  	[tilespmem:s0+$0x2600] =	vst v40  }
0x5e7: {  	[tilespmem:s0+$0x2580] =	vst v40  }
0x5e8: {  	s31 =	sor.u32 s20, s20;
	[tilespmem:s0+$0x2500] =	vst v40  }
0x5e9: {  	s6 =	simm.s32 $0x10;
	s5 =	sor.u32 $0x380, s31;
	s3 =	simm.s32 $0x80;
	[tilespmem:s0+$0x2480] =	vst v40  }
.LBB2_9:
0x5ea: {  	s13 =	sand.u32 $0x70, s6  }
0x5eb: {  	s15 =	sand.u32 $0x1C00, s3;
	[tilespmem:s0+$0x2680] =	vst v40;
	s16 =	smov.u32 s6;
	s23 =	sadd.s32 $0x10, s6  }
0x5ec: {  	p0 =	sne.s32 s6, $0x3F0;
	s0 =	sor.u32 s13, s15;
	[tilespmem:s5+$0x2480] =	vst v40  }
0x5ed: {  	[tilespmem:s0+$0x2780] =	vst v40  }
.Ltmp7:
0x5ee: {  	[tilespmem:s0+$0x2700] =	vst v40;
	(pc) =	sbr.rel @p0 .LBB2_9-.Ltmp7, $4  }
0x5ef: {  	[tilespmem:s0+$0x2600] =	vst v40  }
0x5f0: {  	[tilespmem:s0+$0x2580] =	vst v40  }
0x5f1: {  	s5 =	sor.u32 s3, s16;
	[tilespmem:s0+$0x2500] =	vst v40  }
0x5f2: {  	s3 =	sadd.s32 $0x80, s3;
	s6 =	smov.u32 s23;
	s5 =	sor.u32 $0x380, s5;
	[tilespmem:s0+$0x2480] =	vst v40  }
.Ltmp8:
0x5f3: {  	(pc) =	sbr.rel .LBB2_11-.Ltmp8, $3  }
0x5f4: {  	_ =	sdelay $0x1  }
0x5f5: {  	[tilespmem:s0+$0x2680] =	vst v40  }
0x5f6: {  	s23 =	simm.s32 $0x0;
	s24 =	smov.u32 s18;
	[tilespmem:s5+$0x2480] =	vst v40  }
.LBB2_26:
0x5f7: {  	[sflag:s0] =	ssyncadd.s32 $0xFFFFE000  }
.LBB2_27:
0x5f8: {  	s23 =	sadd.s32 $0x1, s23  }
0x5f9: {  	p0 =	sne.s32 s23, s19  }
.Ltmp9:
0x5fa: {  	_ = 	snop;
	(pc) =	sbr.rel @!p0 .LBB2_28-.Ltmp9, $2  }
0x5fb: {  	_ =	sdelay $0x2  }
0x5fc: {  	s24 =	sadd.s32 $0x2C00, s24  }
.LBB2_11:
0x5fd: {  	s0 =	smul.u32 $0x2C00, s23;
	_ =	sdelay $0x1  }
0x5fe: {  	s0 =	sadd.s32 s18, s0  }
0x5ff: {  	p0 =	slt.s32 s0, $0x3D400  }
0x600: {  	s0 =	simm.s32 @!p0 $0x3D400  }
0x601: {  	s3 =	ssub.s32 s17, s0  }
0x602: {  	s3 =	sadd.s32 $0x3FF, s3  }
0x603: {  	s5 =	sand.u32 $0x3FF, s3  }
0x604: {  	s6 =	sshra.s32 s3, $0x1F;
	p6 =	slt.s32 s3, $0x1;
	p1 =	sne.s32 s5, $0x0  }
0x605: {  	s29 =	sshrl.u32 s6, $0x16;
	p0 =	por !p6, !p1  }
0x606: {  	s5 =	simm.s32 $0x1;
	s3 =	sadd.s32 s29, s3;
	p0 =	por !p0, !p0  }
0x607: {  	s3 =	sshra.s32 s3, $0xA;
	s5 =	simm.s32 @!p0 $0x0  }
0x608: {  	s3 =	ssub.s32 s3, s5  }
0x609: {  	p0 =	sgt.s32 s3, $0x1  }
0x60a: {  	s6 =	smov.u32 s24;
	p1 =	slt.s32 s24, $0x3D400;
	s3 =	simm.s32 @!p0 $0x1  }
0x60b: {  	s6 =	simm.s32 @!p1 $0x3D400;
	s25 =	smin.u32 s3, $0xB  }
0x60c: {  	s30 =	sshll.u32 s6, $0x3;
	p0 =	seq.s32 s25, $0x1  }
.Ltmp10:
0x60d: {  	s13 =	sadd.s32 s30, s21;
	(pc) =	sbr.rel @p0 .LBB2_13-.Ltmp10, $4  }
0x60e: {  	s31 =	sshrl.u32 s13, $0x3  }
0x60f: {  	s5 =	simm.s32 $0x2;
	s6 =	sadd.s32 s1, s31;
	s3 =	simm.s32 $0x4480  }
0x610: {  	[tilespmem:s3], [sflag:s5] =	stream.linear.gather [hbm4b:s6+s4], $0x2000, $0x38;
	[tilespmem:$0x1A880] =	vst v63  }
0x611: {  	s13 =	sadd.s32 $0x2000, s13;
	s6 =	sadd.s32 $0xFFFFFFFF, s25  }
.LBB2_12:
0x612: {  	s15 =	sshrl.u32 s13, $0x3  }
0x613: {  	p0 =	seq.s32 s6, $0x1;
	s6 =	sadd.s32 $0xFFFFFFFF, s6;
	s3 =	sadd.s32 $0x2000, s3  }
.Ltmp11:
0x614: {  	s5 =	sadd.s32 $0x1, s5;
	s15 =	sadd.s32 s1, s15;
	(pc) =	sbr.rel @!p0 .LBB2_12-.Ltmp11, $3  }
0x615: {  	[tilespmem:s3], [sflag:s5] =	stream.linear.gather [hbm4b:s15+s4], $0x2000, $0x38;
	[tilespmem:$0x1A880] =	vst v63  }
0x616: {  	_ =	sdelay $0x1  }
0x617: {  	s13 =	sadd.s32 $0x2000, s13  }
.LBB2_13:
0x618: {  	s3 =	simm.s32 $0x0  }
0x619: {  	v7 =	vld [tilespmem:s3+$0xE00]  }
0x61a: {  	v8 =	vld [tilespmem:s3+$0x1280];
	_ =	sdelay $0x2  }
0x61b: {  	v6 =	vmov s0  }
0x61c: {  	s0 =	simm.s32 $0x10;
	v9 =	vsub.s32 v7, v6  }
0x61d: {  	vm1 =	veq.s32 v8, $0x0;
	v7 =	vadd.s32 v8, v9;
	v8 =	vld [tilespmem:s0+$0xE00]  }
0x61e: {  	vm2 =	vlt.s32 v7, $0x1;
	v10 =	vadd.s32 $0xFFFFFFFF, v7;
	v7 =	vld [tilespmem:s0+$0x1280]  }
0x61f: {  	vm3 =	vgt.s32 v9, $0x0;
	vm1 =	vmor vm1, vm2;
	vm2 =	vgt.s32 v9, $0x2BFF  }
0x620: {  	v11 =	vnsel vm3, $0x0, v9;
	vm1 =	vmor vm2, vm1;
	vm2 =	vlt.s32 v10, $0x2BFF  }
0x621: {  	s26 =	simm.s32 $0x0;
	s5 =	simm.s32 $0x80;
	[tilespmem:s3+$0x1880] =	vst v9;
	v10 =	vnsel vm2, $0x2BFF, v10;
	v9 =	vsel vm1, $0x2C00, v11  }
.LBB2_14:
0x622: {  	s6 =	sshra.s32 s5, $0x2;
	p0 =	seq.s32 s5, $0xFC0;
	s5 =	sadd.s32 $0x40, s5;
	v11 =	vsub.s32 v8, v6;
	v10 =	vsel vm1, $0x2C00, v10;
	[tilespmem:s3+$0x2080] =	vst v9  }
.Ltmp12:
0x623: {  	v8 =	vld [tilespmem:s6+$0xE00];
	v9 =	vadd.s32 v7, v11;
	[tilespmem:s3+$0x1C80] =	vst v10;
	s3 =	smov.u32 s0;
	s0 =	smov.u32 s6;
	(pc) =	sbr.rel @!p0 .LBB2_14-.Ltmp12, $4  }
0x624: {  	vm1 =	veq.s32 v7, $0x0;
	v7 =	vld [tilespmem:s0+$0x1280];
	vm2 =	vlt.s32 v9, $0x1;
	v9 =	vadd.s32 $0xFFFFFFFF, v9;
	[tilespmem:s3+$0x1880] =	vst v11  }
0x625: {  	vm3 =	vgt.s32 v11, $0x0;
	vm1 =	vmor vm1, vm2;
	vm2 =	vgt.s32 v11, $0x2BFF  }
0x626: {  	v11 =	vnsel vm3, $0x0, v11;
	vm1 =	vmor vm2, vm1;
	vm2 =	vlt.s32 v9, $0x2BFF  }
0x627: {  	v10 =	vnsel vm2, $0x2BFF, v9;
	v9 =	vsel vm1, $0x2C00, v11  }
0x628: {  	v6 =	vsub.s32 v8, v6  }
0x629: {  	v61 =	vsel vm1, $0x2C00, v10;
	v62 =	vadd.s32 v7, v6  }
0x62a: {  	vm1 =	veq.s32 v7, $0x0;
	vm3 =	vgt.s32 v6, $0x0;
	vm2 =	vlt.s32 v62, $0x1  }
.Ltmp13:
0x62b: {  	[tilespmem:s3+$0x2080] =	vst v9;
	v7 =	vadd.s32 $0xFFFFFFFF, v62;
	vm1 =	vmor vm1, vm2;
	vm2 =	vgt.s32 v6, $0x2BFF;
	(pc) =	sbr.rel .LBB2_16-.Ltmp13, $4  }
0x62c: {  	[tilespmem:s3+$0x1C80] =	vst v61;
	v63 =	vnsel vm3, $0x0, v6;
	vm1 =	vmor vm2, vm1;
	vm2 =	vlt.s32 v7, $0x2BFF  }
0x62d: {  	[tilespmem:s0+$0x1880] =	vst v6;
	v6 =	vnsel vm2, $0x2BFF, v7;
	v7 =	vsel vm1, $0x2C00, v63  }
0x62e: {  	v6 =	vsel vm1, $0x2C00, v6;
	[tilespmem:s0+$0x2080] =	vst v7  }
0x62f: {  	s28 =	simm.s32 $0x0;
	[tilespmem:s0+$0x1C80] =	vst v6  }
.LBB2_22:
0x630: {  	v22 =	vmov v11  }
0x631: {  	v24 =	vmovc v47;
	v55 =	vmovc v48;
	v57 =	vmov v49;
	v60 =	vmov v50;
	v62 =	vmov v51  }
.LBB2_34:
0x632: {  	_ =	sdelay $0x3  }
0x633: {  	v12 =	vld.idx.msk [tilespmem:v27+s14+$0x0], $0xffff  }
0x634: {  	v13 =	vld.idx.msk [tilespmem:v29+s14+$0x0], $0xffff  }
0x635: {  	v25 =	vld.idx.msk [tilespmem:v25+s14+$0x0], $0xffff  }
0x636: {  	v52 =	vld.idx.msk [tilespmem:v61+s14+$0x0], $0xffff  }
0x637: {  	v53 =	vld.idx.msk [tilespmem:v58+s14+$0x0], $0xffff  }
0x638: {  	v23 =	vld.idx.msk [tilespmem:v23+s14+$0x0], $0xffff  }
0x639: {  	v19 =	vld.idx.msk [tilespmem:v19+s14+$0x0], $0xffff  }
0x63a: {  	v32 =	vor.u32 $0x280, v17;
	v20 =	vld.idx.msk [tilespmem:v20+s14+$0x0], $0xffff  }
0x63b: {  	v54 =	vor.u32 $0x300, v17;
	v14 =	vld.idx.msk [tilespmem:v14+s14+$0x0], $0xffff  }
0x63c: {  	v22 =	vmax.f32 @p2 v22, v56;
	v18 =	vld.idx.msk [tilespmem:v18+s14+$0x0], $0xffff  }
0x63d: {  	v24 =	vmax.f32 @p2 v24, v63;
	v26 =	vmax.f32 @p2 v55, v26;
	v28 =	vmax.f32 @p2 v57, v28;
	v16 =	vld.idx.msk [tilespmem:v16+s14+$0x0], $0xffff  }
0x63e: {  	v30 =	vmax.f32 @p2 v60, v30;
	v31 =	vmax.f32 @p2 v62, v31;
	v45 =	vmax.f32 v45, v59;
	v15 =	vld.idx.msk [tilespmem:v15+s14+$0x0], $0xffff  }
0x63f: {  	v46 =	vmax.f32 v46, v21;
	v11 =	vpsel p2, v22, v11;
	v59 =	vpsel p2, v24, v47;
	v57 =	vld.idx.msk [tilespmem:v32+s14+$0x0], $0xffff  }
0x640: {  	v60 =	vpsel p2, v26, v48;
	v61 =	vpsel p2, v28, v49;
	v62 =	vpsel p2, v30, v50;
	v58 =	vld.idx.msk [tilespmem:v54+s14+$0x0], $0xffff  }
0x641: {  	v63 =	vpsel p2, v31, v51;
	v6 =	vmax.f32 v6, v12;
	v43 =	vmax.f32 v43, v13  }
0x642: {  	v7 =	vmax.f32 v7, v25;
	v8 =	vmax.f32 v8, v52;
	v9 =	vmax.f32 v9, v53  }
0x643: {  	v10 =	vmax.f32 v10, v23;
	v41 =	vmax.f32 v41, v19;
	v42 =	vmax.f32 v42, v20  }
0x644: {  	v11 =	vmax.f32 v11, v14;
	v47 =	vmax.f32 v59, v18;
	v48 =	vmax.f32 v60, v16  }
0x645: {  	v49 =	vmax.f32 v61, v15;
	v50 =	vmax.f32 v62, v57;
	v51 =	vmax.f32 v63, v58  }
.LBB2_35:
0x646: {  	[tilespmem:s31+$0x0] =	vst v6  }
0x647: {  	[tilespmem:s31+$0x80] =	vst v7  }
0x648: {  	[tilespmem:s31+$0x100] =	vst v8  }
0x649: {  	[tilespmem:s31+$0x180] =	vst v9  }
0x64a: {  	[tilespmem:s31+$0x200] =	vst v10  }
0x64b: {  	[tilespmem:s31+$0x280] =	vst v41  }
0x64c: {  	[tilespmem:s0+$0x2480] =	vst v42  }
0x64d: {  	[tilespmem:s6+$0x2480] =	vst v43  }
0x64e: {  	[tilespmem:s3+$0x0] =	vst v45  }
0x64f: {  	s28 =	sadd.s32 $0x1, s28;
	[tilespmem:s3+$0x80] =	vst v11  }
0x650: {  	p2 =	seq.s32 s28, $0x20;
	[tilespmem:s3+$0x100] =	vst v47  }
.Ltmp14:
0x651: {  	[tilespmem:s3+$0x180] =	vst v48;
	(pc) =	sbr.rel @p2 .LBB2_23-.Ltmp14, $4  }
0x652: {  	[tilespmem:s3+$0x200] =	vst v49  }
0x653: {  	[tilespmem:s3+$0x280] =	vst v50  }
0x654: {  	[tilespmem:s16+$0x2480] =	vst v51  }
0x655: {  	[tilespmem:s15+$0x2480] =	vst v46  }
.LBB2_16:
0x656: {  	s3 =	sshll.u32 s28, $0x5  }
0x657: {  	s5 =	sshll.u32 s28, $0x4;
	s0 =	sand.u32 $0x60, s3  }
0x658: {  	s5 =	sand.u32 $0x3FFFFFF0, s5;
	s6 =	sand.u32 $0x380, s3;
	s13 =	sor.u32 $0x10, s0  }
0x659: {  	v6 =	vld [tilespmem:s5+$0x1680];
	s6 =	sor.u32 s6, s13  }
0x65a: {  	v7 =	vld [tilespmem:s6+$0x1280]  }
0x65b: {  	v44 =	vld [tilespmem:s6+$0x1880];
	_ =	sdelay $0x2  }
0x65c: {  	(v2sf) =	vpush v6, $0x0  }
0x65d: {  	(v2sf) =	vpush v7, $0xF  }
0x65e: {  	(v2sf) =	vpush v44, $0xF;
	_ =	sdelay $0xc  }
0x65f: {  	s5 =	spop (v2sf)  }
0x660: {  	s15 =	spop (v2sf)  }
0x661: {  	s16 =	spop (v2sf)  }
0x662: {  	s15 =	sadd.s32 s15, s16  }
0x663: {  	s15 =	sadd.s32 $0x3FF, s15  }
0x664: {  	s31 =	sand.u32 $0x3FF, s15  }
0x665: {  	p1 =	slt.s32 s15, $0x1;
	p0 =	sne.s32 s31, $0x0;
	s31 =	sshra.s32 s15, $0x1F  }
0x666: {  	s16 =	sshrl.u32 s31, $0x16;
	p2 =	por !p1, !p0  }
0x667: {  	s15 =	sadd.s32 s16, s15;
	p2 =	por !p2, !p2;
	s16 =	simm.s32 $0x1  }
0x668: {  	s29 =	sshra.s32 s15, $0xA;
	s16 =	simm.s32 @!p2 $0x0  }
0x669: {  	s15 =	ssub.s32 s29, s16  }
0x66a: {  	p2 =	sgt.s32 s15, $0x0  }
0x66b: {  	v12 =	vld [tilespmem:s6+$0x1C80];
	s15 =	simm.s32 @!p2 $0x0  }
0x66c: {  	v52 =	vld [tilespmem:s6+$0x2080];
	s6 =	smin.u32 s25, s15  }
0x66d: {  	p2 =	sge.s32 s26, s6  }
.Ltmp15:
0x66e: {  	_ = 	snop;
	(pc) =	sbr.rel @p2 .LBB2_20-.Ltmp15, $4  }
0x66f: {  	_ = 	snop  }
0x670: {  	v53 =	vld [tilespmem:s3+$0x1880]  }
0x671: {  	v54 =	vld [tilespmem:s3+$0x1C80]  }
0x672: {  	s30 =	smov.u32 s26;
	v13 =	vld [tilespmem:s3+$0x2080]  }
0x673: {  	s16 =	ssub.s32 s30, s6  }
0x674: {  	s16 =	sadd.s32 $0x1, s16  }
0x675: {  	p2 =	seq.s32 s16, $0x0  }
.Ltmp16:
0x676: {  	s15 =	sshll.u32 s30, $0x2;
	(pc) =	sbr.rel @p2 .LBB2_19-.Ltmp16, $4  }
0x677: {  	s15 =	sshra.s32 s15, $0x2  }
0x678: {  	s15 =	sadd.s32 $0x2, s15  }
0x679: {  	_ =	swait.ge [sflag:s15], $0x2000  }
0x67a: {  	[sflag:s15] =	ssyncset.done $0x0  }
.LBB2_18:
0x67b: {  	s16 =	sadd.s32 $0x1, s16  }
0x67c: {  	[sflag:s15] =	ssyncadd.s32 $0xFFFFE000;
	s15 =	sadd.s32 $0x1, s15;
	p2 =	seq.s32 s16, $0x0  }
.Ltmp17:
0x67d: {  	(pc) =	sbr.rel @!p2 .LBB2_18-.Ltmp17, $3  }
0x67e: {  	_ =	sdelay $0x1  }
0x67f: {  	_ =	swait.ge [sflag:s15], $0x2000  }
0x680: {  	[sflag:s15] =	ssyncset.done $0x0  }
.LBB2_19:
0x681: {  	[sflag:s15] =	ssyncadd.s32 $0xFFFFE000;
	s26 =	smov.u32 s6  }
.LBB2_20:
0x682: {  	s15 =	sshll.u32 s28, $0x8  }
0x683: {  	s6 =	sand.u32 $0x1C00, s15  }
0x684: {  	s16 =	sadd.s32 $0x2480, s6  }
0x685: {  	s31 =	sor.u32 s0, s16  }
0x686: {  	v6 =	vld [tilespmem:s31+$0x0]  }
0x687: {  	v7 =	vld [tilespmem:s31+$0x80]  }
0x688: {  	v8 =	vld [tilespmem:s31+$0x100]  }
0x689: {  	v9 =	vld [tilespmem:s31+$0x180]  }
0x68a: {  	s6 =	sor.u32 s0, s15;
	v10 =	vld [tilespmem:s31+$0x200]  }
0x68b: {  	s3 =	sor.u32 s15, s3;
	s0 =	sor.u32 $0x300, s6;
	v41 =	vld [tilespmem:s31+$0x280]  }
0x68c: {  	s6 =	sor.u32 $0x380, s3;
	s3 =	sor.u32 s13, s16;
	v42 =	vld [tilespmem:s0+$0x2480]  }
0x68d: {  	v11 =	vld [tilespmem:s3+$0x80]  }
0x68e: {  	v47 =	vld [tilespmem:s3+$0x100]  }
0x68f: {  	v48 =	vld [tilespmem:s3+$0x180]  }
0x690: {  	p2 =	slt.s32 s5, $0x1;
	s15 =	sor.u32 s15, s13;
	v49 =	vld [tilespmem:s3+$0x200]  }
.Ltmp18:
0x691: {  	s16 =	sor.u32 $0x300, s15;
	v50 =	vld [tilespmem:s3+$0x280];
	(pc) =	sbr.rel @p2 .LBB2_35-.Ltmp18, $4  }
0x692: {  	v51 =	vld [tilespmem:s16+$0x2480]  }
0x693: {  	v43 =	vld [tilespmem:s6+$0x2480]  }
0x694: {  	s15 =	sor.u32 $0x380, s15;
	v45 =	vld [tilespmem:s3+$0x0]  }
0x695: {  	s13 =	simm.s32 $0x0;
	v46 =	vld [tilespmem:s15+$0x2480]  }
0x696: {  	v14 =	vadd.s32 s13, v44  }
0x697: {  	vm1 =	vlt.s32 v14, v12  }
0x698: {  	v14 =	vsel vm1, v14, v12  }
0x699: {  	v15 =	vadd.s32 s13, v53;
	vm1 =	vgt.s32 v14, v52  }
0x69a: {  	vm2 =	vlt.s32 v15, v54;
	v14 =	vsel vm1, v14, v52  }
0x69b: {  	v15 =	vsel vm2, v15, v54;
	v16 =	vshll.u32 v14, $0x3  }
0x69c: {  	vm1 =	vgt.s32 v15, v13;
	v14 =	vand.u32 $0x7F, v14;
	v16 =	vand.u32 $0xFFFFFC00, v16  }
0x69d: {  	s13 =	sadd.s32 $0x1, s13;
	v15 =	vsel vm1, v15, v13;
	v17 =	vor.u32 v14, v16  }
0x69e: {  	p3 =	sne.s32 s5, s13;
	v14 =	vshll.u32 v15, $0x3;
	v21 =	vor.u32 $0x380, v17  }
.Ltmp19:
0x69f: {  	v15 =	vand.u32 $0x7F, v15;
	v14 =	vand.u32 $0xFFFFFC00, v14;
	(pc) =	sbr.rel @!p3 .LBB2_22-.Ltmp19, $4  }
0x6a0: {  	v18 =	vor.u32 $0x100, v17;
	v16 =	vor.u32 $0x180, v17;
	v27 =	vor.u32 v15, v14  }
0x6a1: {  	v14 =	vor.u32 $0x80, v17;
	v15 =	vor.u32 $0x200, v17;
	v25 =	vor.u32 $0x80, v27  }
0x6a2: {  	v61 =	vor.u32 $0x100, v27;
	v29 =	vor.u32 $0x380, v27;
	v58 =	vor.u32 $0x180, v27;
	v59 =	vld.idx.msk [tilespmem:v17+s14+$0x0], $0xffff  }
0x6a3: {  	p2 =	por $0x0, $0x0;
	v23 =	vor.u32 $0x200, v27;
	v19 =	vor.u32 $0x280, v27;
	v20 =	vor.u32 $0x300, v27;
	v21 =	vld.idx.msk [tilespmem:v21+s14+$0x0], $0xffff  }
0x6a4: {  	_ =	sdelay $0x3  }
0x6a5: {  	v22 =	vadd.s32 s13, v44;
	v24 =	vld.idx.msk [tilespmem:v27+s14+$0x0], $0xffff  }
0x6a6: {  	v26 =	vld.idx.msk [tilespmem:v29+s14+$0x0], $0xffff;
	vm1 =	vlt.s32 v22, v12  }
0x6a7: {  	v25 =	vld.idx.msk [tilespmem:v25+s14+$0x0], $0xffff;
	v22 =	vsel vm1, v22, v12  }
0x6a8: {  	v30 =	vor.u32 $0x280, v17;
	v31 =	vor.u32 $0x300, v17;
	v27 =	vld.idx.msk [tilespmem:v61+s14+$0x0], $0xffff;
	vm1 =	vgt.s32 v22, v52  }
0x6a9: {  	v17 =	vadd.s32 s13, v53;
	v28 =	vld.idx.msk [tilespmem:v58+s14+$0x0], $0xffff;
	v45 =	vmax.f32 v45, v59;
	v22 =	vsel vm1, v22, v52  }
0x6aa: {  	v23 =	vld.idx.msk [tilespmem:v23+s14+$0x0], $0xffff;
	vm1 =	vlt.s32 v17, v54;
	v46 =	vmax.f32 v46, v21;
	v29 =	vand.u32 $0x7F, v22  }
0x6ab: {  	v55 =	vld.idx.msk [tilespmem:v20+s14+$0x0], $0xffff;
	v22 =	vshll.u32 v22, $0x3;
	v17 =	vsel vm1, v17, v54;
	v6 =	vmax.f32 v6, v24  }
0x6ac: {  	v56 =	vld.idx.msk [tilespmem:v14+s14+$0x0], $0xffff;
	v43 =	vmax.f32 v43, v26;
	v7 =	vmax.f32 v7, v25;
	vm1 =	vgt.s32 v17, v13  }
0x6ad: {  	v24 =	vld.idx.msk [tilespmem:v19+s14+$0x0], $0xffff;
	v8 =	vmax.f32 v8, v27;
	v22 =	vand.u32 $0xFFFFFC00, v22;
	v19 =	vsel vm1, v17, v13  }
0x6ae: {  	v63 =	vld.idx.msk [tilespmem:v18+s14+$0x0], $0xffff;
	s13 =	sadd.s32 $0x1, s13;
	v9 =	vmax.f32 v9, v28;
	v17 =	vor.u32 v29, v22;
	v14 =	vshll.u32 v19, $0x3  }
0x6af: {  	p3 =	sne.s32 s5, s13;
	v26 =	vld.idx.msk [tilespmem:v16+s14+$0x0], $0xffff;
	v21 =	vor.u32 $0x380, v17;
	v18 =	vand.u32 $0x7F, v19;
	v14 =	vand.u32 $0xFFFFFC00, v14  }
.Ltmp20:
0x6b0: {  	v10 =	vmax.f32 v10, v23;
	v28 =	vld.idx.msk [tilespmem:v15+s14+$0x0], $0xffff;
	v42 =	vmax.f32 v42, v55;
	v27 =	vor.u32 v18, v14;
	(pc) =	sbr.rel @!p3 .LBB2_32-.Ltmp20, $4  }
0x6b1: {  	v30 =	vld.idx.msk [tilespmem:v30+s14+$0x0], $0xffff;
	v16 =	vor.u32 $0x180, v17;
	v15 =	vor.u32 $0x200, v17;
	v29 =	vor.u32 $0x380, v27  }
0x6b2: {  	v57 =	vmovc v49;
	v60 =	vmovc v50;
	v31 =	vld.idx.msk [tilespmem:v31+s14+$0x0], $0xffff;
	v14 =	vor.u32 $0x80, v17;
	v41 =	vmax.f32 v41, v24;
	v25 =	vor.u32 $0x80, v27  }
0x6b3: {  	v62 =	vmovc v51;
	v55 =	vmovc v48;
	v18 =	vor.u32 $0x100, v17;
	v61 =	vor.u32 $0x100, v27;
	v58 =	vor.u32 $0x180, v27;
	v59 =	vld.idx.msk [tilespmem:v17+s14+$0x0], $0xffff  }
0x6b4: {  	p2 =	por $0x1, $0x1;
	v22 =	vmovc v11;
	v24 =	vmovc v47;
	v23 =	vor.u32 $0x200, v27;
	v19 =	vor.u32 $0x280, v27;
	v20 =	vor.u32 $0x300, v27;
	v21 =	vld.idx.msk [tilespmem:v21+s14+$0x0], $0xffff  }
.LBB2_33:
0x6b5: {  	v32 =	vadd.s32 s13, v44;
	v27 =	vld.idx.msk [tilespmem:v27+s14+$0x0], $0xffff;
	v33 =	vor.u32 $0x280, v17;
	v34 =	vor.u32 $0x300, v17  }
0x6b6: {  	v22 =	vmax.f32 v22, v56;
	v24 =	vmax.f32 v24, v63;
	vm1 =	vlt.s32 v32, v12;
	v17 =	vld.idx.msk [tilespmem:v29+s14+$0x0], $0xffff  }
0x6b7: {  	v55 =	vmax.f32 v55, v26;
	v57 =	vmax.f32 v57, v28;
	v29 =	vsel vm1, v32, v12;
	v25 =	vld.idx.msk [tilespmem:v25+s14+$0x0], $0xffff  }
0x6b8: {  	v60 =	vmax.f32 v60, v30;
	v62 =	vmax.f32 v62, v31;
	vm1 =	vgt.s32 v29, v52;
	v26 =	vld.idx.msk [tilespmem:v61+s14+$0x0], $0xffff  }
0x6b9: {  	v28 =	vadd.s32 s13, v53;
	s13 =	sadd.s32 $0x1, s13;
	v45 =	vmax.f32 v45, v59;
	v29 =	vsel vm1, v29, v52;
	v30 =	vld.idx.msk [tilespmem:v58+s14+$0x0], $0xffff  }
0x6ba: {  	p3 =	sne.s32 s5, s13;
	vm1 =	vlt.s32 v28, v54;
	v31 =	vand.u32 $0x7F, v29;
	v29 =	vshll.u32 v29, $0x3;
	v23 =	vld.idx.msk [tilespmem:v23+s14+$0x0], $0xffff  }
0x6bb: {  	v28 =	vsel vm1, v28, v54;
	v6 =	vmax.f32 v6, v27;
	v29 =	vand.u32 $0xFFFFFC00, v29;
	v32 =	vld.idx.msk [tilespmem:v19+s14+$0x0], $0xffff  }
0x6bc: {  	v46 =	vmax.f32 v46, v21;
	vm1 =	vgt.s32 v28, v13;
	v43 =	vmax.f32 v43, v17;
	v35 =	vld.idx.msk [tilespmem:v20+s14+$0x0], $0xffff  }
0x6bd: {  	v19 =	vsel vm1, v28, v13;
	v17 =	vor.u32 v31, v29;
	v7 =	vmax.f32 v7, v25;
	v56 =	vld.idx.msk [tilespmem:v14+s14+$0x0], $0xffff  }
0x6be: {  	v14 =	vshll.u32 v19, $0x3;
	v21 =	vor.u32 $0x380, v17;
	v8 =	vmax.f32 v8, v26;
	v63 =	vld.idx.msk [tilespmem:v18+s14+$0x0], $0xffff  }
0x6bf: {  	v18 =	vand.u32 $0x7F, v19;
	v14 =	vand.u32 $0xFFFFFC00, v14;
	v9 =	vmax.f32 v9, v30;
	v26 =	vld.idx.msk [tilespmem:v16+s14+$0x0], $0xffff  }
.Ltmp21:
0x6c0: {  	v27 =	vor.u32 v18, v14;
	v14 =	vor.u32 $0x80, v17;
	v10 =	vmax.f32 v10, v23;
	v28 =	vld.idx.msk [tilespmem:v15+s14+$0x0], $0xffff;
	(pc) =	sbr.rel @p3 .LBB2_33-.Ltmp21, $4  }
0x6c1: {  	v25 =	vor.u32 $0x80, v27;
	v61 =	vor.u32 $0x100, v27;
	v29 =	vor.u32 $0x380, v27;
	v30 =	vld.idx.msk [tilespmem:v33+s14+$0x0], $0xffff  }
0x6c2: {  	v58 =	vor.u32 $0x180, v27;
	v23 =	vor.u32 $0x200, v27;
	v19 =	vor.u32 $0x280, v27;
	v31 =	vld.idx.msk [tilespmem:v34+s14+$0x0], $0xffff  }
0x6c3: {  	v20 =	vor.u32 $0x300, v27;
	v41 =	vmax.f32 v41, v32;
	v42 =	vmax.f32 v42, v35;
	v59 =	vld.idx.msk [tilespmem:v17+s14+$0x0], $0xffff  }
0x6c4: {  	v18 =	vor.u32 $0x100, v17;
	v16 =	vor.u32 $0x180, v17;
	v15 =	vor.u32 $0x200, v17;
	v21 =	vld.idx.msk [tilespmem:v21+s14+$0x0], $0xffff  }
.Ltmp22:
0x6c5: {  	_ = 	snop;
	(pc) =	sbr.rel .LBB2_34-.Ltmp22, $1  }
0x6c6: {  	_ =	sdelay $0x3  }
.LBB2_32:
.Ltmp23:
0x6c7: {  	(pc) =	sbr.rel .LBB2_34-.Ltmp23, $3  }
0x6c8: {  	_ =	sdelay $0x1  }
0x6c9: {  	v22 =	vmov v11  }
0x6ca: {  	v24 =	vmovc v47;
	v55 =	vmovc v48;
	v57 =	vmov v49;
	v60 =	vmov v50;
	v62 =	vmov v51  }
.LBB2_23:
0x6cb: {  	p2 =	sge.s32 s26, s25  }
.Ltmp24:
0x6cc: {  	_ = 	snop;
	(pc) =	sbr.rel @p2 .LBB2_27-.Ltmp24, $1  }
0x6cd: {  	_ =	sdelay $0x3  }
0x6ce: {  	p0 =	por !p0, !p1  }
0x6cf: {  	s0 =	simm.s32 $0x1;
	p0 =	por !p0, !p0  }
0x6d0: {  	s0 =	simm.s32 @!p0 $0x0  }
0x6d1: {  	s0 =	ssub.s32 s29, s0  }
0x6d2: {  	p0 =	sgt.s32 s0, $0x0  }
0x6d3: {  	s0 =	simm.s32 @!p0 $0x0  }
0x6d4: {  	s0 =	smin.u32 s25, s0  }
0x6d5: {  	p0 =	sgt.s32 s30, s0  }
0x6d6: {  	s0 =	smov.u32 @p0 s30  }
0x6d7: {  	s3 =	sshll.u32 s0, $0x2;
	s31 =	ssub.s32 s0, s25  }
0x6d8: {  	s5 =	sshra.s32 s3, $0x2;
	s3 =	sadd.s32 $0x1, s31  }
0x6d9: {  	p0 =	seq.s32 s3, $0x0  }
.Ltmp25:
0x6da: {  	_ = 	snop;
	(pc) =	sbr.rel @p0 .LBB2_26-.Ltmp25, $4  }
0x6db: {  	_ = 	snop  }
0x6dc: {  	s0 =	sadd.s32 $0x2, s5  }
0x6dd: {  	_ =	swait.ge [sflag:s0], $0x2000  }
0x6de: {  	[sflag:s0] =	ssyncset.done $0x0  }
.LBB2_25:
0x6df: {  	s3 =	sadd.s32 $0x1, s3  }
0x6e0: {  	[sflag:s0] =	ssyncadd.s32 $0xFFFFE000;
	s0 =	sadd.s32 $0x1, s0;
	p0 =	seq.s32 s3, $0x0  }
.Ltmp26:
0x6e1: {  	(pc) =	sbr.rel @!p0 .LBB2_25-.Ltmp26, $3  }
0x6e2: {  	_ =	sdelay $0x1  }
0x6e3: {  	_ =	swait.ge [sflag:s0], $0x2000  }
0x6e4: {  	[sflag:s0] =	ssyncset.done $0x0  }
.Ltmp27:
0x6e5: {  	_ = 	snop;
	(pc) =	sbr.rel .LBB2_26-.Ltmp27, $1  }
0x6e6: {  	_ =	sdelay $0x3  }
.LBB2_30:
0x6e7: {  	_ =	sfence.sel $0x180000  }
0x6e8: {  	[bflag:$0x0] =	sbarrier.arrive $0xFFFF  }
0x6e9: {  	_ =	strace $0x90000047  }
0x6ea: {  	s0 =	stileid.u32;
	[bflag:$0x2] =	sbarrier.arrive $0xFFFF  }
0x6eb: {  	p0 =	sne.s32 s0, $0x0;
	s0 =	rddreg [dreg:$0x3]  }
0x6ec: {  	s0 =	sadd.s32 @!p0 $0x100000, s0  }
0x6ed: {  	[sflag:s0] =	ssyncadd.tile.s32 @!p0 $0x1;
	_ =	shalt  }
.Lfunc_end2:
_tile_overlayer_lowered:
.L_overlay_start_2:
0x6ee: {  	(tag) =	ssettag $0x2  }
0x6ef: {  	s0 =	rddreg [dreg:$0x0];
	s2 =	stileid.u32  }
0x6f0: {  	s1 =	rddreg [dreg:$0x1];
	p0 =	sne.s32 s2, $0x0  }
0x6f1: {  	s3 =	rddreg [dreg:$0x2];
	[bflag:$0x3] =	sbarrier.arrive $0xFFFF;
	s2 =	simm.s32 @!p0 $0x1C0D  }
0x6f2: {  	[timem:s3], [sflag:s2] =	dma.local @!p0 [hbm:s0], s1  }
0x6f3: {  	s0 =	simm.s32 @!p0 $0xD  }
0x6f4: {  	_ =	swait.ge @!p0 [sflag:s0], s1  }
0x6f5: {  	s1 =	ssub.s32 @!p0 $0x0, s1;
	[sflag:s0] =	ssyncset.done @!p0 $0x0  }
0x6f6: {  	[sflag:s0] =	ssyncadd.s32 @!p0 s1  }
0x6f7: {  	[bflag:$0x3] =	sbarrier.arrive $0xFFFF  }
0x6f8: {  	_ =	shalt  }

</sc_bundles>
